<compile_context>
chip_gen: v7x
topology: tpu7x:2x2x1
jax: 0.10.2.dev20260603
libtpu: 0.0.44.dev20260713+nightly
codegen_flags: <defaults>
</compile_context>

<pallas_src>
import functools

import jax
import jax.numpy as jnp
from jax import lax
from jax.experimental import pallas as pl
from jax.experimental.pallas import tpu as pltpu
from jax.experimental.pallas import tpu_sc as plsc

N = 10000
E = 320000
D = 128
G = 64

NC = 2
NS = 16
NW = NC * NS

CH = 80
EW = E // NW
NCH = EW // CH
NBUF = 2
GA = NBUF - 1
NCYC = NCH // NBUF
DQ = 4
ROWS_A = 632
ROWS_B = N - (NS - 1) * ROWS_A

RW = 320
RCH = 80


def _sc_mesh():
    return plsc.VectorSubcoreMesh(core_axis_name="c", subcore_axis_name="s")


def _slab_copy(s, src_ref, dst_ref):

    @pl.when(s < NS - 1)
    def _():
        off = pl.multiple_of(s * ROWS_A, 8)
        pltpu.sync_copy(src_ref.at[pl.ds(off, ROWS_A)], dst_ref.at[pl.ds(off, ROWS_A)])

    @pl.when(s == NS - 1)
    def _():
        off = (NS - 1) * ROWS_A
        pltpu.sync_copy(src_ref.at[pl.ds(off, ROWS_B)], dst_ref.at[pl.ds(off, ROWS_B)])


@functools.partial(
    pl.kernel,
    out_type=jax.ShapeDtypeStruct((NC, N, D), jnp.float32),
    mesh=_sc_mesh(),
    scratch_types=[
        pltpu.VMEM_SHARED((N, D), jnp.float32),
        pltpu.SemaphoreType.DMA,
        pltpu.SemaphoreType.DMA,
        pltpu.SemaphoreType.DMA,
        pltpu.SemaphoreType.DMA,
    ],
)
def _sc_degree(dst3_hbm, zeros_hbm, ones_hbm, out_hbm, acc, s0, s1, s2, s3):
    c = lax.axis_index("c")
    s = lax.axis_index("s")
    w = c * NS + s
    ssem = [s0, s1, s2, s3]

    def inner(didx, ones_v):
        _slab_copy(s, zeros_hbm, acc)
        pltpu.sync_copy(ones_hbm, ones_v)
        pltpu.sync_copy(dst3_hbm.at[w], didx)
        plsc.subcore_barrier()

        def visit(v, b):
            @pl.when(v >= DQ)
            def _():
                pltpu.make_async_copy(
                    ones_v, acc.at[didx.at[v - DQ]], ssem[b]).wait()

            pltpu.async_copy(ones_v, acc.at[didx.at[v]], ssem[b], add=True)

        def cycle(k, carry):
            for b in range(DQ):
                visit(k * DQ + b, b)
            return carry

        ncyc = NCH // DQ
        lax.fori_loop(0, ncyc, cycle, 0)
        for r in range(NCH - ncyc * DQ):
            visit(jnp.int32(ncyc * DQ + r), r)
        for r in range(DQ):
            v = NCH - DQ + r
            pltpu.make_async_copy(ones_v, acc.at[didx.at[v]], ssem[v % DQ]).wait()
        plsc.subcore_barrier()
        _slab_copy(s, acc, out_hbm.at[c])

    pl.run_scoped(
        inner,
        pltpu.VMEM((NCH, CH), jnp.int32),
        pltpu.VMEM((CH, D), jnp.float32),
    )


@functools.partial(
    pl.kernel,
    out_type=jax.ShapeDtypeStruct((NC, N, D), jnp.float32),
    mesh=_sc_mesh(),
    scratch_types=[
        pltpu.VMEM_SHARED((N, D), jnp.float32),
        pltpu.SemaphoreType.DMA,
        pltpu.SemaphoreType.DMA,
        pltpu.SemaphoreType.DMA,
        pltpu.SemaphoreType.DMA,
    ],
)
def _sc_edge_agg(hp_hbm, src_hbm, dst3_hbm, zeros_hbm, out_hbm,
                 acc, g0, g1, ss0, ss1):
    c = lax.axis_index("c")
    s = lax.axis_index("s")
    w = c * NS + s
    gsem = [g0, g1]
    ssem = [ss0, ss1]

    def inner(sidx, didx, r0, r1):
        rows = [r0, r1]

        _slab_copy(s, zeros_hbm, acc)
        pltpu.sync_copy(src_hbm.at[pl.ds(pl.multiple_of(w * EW, 8), EW)], sidx)
        pltpu.sync_copy(dst3_hbm.at[w], didx)
        plsc.subcore_barrier()

        def chunk_idx(chunk):
            return sidx.at[pl.ds(pl.multiple_of(chunk * CH, 8), CH)]

        def gather_start(chunk, b):
            pltpu.async_copy(hp_hbm.at[chunk_idx(chunk)], rows[b], gsem[b])

        gather_start(0, 0)

        def visit(v, b):
            bg = (b + GA) % NBUF
            gc = v + GA

            @pl.when((v >= 1) & (gc < NCH))
            def _():
                pltpu.make_async_copy(
                    rows[bg], acc.at[didx.at[gc - NBUF]], ssem[bg]).wait()

            @pl.when(gc < NCH)
            def _():
                gather_start(gc, bg)

            pltpu.make_async_copy(hp_hbm.at[chunk_idx(v)], rows[b], gsem[b]).wait()
            pltpu.async_copy(rows[b], acc.at[didx.at[v]], ssem[b], add=True)

        def cycle(k, carry):
            for b in range(NBUF):
                visit(k * NBUF + b, b)
            return carry

        lax.fori_loop(0, NCYC, cycle, 0)
        for r in range(NCH - NCYC * NBUF):
            visit(jnp.int32(NCYC * NBUF + r), r)
        for r in range(NBUF):
            v = NCH - NBUF + r
            pltpu.make_async_copy(rows[v % NBUF], acc.at[didx.at[v]], ssem[v % NBUF]).wait()
        plsc.subcore_barrier()
        _slab_copy(s, acc, out_hbm.at[c])

    pl.run_scoped(
        inner,
        pltpu.VMEM((EW,), jnp.int32),
        pltpu.VMEM((NCH, CH), jnp.int32),
        pltpu.VMEM((CH, D), jnp.float32),
        pltpu.VMEM((CH, D), jnp.float32),
    )


@functools.partial(
    pl.kernel,
    out_type=[
        jax.ShapeDtypeStruct((NW, G, D), jnp.float32),
        jax.ShapeDtypeStruct((NW, G, D), jnp.float32),
        jax.ShapeDtypeStruct((NW, G, 16), jnp.float32),
    ],
    mesh=_sc_mesh(),
    scratch_types=[
        pltpu.VMEM((RW, D), jnp.float32),
        pltpu.VMEM((RW + 16,), jnp.int32),
        pltpu.VMEM((G, D), jnp.float32),
        pltpu.VMEM((G, D), jnp.float32),
        pltpu.VMEM((G, 16), jnp.float32),
    ],
)
def _sc_readout(h5_hbm, b_hbm, omax, osum, ocnt, hbuf, bidx, macc, sacc, cacc):
    c = lax.axis_index("c")
    s = lax.axis_index("s")
    w = c * NS + s
    start = w * RW
    nrows = jnp.where(w < NW - 1, RW, N - (NW - 1) * RW)
    nchunks = nrows // RCH

    neg_inf = jnp.full((16,), -jnp.inf, dtype=jnp.float32)
    zeros_v = jnp.zeros((16,), dtype=jnp.float32)
    ones_v = jnp.ones((16,), dtype=jnp.float32)

    def init_body(g, carry):
        for j in range(D // 16):
            macc[g, pl.ds(16 * j, 16)] = neg_inf
            sacc[g, pl.ds(16 * j, 16)] = zeros_v
        cacc[g, pl.ds(0, 16)] = zeros_v
        return carry

    lax.fori_loop(0, G, init_body, 0)

    def copy_body(j, carry):
        off = pl.multiple_of(start + j * RCH, 8)
        pltpu.sync_copy(h5_hbm.at[pl.ds(off, RCH)], hbuf.at[pl.ds(j * RCH, RCH)])
        pltpu.sync_copy(b_hbm.at[pl.ds(off, RCH)], bidx.at[pl.ds(j * RCH, RCH)])
        return carry

    lax.fori_loop(0, nchunks, copy_body, 0)

    def row_body(i, carry):
        g = bidx[pl.ds(i, 16)][0]
        for j in range(D // 16):
            v = hbuf[i, pl.ds(16 * j, 16)]
            macc[g, pl.ds(16 * j, 16)] = jnp.maximum(macc[g, pl.ds(16 * j, 16)], v)
            sacc[g, pl.ds(16 * j, 16)] = sacc[g, pl.ds(16 * j, 16)] + v
        cacc[g, pl.ds(0, 16)] = cacc[g, pl.ds(0, 16)] + ones_v
        return carry

    lax.fori_loop(0, nrows, row_body, 0)

    pltpu.sync_copy(macc, omax.at[w])
    pltpu.sync_copy(sacc, osum.at[w])
    pltpu.sync_copy(cacc, ocnt.at[w])


BLK = 1000


def _dinv_from(dega, degb):
    d = dega[:, :1] + degb[:, :1] + 1.0
    return lax.rsqrt(d)


def _tc0_body(x_ref, w_ref, dega_ref, degb_ref, o_ref):
    dinv = _dinv_from(dega_ref[...], degb_ref[...])
    o_ref[...] = dinv * jnp.dot(x_ref[...], w_ref[...],
                                preferred_element_type=jnp.float32)


def _tcmid_body(agga_ref, aggb_ref, hp_ref, dega_ref, degb_ref, b_ref, w_ref, o_ref):
    dinv = _dinv_from(dega_ref[...], degb_ref[...])
    t = dinv * (agga_ref[...] + aggb_ref[...] + hp_ref[...]) + b_ref[...]
    t = jnp.maximum(t, 0.0)
    o_ref[...] = dinv * jnp.dot(t, w_ref[...], preferred_element_type=jnp.float32)


def _tclast_body(agga_ref, aggb_ref, hp_ref, dega_ref, degb_ref, b_ref, o_ref):
    dinv = _dinv_from(dega_ref[...], degb_ref[...])
    t = dinv * (agga_ref[...] + aggb_ref[...] + hp_ref[...]) + b_ref[...]
    o_ref[...] = jnp.maximum(t, 0.0)


def _row_spec(width):
    return pl.BlockSpec((BLK, width), lambda i: (i, 0))


def _full_spec(shape):
    return pl.BlockSpec(shape, lambda i: (0, 0))


def _tc0(x, W0, dega, degb):
    return pl.pallas_call(
        _tc0_body,
        grid=(N // BLK,),
        in_specs=[_row_spec(D), _full_spec((D, D)), _row_spec(16), _row_spec(16)],
        out_specs=_row_spec(D),
        out_shape=jax.ShapeDtypeStruct((N, D), jnp.float32),
    )(x, W0, dega, degb)


def _tcmid(agga, aggb, hp, dega, degb, b, W):
    return pl.pallas_call(
        _tcmid_body,
        grid=(N // BLK,),
        in_specs=[_row_spec(D), _row_spec(D), _row_spec(D), _row_spec(16),
                  _row_spec(16), _full_spec((1, D)), _full_spec((D, D))],
        out_specs=_row_spec(D),
        out_shape=jax.ShapeDtypeStruct((N, D), jnp.float32),
    )(agga, aggb, hp, dega, degb, b, W)


def _tclast(agga, aggb, hp, dega, degb, b):
    return pl.pallas_call(
        _tclast_body,
        grid=(N // BLK,),
        in_specs=[_row_spec(D), _row_spec(D), _row_spec(D), _row_spec(16),
                  _row_spec(16), _full_spec((1, D))],
        out_specs=_row_spec(D),
        out_shape=jax.ShapeDtypeStruct((N, D), jnp.float32),
    )(agga, aggb, hp, dega, degb, b)


def _mlp_body(pmax_ref, psum_ref, pcnt_ref, w1_ref, b1_ref, w2_ref, b2_ref, o_ref):
    gmax = jnp.max(pmax_ref[...], axis=0)
    gsum = jnp.sum(psum_ref[...], axis=0)
    cnt = jnp.sum(pcnt_ref[...], axis=0)[:, :1]
    gmean = gsum / jnp.maximum(cnt, 1.0)
    hcat = jnp.concatenate([gmax, gmean], axis=1)
    h1 = hcat @ w1_ref[...] + b1_ref[...]
    h1 = jnp.maximum(h1, 0.0)
    o_ref[...] = h1 @ w2_ref[...] + b2_ref[...]


def _tc_mlp(pmax, psum, pcnt, out1_W, out1_b, out2_Wp, out2_bp):
    return pl.pallas_call(
        _mlp_body,
        out_shape=jax.ShapeDtypeStruct((G, D), jnp.float32),
    )(pmax, psum, pcnt, out1_W, out1_b, out2_Wp, out2_bp)


def kernel(x, edge_index, batch_index, W0, b0, W1, b1, W2, b2, W3, b3, W4, b4,
           out1_W, out1_b, out2_W, out2_b):
    assert x.shape == (N, D) and edge_index.shape == (2, E)

    src = edge_index[0].astype(jnp.int32)
    dst = edge_index[1].astype(jnp.int32)
    dst3 = dst.reshape(NW, NCH, CH)
    bidx = batch_index.astype(jnp.int32)

    zeros_nd = jnp.zeros((N, D), jnp.float32)
    ones_cd = jnp.ones((CH, D), jnp.float32)

    deg2 = _sc_degree(dst3, zeros_nd, ones_cd)
    dega, degb = deg2[0, :, :16], deg2[1, :, :16]

    hp = _tc0(x, W0, dega, degb)
    bs = [b0, b1, b2, b3]
    Ws = [W1, W2, W3, W4]
    for layer in range(4):
        agg = _sc_edge_agg(hp, src, dst3, zeros_nd)
        hp = _tcmid(agg[0], agg[1], hp, dega, degb, bs[layer].reshape(1, D), Ws[layer])
    agg = _sc_edge_agg(hp, src, dst3, zeros_nd)
    h5 = _tclast(agg[0], agg[1], hp, dega, degb, b4.reshape(1, D))

    pmax, psum, pcnt = _sc_readout(h5, bidx)

    out2_Wp = jnp.pad(out2_W, ((0, 0), (0, D - out2_W.shape[1])))
    out2_bp = jnp.pad(out2_b, (0, D - out2_b.shape[0])).reshape(1, D)
    o = _tc_mlp(pmax, psum, pcnt, out1_W, out1_b.reshape(1, D), out2_Wp, out2_bp)
    return o[:, :1]

# --- scband reference (transcript-rebuilt; emitter-appended) ---
"""Pipeline reference for scband-gnn-23038204576079 (READ-ONLY COPY).

The authoritative reference and input builder live on the scoring server;
editing this copy changes nothing except your own understanding.
"""

import jax, jax.numpy as jnp
import numpy as np

N = 10000
E = 320000
D_FEAT = 128
D_MODEL = 128
G = 64


def gcn_conv(x, edge_index, W, b):
    n = x.shape[0]
    x = x @ W
    loop = jnp.arange(n, dtype=edge_index.dtype)
    src = jnp.concatenate([edge_index[0], loop])
    dst = jnp.concatenate([edge_index[1], loop])
    ones = jnp.ones(src.shape[0], dtype=x.dtype)
    deg = jax.ops.segment_sum(ones, dst, num_segments=n)
    dinv = jnp.where(deg > 0, jax.lax.rsqrt(jnp.maximum(deg, 1e-12)), 0.0)
    norm = dinv[src] * dinv[dst]
    msg = x[src] * norm[:, None]
    out = jax.ops.segment_sum(msg, dst, num_segments=n)
    return out + b


def setup_inputs(seed: int = 0) -> dict:
    key = jax.random.key(seed)
    ks = jax.random.split(key, 16)
    inp = {}
    inp["x"] = jax.random.normal(ks[0], (N, D_FEAT), dtype=jnp.float32)
    inp["edge_index"] = jax.random.randint(ks[1], (2, E), 0, N, dtype=jnp.int64)
    inp["batch_index"] = jnp.sort(jax.random.randint(ks[2], (N,), 0, G, dtype=jnp.int64))
    inp["W0"] = jax.random.normal(ks[3], (D_FEAT, D_MODEL), dtype=jnp.float32) * 0.05
    inp["b0"] = jnp.zeros((D_MODEL,), dtype=jnp.float32)
    inp["W1"] = jax.random.normal(ks[4], (D_MODEL, D_MODEL), dtype=jnp.float32) * 0.05
    inp["b1"] = jnp.zeros((D_MODEL,), dtype=jnp.float32)
    inp["W2"] = jax.random.normal(ks[5], (D_MODEL, D_MODEL), dtype=jnp.float32) * 0.05
    inp["b2"] = jnp.zeros((D_MODEL,), dtype=jnp.float32)
    inp["W3"] = jax.random.normal(ks[6], (D_MODEL, D_MODEL), dtype=jnp.float32) * 0.05
    inp["b3"] = jnp.zeros((D_MODEL,), dtype=jnp.float32)
    inp["W4"] = jax.random.normal(ks[7], (D_MODEL, D_MODEL), dtype=jnp.float32) * 0.05
    inp["b4"] = jnp.zeros((D_MODEL,), dtype=jnp.float32)
    inp["out1_W"] = jax.random.normal(ks[8], (D_MODEL * 2, D_MODEL), dtype=jnp.float32) * 0.05
    inp["out1_b"] = jnp.zeros((D_MODEL,), dtype=jnp.float32)
    inp["out2_W"] = jax.random.normal(ks[9], (D_MODEL, 1), dtype=jnp.float32) * 0.05
    inp["out2_b"] = jnp.zeros((1,), dtype=jnp.float32)
    return inp


def reference(x, edge_index, batch_index, W0, b0, W1, b1, W2, b2, W3, b3, W4, b4, out1_W, out1_b, out2_W, out2_b):
    act = jax.nn.relu
    h = act(gcn_conv(x, edge_index, W0, b0))
    h = act(gcn_conv(h, edge_index, W1, b1))
    h = act(gcn_conv(h, edge_index, W2, b2))
    h = act(gcn_conv(h, edge_index, W3, b3))
    h = act(gcn_conv(h, edge_index, W4, b4))
    gmax = jax.ops.segment_max(h, batch_index, num_segments=G)
    gsum = jax.ops.segment_sum(h, batch_index, num_segments=G)
    cnt = jax.ops.segment_sum(jnp.ones((h.shape[0],), dtype=h.dtype), batch_index, num_segments=G)
    gmean = gsum / jnp.maximum(cnt, 1.0)[:, None]
    hcat = jnp.concatenate([gmax, gmean], axis=1)
    out = act(hcat @ out1_W + out1_b)
    out = out @ out2_W + out2_b
    return out

if __name__ == "__main__":
    import jax
    _d = setup_inputs()
    print(jax.jit(kernel)(*tuple(_d.values())))

</pallas_src>

<mosaic_0001>
#map = affine_map<(d0, d1) -> (0, 0)>
#map1 = affine_map<(d0, d1) -> (0)>
#map2 = affine_map<(d0, d1) -> (0, 0, 0)>
module attributes {stable_mosaic.version = 14 : i64} {
  func.func @_sc_edge_agg(%arg0: i32, %arg1: i32, %arg2: memref<10000x128xf32, #tpu.memory_space<hbm>>, %arg3: memref<320000xi32, #tpu.memory_space<hbm>>, %arg4: memref<32x125x80xi32, #tpu.memory_space<hbm>>, %arg5: memref<10000x128xf32, #tpu.memory_space<hbm>>, %arg6: memref<2x10000x128xf32, #tpu.memory_space<hbm>>, %arg7: memref<10000x128xf32, #tpu.memory_space<vmem_shared>>, %arg8: memref<!tpu.dma_semaphore, #tpu.memory_space<semaphore_mem>>, %arg9: memref<!tpu.dma_semaphore, #tpu.memory_space<semaphore_mem>>, %arg10: memref<!tpu.dma_semaphore, #tpu.memory_space<semaphore_mem>>, %arg11: memref<!tpu.dma_semaphore, #tpu.memory_space<semaphore_mem>>) attributes {dimension_semantics = [#tpu.dimension_semantics<core_parallel>, #tpu.dimension_semantics<subcore_parallel>], iteration_bounds = array<i64: 2, 16>, scalar_prefetch = 0 : i64, scratch_operands = 5 : i64, tpu.core_type = #tpu.core_type<sc_vector_subcore>, window_params = [{transform_indices = #map}, {transform_indices = #map1}, {transform_indices = #map2}, {transform_indices = #map}, {transform_indices = #map2}]} {
    %mul3A = arith.constant 16 : i32
    %mul3A_0 = arith.muli %arg0, %mul3A : i32
    %add3A = arith.addi %mul3A_0, %arg1 : i32
    "tpu.region"() ({
      %run_scoped3A = memref.alloca() : memref<10000xi32, #tpu.memory_space<vmem>>
      %run_scoped3A_1 = memref.alloca() : memref<125x80xi32, #tpu.memory_space<vmem>>
      %run_scoped3A_2 = memref.alloca() : memref<80x128xf32, #tpu.memory_space<vmem>>
      %run_scoped3A_3 = memref.alloca() : memref<80x128xf32, #tpu.memory_space<vmem>>
      %lt3A = arith.constant 15 : i32
      %lt3A_4 = arith.cmpi slt, %arg1, %lt3A : i32
      %convert_element_type3A = arith.extui %lt3A_4 : i1 to i32
      %cond3A = arith.constant 0 : i32
      %cond3A_5 = arith.cmpi ne, %convert_element_type3A, %cond3A : i32
      scf.if %cond3A_5 {
        %mul3A_76 = arith.constant 632 : i32
        %mul3A_77 = arith.muli %arg1, %mul3A_76 : i32
        %multiple_of3A_78 = tpu.assume_multiple %mul3A_77, 8 : i32
        "tpu.region"() ({
          %run_scoped3A_79 = tpu.sem_alloc : memref<!tpu.dma_semaphore, #tpu.memory_space<semaphore_mem>>
          %dma_start3A_80 = arith.constant 0 : i32
          %dma_start3A_81 = tpu.memref_slice %arg7[%multiple_of3A_78, %dma_start3A_80] : memref<10000x128xf32, #tpu.memory_space<vmem_shared>> -> memref<632x128xf32, #tpu.memory_space<vmem_shared>>
          %dma_start3A_82 = arith.constant 0 : i32
          %dma_start3A_83 = tpu.memref_slice %arg5[%multiple_of3A_78, %dma_start3A_82] : memref<10000x128xf32, #tpu.memory_space<hbm>> -> memref<632x128xf32, #tpu.memory_space<hbm>>
          tpu.enqueue_dma source(%dma_start3A_83 : memref<632x128xf32, #tpu.memory_space<hbm>>) target(%dma_start3A_81 : memref<632x128xf32, #tpu.memory_space<vmem_shared>>) target_semaphore(%run_scoped3A_79 : memref<!tpu.dma_semaphore, #tpu.memory_space<semaphore_mem>>)
          %dma_wait3A_84 = arith.constant 0 : i32
          %dma_wait3A_85 = tpu.memref_slice %arg7[%multiple_of3A_78, %dma_wait3A_84] : memref<10000x128xf32, #tpu.memory_space<vmem_shared>> -> memref<632x128xf32, #tpu.memory_space<vmem_shared>>
          %dma_wait3A_86 = arith.constant 0 : i32
          %dma_wait3A_87 = tpu.memref_slice %arg5[%multiple_of3A_78, %dma_wait3A_86] : memref<10000x128xf32, #tpu.memory_space<hbm>> -> memref<632x128xf32, #tpu.memory_space<hbm>>
          tpu.wait_dma2 semaphore(%run_scoped3A_79 : memref<!tpu.dma_semaphore, #tpu.memory_space<semaphore_mem>>) src(%dma_wait3A_87 : memref<632x128xf32, #tpu.memory_space<hbm>>) dst(%dma_wait3A_85 : memref<632x128xf32, #tpu.memory_space<vmem_shared>>)
          tpu.yield
        }) : () -> ()
      } else {
      }
      %eq3A = arith.constant 15 : i32
      %eq3A_6 = arith.cmpi eq, %arg1, %eq3A : i32
      %convert_element_type3A_7 = arith.extui %eq3A_6 : i1 to i32
      %cond3A_8 = arith.constant 0 : i32
      %cond3A_9 = arith.cmpi ne, %convert_element_type3A_7, %cond3A_8 : i32
      scf.if %cond3A_9 {
        "tpu.region"() ({
          %run_scoped3A_76 = tpu.sem_alloc : memref<!tpu.dma_semaphore, #tpu.memory_space<semaphore_mem>>
          %dma_start3A_77 = arith.constant 9480 : i32
          %dma_start3A_78 = arith.constant 0 : i32
          %dma_start3A_79 = tpu.memref_slice %arg7[%dma_start3A_77, %dma_start3A_78] : memref<10000x128xf32, #tpu.memory_space<vmem_shared>> -> memref<520x128xf32, #tpu.memory_space<vmem_shared>>
          %dma_start3A_80 = arith.constant 9480 : i32
          %dma_start3A_81 = arith.constant 0 : i32
          %dma_start3A_82 = tpu.memref_slice %arg5[%dma_start3A_80, %dma_start3A_81] : memref<10000x128xf32, #tpu.memory_space<hbm>> -> memref<520x128xf32, #tpu.memory_space<hbm>>
          tpu.enqueue_dma source(%dma_start3A_82 : memref<520x128xf32, #tpu.memory_space<hbm>>) target(%dma_start3A_79 : memref<520x128xf32, #tpu.memory_space<vmem_shared>>) target_semaphore(%run_scoped3A_76 : memref<!tpu.dma_semaphore, #tpu.memory_space<semaphore_mem>>)
          %dma_wait3A_83 = arith.constant 9480 : i32
          %dma_wait3A_84 = arith.constant 0 : i32
          %dma_wait3A_85 = tpu.memref_slice %arg7[%dma_wait3A_83, %dma_wait3A_84] : memref<10000x128xf32, #tpu.memory_space<vmem_shared>> -> memref<520x128xf32, #tpu.memory_space<vmem_shared>>
          %dma_wait3A_86 = arith.constant 9480 : i32
          %dma_wait3A_87 = arith.constant 0 : i32
          %dma_wait3A_88 = tpu.memref_slice %arg5[%dma_wait3A_86, %dma_wait3A_87] : memref<10000x128xf32, #tpu.memory_space<hbm>> -> memref<520x128xf32, #tpu.memory_space<hbm>>
          tpu.wait_dma2 semaphore(%run_scoped3A_76 : memref<!tpu.dma_semaphore, #tpu.memory_space<semaphore_mem>>) src(%dma_wait3A_88 : memref<520x128xf32, #tpu.memory_space<hbm>>) dst(%dma_wait3A_85 : memref<520x128xf32, #tpu.memory_space<vmem_shared>>)
          tpu.yield
        }) : () -> ()
      } else {
      }
      %mul3A_10 = arith.constant 10000 : i32
      %mul3A_11 = arith.muli %add3A, %mul3A_10 : i32
      %multiple_of3A = tpu.assume_multiple %mul3A_11, 8 : i32
      "tpu.region"() ({
        %run_scoped3A_76 = tpu.sem_alloc : memref<!tpu.dma_semaphore, #tpu.memory_space<semaphore_mem>>
        %dma_start3A_77 = tpu.memref_slice %arg3[%multiple_of3A] : memref<320000xi32, #tpu.memory_space<hbm>> -> memref<10000xi32, #tpu.memory_space<hbm>>
        %dma_start3A_78 = tpu.memref_slice %arg3[%multiple_of3A] : memref<320000xi32, #tpu.memory_space<hbm>> -> memref<10000xi32, #tpu.memory_space<hbm>>
        tpu.enqueue_dma source(%dma_start3A_78 : memref<10000xi32, #tpu.memory_space<hbm>>) target(%run_scoped3A : memref<10000xi32, #tpu.memory_space<vmem>>) target_semaphore(%run_scoped3A_76 : memref<!tpu.dma_semaphore, #tpu.memory_space<semaphore_mem>>)
        %dma_wait3A_79 = tpu.memref_slice %arg3[%multiple_of3A] : memref<320000xi32, #tpu.memory_space<hbm>> -> memref<10000xi32, #tpu.memory_space<hbm>>
        %dma_wait3A_80 = tpu.memref_slice %arg3[%multiple_of3A] : memref<320000xi32, #tpu.memory_space<hbm>> -> memref<10000xi32, #tpu.memory_space<hbm>>
        tpu.wait_dma2 semaphore(%run_scoped3A_76 : memref<!tpu.dma_semaphore, #tpu.memory_space<semaphore_mem>>) src(%dma_wait3A_80 : memref<10000xi32, #tpu.memory_space<hbm>>) dst(%run_scoped3A : memref<10000xi32, #tpu.memory_space<vmem>>)
        tpu.yield
      }) : () -> ()
      "tpu.region"() ({
        %run_scoped3A_76 = tpu.sem_alloc : memref<!tpu.dma_semaphore, #tpu.memory_space<semaphore_mem>>
        %dma_start3A_77 = arith.constant 0 : i32
        %dma_start3A_78 = arith.constant 0 : i32
        %dma_start3A_79 = tpu.memref_slice %arg4[%add3A, %dma_start3A_77, %dma_start3A_78] : memref<32x125x80xi32, #tpu.memory_space<hbm>> -> memref<1x125x80xi32, #tpu.memory_space<hbm>>
        %dma_start3A_80 = tpu.memref_squeeze %dma_start3A_79 : memref<1x125x80xi32, #tpu.memory_space<hbm>> -> memref<125x80xi32, #tpu.memory_space<hbm>>
        %dma_start3A_81 = arith.constant 0 : i32
        %dma_start3A_82 = arith.constant 0 : i32
        %dma_start3A_83 = tpu.memref_slice %arg4[%add3A, %dma_start3A_81, %dma_start3A_82] : memref<32x125x80xi32, #tpu.memory_space<hbm>> -> memref<1x125x80xi32, #tpu.memory_space<hbm>>
        %dma_start3A_84 = tpu.memref_squeeze %dma_start3A_83 : memref<1x125x80xi32, #tpu.memory_space<hbm>> -> memref<125x80xi32, #tpu.memory_space<hbm>>
        tpu.enqueue_dma source(%dma_start3A_84 : memref<125x80xi32, #tpu.memory_space<hbm>>) target(%run_scoped3A_1 : memref<125x80xi32, #tpu.memory_space<vmem>>) target_semaphore(%run_scoped3A_76 : memref<!tpu.dma_semaphore, #tpu.memory_space<semaphore_mem>>)
        %dma_wait3A_85 = arith.constant 0 : i32
        %dma_wait3A_86 = arith.constant 0 : i32
        %dma_wait3A_87 = tpu.memref_slice %arg4[%add3A, %dma_wait3A_85, %dma_wait3A_86] : memref<32x125x80xi32, #tpu.memory_space<hbm>> -> memref<1x125x80xi32, #tpu.memory_space<hbm>>
        %dma_wait3A_88 = tpu.memref_squeeze %dma_wait3A_87 : memref<1x125x80xi32, #tpu.memory_space<hbm>> -> memref<125x80xi32, #tpu.memory_space<hbm>>
        %dma_wait3A_89 = arith.constant 0 : i32
        %dma_wait3A_90 = arith.constant 0 : i32
        %dma_wait3A_91 = tpu.memref_slice %arg4[%add3A, %dma_wait3A_89, %dma_wait3A_90] : memref<32x125x80xi32, #tpu.memory_space<hbm>> -> memref<1x125x80xi32, #tpu.memory_space<hbm>>
        %dma_wait3A_92 = tpu.memref_squeeze %dma_wait3A_91 : memref<1x125x80xi32, #tpu.memory_space<hbm>> -> memref<125x80xi32, #tpu.memory_space<hbm>>
        tpu.wait_dma2 semaphore(%run_scoped3A_76 : memref<!tpu.dma_semaphore, #tpu.memory_space<semaphore_mem>>) src(%dma_wait3A_92 : memref<125x80xi32, #tpu.memory_space<hbm>>) dst(%run_scoped3A_1 : memref<125x80xi32, #tpu.memory_space<vmem>>)
        tpu.yield
      }) : () -> ()
      %barrier3A = arith.constant 0 : index
      tpu.barrier barrier_id(%barrier3A)
      %multiple_of3A_12 = arith.constant 0 : i32
      %multiple_of3A_13 = tpu.assume_multiple %multiple_of3A_12, 8 : i32
      %dma_start3A = tpu.memref_slice %run_scoped3A[%multiple_of3A_13] : memref<10000xi32, #tpu.memory_space<vmem>> -> memref<80xi32, #tpu.memory_space<vmem>>
      %dma_start3A_14 = arith.constant 0 : i32
      %dma_start3A_15 = arith.constant 0 : i32
      %dma_start3A_16 = tpu.memref_slice %arg2[%dma_start3A_14, %dma_start3A_15] : memref<10000x128xf32, #tpu.memory_space<hbm>> -> memref<10000x128xf32, #tpu.memory_space<hbm>>
      tpu.enqueue_indirect_dma source(%dma_start3A_16 : memref<10000x128xf32, #tpu.memory_space<hbm>>) target(%run_scoped3A_2 : memref<80x128xf32, #tpu.memory_space<vmem>>) offsets(%dma_start3A : memref<80xi32, #tpu.memory_space<vmem>>) semaphore(%arg8 : memref<!tpu.dma_semaphore, #tpu.memory_space<semaphore_mem>>)
      %scan3A = arith.constant 0 : i32
      %scan3A_17 = arith.constant 0 : i32
      %scan3A_18 = arith.constant 62 : i32
      %scan3A_19 = arith.addi %scan3A_17, %scan3A_18 : i32
      %scan3A_20 = arith.constant 1 : i32
      scf.for %scan3A_76 = %scan3A_17 to %scan3A_19 step %scan3A_20  : i32 {
        %mul3A_77 = arith.constant 2 : i32
        %mul3A_78 = arith.muli %scan3A_76, %mul3A_77 : i32
        %add3A_79 = arith.constant 0 : i32
        %add3A_80 = arith.addi %mul3A_78, %add3A_79 : i32
        %add3A_81 = arith.constant 1 : i32
        %add3A_82 = arith.addi %add3A_80, %add3A_81 : i32
        %ge3A_83 = arith.constant 1 : i32
        %ge3A_84 = arith.cmpi sge, %add3A_80, %ge3A_83 : i32
        %lt3A_85 = arith.constant 125 : i32
        %lt3A_86 = arith.cmpi slt, %add3A_82, %lt3A_85 : i32
        %and3A_87 = arith.andi %ge3A_84, %lt3A_86 : i1
        %convert_element_type3A_88 = arith.extui %and3A_87 : i1 to i32
        %cond3A_89 = arith.constant 0 : i32
        %cond3A_90 = arith.cmpi ne, %convert_element_type3A_88, %cond3A_89 : i32
        scf.if %cond3A_90 {
          %sub3A = arith.constant 2 : i32
          %sub3A_141 = arith.subi %add3A_82, %sub3A : i32
          %dma_wait3A_142 = arith.constant 0 : i32
          %dma_wait3A_143 = tpu.memref_slice %run_scoped3A_1[%sub3A_141, %dma_wait3A_142] : memref<125x80xi32, #tpu.memory_space<vmem>> -> memref<1x80xi32, #tpu.memory_space<vmem>>
          %dma_wait3A_144 = tpu.memref_squeeze %dma_wait3A_143 : memref<1x80xi32, #tpu.memory_space<vmem>> -> memref<80xi32, #tpu.memory_space<vmem>>
          %dma_wait3A_145 = arith.constant 0 : i32
          %dma_wait3A_146 = arith.constant 0 : i32
          %dma_wait3A_147 = tpu.memref_slice %arg7[%dma_wait3A_145, %dma_wait3A_146] : memref<10000x128xf32, #tpu.memory_space<vmem_shared>> -> memref<10000x128xf32, #tpu.memory_space<vmem_shared>>
          tpu.wait_indirect_dma semaphore(%arg11 : memref<!tpu.dma_semaphore, #tpu.memory_space<semaphore_mem>>) src(%run_scoped3A_3 : memref<80x128xf32, #tpu.memory_space<vmem>>) dst(%dma_wait3A_147 : memref<10000x128xf32, #tpu.memory_space<vmem_shared>>)
        } else {
        }
        %lt3A_91 = arith.constant 125 : i32
        %lt3A_92 = arith.cmpi slt, %add3A_82, %lt3A_91 : i32
        %convert_element_type3A_93 = arith.extui %lt3A_92 : i1 to i32
        %cond3A_94 = arith.constant 0 : i32
        %cond3A_95 = arith.cmpi ne, %convert_element_type3A_93, %cond3A_94 : i32
        scf.if %cond3A_95 {
          %mul3A_141 = arith.constant 80 : i32
          %mul3A_142 = arith.muli %add3A_82, %mul3A_141 : i32
          %multiple_of3A_143 = tpu.assume_multiple %mul3A_142, 8 : i32
          %dma_start3A_144 = tpu.memref_slice %run_scoped3A[%multiple_of3A_143] : memref<10000xi32, #tpu.memory_space<vmem>> -> memref<80xi32, #tpu.memory_space<vmem>>
          %dma_start3A_145 = arith.constant 0 : i32
          %dma_start3A_146 = arith.constant 0 : i32
          %dma_start3A_147 = tpu.memref_slice %arg2[%dma_start3A_145, %dma_start3A_146] : memref<10000x128xf32, #tpu.memory_space<hbm>> -> memref<10000x128xf32, #tpu.memory_space<hbm>>
          tpu.enqueue_indirect_dma source(%dma_start3A_147 : memref<10000x128xf32, #tpu.memory_space<hbm>>) target(%run_scoped3A_3 : memref<80x128xf32, #tpu.memory_space<vmem>>) offsets(%dma_start3A_144 : memref<80xi32, #tpu.memory_space<vmem>>) semaphore(%arg9 : memref<!tpu.dma_semaphore, #tpu.memory_space<semaphore_mem>>)
        } else {
        }
        %mul3A_96 = arith.constant 80 : i32
        %mul3A_97 = arith.muli %add3A_80, %mul3A_96 : i32
        %multiple_of3A_98 = tpu.assume_multiple %mul3A_97, 8 : i32
        %dma_wait3A_99 = tpu.memref_slice %run_scoped3A[%multiple_of3A_98] : memref<10000xi32, #tpu.memory_space<vmem>> -> memref<80xi32, #tpu.memory_space<vmem>>
        %dma_wait3A_100 = arith.constant 0 : i32
        %dma_wait3A_101 = arith.constant 0 : i32
        %dma_wait3A_102 = tpu.memref_slice %arg2[%dma_wait3A_100, %dma_wait3A_101] : memref<10000x128xf32, #tpu.memory_space<hbm>> -> memref<10000x128xf32, #tpu.memory_space<hbm>>
        tpu.wait_indirect_dma semaphore(%arg8 : memref<!tpu.dma_semaphore, #tpu.memory_space<semaphore_mem>>) src(%dma_wait3A_102 : memref<10000x128xf32, #tpu.memory_space<hbm>>) dst(%run_scoped3A_2 : memref<80x128xf32, #tpu.memory_space<vmem>>)
        %dma_start3A_103 = arith.constant 0 : i32
        %dma_start3A_104 = tpu.memref_slice %run_scoped3A_1[%add3A_80, %dma_start3A_103] : memref<125x80xi32, #tpu.memory_space<vmem>> -> memref<1x80xi32, #tpu.memory_space<vmem>>
        %dma_start3A_105 = tpu.memref_squeeze %dma_start3A_104 : memref<1x80xi32, #tpu.memory_space<vmem>> -> memref<80xi32, #tpu.memory_space<vmem>>
        %dma_start3A_106 = arith.constant 0 : i32
        %dma_start3A_107 = arith.constant 0 : i32
        %dma_start3A_108 = tpu.memref_slice %arg7[%dma_start3A_106, %dma_start3A_107] : memref<10000x128xf32, #tpu.memory_space<vmem_shared>> -> memref<10000x128xf32, #tpu.memory_space<vmem_shared>>
        tpu.enqueue_indirect_dma source(%run_scoped3A_2 : memref<80x128xf32, #tpu.memory_space<vmem>>) target(%dma_start3A_108 : memref<10000x128xf32, #tpu.memory_space<vmem_shared>>) offsets(%dma_start3A_105 : memref<80xi32, #tpu.memory_space<vmem>>) semaphore(%arg10 : memref<!tpu.dma_semaphore, #tpu.memory_space<semaphore_mem>>) {add = true}
        %mul3A_109 = arith.constant 2 : i32
        %mul3A_110 = arith.muli %scan3A_76, %mul3A_109 : i32
        %add3A_111 = arith.constant 1 : i32
        %add3A_112 = arith.addi %mul3A_110, %add3A_111 : i32
        %add3A_113 = arith.constant 1 : i32
        %add3A_114 = arith.addi %add3A_112, %add3A_113 : i32
        %ge3A_115 = arith.constant 1 : i32
        %ge3A_116 = arith.cmpi sge, %add3A_112, %ge3A_115 : i32
        %lt3A_117 = arith.constant 125 : i32
        %lt3A_118 = arith.cmpi slt, %add3A_114, %lt3A_117 : i32
        %and3A_119 = arith.andi %ge3A_116, %lt3A_118 : i1
        %convert_element_type3A_120 = arith.extui %and3A_119 : i1 to i32
        %cond3A_121 = arith.constant 0 : i32
        %cond3A_122 = arith.cmpi ne, %convert_element_type3A_120, %cond3A_121 : i32
        scf.if %cond3A_122 {
          %sub3A = arith.constant 2 : i32
          %sub3A_141 = arith.subi %add3A_114, %sub3A : i32
          %dma_wait3A_142 = arith.constant 0 : i32
          %dma_wait3A_143 = tpu.memref_slice %run_scoped3A_1[%sub3A_141, %dma_wait3A_142] : memref<125x80xi32, #tpu.memory_space<vmem>> -> memref<1x80xi32, #tpu.memory_space<vmem>>
          %dma_wait3A_144 = tpu.memref_squeeze %dma_wait3A_143 : memref<1x80xi32, #tpu.memory_space<vmem>> -> memref<80xi32, #tpu.memory_space<vmem>>
          %dma_wait3A_145 = arith.constant 0 : i32
          %dma_wait3A_146 = arith.constant 0 : i32
          %dma_wait3A_147 = tpu.memref_slice %arg7[%dma_wait3A_145, %dma_wait3A_146] : memref<10000x128xf32, #tpu.memory_space<vmem_shared>> -> memref<10000x128xf32, #tpu.memory_space<vmem_shared>>
          tpu.wait_indirect_dma semaphore(%arg10 : memref<!tpu.dma_semaphore, #tpu.memory_space<semaphore_mem>>) src(%run_scoped3A_2 : memref<80x128xf32, #tpu.memory_space<vmem>>) dst(%dma_wait3A_147 : memref<10000x128xf32, #tpu.memory_space<vmem_shared>>)
        } else {
        }
        %lt3A_123 = arith.constant 125 : i32
        %lt3A_124 = arith.cmpi slt, %add3A_114, %lt3A_123 : i32
        %convert_element_type3A_125 = arith.extui %lt3A_124 : i1 to i32
        %cond3A_126 = arith.constant 0 : i32
        %cond3A_127 = arith.cmpi ne, %convert_element_type3A_125, %cond3A_126 : i32
        scf.if %cond3A_127 {
          %mul3A_141 = arith.constant 80 : i32
          %mul3A_142 = arith.muli %add3A_114, %mul3A_141 : i32
          %multiple_of3A_143 = tpu.assume_multiple %mul3A_142, 8 : i32
          %dma_start3A_144 = tpu.memref_slice %run_scoped3A[%multiple_of3A_143] : memref<10000xi32, #tpu.memory_space<vmem>> -> memref<80xi32, #tpu.memory_space<vmem>>
          %dma_start3A_145 = arith.constant 0 : i32
          %dma_start3A_146 = arith.constant 0 : i32
          %dma_start3A_147 = tpu.memref_slice %arg2[%dma_start3A_145, %dma_start3A_146] : memref<10000x128xf32, #tpu.memory_space<hbm>> -> memref<10000x128xf32, #tpu.memory_space<hbm>>
          tpu.enqueue_indirect_dma source(%dma_start3A_147 : memref<10000x128xf32, #tpu.memory_space<hbm>>) target(%run_scoped3A_2 : memref<80x128xf32, #tpu.memory_space<vmem>>) offsets(%dma_start3A_144 : memref<80xi32, #tpu.memory_space<vmem>>) semaphore(%arg8 : memref<!tpu.dma_semaphore, #tpu.memory_space<semaphore_mem>>)
        } else {
        }
        %mul3A_128 = arith.constant 80 : i32
        %mul3A_129 = arith.muli %add3A_112, %mul3A_128 : i32
        %multiple_of3A_130 = tpu.assume_multiple %mul3A_129, 8 : i32
        %dma_wait3A_131 = tpu.memref_slice %run_scoped3A[%multiple_of3A_130] : memref<10000xi32, #tpu.memory_space<vmem>> -> memref<80xi32, #tpu.memory_space<vmem>>
        %dma_wait3A_132 = arith.constant 0 : i32
        %dma_wait3A_133 = arith.constant 0 : i32
        %dma_wait3A_134 = tpu.memref_slice %arg2[%dma_wait3A_132, %dma_wait3A_133] : memref<10000x128xf32, #tpu.memory_space<hbm>> -> memref<10000x128xf32, #tpu.memory_space<hbm>>
        tpu.wait_indirect_dma semaphore(%arg9 : memref<!tpu.dma_semaphore, #tpu.memory_space<semaphore_mem>>) src(%dma_wait3A_134 : memref<10000x128xf32, #tpu.memory_space<hbm>>) dst(%run_scoped3A_3 : memref<80x128xf32, #tpu.memory_space<vmem>>)
        %dma_start3A_135 = arith.constant 0 : i32
        %dma_start3A_136 = tpu.memref_slice %run_scoped3A_1[%add3A_112, %dma_start3A_135] : memref<125x80xi32, #tpu.memory_space<vmem>> -> memref<1x80xi32, #tpu.memory_space<vmem>>
        %dma_start3A_137 = tpu.memref_squeeze %dma_start3A_136 : memref<1x80xi32, #tpu.memory_space<vmem>> -> memref<80xi32, #tpu.memory_space<vmem>>
        %dma_start3A_138 = arith.constant 0 : i32
        %dma_start3A_139 = arith.constant 0 : i32
        %dma_start3A_140 = tpu.memref_slice %arg7[%dma_start3A_138, %dma_start3A_139] : memref<10000x128xf32, #tpu.memory_space<vmem_shared>> -> memref<10000x128xf32, #tpu.memory_space<vmem_shared>>
        tpu.enqueue_indirect_dma source(%run_scoped3A_3 : memref<80x128xf32, #tpu.memory_space<vmem>>) target(%dma_start3A_140 : memref<10000x128xf32, #tpu.memory_space<vmem_shared>>) offsets(%dma_start3A_137 : memref<80xi32, #tpu.memory_space<vmem>>) semaphore(%arg11 : memref<!tpu.dma_semaphore, #tpu.memory_space<semaphore_mem>>) {add = true}
      }
      %scan3A_21 = arith.constant 62 : i32
      %add3A_22 = arith.constant 124 : i32
      %add3A_23 = arith.constant 1 : i32
      %add3A_24 = arith.addi %add3A_22, %add3A_23 : i32
      %ge3A = arith.constant 124 : i32
      %ge3A_25 = arith.constant 1 : i32
      %ge3A_26 = arith.cmpi sge, %ge3A, %ge3A_25 : i32
      %lt3A_27 = arith.constant 125 : i32
      %lt3A_28 = arith.cmpi slt, %add3A_24, %lt3A_27 : i32
      %and3A = arith.andi %ge3A_26, %lt3A_28 : i1
      %convert_element_type3A_29 = arith.extui %and3A : i1 to i32
      %cond3A_30 = arith.constant 0 : i32
      %cond3A_31 = arith.cmpi ne, %convert_element_type3A_29, %cond3A_30 : i32
      scf.if %cond3A_31 {
        %sub3A = arith.constant 2 : i32
        %sub3A_76 = arith.subi %add3A_24, %sub3A : i32
        %dma_wait3A_77 = arith.constant 0 : i32
        %dma_wait3A_78 = tpu.memref_slice %run_scoped3A_1[%sub3A_76, %dma_wait3A_77] : memref<125x80xi32, #tpu.memory_space<vmem>> -> memref<1x80xi32, #tpu.memory_space<vmem>>
        %dma_wait3A_79 = tpu.memref_squeeze %dma_wait3A_78 : memref<1x80xi32, #tpu.memory_space<vmem>> -> memref<80xi32, #tpu.memory_space<vmem>>
        %dma_wait3A_80 = arith.constant 0 : i32
        %dma_wait3A_81 = arith.constant 0 : i32
        %dma_wait3A_82 = tpu.memref_slice %arg7[%dma_wait3A_80, %dma_wait3A_81] : memref<10000x128xf32, #tpu.memory_space<vmem_shared>> -> memref<10000x128xf32, #tpu.memory_space<vmem_shared>>
        tpu.wait_indirect_dma semaphore(%arg11 : memref<!tpu.dma_semaphore, #tpu.memory_space<semaphore_mem>>) src(%run_scoped3A_3 : memref<80x128xf32, #tpu.memory_space<vmem>>) dst(%dma_wait3A_82 : memref<10000x128xf32, #tpu.memory_space<vmem_shared>>)
      } else {
      }
      %lt3A_32 = arith.constant 125 : i32
      %lt3A_33 = arith.cmpi slt, %add3A_24, %lt3A_32 : i32
      %convert_element_type3A_34 = arith.extui %lt3A_33 : i1 to i32
      %cond3A_35 = arith.constant 0 : i32
      %cond3A_36 = arith.cmpi ne, %convert_element_type3A_34, %cond3A_35 : i32
      scf.if %cond3A_36 {
        %mul3A_76 = arith.constant 80 : i32
        %mul3A_77 = arith.muli %add3A_24, %mul3A_76 : i32
        %multiple_of3A_78 = tpu.assume_multiple %mul3A_77, 8 : i32
        %dma_start3A_79 = tpu.memref_slice %run_scoped3A[%multiple_of3A_78] : memref<10000xi32, #tpu.memory_space<vmem>> -> memref<80xi32, #tpu.memory_space<vmem>>
        %dma_start3A_80 = arith.constant 0 : i32
        %dma_start3A_81 = arith.constant 0 : i32
        %dma_start3A_82 = tpu.memref_slice %arg2[%dma_start3A_80, %dma_start3A_81] : memref<10000x128xf32, #tpu.memory_space<hbm>> -> memref<10000x128xf32, #tpu.memory_space<hbm>>
        tpu.enqueue_indirect_dma source(%dma_start3A_82 : memref<10000x128xf32, #tpu.memory_space<hbm>>) target(%run_scoped3A_3 : memref<80x128xf32, #tpu.memory_space<vmem>>) offsets(%dma_start3A_79 : memref<80xi32, #tpu.memory_space<vmem>>) semaphore(%arg9 : memref<!tpu.dma_semaphore, #tpu.memory_space<semaphore_mem>>)
      } else {
      }
      %mul3A_37 = arith.constant 124 : i32
      %mul3A_38 = arith.constant 80 : i32
      %mul3A_39 = arith.muli %mul3A_37, %mul3A_38 : i32
      %multiple_of3A_40 = tpu.assume_multiple %mul3A_39, 8 : i32
      %dma_wait3A = tpu.memref_slice %run_scoped3A[%multiple_of3A_40] : memref<10000xi32, #tpu.memory_space<vmem>> -> memref<80xi32, #tpu.memory_space<vmem>>
      %dma_wait3A_41 = arith.constant 0 : i32
      %dma_wait3A_42 = arith.constant 0 : i32
      %dma_wait3A_43 = tpu.memref_slice %arg2[%dma_wait3A_41, %dma_wait3A_42] : memref<10000x128xf32, #tpu.memory_space<hbm>> -> memref<10000x128xf32, #tpu.memory_space<hbm>>
      tpu.wait_indirect_dma semaphore(%arg8 : memref<!tpu.dma_semaphore, #tpu.memory_space<semaphore_mem>>) src(%dma_wait3A_43 : memref<10000x128xf32, #tpu.memory_space<hbm>>) dst(%run_scoped3A_2 : memref<80x128xf32, #tpu.memory_space<vmem>>)
      %dma_start3A_44 = arith.constant 124 : i32
      %dma_start3A_45 = arith.constant 0 : i32
      %dma_start3A_46 = tpu.memref_slice %run_scoped3A_1[%dma_start3A_44, %dma_start3A_45] : memref<125x80xi32, #tpu.memory_space<vmem>> -> memref<1x80xi32, #tpu.memory_space<vmem>>
      %dma_start3A_47 = tpu.memref_squeeze %dma_start3A_46 : memref<1x80xi32, #tpu.memory_space<vmem>> -> memref<80xi32, #tpu.memory_space<vmem>>
      %dma_start3A_48 = arith.constant 0 : i32
      %dma_start3A_49 = arith.constant 0 : i32
      %dma_start3A_50 = tpu.memref_slice %arg7[%dma_start3A_48, %dma_start3A_49] : memref<10000x128xf32, #tpu.memory_space<vmem_shared>> -> memref<10000x128xf32, #tpu.memory_space<vmem_shared>>
      tpu.enqueue_indirect_dma source(%run_scoped3A_2 : memref<80x128xf32, #tpu.memory_space<vmem>>) target(%dma_start3A_50 : memref<10000x128xf32, #tpu.memory_space<vmem_shared>>) offsets(%dma_start3A_47 : memref<80xi32, #tpu.memory_space<vmem>>) semaphore(%arg10 : memref<!tpu.dma_semaphore, #tpu.memory_space<semaphore_mem>>) {add = true}
      %dma_wait3A_51 = arith.constant 123 : i32
      %dma_wait3A_52 = arith.constant 0 : i32
      %dma_wait3A_53 = tpu.memref_slice %run_scoped3A_1[%dma_wait3A_51, %dma_wait3A_52] : memref<125x80xi32, #tpu.memory_space<vmem>> -> memref<1x80xi32, #tpu.memory_space<vmem>>
      %dma_wait3A_54 = tpu.memref_squeeze %dma_wait3A_53 : memref<1x80xi32, #tpu.memory_space<vmem>> -> memref<80xi32, #tpu.memory_space<vmem>>
      %dma_wait3A_55 = arith.constant 0 : i32
      %dma_wait3A_56 = arith.constant 0 : i32
      %dma_wait3A_57 = tpu.memref_slice %arg7[%dma_wait3A_55, %dma_wait3A_56] : memref<10000x128xf32, #tpu.memory_space<vmem_shared>> -> memref<10000x128xf32, #tpu.memory_space<vmem_shared>>
      tpu.wait_indirect_dma semaphore(%arg11 : memref<!tpu.dma_semaphore, #tpu.memory_space<semaphore_mem>>) src(%run_scoped3A_3 : memref<80x128xf32, #tpu.memory_space<vmem>>) dst(%dma_wait3A_57 : memref<10000x128xf32, #tpu.memory_space<vmem_shared>>)
      %dma_wait3A_58 = arith.constant 124 : i32
      %dma_wait3A_59 = arith.constant 0 : i32
      %dma_wait3A_60 = tpu.memref_slice %run_scoped3A_1[%dma_wait3A_58, %dma_wait3A_59] : memref<125x80xi32, #tpu.memory_space<vmem>> -> memref<1x80xi32, #tpu.memory_space<vmem>>
      %dma_wait3A_61 = tpu.memref_squeeze %dma_wait3A_60 : memref<1x80xi32, #tpu.memory_space<vmem>> -> memref<80xi32, #tpu.memory_space<vmem>>
      %dma_wait3A_62 = arith.constant 0 : i32
      %dma_wait3A_63 = arith.constant 0 : i32
      %dma_wait3A_64 = tpu.memref_slice %arg7[%dma_wait3A_62, %dma_wait3A_63] : memref<10000x128xf32, #tpu.memory_space<vmem_shared>> -> memref<10000x128xf32, #tpu.memory_space<vmem_shared>>
      tpu.wait_indirect_dma semaphore(%arg10 : memref<!tpu.dma_semaphore, #tpu.memory_space<semaphore_mem>>) src(%run_scoped3A_2 : memref<80x128xf32, #tpu.memory_space<vmem>>) dst(%dma_wait3A_64 : memref<10000x128xf32, #tpu.memory_space<vmem_shared>>)
      %barrier3A_65 = arith.constant 0 : index
      tpu.barrier barrier_id(%barrier3A_65)
      %lt3A_66 = arith.constant 15 : i32
      %lt3A_67 = arith.cmpi slt, %arg1, %lt3A_66 : i32
      %convert_element_type3A_68 = arith.extui %lt3A_67 : i1 to i32
      %cond3A_69 = arith.constant 0 : i32
      %cond3A_70 = arith.cmpi ne, %convert_element_type3A_68, %cond3A_69 : i32
      scf.if %cond3A_70 {
        %mul3A_76 = arith.constant 632 : i32
        %mul3A_77 = arith.muli %arg1, %mul3A_76 : i32
        %multiple_of3A_78 = tpu.assume_multiple %mul3A_77, 8 : i32
        "tpu.region"() ({
          %run_scoped3A_79 = tpu.sem_alloc : memref<!tpu.dma_semaphore, #tpu.memory_space<semaphore_mem>>
          %dma_start3A_80 = arith.constant 0 : i32
          %dma_start3A_81 = arith.constant 0 : i32
          %dma_start3A_82 = tpu.memref_slice %arg6[%arg0, %dma_start3A_80, %dma_start3A_81] : memref<2x10000x128xf32, #tpu.memory_space<hbm>> -> memref<1x10000x128xf32, #tpu.memory_space<hbm>>
          %dma_start3A_83 = tpu.memref_squeeze %dma_start3A_82 : memref<1x10000x128xf32, #tpu.memory_space<hbm>> -> memref<10000x128xf32, #tpu.memory_space<hbm>>
          %dma_start3A_84 = arith.constant 0 : i32
          %dma_start3A_85 = tpu.memref_slice %dma_start3A_83[%multiple_of3A_78, %dma_start3A_84] : memref<10000x128xf32, #tpu.memory_space<hbm>> -> memref<632x128xf32, #tpu.memory_space<hbm>>
          %dma_start3A_86 = arith.constant 0 : i32
          %dma_start3A_87 = tpu.memref_slice %arg7[%multiple_of3A_78, %dma_start3A_86] : memref<10000x128xf32, #tpu.memory_space<vmem_shared>> -> memref<632x128xf32, #tpu.memory_space<vmem_shared>>
          tpu.enqueue_dma source(%dma_start3A_87 : memref<632x128xf32, #tpu.memory_space<vmem_shared>>) target(%dma_start3A_85 : memref<632x128xf32, #tpu.memory_space<hbm>>) target_semaphore(%run_scoped3A_79 : memref<!tpu.dma_semaphore, #tpu.memory_space<semaphore_mem>>)
          %dma_wait3A_88 = arith.constant 0 : i32
          %dma_wait3A_89 = arith.constant 0 : i32
          %dma_wait3A_90 = tpu.memref_slice %arg6[%arg0, %dma_wait3A_88, %dma_wait3A_89] : memref<2x10000x128xf32, #tpu.memory_space<hbm>> -> memref<1x10000x128xf32, #tpu.memory_space<hbm>>
          %dma_wait3A_91 = tpu.memref_squeeze %dma_wait3A_90 : memref<1x10000x128xf32, #tpu.memory_space<hbm>> -> memref<10000x128xf32, #tpu.memory_space<hbm>>
          %dma_wait3A_92 = arith.constant 0 : i32
          %dma_wait3A_93 = tpu.memref_slice %dma_wait3A_91[%multiple_of3A_78, %dma_wait3A_92] : memref<10000x128xf32, #tpu.memory_space<hbm>> -> memref<632x128xf32, #tpu.memory_space<hbm>>
          %dma_wait3A_94 = arith.constant 0 : i32
          %dma_wait3A_95 = tpu.memref_slice %arg7[%multiple_of3A_78, %dma_wait3A_94] : memref<10000x128xf32, #tpu.memory_space<vmem_shared>> -> memref<632x128xf32, #tpu.memory_space<vmem_shared>>
          tpu.wait_dma2 semaphore(%run_scoped3A_79 : memref<!tpu.dma_semaphore, #tpu.memory_space<semaphore_mem>>) src(%dma_wait3A_95 : memref<632x128xf32, #tpu.memory_space<vmem_shared>>) dst(%dma_wait3A_93 : memref<632x128xf32, #tpu.memory_space<hbm>>)
          tpu.yield
        }) : () -> ()
      } else {
      }
      %eq3A_71 = arith.constant 15 : i32
      %eq3A_72 = arith.cmpi eq, %arg1, %eq3A_71 : i32
      %convert_element_type3A_73 = arith.extui %eq3A_72 : i1 to i32
      %cond3A_74 = arith.constant 0 : i32
      %cond3A_75 = arith.cmpi ne, %convert_element_type3A_73, %cond3A_74 : i32
      scf.if %cond3A_75 {
        "tpu.region"() ({
          %run_scoped3A_76 = tpu.sem_alloc : memref<!tpu.dma_semaphore, #tpu.memory_space<semaphore_mem>>
          %dma_start3A_77 = arith.constant 0 : i32
          %dma_start3A_78 = arith.constant 0 : i32
          %dma_start3A_79 = tpu.memref_slice %arg6[%arg0, %dma_start3A_77, %dma_start3A_78] : memref<2x10000x128xf32, #tpu.memory_space<hbm>> -> memref<1x10000x128xf32, #tpu.memory_space<hbm>>
          %dma_start3A_80 = tpu.memref_squeeze %dma_start3A_79 : memref<1x10000x128xf32, #tpu.memory_space<hbm>> -> memref<10000x128xf32, #tpu.memory_space<hbm>>
          %dma_start3A_81 = arith.constant 9480 : i32
          %dma_start3A_82 = arith.constant 0 : i32
          %dma_start3A_83 = tpu.memref_slice %dma_start3A_80[%dma_start3A_81, %dma_start3A_82] : memref<10000x128xf32, #tpu.memory_space<hbm>> -> memref<520x128xf32, #tpu.memory_space<hbm>>
          %dma_start3A_84 = arith.constant 9480 : i32
          %dma_start3A_85 = arith.constant 0 : i32
          %dma_start3A_86 = tpu.memref_slice %arg7[%dma_start3A_84, %dma_start3A_85] : memref<10000x128xf32, #tpu.memory_space<vmem_shared>> -> memref<520x128xf32, #tpu.memory_space<vmem_shared>>
          tpu.enqueue_dma source(%dma_start3A_86 : memref<520x128xf32, #tpu.memory_space<vmem_shared>>) target(%dma_start3A_83 : memref<520x128xf32, #tpu.memory_space<hbm>>) target_semaphore(%run_scoped3A_76 : memref<!tpu.dma_semaphore, #tpu.memory_space<semaphore_mem>>)
          %dma_wait3A_87 = arith.constant 0 : i32
          %dma_wait3A_88 = arith.constant 0 : i32
          %dma_wait3A_89 = tpu.memref_slice %arg6[%arg0, %dma_wait3A_87, %dma_wait3A_88] : memref<2x10000x128xf32, #tpu.memory_space<hbm>> -> memref<1x10000x128xf32, #tpu.memory_space<hbm>>
          %dma_wait3A_90 = tpu.memref_squeeze %dma_wait3A_89 : memref<1x10000x128xf32, #tpu.memory_space<hbm>> -> memref<10000x128xf32, #tpu.memory_space<hbm>>
          %dma_wait3A_91 = arith.constant 9480 : i32
          %dma_wait3A_92 = arith.constant 0 : i32
          %dma_wait3A_93 = tpu.memref_slice %dma_wait3A_90[%dma_wait3A_91, %dma_wait3A_92] : memref<10000x128xf32, #tpu.memory_space<hbm>> -> memref<520x128xf32, #tpu.memory_space<hbm>>
          %dma_wait3A_94 = arith.constant 9480 : i32
          %dma_wait3A_95 = arith.constant 0 : i32
          %dma_wait3A_96 = tpu.memref_slice %arg7[%dma_wait3A_94, %dma_wait3A_95] : memref<10000x128xf32, #tpu.memory_space<vmem_shared>> -> memref<520x128xf32, #tpu.memory_space<vmem_shared>>
          tpu.wait_dma2 semaphore(%run_scoped3A_76 : memref<!tpu.dma_semaphore, #tpu.memory_space<semaphore_mem>>) src(%dma_wait3A_96 : memref<520x128xf32, #tpu.memory_space<vmem_shared>>) dst(%dma_wait3A_93 : memref<520x128xf32, #tpu.memory_space<hbm>>)
          tpu.yield
        }) : () -> ()
      } else {
      }
      tpu.yield
    }) : () -> ()
    return
  }
}

#map = affine_map<(d0, d1) -> (0, 0, 0)>
#map1 = affine_map<(d0, d1) -> (0, 0)>
module attributes {stable_mosaic.version = 14 : i64} {
  func.func @_sc_degree(%arg0: i32, %arg1: i32, %arg2: memref<32x125x80xi32, #tpu.memory_space<hbm>>, %arg3: memref<10000x128xf32, #tpu.memory_space<hbm>>, %arg4: memref<80x128xf32, #tpu.memory_space<hbm>>, %arg5: memref<2x10000x128xf32, #tpu.memory_space<hbm>>, %arg6: memref<10000x128xf32, #tpu.memory_space<vmem_shared>>, %arg7: memref<!tpu.dma_semaphore, #tpu.memory_space<semaphore_mem>>, %arg8: memref<!tpu.dma_semaphore, #tpu.memory_space<semaphore_mem>>, %arg9: memref<!tpu.dma_semaphore, #tpu.memory_space<semaphore_mem>>, %arg10: memref<!tpu.dma_semaphore, #tpu.memory_space<semaphore_mem>>) attributes {dimension_semantics = [#tpu.dimension_semantics<core_parallel>, #tpu.dimension_semantics<subcore_parallel>], iteration_bounds = array<i64: 2, 16>, scalar_prefetch = 0 : i64, scratch_operands = 5 : i64, tpu.core_type = #tpu.core_type<sc_vector_subcore>, window_params = [{transform_indices = #map}, {transform_indices = #map1}, {transform_indices = #map1}, {transform_indices = #map}]} {
    %mul3A = arith.constant 16 : i32
    %mul3A_0 = arith.muli %arg0, %mul3A : i32
    %add3A = arith.addi %mul3A_0, %arg1 : i32
    "tpu.region"() ({
      %run_scoped3A = memref.alloca() : memref<125x80xi32, #tpu.memory_space<vmem>>
      %run_scoped3A_1 = memref.alloca() : memref<80x128xf32, #tpu.memory_space<vmem>>
      %lt3A = arith.constant 15 : i32
      %lt3A_2 = arith.cmpi slt, %arg1, %lt3A : i32
      %convert_element_type3A = arith.extui %lt3A_2 : i1 to i32
      %cond3A = arith.constant 0 : i32
      %cond3A_3 = arith.cmpi ne, %convert_element_type3A, %cond3A : i32
      scf.if %cond3A_3 {
        %mul3A_63 = arith.constant 632 : i32
        %mul3A_64 = arith.muli %arg1, %mul3A_63 : i32
        %multiple_of3A = tpu.assume_multiple %mul3A_64, 8 : i32
        "tpu.region"() ({
          %run_scoped3A_65 = tpu.sem_alloc : memref<!tpu.dma_semaphore, #tpu.memory_space<semaphore_mem>>
          %dma_start3A_66 = arith.constant 0 : i32
          %dma_start3A_67 = tpu.memref_slice %arg6[%multiple_of3A, %dma_start3A_66] : memref<10000x128xf32, #tpu.memory_space<vmem_shared>> -> memref<632x128xf32, #tpu.memory_space<vmem_shared>>
          %dma_start3A_68 = arith.constant 0 : i32
          %dma_start3A_69 = tpu.memref_slice %arg3[%multiple_of3A, %dma_start3A_68] : memref<10000x128xf32, #tpu.memory_space<hbm>> -> memref<632x128xf32, #tpu.memory_space<hbm>>
          tpu.enqueue_dma source(%dma_start3A_69 : memref<632x128xf32, #tpu.memory_space<hbm>>) target(%dma_start3A_67 : memref<632x128xf32, #tpu.memory_space<vmem_shared>>) target_semaphore(%run_scoped3A_65 : memref<!tpu.dma_semaphore, #tpu.memory_space<semaphore_mem>>)
          %dma_wait3A_70 = arith.constant 0 : i32
          %dma_wait3A_71 = tpu.memref_slice %arg6[%multiple_of3A, %dma_wait3A_70] : memref<10000x128xf32, #tpu.memory_space<vmem_shared>> -> memref<632x128xf32, #tpu.memory_space<vmem_shared>>
          %dma_wait3A_72 = arith.constant 0 : i32
          %dma_wait3A_73 = tpu.memref_slice %arg3[%multiple_of3A, %dma_wait3A_72] : memref<10000x128xf32, #tpu.memory_space<hbm>> -> memref<632x128xf32, #tpu.memory_space<hbm>>
          tpu.wait_dma2 semaphore(%run_scoped3A_65 : memref<!tpu.dma_semaphore, #tpu.memory_space<semaphore_mem>>) src(%dma_wait3A_73 : memref<632x128xf32, #tpu.memory_space<hbm>>) dst(%dma_wait3A_71 : memref<632x128xf32, #tpu.memory_space<vmem_shared>>)
          tpu.yield
        }) : () -> ()
      } else {
      }
      %eq3A = arith.constant 15 : i32
      %eq3A_4 = arith.cmpi eq, %arg1, %eq3A : i32
      %convert_element_type3A_5 = arith.extui %eq3A_4 : i1 to i32
      %cond3A_6 = arith.constant 0 : i32
      %cond3A_7 = arith.cmpi ne, %convert_element_type3A_5, %cond3A_6 : i32
      scf.if %cond3A_7 {
        "tpu.region"() ({
          %run_scoped3A_63 = tpu.sem_alloc : memref<!tpu.dma_semaphore, #tpu.memory_space<semaphore_mem>>
          %dma_start3A_64 = arith.constant 9480 : i32
          %dma_start3A_65 = arith.constant 0 : i32
          %dma_start3A_66 = tpu.memref_slice %arg6[%dma_start3A_64, %dma_start3A_65] : memref<10000x128xf32, #tpu.memory_space<vmem_shared>> -> memref<520x128xf32, #tpu.memory_space<vmem_shared>>
          %dma_start3A_67 = arith.constant 9480 : i32
          %dma_start3A_68 = arith.constant 0 : i32
          %dma_start3A_69 = tpu.memref_slice %arg3[%dma_start3A_67, %dma_start3A_68] : memref<10000x128xf32, #tpu.memory_space<hbm>> -> memref<520x128xf32, #tpu.memory_space<hbm>>
          tpu.enqueue_dma source(%dma_start3A_69 : memref<520x128xf32, #tpu.memory_space<hbm>>) target(%dma_start3A_66 : memref<520x128xf32, #tpu.memory_space<vmem_shared>>) target_semaphore(%run_scoped3A_63 : memref<!tpu.dma_semaphore, #tpu.memory_space<semaphore_mem>>)
          %dma_wait3A_70 = arith.constant 9480 : i32
          %dma_wait3A_71 = arith.constant 0 : i32
          %dma_wait3A_72 = tpu.memref_slice %arg6[%dma_wait3A_70, %dma_wait3A_71] : memref<10000x128xf32, #tpu.memory_space<vmem_shared>> -> memref<520x128xf32, #tpu.memory_space<vmem_shared>>
          %dma_wait3A_73 = arith.constant 9480 : i32
          %dma_wait3A_74 = arith.constant 0 : i32
          %dma_wait3A_75 = tpu.memref_slice %arg3[%dma_wait3A_73, %dma_wait3A_74] : memref<10000x128xf32, #tpu.memory_space<hbm>> -> memref<520x128xf32, #tpu.memory_space<hbm>>
          tpu.wait_dma2 semaphore(%run_scoped3A_63 : memref<!tpu.dma_semaphore, #tpu.memory_space<semaphore_mem>>) src(%dma_wait3A_75 : memref<520x128xf32, #tpu.memory_space<hbm>>) dst(%dma_wait3A_72 : memref<520x128xf32, #tpu.memory_space<vmem_shared>>)
          tpu.yield
        }) : () -> ()
      } else {
      }
      "tpu.region"() ({
        %run_scoped3A_63 = tpu.sem_alloc : memref<!tpu.dma_semaphore, #tpu.memory_space<semaphore_mem>>
        tpu.enqueue_dma source(%arg4 : memref<80x128xf32, #tpu.memory_space<hbm>>) target(%run_scoped3A_1 : memref<80x128xf32, #tpu.memory_space<vmem>>) target_semaphore(%run_scoped3A_63 : memref<!tpu.dma_semaphore, #tpu.memory_space<semaphore_mem>>)
        tpu.wait_dma2 semaphore(%run_scoped3A_63 : memref<!tpu.dma_semaphore, #tpu.memory_space<semaphore_mem>>) src(%arg4 : memref<80x128xf32, #tpu.memory_space<hbm>>) dst(%run_scoped3A_1 : memref<80x128xf32, #tpu.memory_space<vmem>>)
        tpu.yield
      }) : () -> ()
      "tpu.region"() ({
        %run_scoped3A_63 = tpu.sem_alloc : memref<!tpu.dma_semaphore, #tpu.memory_space<semaphore_mem>>
        %dma_start3A_64 = arith.constant 0 : i32
        %dma_start3A_65 = arith.constant 0 : i32
        %dma_start3A_66 = tpu.memref_slice %arg2[%add3A, %dma_start3A_64, %dma_start3A_65] : memref<32x125x80xi32, #tpu.memory_space<hbm>> -> memref<1x125x80xi32, #tpu.memory_space<hbm>>
        %dma_start3A_67 = tpu.memref_squeeze %dma_start3A_66 : memref<1x125x80xi32, #tpu.memory_space<hbm>> -> memref<125x80xi32, #tpu.memory_space<hbm>>
        %dma_start3A_68 = arith.constant 0 : i32
        %dma_start3A_69 = arith.constant 0 : i32
        %dma_start3A_70 = tpu.memref_slice %arg2[%add3A, %dma_start3A_68, %dma_start3A_69] : memref<32x125x80xi32, #tpu.memory_space<hbm>> -> memref<1x125x80xi32, #tpu.memory_space<hbm>>
        %dma_start3A_71 = tpu.memref_squeeze %dma_start3A_70 : memref<1x125x80xi32, #tpu.memory_space<hbm>> -> memref<125x80xi32, #tpu.memory_space<hbm>>
        tpu.enqueue_dma source(%dma_start3A_71 : memref<125x80xi32, #tpu.memory_space<hbm>>) target(%run_scoped3A : memref<125x80xi32, #tpu.memory_space<vmem>>) target_semaphore(%run_scoped3A_63 : memref<!tpu.dma_semaphore, #tpu.memory_space<semaphore_mem>>)
        %dma_wait3A_72 = arith.constant 0 : i32
        %dma_wait3A_73 = arith.constant 0 : i32
        %dma_wait3A_74 = tpu.memref_slice %arg2[%add3A, %dma_wait3A_72, %dma_wait3A_73] : memref<32x125x80xi32, #tpu.memory_space<hbm>> -> memref<1x125x80xi32, #tpu.memory_space<hbm>>
        %dma_wait3A_75 = tpu.memref_squeeze %dma_wait3A_74 : memref<1x125x80xi32, #tpu.memory_space<hbm>> -> memref<125x80xi32, #tpu.memory_space<hbm>>
        %dma_wait3A_76 = arith.constant 0 : i32
        %dma_wait3A_77 = arith.constant 0 : i32
        %dma_wait3A_78 = tpu.memref_slice %arg2[%add3A, %dma_wait3A_76, %dma_wait3A_77] : memref<32x125x80xi32, #tpu.memory_space<hbm>> -> memref<1x125x80xi32, #tpu.memory_space<hbm>>
        %dma_wait3A_79 = tpu.memref_squeeze %dma_wait3A_78 : memref<1x125x80xi32, #tpu.memory_space<hbm>> -> memref<125x80xi32, #tpu.memory_space<hbm>>
        tpu.wait_dma2 semaphore(%run_scoped3A_63 : memref<!tpu.dma_semaphore, #tpu.memory_space<semaphore_mem>>) src(%dma_wait3A_79 : memref<125x80xi32, #tpu.memory_space<hbm>>) dst(%run_scoped3A : memref<125x80xi32, #tpu.memory_space<vmem>>)
        tpu.yield
      }) : () -> ()
      %barrier3A = arith.constant 0 : index
      tpu.barrier barrier_id(%barrier3A)
      %scan3A = arith.constant 0 : i32
      %scan3A_8 = arith.constant 0 : i32
      %scan3A_9 = arith.constant 31 : i32
      %scan3A_10 = arith.addi %scan3A_8, %scan3A_9 : i32
      %scan3A_11 = arith.constant 1 : i32
      scf.for %scan3A_63 = %scan3A_8 to %scan3A_10 step %scan3A_11  : i32 {
        %mul3A_64 = arith.constant 4 : i32
        %mul3A_65 = arith.muli %scan3A_63, %mul3A_64 : i32
        %add3A_66 = arith.constant 0 : i32
        %add3A_67 = arith.addi %mul3A_65, %add3A_66 : i32
        %ge3A_68 = arith.constant 4 : i32
        %ge3A_69 = arith.cmpi sge, %add3A_67, %ge3A_68 : i32
        %convert_element_type3A_70 = arith.extui %ge3A_69 : i1 to i32
        %cond3A_71 = arith.constant 0 : i32
        %cond3A_72 = arith.cmpi ne, %convert_element_type3A_70, %cond3A_71 : i32
        scf.if %cond3A_72 {
          %sub3A = arith.constant 4 : i32
          %sub3A_124 = arith.subi %add3A_67, %sub3A : i32
          %dma_wait3A_125 = arith.constant 0 : i32
          %dma_wait3A_126 = tpu.memref_slice %run_scoped3A[%sub3A_124, %dma_wait3A_125] : memref<125x80xi32, #tpu.memory_space<vmem>> -> memref<1x80xi32, #tpu.memory_space<vmem>>
          %dma_wait3A_127 = tpu.memref_squeeze %dma_wait3A_126 : memref<1x80xi32, #tpu.memory_space<vmem>> -> memref<80xi32, #tpu.memory_space<vmem>>
          %dma_wait3A_128 = arith.constant 0 : i32
          %dma_wait3A_129 = arith.constant 0 : i32
          %dma_wait3A_130 = tpu.memref_slice %arg6[%dma_wait3A_128, %dma_wait3A_129] : memref<10000x128xf32, #tpu.memory_space<vmem_shared>> -> memref<10000x128xf32, #tpu.memory_space<vmem_shared>>
          tpu.wait_indirect_dma semaphore(%arg7 : memref<!tpu.dma_semaphore, #tpu.memory_space<semaphore_mem>>) src(%run_scoped3A_1 : memref<80x128xf32, #tpu.memory_space<vmem>>) dst(%dma_wait3A_130 : memref<10000x128xf32, #tpu.memory_space<vmem_shared>>)
        } else {
        }
        %dma_start3A_73 = arith.constant 0 : i32
        %dma_start3A_74 = tpu.memref_slice %run_scoped3A[%add3A_67, %dma_start3A_73] : memref<125x80xi32, #tpu.memory_space<vmem>> -> memref<1x80xi32, #tpu.memory_space<vmem>>
        %dma_start3A_75 = tpu.memref_squeeze %dma_start3A_74 : memref<1x80xi32, #tpu.memory_space<vmem>> -> memref<80xi32, #tpu.memory_space<vmem>>
        %dma_start3A_76 = arith.constant 0 : i32
        %dma_start3A_77 = arith.constant 0 : i32
        %dma_start3A_78 = tpu.memref_slice %arg6[%dma_start3A_76, %dma_start3A_77] : memref<10000x128xf32, #tpu.memory_space<vmem_shared>> -> memref<10000x128xf32, #tpu.memory_space<vmem_shared>>
        tpu.enqueue_indirect_dma source(%run_scoped3A_1 : memref<80x128xf32, #tpu.memory_space<vmem>>) target(%dma_start3A_78 : memref<10000x128xf32, #tpu.memory_space<vmem_shared>>) offsets(%dma_start3A_75 : memref<80xi32, #tpu.memory_space<vmem>>) semaphore(%arg7 : memref<!tpu.dma_semaphore, #tpu.memory_space<semaphore_mem>>) {add = true}
        %mul3A_79 = arith.constant 4 : i32
        %mul3A_80 = arith.muli %scan3A_63, %mul3A_79 : i32
        %add3A_81 = arith.constant 1 : i32
        %add3A_82 = arith.addi %mul3A_80, %add3A_81 : i32
        %ge3A_83 = arith.constant 4 : i32
        %ge3A_84 = arith.cmpi sge, %add3A_82, %ge3A_83 : i32
        %convert_element_type3A_85 = arith.extui %ge3A_84 : i1 to i32
        %cond3A_86 = arith.constant 0 : i32
        %cond3A_87 = arith.cmpi ne, %convert_element_type3A_85, %cond3A_86 : i32
        scf.if %cond3A_87 {
          %sub3A = arith.constant 4 : i32
          %sub3A_124 = arith.subi %add3A_82, %sub3A : i32
          %dma_wait3A_125 = arith.constant 0 : i32
          %dma_wait3A_126 = tpu.memref_slice %run_scoped3A[%sub3A_124, %dma_wait3A_125] : memref<125x80xi32, #tpu.memory_space<vmem>> -> memref<1x80xi32, #tpu.memory_space<vmem>>
          %dma_wait3A_127 = tpu.memref_squeeze %dma_wait3A_126 : memref<1x80xi32, #tpu.memory_space<vmem>> -> memref<80xi32, #tpu.memory_space<vmem>>
          %dma_wait3A_128 = arith.constant 0 : i32
          %dma_wait3A_129 = arith.constant 0 : i32
          %dma_wait3A_130 = tpu.memref_slice %arg6[%dma_wait3A_128, %dma_wait3A_129] : memref<10000x128xf32, #tpu.memory_space<vmem_shared>> -> memref<10000x128xf32, #tpu.memory_space<vmem_shared>>
          tpu.wait_indirect_dma semaphore(%arg8 : memref<!tpu.dma_semaphore, #tpu.memory_space<semaphore_mem>>) src(%run_scoped3A_1 : memref<80x128xf32, #tpu.memory_space<vmem>>) dst(%dma_wait3A_130 : memref<10000x128xf32, #tpu.memory_space<vmem_shared>>)
        } else {
        }
        %dma_start3A_88 = arith.constant 0 : i32
        %dma_start3A_89 = tpu.memref_slice %run_scoped3A[%add3A_82, %dma_start3A_88] : memref<125x80xi32, #tpu.memory_space<vmem>> -> memref<1x80xi32, #tpu.memory_space<vmem>>
        %dma_start3A_90 = tpu.memref_squeeze %dma_start3A_89 : memref<1x80xi32, #tpu.memory_space<vmem>> -> memref<80xi32, #tpu.memory_space<vmem>>
        %dma_start3A_91 = arith.constant 0 : i32
        %dma_start3A_92 = arith.constant 0 : i32
        %dma_start3A_93 = tpu.memref_slice %arg6[%dma_start3A_91, %dma_start3A_92] : memref<10000x128xf32, #tpu.memory_space<vmem_shared>> -> memref<10000x128xf32, #tpu.memory_space<vmem_shared>>
        tpu.enqueue_indirect_dma source(%run_scoped3A_1 : memref<80x128xf32, #tpu.memory_space<vmem>>) target(%dma_start3A_93 : memref<10000x128xf32, #tpu.memory_space<vmem_shared>>) offsets(%dma_start3A_90 : memref<80xi32, #tpu.memory_space<vmem>>) semaphore(%arg8 : memref<!tpu.dma_semaphore, #tpu.memory_space<semaphore_mem>>) {add = true}
        %mul3A_94 = arith.constant 4 : i32
        %mul3A_95 = arith.muli %scan3A_63, %mul3A_94 : i32
        %add3A_96 = arith.constant 2 : i32
        %add3A_97 = arith.addi %mul3A_95, %add3A_96 : i32
        %ge3A_98 = arith.constant 4 : i32
        %ge3A_99 = arith.cmpi sge, %add3A_97, %ge3A_98 : i32
        %convert_element_type3A_100 = arith.extui %ge3A_99 : i1 to i32
        %cond3A_101 = arith.constant 0 : i32
        %cond3A_102 = arith.cmpi ne, %convert_element_type3A_100, %cond3A_101 : i32
        scf.if %cond3A_102 {
          %sub3A = arith.constant 4 : i32
          %sub3A_124 = arith.subi %add3A_97, %sub3A : i32
          %dma_wait3A_125 = arith.constant 0 : i32
          %dma_wait3A_126 = tpu.memref_slice %run_scoped3A[%sub3A_124, %dma_wait3A_125] : memref<125x80xi32, #tpu.memory_space<vmem>> -> memref<1x80xi32, #tpu.memory_space<vmem>>
          %dma_wait3A_127 = tpu.memref_squeeze %dma_wait3A_126 : memref<1x80xi32, #tpu.memory_space<vmem>> -> memref<80xi32, #tpu.memory_space<vmem>>
          %dma_wait3A_128 = arith.constant 0 : i32
          %dma_wait3A_129 = arith.constant 0 : i32
          %dma_wait3A_130 = tpu.memref_slice %arg6[%dma_wait3A_128, %dma_wait3A_129] : memref<10000x128xf32, #tpu.memory_space<vmem_shared>> -> memref<10000x128xf32, #tpu.memory_space<vmem_shared>>
          tpu.wait_indirect_dma semaphore(%arg9 : memref<!tpu.dma_semaphore, #tpu.memory_space<semaphore_mem>>) src(%run_scoped3A_1 : memref<80x128xf32, #tpu.memory_space<vmem>>) dst(%dma_wait3A_130 : memref<10000x128xf32, #tpu.memory_space<vmem_shared>>)
        } else {
        }
        %dma_start3A_103 = arith.constant 0 : i32
        %dma_start3A_104 = tpu.memref_slice %run_scoped3A[%add3A_97, %dma_start3A_103] : memref<125x80xi32, #tpu.memory_space<vmem>> -> memref<1x80xi32, #tpu.memory_space<vmem>>
        %dma_start3A_105 = tpu.memref_squeeze %dma_start3A_104 : memref<1x80xi32, #tpu.memory_space<vmem>> -> memref<80xi32, #tpu.memory_space<vmem>>
        %dma_start3A_106 = arith.constant 0 : i32
        %dma_start3A_107 = arith.constant 0 : i32
        %dma_start3A_108 = tpu.memref_slice %arg6[%dma_start3A_106, %dma_start3A_107] : memref<10000x128xf32, #tpu.memory_space<vmem_shared>> -> memref<10000x128xf32, #tpu.memory_space<vmem_shared>>
        tpu.enqueue_indirect_dma source(%run_scoped3A_1 : memref<80x128xf32, #tpu.memory_space<vmem>>) target(%dma_start3A_108 : memref<10000x128xf32, #tpu.memory_space<vmem_shared>>) offsets(%dma_start3A_105 : memref<80xi32, #tpu.memory_space<vmem>>) semaphore(%arg9 : memref<!tpu.dma_semaphore, #tpu.memory_space<semaphore_mem>>) {add = true}
        %mul3A_109 = arith.constant 4 : i32
        %mul3A_110 = arith.muli %scan3A_63, %mul3A_109 : i32
        %add3A_111 = arith.constant 3 : i32
        %add3A_112 = arith.addi %mul3A_110, %add3A_111 : i32
        %ge3A_113 = arith.constant 4 : i32
        %ge3A_114 = arith.cmpi sge, %add3A_112, %ge3A_113 : i32
        %convert_element_type3A_115 = arith.extui %ge3A_114 : i1 to i32
        %cond3A_116 = arith.constant 0 : i32
        %cond3A_117 = arith.cmpi ne, %convert_element_type3A_115, %cond3A_116 : i32
        scf.if %cond3A_117 {
          %sub3A = arith.constant 4 : i32
          %sub3A_124 = arith.subi %add3A_112, %sub3A : i32
          %dma_wait3A_125 = arith.constant 0 : i32
          %dma_wait3A_126 = tpu.memref_slice %run_scoped3A[%sub3A_124, %dma_wait3A_125] : memref<125x80xi32, #tpu.memory_space<vmem>> -> memref<1x80xi32, #tpu.memory_space<vmem>>
          %dma_wait3A_127 = tpu.memref_squeeze %dma_wait3A_126 : memref<1x80xi32, #tpu.memory_space<vmem>> -> memref<80xi32, #tpu.memory_space<vmem>>
          %dma_wait3A_128 = arith.constant 0 : i32
          %dma_wait3A_129 = arith.constant 0 : i32
          %dma_wait3A_130 = tpu.memref_slice %arg6[%dma_wait3A_128, %dma_wait3A_129] : memref<10000x128xf32, #tpu.memory_space<vmem_shared>> -> memref<10000x128xf32, #tpu.memory_space<vmem_shared>>
          tpu.wait_indirect_dma semaphore(%arg10 : memref<!tpu.dma_semaphore, #tpu.memory_space<semaphore_mem>>) src(%run_scoped3A_1 : memref<80x128xf32, #tpu.memory_space<vmem>>) dst(%dma_wait3A_130 : memref<10000x128xf32, #tpu.memory_space<vmem_shared>>)
        } else {
        }
        %dma_start3A_118 = arith.constant 0 : i32
        %dma_start3A_119 = tpu.memref_slice %run_scoped3A[%add3A_112, %dma_start3A_118] : memref<125x80xi32, #tpu.memory_space<vmem>> -> memref<1x80xi32, #tpu.memory_space<vmem>>
        %dma_start3A_120 = tpu.memref_squeeze %dma_start3A_119 : memref<1x80xi32, #tpu.memory_space<vmem>> -> memref<80xi32, #tpu.memory_space<vmem>>
        %dma_start3A_121 = arith.constant 0 : i32
        %dma_start3A_122 = arith.constant 0 : i32
        %dma_start3A_123 = tpu.memref_slice %arg6[%dma_start3A_121, %dma_start3A_122] : memref<10000x128xf32, #tpu.memory_space<vmem_shared>> -> memref<10000x128xf32, #tpu.memory_space<vmem_shared>>
        tpu.enqueue_indirect_dma source(%run_scoped3A_1 : memref<80x128xf32, #tpu.memory_space<vmem>>) target(%dma_start3A_123 : memref<10000x128xf32, #tpu.memory_space<vmem_shared>>) offsets(%dma_start3A_120 : memref<80xi32, #tpu.memory_space<vmem>>) semaphore(%arg10 : memref<!tpu.dma_semaphore, #tpu.memory_space<semaphore_mem>>) {add = true}
      }
      %scan3A_12 = arith.constant 31 : i32
      %ge3A = arith.constant 124 : i32
      %ge3A_13 = arith.constant 4 : i32
      %ge3A_14 = arith.cmpi sge, %ge3A, %ge3A_13 : i32
      %convert_element_type3A_15 = arith.extui %ge3A_14 : i1 to i32
      %cond3A_16 = arith.constant 124 : i32
      %cond3A_17 = arith.constant 0 : i32
      %cond3A_18 = arith.cmpi ne, %convert_element_type3A_15, %cond3A_17 : i32
      scf.if %cond3A_18 {
        %sub3A = arith.constant 4 : i32
        %sub3A_63 = arith.subi %cond3A_16, %sub3A : i32
        %dma_wait3A_64 = arith.constant 0 : i32
        %dma_wait3A_65 = tpu.memref_slice %run_scoped3A[%sub3A_63, %dma_wait3A_64] : memref<125x80xi32, #tpu.memory_space<vmem>> -> memref<1x80xi32, #tpu.memory_space<vmem>>
        %dma_wait3A_66 = tpu.memref_squeeze %dma_wait3A_65 : memref<1x80xi32, #tpu.memory_space<vmem>> -> memref<80xi32, #tpu.memory_space<vmem>>
        %dma_wait3A_67 = arith.constant 0 : i32
        %dma_wait3A_68 = arith.constant 0 : i32
        %dma_wait3A_69 = tpu.memref_slice %arg6[%dma_wait3A_67, %dma_wait3A_68] : memref<10000x128xf32, #tpu.memory_space<vmem_shared>> -> memref<10000x128xf32, #tpu.memory_space<vmem_shared>>
        tpu.wait_indirect_dma semaphore(%arg7 : memref<!tpu.dma_semaphore, #tpu.memory_space<semaphore_mem>>) src(%run_scoped3A_1 : memref<80x128xf32, #tpu.memory_space<vmem>>) dst(%dma_wait3A_69 : memref<10000x128xf32, #tpu.memory_space<vmem_shared>>)
      } else {
      }
      %dma_start3A = arith.constant 124 : i32
      %dma_start3A_19 = arith.constant 0 : i32
      %dma_start3A_20 = tpu.memref_slice %run_scoped3A[%dma_start3A, %dma_start3A_19] : memref<125x80xi32, #tpu.memory_space<vmem>> -> memref<1x80xi32, #tpu.memory_space<vmem>>
      %dma_start3A_21 = tpu.memref_squeeze %dma_start3A_20 : memref<1x80xi32, #tpu.memory_space<vmem>> -> memref<80xi32, #tpu.memory_space<vmem>>
      %dma_start3A_22 = arith.constant 0 : i32
      %dma_start3A_23 = arith.constant 0 : i32
      %dma_start3A_24 = tpu.memref_slice %arg6[%dma_start3A_22, %dma_start3A_23] : memref<10000x128xf32, #tpu.memory_space<vmem_shared>> -> memref<10000x128xf32, #tpu.memory_space<vmem_shared>>
      tpu.enqueue_indirect_dma source(%run_scoped3A_1 : memref<80x128xf32, #tpu.memory_space<vmem>>) target(%dma_start3A_24 : memref<10000x128xf32, #tpu.memory_space<vmem_shared>>) offsets(%dma_start3A_21 : memref<80xi32, #tpu.memory_space<vmem>>) semaphore(%arg7 : memref<!tpu.dma_semaphore, #tpu.memory_space<semaphore_mem>>) {add = true}
      %dma_wait3A = arith.constant 121 : i32
      %dma_wait3A_25 = arith.constant 0 : i32
      %dma_wait3A_26 = tpu.memref_slice %run_scoped3A[%dma_wait3A, %dma_wait3A_25] : memref<125x80xi32, #tpu.memory_space<vmem>> -> memref<1x80xi32, #tpu.memory_space<vmem>>
      %dma_wait3A_27 = tpu.memref_squeeze %dma_wait3A_26 : memref<1x80xi32, #tpu.memory_space<vmem>> -> memref<80xi32, #tpu.memory_space<vmem>>
      %dma_wait3A_28 = arith.constant 0 : i32
      %dma_wait3A_29 = arith.constant 0 : i32
      %dma_wait3A_30 = tpu.memref_slice %arg6[%dma_wait3A_28, %dma_wait3A_29] : memref<10000x128xf32, #tpu.memory_space<vmem_shared>> -> memref<10000x128xf32, #tpu.memory_space<vmem_shared>>
      tpu.wait_indirect_dma semaphore(%arg8 : memref<!tpu.dma_semaphore, #tpu.memory_space<semaphore_mem>>) src(%run_scoped3A_1 : memref<80x128xf32, #tpu.memory_space<vmem>>) dst(%dma_wait3A_30 : memref<10000x128xf32, #tpu.memory_space<vmem_shared>>)
      %dma_wait3A_31 = arith.constant 122 : i32
      %dma_wait3A_32 = arith.constant 0 : i32
      %dma_wait3A_33 = tpu.memref_slice %run_scoped3A[%dma_wait3A_31, %dma_wait3A_32] : memref<125x80xi32, #tpu.memory_space<vmem>> -> memref<1x80xi32, #tpu.memory_space<vmem>>
      %dma_wait3A_34 = tpu.memref_squeeze %dma_wait3A_33 : memref<1x80xi32, #tpu.memory_space<vmem>> -> memref<80xi32, #tpu.memory_space<vmem>>
      %dma_wait3A_35 = arith.constant 0 : i32
      %dma_wait3A_36 = arith.constant 0 : i32
      %dma_wait3A_37 = tpu.memref_slice %arg6[%dma_wait3A_35, %dma_wait3A_36] : memref<10000x128xf32, #tpu.memory_space<vmem_shared>> -> memref<10000x128xf32, #tpu.memory_space<vmem_shared>>
      tpu.wait_indirect_dma semaphore(%arg9 : memref<!tpu.dma_semaphore, #tpu.memory_space<semaphore_mem>>) src(%run_scoped3A_1 : memref<80x128xf32, #tpu.memory_space<vmem>>) dst(%dma_wait3A_37 : memref<10000x128xf32, #tpu.memory_space<vmem_shared>>)
      %dma_wait3A_38 = arith.constant 123 : i32
      %dma_wait3A_39 = arith.constant 0 : i32
      %dma_wait3A_40 = tpu.memref_slice %run_scoped3A[%dma_wait3A_38, %dma_wait3A_39] : memref<125x80xi32, #tpu.memory_space<vmem>> -> memref<1x80xi32, #tpu.memory_space<vmem>>
      %dma_wait3A_41 = tpu.memref_squeeze %dma_wait3A_40 : memref<1x80xi32, #tpu.memory_space<vmem>> -> memref<80xi32, #tpu.memory_space<vmem>>
      %dma_wait3A_42 = arith.constant 0 : i32
      %dma_wait3A_43 = arith.constant 0 : i32
      %dma_wait3A_44 = tpu.memref_slice %arg6[%dma_wait3A_42, %dma_wait3A_43] : memref<10000x128xf32, #tpu.memory_space<vmem_shared>> -> memref<10000x128xf32, #tpu.memory_space<vmem_shared>>
      tpu.wait_indirect_dma semaphore(%arg10 : memref<!tpu.dma_semaphore, #tpu.memory_space<semaphore_mem>>) src(%run_scoped3A_1 : memref<80x128xf32, #tpu.memory_space<vmem>>) dst(%dma_wait3A_44 : memref<10000x128xf32, #tpu.memory_space<vmem_shared>>)
      %dma_wait3A_45 = arith.constant 124 : i32
      %dma_wait3A_46 = arith.constant 0 : i32
      %dma_wait3A_47 = tpu.memref_slice %run_scoped3A[%dma_wait3A_45, %dma_wait3A_46] : memref<125x80xi32, #tpu.memory_space<vmem>> -> memref<1x80xi32, #tpu.memory_space<vmem>>
      %dma_wait3A_48 = tpu.memref_squeeze %dma_wait3A_47 : memref<1x80xi32, #tpu.memory_space<vmem>> -> memref<80xi32, #tpu.memory_space<vmem>>
      %dma_wait3A_49 = arith.constant 0 : i32
      %dma_wait3A_50 = arith.constant 0 : i32
      %dma_wait3A_51 = tpu.memref_slice %arg6[%dma_wait3A_49, %dma_wait3A_50] : memref<10000x128xf32, #tpu.memory_space<vmem_shared>> -> memref<10000x128xf32, #tpu.memory_space<vmem_shared>>
      tpu.wait_indirect_dma semaphore(%arg7 : memref<!tpu.dma_semaphore, #tpu.memory_space<semaphore_mem>>) src(%run_scoped3A_1 : memref<80x128xf32, #tpu.memory_space<vmem>>) dst(%dma_wait3A_51 : memref<10000x128xf32, #tpu.memory_space<vmem_shared>>)
      %barrier3A_52 = arith.constant 0 : index
      tpu.barrier barrier_id(%barrier3A_52)
      %lt3A_53 = arith.constant 15 : i32
      %lt3A_54 = arith.cmpi slt, %arg1, %lt3A_53 : i32
      %convert_element_type3A_55 = arith.extui %lt3A_54 : i1 to i32
      %cond3A_56 = arith.constant 0 : i32
      %cond3A_57 = arith.cmpi ne, %convert_element_type3A_55, %cond3A_56 : i32
      scf.if %cond3A_57 {
        %mul3A_63 = arith.constant 632 : i32
        %mul3A_64 = arith.muli %arg1, %mul3A_63 : i32
        %multiple_of3A = tpu.assume_multiple %mul3A_64, 8 : i32
        "tpu.region"() ({
          %run_scoped3A_65 = tpu.sem_alloc : memref<!tpu.dma_semaphore, #tpu.memory_space<semaphore_mem>>
          %dma_start3A_66 = arith.constant 0 : i32
          %dma_start3A_67 = arith.constant 0 : i32
          %dma_start3A_68 = tpu.memref_slice %arg5[%arg0, %dma_start3A_66, %dma_start3A_67] : memref<2x10000x128xf32, #tpu.memory_space<hbm>> -> memref<1x10000x128xf32, #tpu.memory_space<hbm>>
          %dma_start3A_69 = tpu.memref_squeeze %dma_start3A_68 : memref<1x10000x128xf32, #tpu.memory_space<hbm>> -> memref<10000x128xf32, #tpu.memory_space<hbm>>
          %dma_start3A_70 = arith.constant 0 : i32
          %dma_start3A_71 = tpu.memref_slice %dma_start3A_69[%multiple_of3A, %dma_start3A_70] : memref<10000x128xf32, #tpu.memory_space<hbm>> -> memref<632x128xf32, #tpu.memory_space<hbm>>
          %dma_start3A_72 = arith.constant 0 : i32
          %dma_start3A_73 = tpu.memref_slice %arg6[%multiple_of3A, %dma_start3A_72] : memref<10000x128xf32, #tpu.memory_space<vmem_shared>> -> memref<632x128xf32, #tpu.memory_space<vmem_shared>>
          tpu.enqueue_dma source(%dma_start3A_73 : memref<632x128xf32, #tpu.memory_space<vmem_shared>>) target(%dma_start3A_71 : memref<632x128xf32, #tpu.memory_space<hbm>>) target_semaphore(%run_scoped3A_65 : memref<!tpu.dma_semaphore, #tpu.memory_space<semaphore_mem>>)
          %dma_wait3A_74 = arith.constant 0 : i32
          %dma_wait3A_75 = arith.constant 0 : i32
          %dma_wait3A_76 = tpu.memref_slice %arg5[%arg0, %dma_wait3A_74, %dma_wait3A_75] : memref<2x10000x128xf32, #tpu.memory_space<hbm>> -> memref<1x10000x128xf32, #tpu.memory_space<hbm>>
          %dma_wait3A_77 = tpu.memref_squeeze %dma_wait3A_76 : memref<1x10000x128xf32, #tpu.memory_space<hbm>> -> memref<10000x128xf32, #tpu.memory_space<hbm>>
          %dma_wait3A_78 = arith.constant 0 : i32
          %dma_wait3A_79 = tpu.memref_slice %dma_wait3A_77[%multiple_of3A, %dma_wait3A_78] : memref<10000x128xf32, #tpu.memory_space<hbm>> -> memref<632x128xf32, #tpu.memory_space<hbm>>
          %dma_wait3A_80 = arith.constant 0 : i32
          %dma_wait3A_81 = tpu.memref_slice %arg6[%multiple_of3A, %dma_wait3A_80] : memref<10000x128xf32, #tpu.memory_space<vmem_shared>> -> memref<632x128xf32, #tpu.memory_space<vmem_shared>>
          tpu.wait_dma2 semaphore(%run_scoped3A_65 : memref<!tpu.dma_semaphore, #tpu.memory_space<semaphore_mem>>) src(%dma_wait3A_81 : memref<632x128xf32, #tpu.memory_space<vmem_shared>>) dst(%dma_wait3A_79 : memref<632x128xf32, #tpu.memory_space<hbm>>)
          tpu.yield
        }) : () -> ()
      } else {
      }
      %eq3A_58 = arith.constant 15 : i32
      %eq3A_59 = arith.cmpi eq, %arg1, %eq3A_58 : i32
      %convert_element_type3A_60 = arith.extui %eq3A_59 : i1 to i32
      %cond3A_61 = arith.constant 0 : i32
      %cond3A_62 = arith.cmpi ne, %convert_element_type3A_60, %cond3A_61 : i32
      scf.if %cond3A_62 {
        "tpu.region"() ({
          %run_scoped3A_63 = tpu.sem_alloc : memref<!tpu.dma_semaphore, #tpu.memory_space<semaphore_mem>>
          %dma_start3A_64 = arith.constant 0 : i32
          %dma_start3A_65 = arith.constant 0 : i32
          %dma_start3A_66 = tpu.memref_slice %arg5[%arg0, %dma_start3A_64, %dma_start3A_65] : memref<2x10000x128xf32, #tpu.memory_space<hbm>> -> memref<1x10000x128xf32, #tpu.memory_space<hbm>>
          %dma_start3A_67 = tpu.memref_squeeze %dma_start3A_66 : memref<1x10000x128xf32, #tpu.memory_space<hbm>> -> memref<10000x128xf32, #tpu.memory_space<hbm>>
          %dma_start3A_68 = arith.constant 9480 : i32
          %dma_start3A_69 = arith.constant 0 : i32
          %dma_start3A_70 = tpu.memref_slice %dma_start3A_67[%dma_start3A_68, %dma_start3A_69] : memref<10000x128xf32, #tpu.memory_space<hbm>> -> memref<520x128xf32, #tpu.memory_space<hbm>>
          %dma_start3A_71 = arith.constant 9480 : i32
          %dma_start3A_72 = arith.constant 0 : i32
          %dma_start3A_73 = tpu.memref_slice %arg6[%dma_start3A_71, %dma_start3A_72] : memref<10000x128xf32, #tpu.memory_space<vmem_shared>> -> memref<520x128xf32, #tpu.memory_space<vmem_shared>>
          tpu.enqueue_dma source(%dma_start3A_73 : memref<520x128xf32, #tpu.memory_space<vmem_shared>>) target(%dma_start3A_70 : memref<520x128xf32, #tpu.memory_space<hbm>>) target_semaphore(%run_scoped3A_63 : memref<!tpu.dma_semaphore, #tpu.memory_space<semaphore_mem>>)
          %dma_wait3A_74 = arith.constant 0 : i32
          %dma_wait3A_75 = arith.constant 0 : i32
          %dma_wait3A_76 = tpu.memref_slice %arg5[%arg0, %dma_wait3A_74, %dma_wait3A_75] : memref<2x10000x128xf32, #tpu.memory_space<hbm>> -> memref<1x10000x128xf32, #tpu.memory_space<hbm>>
          %dma_wait3A_77 = tpu.memref_squeeze %dma_wait3A_76 : memref<1x10000x128xf32, #tpu.memory_space<hbm>> -> memref<10000x128xf32, #tpu.memory_space<hbm>>
          %dma_wait3A_78 = arith.constant 9480 : i32
          %dma_wait3A_79 = arith.constant 0 : i32
          %dma_wait3A_80 = tpu.memref_slice %dma_wait3A_77[%dma_wait3A_78, %dma_wait3A_79] : memref<10000x128xf32, #tpu.memory_space<hbm>> -> memref<520x128xf32, #tpu.memory_space<hbm>>
          %dma_wait3A_81 = arith.constant 9480 : i32
          %dma_wait3A_82 = arith.constant 0 : i32
          %dma_wait3A_83 = tpu.memref_slice %arg6[%dma_wait3A_81, %dma_wait3A_82] : memref<10000x128xf32, #tpu.memory_space<vmem_shared>> -> memref<520x128xf32, #tpu.memory_space<vmem_shared>>
          tpu.wait_dma2 semaphore(%run_scoped3A_63 : memref<!tpu.dma_semaphore, #tpu.memory_space<semaphore_mem>>) src(%dma_wait3A_83 : memref<520x128xf32, #tpu.memory_space<vmem_shared>>) dst(%dma_wait3A_80 : memref<520x128xf32, #tpu.memory_space<hbm>>)
          tpu.yield
        }) : () -> ()
      } else {
      }
      tpu.yield
    }) : () -> ()
    return
  }
}

#map = affine_map<(d0, d1) -> (0, 0)>
#map1 = affine_map<(d0, d1) -> (0)>
#map2 = affine_map<(d0, d1) -> (0, 0, 0)>
module attributes {stable_mosaic.version = 14 : i64} {
  func.func @_sc_edge_agg(%arg0: i32, %arg1: i32, %arg2: memref<10000x128xf32, #tpu.memory_space<hbm>>, %arg3: memref<320000xi32, #tpu.memory_space<hbm>>, %arg4: memref<32x125x80xi32, #tpu.memory_space<hbm>>, %arg5: memref<10000x128xf32, #tpu.memory_space<hbm>>, %arg6: memref<2x10000x128xf32, #tpu.memory_space<hbm>>, %arg7: memref<10000x128xf32, #tpu.memory_space<vmem_shared>>, %arg8: memref<!tpu.dma_semaphore, #tpu.memory_space<semaphore_mem>>, %arg9: memref<!tpu.dma_semaphore, #tpu.memory_space<semaphore_mem>>, %arg10: memref<!tpu.dma_semaphore, #tpu.memory_space<semaphore_mem>>, %arg11: memref<!tpu.dma_semaphore, #tpu.memory_space<semaphore_mem>>) attributes {dimension_semantics = [#tpu.dimension_semantics<core_parallel>, #tpu.dimension_semantics<subcore_parallel>], iteration_bounds = array<i64: 2, 16>, scalar_prefetch = 0 : i64, scratch_operands = 5 : i64, tpu.core_type = #tpu.core_type<sc_vector_subcore>, window_params = [{transform_indices = #map}, {transform_indices = #map1}, {transform_indices = #map2}, {transform_indices = #map}, {transform_indices = #map2}]} {
    %mul3A = arith.constant 16 : i32
    %mul3A_0 = arith.muli %arg0, %mul3A : i32
    %add3A = arith.addi %mul3A_0, %arg1 : i32
    "tpu.region"() ({
      %run_scoped3A = memref.alloca() : memref<10000xi32, #tpu.memory_space<vmem>>
      %run_scoped3A_1 = memref.alloca() : memref<125x80xi32, #tpu.memory_space<vmem>>
      %run_scoped3A_2 = memref.alloca() : memref<80x128xf32, #tpu.memory_space<vmem>>
      %run_scoped3A_3 = memref.alloca() : memref<80x128xf32, #tpu.memory_space<vmem>>
      %lt3A = arith.constant 15 : i32
      %lt3A_4 = arith.cmpi slt, %arg1, %lt3A : i32
      %convert_element_type3A = arith.extui %lt3A_4 : i1 to i32
      %cond3A = arith.constant 0 : i32
      %cond3A_5 = arith.cmpi ne, %convert_element_type3A, %cond3A : i32
      scf.if %cond3A_5 {
        %mul3A_76 = arith.constant 632 : i32
        %mul3A_77 = arith.muli %arg1, %mul3A_76 : i32
        %multiple_of3A_78 = tpu.assume_multiple %mul3A_77, 8 : i32
        "tpu.region"() ({
          %run_scoped3A_79 = tpu.sem_alloc : memref<!tpu.dma_semaphore, #tpu.memory_space<semaphore_mem>>
          %dma_start3A_80 = arith.constant 0 : i32
          %dma_start3A_81 = tpu.memref_slice %arg7[%multiple_of3A_78, %dma_start3A_80] : memref<10000x128xf32, #tpu.memory_space<vmem_shared>> -> memref<632x128xf32, #tpu.memory_space<vmem_shared>>
          %dma_start3A_82 = arith.constant 0 : i32
          %dma_start3A_83 = tpu.memref_slice %arg5[%multiple_of3A_78, %dma_start3A_82] : memref<10000x128xf32, #tpu.memory_space<hbm>> -> memref<632x128xf32, #tpu.memory_space<hbm>>
          tpu.enqueue_dma source(%dma_start3A_83 : memref<632x128xf32, #tpu.memory_space<hbm>>) target(%dma_start3A_81 : memref<632x128xf32, #tpu.memory_space<vmem_shared>>) target_semaphore(%run_scoped3A_79 : memref<!tpu.dma_semaphore, #tpu.memory_space<semaphore_mem>>)
          %dma_wait3A_84 = arith.constant 0 : i32
          %dma_wait3A_85 = tpu.memref_slice %arg7[%multiple_of3A_78, %dma_wait3A_84] : memref<10000x128xf32, #tpu.memory_space<vmem_shared>> -> memref<632x128xf32, #tpu.memory_space<vmem_shared>>
          %dma_wait3A_86 = arith.constant 0 : i32
          %dma_wait3A_87 = tpu.memref_slice %arg5[%multiple_of3A_78, %dma_wait3A_86] : memref<10000x128xf32, #tpu.memory_space<hbm>> -> memref<632x128xf32, #tpu.memory_space<hbm>>
          tpu.wait_dma2 semaphore(%run_scoped3A_79 : memref<!tpu.dma_semaphore, #tpu.memory_space<semaphore_mem>>) src(%dma_wait3A_87 : memref<632x128xf32, #tpu.memory_space<hbm>>) dst(%dma_wait3A_85 : memref<632x128xf32, #tpu.memory_space<vmem_shared>>)
          tpu.yield
        }) : () -> ()
      } else {
      }
      %eq3A = arith.constant 15 : i32
      %eq3A_6 = arith.cmpi eq, %arg1, %eq3A : i32
      %convert_element_type3A_7 = arith.extui %eq3A_6 : i1 to i32
      %cond3A_8 = arith.constant 0 : i32
      %cond3A_9 = arith.cmpi ne, %convert_element_type3A_7, %cond3A_8 : i32
      scf.if %cond3A_9 {
        "tpu.region"() ({
          %run_scoped3A_76 = tpu.sem_alloc : memref<!tpu.dma_semaphore, #tpu.memory_space<semaphore_mem>>
          %dma_start3A_77 = arith.constant 9480 : i32
          %dma_start3A_78 = arith.constant 0 : i32
          %dma_start3A_79 = tpu.memref_slice %arg7[%dma_start3A_77, %dma_start3A_78] : memref<10000x128xf32, #tpu.memory_space<vmem_shared>> -> memref<520x128xf32, #tpu.memory_space<vmem_shared>>
          %dma_start3A_80 = arith.constant 9480 : i32
          %dma_start3A_81 = arith.constant 0 : i32
          %dma_start3A_82 = tpu.memref_slice %arg5[%dma_start3A_80, %dma_start3A_81] : memref<10000x128xf32, #tpu.memory_space<hbm>> -> memref<520x128xf32, #tpu.memory_space<hbm>>
          tpu.enqueue_dma source(%dma_start3A_82 : memref<520x128xf32, #tpu.memory_space<hbm>>) target(%dma_start3A_79 : memref<520x128xf32, #tpu.memory_space<vmem_shared>>) target_semaphore(%run_scoped3A_76 : memref<!tpu.dma_semaphore, #tpu.memory_space<semaphore_mem>>)
          %dma_wait3A_83 = arith.constant 9480 : i32
          %dma_wait3A_84 = arith.constant 0 : i32
          %dma_wait3A_85 = tpu.memref_slice %arg7[%dma_wait3A_83, %dma_wait3A_84] : memref<10000x128xf32, #tpu.memory_space<vmem_shared>> -> memref<520x128xf32, #tpu.memory_space<vmem_shared>>
          %dma_wait3A_86 = arith.constant 9480 : i32
          %dma_wait3A_87 = arith.constant 0 : i32
          %dma_wait3A_88 = tpu.memref_slice %arg5[%dma_wait3A_86, %dma_wait3A_87] : memref<10000x128xf32, #tpu.memory_space<hbm>> -> memref<520x128xf32, #tpu.memory_space<hbm>>
          tpu.wait_dma2 semaphore(%run_scoped3A_76 : memref<!tpu.dma_semaphore, #tpu.memory_space<semaphore_mem>>) src(%dma_wait3A_88 : memref<520x128xf32, #tpu.memory_space<hbm>>) dst(%dma_wait3A_85 : memref<520x128xf32, #tpu.memory_space<vmem_shared>>)
          tpu.yield
        }) : () -> ()
      } else {
      }
      %mul3A_10 = arith.constant 10000 : i32
      %mul3A_11 = arith.muli %add3A, %mul3A_10 : i32
      %multiple_of3A = tpu.assume_multiple %mul3A_11, 8 : i32
      "tpu.region"() ({
        %run_scoped3A_76 = tpu.sem_alloc : memref<!tpu.dma_semaphore, #tpu.memory_space<semaphore_mem>>
        %dma_start3A_77 = tpu.memref_slice %arg3[%multiple_of3A] : memref<320000xi32, #tpu.memory_space<hbm>> -> memref<10000xi32, #tpu.memory_space<hbm>>
        %dma_start3A_78 = tpu.memref_slice %arg3[%multiple_of3A] : memref<320000xi32, #tpu.memory_space<hbm>> -> memref<10000xi32, #tpu.memory_space<hbm>>
        tpu.enqueue_dma source(%dma_start3A_78 : memref<10000xi32, #tpu.memory_space<hbm>>) target(%run_scoped3A : memref<10000xi32, #tpu.memory_space<vmem>>) target_semaphore(%run_scoped3A_76 : memref<!tpu.dma_semaphore, #tpu.memory_space<semaphore_mem>>)
        %dma_wait3A_79 = tpu.memref_slice %arg3[%multiple_of3A] : memref<320000xi32, #tpu.memory_space<hbm>> -> memref<10000xi32, #tpu.memory_space<hbm>>
        %dma_wait3A_80 = tpu.memref_slice %arg3[%multiple_of3A] : memref<320000xi32, #tpu.memory_space<hbm>> -> memref<10000xi32, #tpu.memory_space<hbm>>
        tpu.wait_dma2 semaphore(%run_scoped3A_76 : memref<!tpu.dma_semaphore, #tpu.memory_space<semaphore_mem>>) src(%dma_wait3A_80 : memref<10000xi32, #tpu.memory_space<hbm>>) dst(%run_scoped3A : memref<10000xi32, #tpu.memory_space<vmem>>)
        tpu.yield
      }) : () -> ()
      "tpu.region"() ({
        %run_scoped3A_76 = tpu.sem_alloc : memref<!tpu.dma_semaphore, #tpu.memory_space<semaphore_mem>>
        %dma_start3A_77 = arith.constant 0 : i32
        %dma_start3A_78 = arith.constant 0 : i32
        %dma_start3A_79 = tpu.memref_slice %arg4[%add3A, %dma_start3A_77, %dma_start3A_78] : memref<32x125x80xi32, #tpu.memory_space<hbm>> -> memref<1x125x80xi32, #tpu.memory_space<hbm>>
        %dma_start3A_80 = tpu.memref_squeeze %dma_start3A_79 : memref<1x125x80xi32, #tpu.memory_space<hbm>> -> memref<125x80xi32, #tpu.memory_space<hbm>>
        %dma_start3A_81 = arith.constant 0 : i32
        %dma_start3A_82 = arith.constant 0 : i32
        %dma_start3A_83 = tpu.memref_slice %arg4[%add3A, %dma_start3A_81, %dma_start3A_82] : memref<32x125x80xi32, #tpu.memory_space<hbm>> -> memref<1x125x80xi32, #tpu.memory_space<hbm>>
        %dma_start3A_84 = tpu.memref_squeeze %dma_start3A_83 : memref<1x125x80xi32, #tpu.memory_space<hbm>> -> memref<125x80xi32, #tpu.memory_space<hbm>>
        tpu.enqueue_dma source(%dma_start3A_84 : memref<125x80xi32, #tpu.memory_space<hbm>>) target(%run_scoped3A_1 : memref<125x80xi32, #tpu.memory_space<vmem>>) target_semaphore(%run_scoped3A_76 : memref<!tpu.dma_semaphore, #tpu.memory_space<semaphore_mem>>)
        %dma_wait3A_85 = arith.constant 0 : i32
        %dma_wait3A_86 = arith.constant 0 : i32
        %dma_wait3A_87 = tpu.memref_slice %arg4[%add3A, %dma_wait3A_85, %dma_wait3A_86] : memref<32x125x80xi32, #tpu.memory_space<hbm>> -> memref<1x125x80xi32, #tpu.memory_space<hbm>>
        %dma_wait3A_88 = tpu.memref_squeeze %dma_wait3A_87 : memref<1x125x80xi32, #tpu.memory_space<hbm>> -> memref<125x80xi32, #tpu.memory_space<hbm>>
        %dma_wait3A_89 = arith.constant 0 : i32
        %dma_wait3A_90 = arith.constant 0 : i32
        %dma_wait3A_91 = tpu.memref_slice %arg4[%add3A, %dma_wait3A_89, %dma_wait3A_90] : memref<32x125x80xi32, #tpu.memory_space<hbm>> -> memref<1x125x80xi32, #tpu.memory_space<hbm>>
        %dma_wait3A_92 = tpu.memref_squeeze %dma_wait3A_91 : memref<1x125x80xi32, #tpu.memory_space<hbm>> -> memref<125x80xi32, #tpu.memory_space<hbm>>
        tpu.wait_dma2 semaphore(%run_scoped3A_76 : memref<!tpu.dma_semaphore, #tpu.memory_space<semaphore_mem>>) src(%dma_wait3A_92 : memref<125x80xi32, #tpu.memory_space<hbm>>) dst(%run_scoped3A_1 : memref<125x80xi32, #tpu.memory_space<vmem>>)
        tpu.yield
      }) : () -> ()
      %barrier3A = arith.constant 0 : index
      tpu.barrier barrier_id(%barrier3A)
      %multiple_of3A_12 = arith.constant 0 : i32
      %multiple_of3A_13 = tpu.assume_multiple %multiple_of3A_12, 8 : i32
      %dma_start3A = tpu.memref_slice %run_scoped3A[%multiple_of3A_13] : memref<10000xi32, #tpu.memory_space<vmem>> -> memref<80xi32, #tpu.memory_space<vmem>>
      %dma_start3A_14 = arith.constant 0 : i32
      %dma_start3A_15 = arith.constant 0 : i32
      %dma_start3A_16 = tpu.memref_slice %arg2[%dma_start3A_14, %dma_start3A_15] : memref<10000x128xf32, #tpu.memory_space<hbm>> -> memref<10000x128xf32, #tpu.memory_space<hbm>>
      tpu.enqueue_indirect_dma source(%dma_start3A_16 : memref<10000x128xf32, #tpu.memory_space<hbm>>) target(%run_scoped3A_2 : memref<80x128xf32, #tpu.memory_space<vmem>>) offsets(%dma_start3A : memref<80xi32, #tpu.memory_space<vmem>>) semaphore(%arg8 : memref<!tpu.dma_semaphore, #tpu.memory_space<semaphore_mem>>)
      %scan3A = arith.constant 0 : i32
      %scan3A_17 = arith.constant 0 : i32
      %scan3A_18 = arith.constant 62 : i32
      %scan3A_19 = arith.addi %scan3A_17, %scan3A_18 : i32
      %scan3A_20 = arith.constant 1 : i32
      scf.for %scan3A_76 = %scan3A_17 to %scan3A_19 step %scan3A_20  : i32 {
        %mul3A_77 = arith.constant 2 : i32
        %mul3A_78 = arith.muli %scan3A_76, %mul3A_77 : i32
        %add3A_79 = arith.constant 0 : i32
        %add3A_80 = arith.addi %mul3A_78, %add3A_79 : i32
        %add3A_81 = arith.constant 1 : i32
        %add3A_82 = arith.addi %add3A_80, %add3A_81 : i32
        %ge3A_83 = arith.constant 1 : i32
        %ge3A_84 = arith.cmpi sge, %add3A_80, %ge3A_83 : i32
        %lt3A_85 = arith.constant 125 : i32
        %lt3A_86 = arith.cmpi slt, %add3A_82, %lt3A_85 : i32
        %and3A_87 = arith.andi %ge3A_84, %lt3A_86 : i1
        %convert_element_type3A_88 = arith.extui %and3A_87 : i1 to i32
        %cond3A_89 = arith.constant 0 : i32
        %cond3A_90 = arith.cmpi ne, %convert_element_type3A_88, %cond3A_89 : i32
        scf.if %cond3A_90 {
          %sub3A = arith.constant 2 : i32
          %sub3A_141 = arith.subi %add3A_82, %sub3A : i32
          %dma_wait3A_142 = arith.constant 0 : i32
          %dma_wait3A_143 = tpu.memref_slice %run_scoped3A_1[%sub3A_141, %dma_wait3A_142] : memref<125x80xi32, #tpu.memory_space<vmem>> -> memref<1x80xi32, #tpu.memory_space<vmem>>
          %dma_wait3A_144 = tpu.memref_squeeze %dma_wait3A_143 : memref<1x80xi32, #tpu.memory_space<vmem>> -> memref<80xi32, #tpu.memory_space<vmem>>
          %dma_wait3A_145 = arith.constant 0 : i32
          %dma_wait3A_146 = arith.constant 0 : i32
          %dma_wait3A_147 = tpu.memref_slice %arg7[%dma_wait3A_145, %dma_wait3A_146] : memref<10000x128xf32, #tpu.memory_space<vmem_shared>> -> memref<10000x128xf32, #tpu.memory_space<vmem_shared>>
          tpu.wait_indirect_dma semaphore(%arg11 : memref<!tpu.dma_semaphore, #tpu.memory_space<semaphore_mem>>) src(%run_scoped3A_3 : memref<80x128xf32, #tpu.memory_space<vmem>>) dst(%dma_wait3A_147 : memref<10000x128xf32, #tpu.memory_space<vmem_shared>>)
        } else {
        }
        %lt3A_91 = arith.constant 125 : i32
        %lt3A_92 = arith.cmpi slt, %add3A_82, %lt3A_91 : i32
        %convert_element_type3A_93 = arith.extui %lt3A_92 : i1 to i32
        %cond3A_94 = arith.constant 0 : i32
        %cond3A_95 = arith.cmpi ne, %convert_element_type3A_93, %cond3A_94 : i32
        scf.if %cond3A_95 {
          %mul3A_141 = arith.constant 80 : i32
          %mul3A_142 = arith.muli %add3A_82, %mul3A_141 : i32
          %multiple_of3A_143 = tpu.assume_multiple %mul3A_142, 8 : i32
          %dma_start3A_144 = tpu.memref_slice %run_scoped3A[%multiple_of3A_143] : memref<10000xi32, #tpu.memory_space<vmem>> -> memref<80xi32, #tpu.memory_space<vmem>>
          %dma_start3A_145 = arith.constant 0 : i32
          %dma_start3A_146 = arith.constant 0 : i32
          %dma_start3A_147 = tpu.memref_slice %arg2[%dma_start3A_145, %dma_start3A_146] : memref<10000x128xf32, #tpu.memory_space<hbm>> -> memref<10000x128xf32, #tpu.memory_space<hbm>>
          tpu.enqueue_indirect_dma source(%dma_start3A_147 : memref<10000x128xf32, #tpu.memory_space<hbm>>) target(%run_scoped3A_3 : memref<80x128xf32, #tpu.memory_space<vmem>>) offsets(%dma_start3A_144 : memref<80xi32, #tpu.memory_space<vmem>>) semaphore(%arg9 : memref<!tpu.dma_semaphore, #tpu.memory_space<semaphore_mem>>)
        } else {
        }
        %mul3A_96 = arith.constant 80 : i32
        %mul3A_97 = arith.muli %add3A_80, %mul3A_96 : i32
        %multiple_of3A_98 = tpu.assume_multiple %mul3A_97, 8 : i32
        %dma_wait3A_99 = tpu.memref_slice %run_scoped3A[%multiple_of3A_98] : memref<10000xi32, #tpu.memory_space<vmem>> -> memref<80xi32, #tpu.memory_space<vmem>>
        %dma_wait3A_100 = arith.constant 0 : i32
        %dma_wait3A_101 = arith.constant 0 : i32
        %dma_wait3A_102 = tpu.memref_slice %arg2[%dma_wait3A_100, %dma_wait3A_101] : memref<10000x128xf32, #tpu.memory_space<hbm>> -> memref<10000x128xf32, #tpu.memory_space<hbm>>
        tpu.wait_indirect_dma semaphore(%arg8 : memref<!tpu.dma_semaphore, #tpu.memory_space<semaphore_mem>>) src(%dma_wait3A_102 : memref<10000x128xf32, #tpu.memory_space<hbm>>) dst(%run_scoped3A_2 : memref<80x128xf32, #tpu.memory_space<vmem>>)
        %dma_start3A_103 = arith.constant 0 : i32
        %dma_start3A_104 = tpu.memref_slice %run_scoped3A_1[%add3A_80, %dma_start3A_103] : memref<125x80xi32, #tpu.memory_space<vmem>> -> memref<1x80xi32, #tpu.memory_space<vmem>>
        %dma_start3A_105 = tpu.memref_squeeze %dma_start3A_104 : memref<1x80xi32, #tpu.memory_space<vmem>> -> memref<80xi32, #tpu.memory_space<vmem>>
        %dma_start3A_106 = arith.constant 0 : i32
        %dma_start3A_107 = arith.constant 0 : i32
        %dma_start3A_108 = tpu.memref_slice %arg7[%dma_start3A_106, %dma_start3A_107] : memref<10000x128xf32, #tpu.memory_space<vmem_shared>> -> memref<10000x128xf32, #tpu.memory_space<vmem_shared>>
        tpu.enqueue_indirect_dma source(%run_scoped3A_2 : memref<80x128xf32, #tpu.memory_space<vmem>>) target(%dma_start3A_108 : memref<10000x128xf32, #tpu.memory_space<vmem_shared>>) offsets(%dma_start3A_105 : memref<80xi32, #tpu.memory_space<vmem>>) semaphore(%arg10 : memref<!tpu.dma_semaphore, #tpu.memory_space<semaphore_mem>>) {add = true}
        %mul3A_109 = arith.constant 2 : i32
        %mul3A_110 = arith.muli %scan3A_76, %mul3A_109 : i32
        %add3A_111 = arith.constant 1 : i32
        %add3A_112 = arith.addi %mul3A_110, %add3A_111 : i32
        %add3A_113 = arith.constant 1 : i32
        %add3A_114 = arith.addi %add3A_112, %add3A_113 : i32
        %ge3A_115 = arith.constant 1 : i32
        %ge3A_116 = arith.cmpi sge, %add3A_112, %ge3A_115 : i32
        %lt3A_117 = arith.constant 125 : i32
        %lt3A_118 = arith.cmpi slt, %add3A_114, %lt3A_117 : i32
        %and3A_119 = arith.andi %ge3A_116, %lt3A_118 : i1
        %convert_element_type3A_120 = arith.extui %and3A_119 : i1 to i32
        %cond3A_121 = arith.constant 0 : i32
        %cond3A_122 = arith.cmpi ne, %convert_element_type3A_120, %cond3A_121 : i32
        scf.if %cond3A_122 {
          %sub3A = arith.constant 2 : i32
          %sub3A_141 = arith.subi %add3A_114, %sub3A : i32
          %dma_wait3A_142 = arith.constant 0 : i32
          %dma_wait3A_143 = tpu.memref_slice %run_scoped3A_1[%sub3A_141, %dma_wait3A_142] : memref<125x80xi32, #tpu.memory_space<vmem>> -> memref<1x80xi32, #tpu.memory_space<vmem>>
          %dma_wait3A_144 = tpu.memref_squeeze %dma_wait3A_143 : memref<1x80xi32, #tpu.memory_space<vmem>> -> memref<80xi32, #tpu.memory_space<vmem>>
          %dma_wait3A_145 = arith.constant 0 : i32
          %dma_wait3A_146 = arith.constant 0 : i32
          %dma_wait3A_147 = tpu.memref_slice %arg7[%dma_wait3A_145, %dma_wait3A_146] : memref<10000x128xf32, #tpu.memory_space<vmem_shared>> -> memref<10000x128xf32, #tpu.memory_space<vmem_shared>>
          tpu.wait_indirect_dma semaphore(%arg10 : memref<!tpu.dma_semaphore, #tpu.memory_space<semaphore_mem>>) src(%run_scoped3A_2 : memref<80x128xf32, #tpu.memory_space<vmem>>) dst(%dma_wait3A_147 : memref<10000x128xf32, #tpu.memory_space<vmem_shared>>)
        } else {
        }
        %lt3A_123 = arith.constant 125 : i32
        %lt3A_124 = arith.cmpi slt, %add3A_114, %lt3A_123 : i32
        %convert_element_type3A_125 = arith.extui %lt3A_124 : i1 to i32
        %cond3A_126 = arith.constant 0 : i32
        %cond3A_127 = arith.cmpi ne, %convert_element_type3A_125, %cond3A_126 : i32
        scf.if %cond3A_127 {
          %mul3A_141 = arith.constant 80 : i32
          %mul3A_142 = arith.muli %add3A_114, %mul3A_141 : i32
          %multiple_of3A_143 = tpu.assume_multiple %mul3A_142, 8 : i32
          %dma_start3A_144 = tpu.memref_slice %run_scoped3A[%multiple_of3A_143] : memref<10000xi32, #tpu.memory_space<vmem>> -> memref<80xi32, #tpu.memory_space<vmem>>
          %dma_start3A_145 = arith.constant 0 : i32
          %dma_start3A_146 = arith.constant 0 : i32
          %dma_start3A_147 = tpu.memref_slice %arg2[%dma_start3A_145, %dma_start3A_146] : memref<10000x128xf32, #tpu.memory_space<hbm>> -> memref<10000x128xf32, #tpu.memory_space<hbm>>
          tpu.enqueue_indirect_dma source(%dma_start3A_147 : memref<10000x128xf32, #tpu.memory_space<hbm>>) target(%run_scoped3A_2 : memref<80x128xf32, #tpu.memory_space<vmem>>) offsets(%dma_start3A_144 : memref<80xi32, #tpu.memory_space<vmem>>) semaphore(%arg8 : memref<!tpu.dma_semaphore, #tpu.memory_space<semaphore_mem>>)
        } else {
        }
        %mul3A_128 = arith.constant 80 : i32
        %mul3A_129 = arith.muli %add3A_112, %mul3A_128 : i32
        %multiple_of3A_130 = tpu.assume_multiple %mul3A_129, 8 : i32
        %dma_wait3A_131 = tpu.memref_slice %run_scoped3A[%multiple_of3A_130] : memref<10000xi32, #tpu.memory_space<vmem>> -> memref<80xi32, #tpu.memory_space<vmem>>
        %dma_wait3A_132 = arith.constant 0 : i32
        %dma_wait3A_133 = arith.constant 0 : i32
        %dma_wait3A_134 = tpu.memref_slice %arg2[%dma_wait3A_132, %dma_wait3A_133] : memref<10000x128xf32, #tpu.memory_space<hbm>> -> memref<10000x128xf32, #tpu.memory_space<hbm>>
        tpu.wait_indirect_dma semaphore(%arg9 : memref<!tpu.dma_semaphore, #tpu.memory_space<semaphore_mem>>) src(%dma_wait3A_134 : memref<10000x128xf32, #tpu.memory_space<hbm>>) dst(%run_scoped3A_3 : memref<80x128xf32, #tpu.memory_space<vmem>>)
        %dma_start3A_135 = arith.constant 0 : i32
        %dma_start3A_136 = tpu.memref_slice %run_scoped3A_1[%add3A_112, %dma_start3A_135] : memref<125x80xi32, #tpu.memory_space<vmem>> -> memref<1x80xi32, #tpu.memory_space<vmem>>
        %dma_start3A_137 = tpu.memref_squeeze %dma_start3A_136 : memref<1x80xi32, #tpu.memory_space<vmem>> -> memref<80xi32, #tpu.memory_space<vmem>>
        %dma_start3A_138 = arith.constant 0 : i32
        %dma_start3A_139 = arith.constant 0 : i32
        %dma_start3A_140 = tpu.memref_slice %arg7[%dma_start3A_138, %dma_start3A_139] : memref<10000x128xf32, #tpu.memory_space<vmem_shared>> -> memref<10000x128xf32, #tpu.memory_space<vmem_shared>>
        tpu.enqueue_indirect_dma source(%run_scoped3A_3 : memref<80x128xf32, #tpu.memory_space<vmem>>) target(%dma_start3A_140 : memref<10000x128xf32, #tpu.memory_space<vmem_shared>>) offsets(%dma_start3A_137 : memref<80xi32, #tpu.memory_space<vmem>>) semaphore(%arg11 : memref<!tpu.dma_semaphore, #tpu.memory_space<semaphore_mem>>) {add = true}
      }
      %scan3A_21 = arith.constant 62 : i32
      %add3A_22 = arith.constant 124 : i32
      %add3A_23 = arith.constant 1 : i32
      %add3A_24 = arith.addi %add3A_22, %add3A_23 : i32
      %ge3A = arith.constant 124 : i32
      %ge3A_25 = arith.constant 1 : i32
      %ge3A_26 = arith.cmpi sge, %ge3A, %ge3A_25 : i32
      %lt3A_27 = arith.constant 125 : i32
      %lt3A_28 = arith.cmpi slt, %add3A_24, %lt3A_27 : i32
      %and3A = arith.andi %ge3A_26, %lt3A_28 : i1
      %convert_element_type3A_29 = arith.extui %and3A : i1 to i32
      %cond3A_30 = arith.constant 0 : i32
      %cond3A_31 = arith.cmpi ne, %convert_element_type3A_29, %cond3A_30 : i32
      scf.if %cond3A_31 {
        %sub3A = arith.constant 2 : i32
        %sub3A_76 = arith.subi %add3A_24, %sub3A : i32
        %dma_wait3A_77 = arith.constant 0 : i32
        %dma_wait3A_78 = tpu.memref_slice %run_scoped3A_1[%sub3A_76, %dma_wait3A_77] : memref<125x80xi32, #tpu.memory_space<vmem>> -> memref<1x80xi32, #tpu.memory_space<vmem>>
        %dma_wait3A_79 = tpu.memref_squeeze %dma_wait3A_78 : memref<1x80xi32, #tpu.memory_space<vmem>> -> memref<80xi32, #tpu.memory_space<vmem>>
        %dma_wait3A_80 = arith.constant 0 : i32
        %dma_wait3A_81 = arith.constant 0 : i32
        %dma_wait3A_82 = tpu.memref_slice %arg7[%dma_wait3A_80, %dma_wait3A_81] : memref<10000x128xf32, #tpu.memory_space<vmem_shared>> -> memref<10000x128xf32, #tpu.memory_space<vmem_shared>>
        tpu.wait_indirect_dma semaphore(%arg11 : memref<!tpu.dma_semaphore, #tpu.memory_space<semaphore_mem>>) src(%run_scoped3A_3 : memref<80x128xf32, #tpu.memory_space<vmem>>) dst(%dma_wait3A_82 : memref<10000x128xf32, #tpu.memory_space<vmem_shared>>)
      } else {
      }
      %lt3A_32 = arith.constant 125 : i32
      %lt3A_33 = arith.cmpi slt, %add3A_24, %lt3A_32 : i32
      %convert_element_type3A_34 = arith.extui %lt3A_33 : i1 to i32
      %cond3A_35 = arith.constant 0 : i32
      %cond3A_36 = arith.cmpi ne, %convert_element_type3A_34, %cond3A_35 : i32
      scf.if %cond3A_36 {
        %mul3A_76 = arith.constant 80 : i32
        %mul3A_77 = arith.muli %add3A_24, %mul3A_76 : i32
        %multiple_of3A_78 = tpu.assume_multiple %mul3A_77, 8 : i32
        %dma_start3A_79 = tpu.memref_slice %run_scoped3A[%multiple_of3A_78] : memref<10000xi32, #tpu.memory_space<vmem>> -> memref<80xi32, #tpu.memory_space<vmem>>
        %dma_start3A_80 = arith.constant 0 : i32
        %dma_start3A_81 = arith.constant 0 : i32
        %dma_start3A_82 = tpu.memref_slice %arg2[%dma_start3A_80, %dma_start3A_81] : memref<10000x128xf32, #tpu.memory_space<hbm>> -> memref<10000x128xf32, #tpu.memory_space<hbm>>
        tpu.enqueue_indirect_dma source(%dma_start3A_82 : memref<10000x128xf32, #tpu.memory_space<hbm>>) target(%run_scoped3A_3 : memref<80x128xf32, #tpu.memory_space<vmem>>) offsets(%dma_start3A_79 : memref<80xi32, #tpu.memory_space<vmem>>) semaphore(%arg9 : memref<!tpu.dma_semaphore, #tpu.memory_space<semaphore_mem>>)
      } else {
      }
      %mul3A_37 = arith.constant 124 : i32
      %mul3A_38 = arith.constant 80 : i32
      %mul3A_39 = arith.muli %mul3A_37, %mul3A_38 : i32
      %multiple_of3A_40 = tpu.assume_multiple %mul3A_39, 8 : i32
      %dma_wait3A = tpu.memref_slice %run_scoped3A[%multiple_of3A_40] : memref<10000xi32, #tpu.memory_space<vmem>> -> memref<80xi32, #tpu.memory_space<vmem>>
      %dma_wait3A_41 = arith.constant 0 : i32
      %dma_wait3A_42 = arith.constant 0 : i32
      %dma_wait3A_43 = tpu.memref_slice %arg2[%dma_wait3A_41, %dma_wait3A_42] : memref<10000x128xf32, #tpu.memory_space<hbm>> -> memref<10000x128xf32, #tpu.memory_space<hbm>>
      tpu.wait_indirect_dma semaphore(%arg8 : memref<!tpu.dma_semaphore, #tpu.memory_space<semaphore_mem>>) src(%dma_wait3A_43 : memref<10000x128xf32, #tpu.memory_space<hbm>>) dst(%run_scoped3A_2 : memref<80x128xf32, #tpu.memory_space<vmem>>)
      %dma_start3A_44 = arith.constant 124 : i32
      %dma_start3A_45 = arith.constant 0 : i32
      %dma_start3A_46 = tpu.memref_slice %run_scoped3A_1[%dma_start3A_44, %dma_start3A_45] : memref<125x80xi32, #tpu.memory_space<vmem>> -> memref<1x80xi32, #tpu.memory_space<vmem>>
      %dma_start3A_47 = tpu.memref_squeeze %dma_start3A_46 : memref<1x80xi32, #tpu.memory_space<vmem>> -> memref<80xi32, #tpu.memory_space<vmem>>
      %dma_start3A_48 = arith.constant 0 : i32
      %dma_start3A_49 = arith.constant 0 : i32
      %dma_start3A_50 = tpu.memref_slice %arg7[%dma_start3A_48, %dma_start3A_49] : memref<10000x128xf32, #tpu.memory_space<vmem_shared>> -> memref<10000x128xf32, #tpu.memory_space<vmem_shared>>
      tpu.enqueue_indirect_dma source(%run_scoped3A_2 : memref<80x128xf32, #tpu.memory_space<vmem>>) target(%dma_start3A_50 : memref<10000x128xf32, #tpu.memory_space<vmem_shared>>) offsets(%dma_start3A_47 : memref<80xi32, #tpu.memory_space<vmem>>) semaphore(%arg10 : memref<!tpu.dma_semaphore, #tpu.memory_space<semaphore_mem>>) {add = true}
      %dma_wait3A_51 = arith.constant 123 : i32
      %dma_wait3A_52 = arith.constant 0 : i32
      %dma_wait3A_53 = tpu.memref_slice %run_scoped3A_1[%dma_wait3A_51, %dma_wait3A_52] : memref<125x80xi32, #tpu.memory_space<vmem>> -> memref<1x80xi32, #tpu.memory_space<vmem>>
      %dma_wait3A_54 = tpu.memref_squeeze %dma_wait3A_53 : memref<1x80xi32, #tpu.memory_space<vmem>> -> memref<80xi32, #tpu.memory_space<vmem>>
      %dma_wait3A_55 = arith.constant 0 : i32
      %dma_wait3A_56 = arith.constant 0 : i32
      %dma_wait3A_57 = tpu.memref_slice %arg7[%dma_wait3A_55, %dma_wait3A_56] : memref<10000x128xf32, #tpu.memory_space<vmem_shared>> -> memref<10000x128xf32, #tpu.memory_space<vmem_shared>>
      tpu.wait_indirect_dma semaphore(%arg11 : memref<!tpu.dma_semaphore, #tpu.memory_space<semaphore_mem>>) src(%run_scoped3A_3 : memref<80x128xf32, #tpu.memory_space<vmem>>) dst(%dma_wait3A_57 : memref<10000x128xf32, #tpu.memory_space<vmem_shared>>)
      %dma_wait3A_58 = arith.constant 124 : i32
      %dma_wait3A_59 = arith.constant 0 : i32
      %dma_wait3A_60 = tpu.memref_slice %run_scoped3A_1[%dma_wait3A_58, %dma_wait3A_59] : memref<125x80xi32, #tpu.memory_space<vmem>> -> memref<1x80xi32, #tpu.memory_space<vmem>>
      %dma_wait3A_61 = tpu.memref_squeeze %dma_wait3A_60 : memref<1x80xi32, #tpu.memory_space<vmem>> -> memref<80xi32, #tpu.memory_space<vmem>>
      %dma_wait3A_62 = arith.constant 0 : i32
      %dma_wait3A_63 = arith.constant 0 : i32
      %dma_wait3A_64 = tpu.memref_slice %arg7[%dma_wait3A_62, %dma_wait3A_63] : memref<10000x128xf32, #tpu.memory_space<vmem_shared>> -> memref<10000x128xf32, #tpu.memory_space<vmem_shared>>
      tpu.wait_indirect_dma semaphore(%arg10 : memref<!tpu.dma_semaphore, #tpu.memory_space<semaphore_mem>>) src(%run_scoped3A_2 : memref<80x128xf32, #tpu.memory_space<vmem>>) dst(%dma_wait3A_64 : memref<10000x128xf32, #tpu.memory_space<vmem_shared>>)
      %barrier3A_65 = arith.constant 0 : index
      tpu.barrier barrier_id(%barrier3A_65)
      %lt3A_66 = arith.constant 15 : i32
      %lt3A_67 = arith.cmpi slt, %arg1, %lt3A_66 : i32
      %convert_element_type3A_68 = arith.extui %lt3A_67 : i1 to i32
      %cond3A_69 = arith.constant 0 : i32
      %cond3A_70 = arith.cmpi ne, %convert_element_type3A_68, %cond3A_69 : i32
      scf.if %cond3A_70 {
        %mul3A_76 = arith.constant 632 : i32
        %mul3A_77 = arith.muli %arg1, %mul3A_76 : i32
        %multiple_of3A_78 = tpu.assume_multiple %mul3A_77, 8 : i32
        "tpu.region"() ({
          %run_scoped3A_79 = tpu.sem_alloc : memref<!tpu.dma_semaphore, #tpu.memory_space<semaphore_mem>>
          %dma_start3A_80 = arith.constant 0 : i32
          %dma_start3A_81 = arith.constant 0 : i32
          %dma_start3A_82 = tpu.memref_slice %arg6[%arg0, %dma_start3A_80, %dma_start3A_81] : memref<2x10000x128xf32, #tpu.memory_space<hbm>> -> memref<1x10000x128xf32, #tpu.memory_space<hbm>>
          %dma_start3A_83 = tpu.memref_squeeze %dma_start3A_82 : memref<1x10000x128xf32, #tpu.memory_space<hbm>> -> memref<10000x128xf32, #tpu.memory_space<hbm>>
          %dma_start3A_84 = arith.constant 0 : i32
          %dma_start3A_85 = tpu.memref_slice %dma_start3A_83[%multiple_of3A_78, %dma_start3A_84] : memref<10000x128xf32, #tpu.memory_space<hbm>> -> memref<632x128xf32, #tpu.memory_space<hbm>>
          %dma_start3A_86 = arith.constant 0 : i32
          %dma_start3A_87 = tpu.memref_slice %arg7[%multiple_of3A_78, %dma_start3A_86] : memref<10000x128xf32, #tpu.memory_space<vmem_shared>> -> memref<632x128xf32, #tpu.memory_space<vmem_shared>>
          tpu.enqueue_dma source(%dma_start3A_87 : memref<632x128xf32, #tpu.memory_space<vmem_shared>>) target(%dma_start3A_85 : memref<632x128xf32, #tpu.memory_space<hbm>>) target_semaphore(%run_scoped3A_79 : memref<!tpu.dma_semaphore, #tpu.memory_space<semaphore_mem>>)
          %dma_wait3A_88 = arith.constant 0 : i32
          %dma_wait3A_89 = arith.constant 0 : i32
          %dma_wait3A_90 = tpu.memref_slice %arg6[%arg0, %dma_wait3A_88, %dma_wait3A_89] : memref<2x10000x128xf32, #tpu.memory_space<hbm>> -> memref<1x10000x128xf32, #tpu.memory_space<hbm>>
          %dma_wait3A_91 = tpu.memref_squeeze %dma_wait3A_90 : memref<1x10000x128xf32, #tpu.memory_space<hbm>> -> memref<10000x128xf32, #tpu.memory_space<hbm>>
          %dma_wait3A_92 = arith.constant 0 : i32
          %dma_wait3A_93 = tpu.memref_slice %dma_wait3A_91[%multiple_of3A_78, %dma_wait3A_92] : memref<10000x128xf32, #tpu.memory_space<hbm>> -> memref<632x128xf32, #tpu.memory_space<hbm>>
          %dma_wait3A_94 = arith.constant 0 : i32
          %dma_wait3A_95 = tpu.memref_slice %arg7[%multiple_of3A_78, %dma_wait3A_94] : memref<10000x128xf32, #tpu.memory_space<vmem_shared>> -> memref<632x128xf32, #tpu.memory_space<vmem_shared>>
          tpu.wait_dma2 semaphore(%run_scoped3A_79 : memref<!tpu.dma_semaphore, #tpu.memory_space<semaphore_mem>>) src(%dma_wait3A_95 : memref<632x128xf32, #tpu.memory_space<vmem_shared>>) dst(%dma_wait3A_93 : memref<632x128xf32, #tpu.memory_space<hbm>>)
          tpu.yield
        }) : () -> ()
      } else {
      }
      %eq3A_71 = arith.constant 15 : i32
      %eq3A_72 = arith.cmpi eq, %arg1, %eq3A_71 : i32
      %convert_element_type3A_73 = arith.extui %eq3A_72 : i1 to i32
      %cond3A_74 = arith.constant 0 : i32
      %cond3A_75 = arith.cmpi ne, %convert_element_type3A_73, %cond3A_74 : i32
      scf.if %cond3A_75 {
        "tpu.region"() ({
          %run_scoped3A_76 = tpu.sem_alloc : memref<!tpu.dma_semaphore, #tpu.memory_space<semaphore_mem>>
          %dma_start3A_77 = arith.constant 0 : i32
          %dma_start3A_78 = arith.constant 0 : i32
          %dma_start3A_79 = tpu.memref_slice %arg6[%arg0, %dma_start3A_77, %dma_start3A_78] : memref<2x10000x128xf32, #tpu.memory_space<hbm>> -> memref<1x10000x128xf32, #tpu.memory_space<hbm>>
          %dma_start3A_80 = tpu.memref_squeeze %dma_start3A_79 : memref<1x10000x128xf32, #tpu.memory_space<hbm>> -> memref<10000x128xf32, #tpu.memory_space<hbm>>
          %dma_start3A_81 = arith.constant 9480 : i32
          %dma_start3A_82 = arith.constant 0 : i32
          %dma_start3A_83 = tpu.memref_slice %dma_start3A_80[%dma_start3A_81, %dma_start3A_82] : memref<10000x128xf32, #tpu.memory_space<hbm>> -> memref<520x128xf32, #tpu.memory_space<hbm>>
          %dma_start3A_84 = arith.constant 9480 : i32
          %dma_start3A_85 = arith.constant 0 : i32
          %dma_start3A_86 = tpu.memref_slice %arg7[%dma_start3A_84, %dma_start3A_85] : memref<10000x128xf32, #tpu.memory_space<vmem_shared>> -> memref<520x128xf32, #tpu.memory_space<vmem_shared>>
          tpu.enqueue_dma source(%dma_start3A_86 : memref<520x128xf32, #tpu.memory_space<vmem_shared>>) target(%dma_start3A_83 : memref<520x128xf32, #tpu.memory_space<hbm>>) target_semaphore(%run_scoped3A_76 : memref<!tpu.dma_semaphore, #tpu.memory_space<semaphore_mem>>)
          %dma_wait3A_87 = arith.constant 0 : i32
          %dma_wait3A_88 = arith.constant 0 : i32
          %dma_wait3A_89 = tpu.memref_slice %arg6[%arg0, %dma_wait3A_87, %dma_wait3A_88] : memref<2x10000x128xf32, #tpu.memory_space<hbm>> -> memref<1x10000x128xf32, #tpu.memory_space<hbm>>
          %dma_wait3A_90 = tpu.memref_squeeze %dma_wait3A_89 : memref<1x10000x128xf32, #tpu.memory_space<hbm>> -> memref<10000x128xf32, #tpu.memory_space<hbm>>
          %dma_wait3A_91 = arith.constant 9480 : i32
          %dma_wait3A_92 = arith.constant 0 : i32
          %dma_wait3A_93 = tpu.memref_slice %dma_wait3A_90[%dma_wait3A_91, %dma_wait3A_92] : memref<10000x128xf32, #tpu.memory_space<hbm>> -> memref<520x128xf32, #tpu.memory_space<hbm>>
          %dma_wait3A_94 = arith.constant 9480 : i32
          %dma_wait3A_95 = arith.constant 0 : i32
          %dma_wait3A_96 = tpu.memref_slice %arg7[%dma_wait3A_94, %dma_wait3A_95] : memref<10000x128xf32, #tpu.memory_space<vmem_shared>> -> memref<520x128xf32, #tpu.memory_space<vmem_shared>>
          tpu.wait_dma2 semaphore(%run_scoped3A_76 : memref<!tpu.dma_semaphore, #tpu.memory_space<semaphore_mem>>) src(%dma_wait3A_96 : memref<520x128xf32, #tpu.memory_space<vmem_shared>>) dst(%dma_wait3A_93 : memref<520x128xf32, #tpu.memory_space<hbm>>)
          tpu.yield
        }) : () -> ()
      } else {
      }
      tpu.yield
    }) : () -> ()
    return
  }
}

#map = affine_map<(d0, d1) -> (0, 0)>
#map1 = affine_map<(d0, d1) -> (0)>
#map2 = affine_map<(d0, d1) -> (0, 0, 0)>
module attributes {stable_mosaic.version = 14 : i64} {
  func.func @_sc_edge_agg(%arg0: i32, %arg1: i32, %arg2: memref<10000x128xf32, #tpu.memory_space<hbm>>, %arg3: memref<320000xi32, #tpu.memory_space<hbm>>, %arg4: memref<32x125x80xi32, #tpu.memory_space<hbm>>, %arg5: memref<10000x128xf32, #tpu.memory_space<hbm>>, %arg6: memref<2x10000x128xf32, #tpu.memory_space<hbm>>, %arg7: memref<10000x128xf32, #tpu.memory_space<vmem_shared>>, %arg8: memref<!tpu.dma_semaphore, #tpu.memory_space<semaphore_mem>>, %arg9: memref<!tpu.dma_semaphore, #tpu.memory_space<semaphore_mem>>, %arg10: memref<!tpu.dma_semaphore, #tpu.memory_space<semaphore_mem>>, %arg11: memref<!tpu.dma_semaphore, #tpu.memory_space<semaphore_mem>>) attributes {dimension_semantics = [#tpu.dimension_semantics<core_parallel>, #tpu.dimension_semantics<subcore_parallel>], iteration_bounds = array<i64: 2, 16>, scalar_prefetch = 0 : i64, scratch_operands = 5 : i64, tpu.core_type = #tpu.core_type<sc_vector_subcore>, window_params = [{transform_indices = #map}, {transform_indices = #map1}, {transform_indices = #map2}, {transform_indices = #map}, {transform_indices = #map2}]} {
    %mul3A = arith.constant 16 : i32
    %mul3A_0 = arith.muli %arg0, %mul3A : i32
    %add3A = arith.addi %mul3A_0, %arg1 : i32
    "tpu.region"() ({
      %run_scoped3A = memref.alloca() : memref<10000xi32, #tpu.memory_space<vmem>>
      %run_scoped3A_1 = memref.alloca() : memref<125x80xi32, #tpu.memory_space<vmem>>
      %run_scoped3A_2 = memref.alloca() : memref<80x128xf32, #tpu.memory_space<vmem>>
      %run_scoped3A_3 = memref.alloca() : memref<80x128xf32, #tpu.memory_space<vmem>>
      %lt3A = arith.constant 15 : i32
      %lt3A_4 = arith.cmpi slt, %arg1, %lt3A : i32
      %convert_element_type3A = arith.extui %lt3A_4 : i1 to i32
      %cond3A = arith.constant 0 : i32
      %cond3A_5 = arith.cmpi ne, %convert_element_type3A, %cond3A : i32
      scf.if %cond3A_5 {
        %mul3A_76 = arith.constant 632 : i32
        %mul3A_77 = arith.muli %arg1, %mul3A_76 : i32
        %multiple_of3A_78 = tpu.assume_multiple %mul3A_77, 8 : i32
        "tpu.region"() ({
          %run_scoped3A_79 = tpu.sem_alloc : memref<!tpu.dma_semaphore, #tpu.memory_space<semaphore_mem>>
          %dma_start3A_80 = arith.constant 0 : i32
          %dma_start3A_81 = tpu.memref_slice %arg7[%multiple_of3A_78, %dma_start3A_80] : memref<10000x128xf32, #tpu.memory_space<vmem_shared>> -> memref<632x128xf32, #tpu.memory_space<vmem_shared>>
          %dma_start3A_82 = arith.constant 0 : i32
          %dma_start3A_83 = tpu.memref_slice %arg5[%multiple_of3A_78, %dma_start3A_82] : memref<10000x128xf32, #tpu.memory_space<hbm>> -> memref<632x128xf32, #tpu.memory_space<hbm>>
          tpu.enqueue_dma source(%dma_start3A_83 : memref<632x128xf32, #tpu.memory_space<hbm>>) target(%dma_start3A_81 : memref<632x128xf32, #tpu.memory_space<vmem_shared>>) target_semaphore(%run_scoped3A_79 : memref<!tpu.dma_semaphore, #tpu.memory_space<semaphore_mem>>)
          %dma_wait3A_84 = arith.constant 0 : i32
          %dma_wait3A_85 = tpu.memref_slice %arg7[%multiple_of3A_78, %dma_wait3A_84] : memref<10000x128xf32, #tpu.memory_space<vmem_shared>> -> memref<632x128xf32, #tpu.memory_space<vmem_shared>>
          %dma_wait3A_86 = arith.constant 0 : i32
          %dma_wait3A_87 = tpu.memref_slice %arg5[%multiple_of3A_78, %dma_wait3A_86] : memref<10000x128xf32, #tpu.memory_space<hbm>> -> memref<632x128xf32, #tpu.memory_space<hbm>>
          tpu.wait_dma2 semaphore(%run_scoped3A_79 : memref<!tpu.dma_semaphore, #tpu.memory_space<semaphore_mem>>) src(%dma_wait3A_87 : memref<632x128xf32, #tpu.memory_space<hbm>>) dst(%dma_wait3A_85 : memref<632x128xf32, #tpu.memory_space<vmem_shared>>)
          tpu.yield
        }) : () -> ()
      } else {
      }
      %eq3A = arith.constant 15 : i32
      %eq3A_6 = arith.cmpi eq, %arg1, %eq3A : i32
      %convert_element_type3A_7 = arith.extui %eq3A_6 : i1 to i32
      %cond3A_8 = arith.constant 0 : i32
      %cond3A_9 = arith.cmpi ne, %convert_element_type3A_7, %cond3A_8 : i32
      scf.if %cond3A_9 {
        "tpu.region"() ({
          %run_scoped3A_76 = tpu.sem_alloc : memref<!tpu.dma_semaphore, #tpu.memory_space<semaphore_mem>>
          %dma_start3A_77 = arith.constant 9480 : i32
          %dma_start3A_78 = arith.constant 0 : i32
          %dma_start3A_79 = tpu.memref_slice %arg7[%dma_start3A_77, %dma_start3A_78] : memref<10000x128xf32, #tpu.memory_space<vmem_shared>> -> memref<520x128xf32, #tpu.memory_space<vmem_shared>>
          %dma_start3A_80 = arith.constant 9480 : i32
          %dma_start3A_81 = arith.constant 0 : i32
          %dma_start3A_82 = tpu.memref_slice %arg5[%dma_start3A_80, %dma_start3A_81] : memref<10000x128xf32, #tpu.memory_space<hbm>> -> memref<520x128xf32, #tpu.memory_space<hbm>>
          tpu.enqueue_dma source(%dma_start3A_82 : memref<520x128xf32, #tpu.memory_space<hbm>>) target(%dma_start3A_79 : memref<520x128xf32, #tpu.memory_space<vmem_shared>>) target_semaphore(%run_scoped3A_76 : memref<!tpu.dma_semaphore, #tpu.memory_space<semaphore_mem>>)
          %dma_wait3A_83 = arith.constant 9480 : i32
          %dma_wait3A_84 = arith.constant 0 : i32
          %dma_wait3A_85 = tpu.memref_slice %arg7[%dma_wait3A_83, %dma_wait3A_84] : memref<10000x128xf32, #tpu.memory_space<vmem_shared>> -> memref<520x128xf32, #tpu.memory_space<vmem_shared>>
          %dma_wait3A_86 = arith.constant 9480 : i32
          %dma_wait3A_87 = arith.constant 0 : i32
          %dma_wait3A_88 = tpu.memref_slice %arg5[%dma_wait3A_86, %dma_wait3A_87] : memref<10000x128xf32, #tpu.memory_space<hbm>> -> memref<520x128xf32, #tpu.memory_space<hbm>>
          tpu.wait_dma2 semaphore(%run_scoped3A_76 : memref<!tpu.dma_semaphore, #tpu.memory_space<semaphore_mem>>) src(%dma_wait3A_88 : memref<520x128xf32, #tpu.memory_space<hbm>>) dst(%dma_wait3A_85 : memref<520x128xf32, #tpu.memory_space<vmem_shared>>)
          tpu.yield
        }) : () -> ()
      } else {
      }
      %mul3A_10 = arith.constant 10000 : i32
      %mul3A_11 = arith.muli %add3A, %mul3A_10 : i32
      %multiple_of3A = tpu.assume_multiple %mul3A_11, 8 : i32
      "tpu.region"() ({
        %run_scoped3A_76 = tpu.sem_alloc : memref<!tpu.dma_semaphore, #tpu.memory_space<semaphore_mem>>
        %dma_start3A_77 = tpu.memref_slice %arg3[%multiple_of3A] : memref<320000xi32, #tpu.memory_space<hbm>> -> memref<10000xi32, #tpu.memory_space<hbm>>
        %dma_start3A_78 = tpu.memref_slice %arg3[%multiple_of3A] : memref<320000xi32, #tpu.memory_space<hbm>> -> memref<10000xi32, #tpu.memory_space<hbm>>
        tpu.enqueue_dma source(%dma_start3A_78 : memref<10000xi32, #tpu.memory_space<hbm>>) target(%run_scoped3A : memref<10000xi32, #tpu.memory_space<vmem>>) target_semaphore(%run_scoped3A_76 : memref<!tpu.dma_semaphore, #tpu.memory_space<semaphore_mem>>)
        %dma_wait3A_79 = tpu.memref_slice %arg3[%multiple_of3A] : memref<320000xi32, #tpu.memory_space<hbm>> -> memref<10000xi32, #tpu.memory_space<hbm>>
        %dma_wait3A_80 = tpu.memref_slice %arg3[%multiple_of3A] : memref<320000xi32, #tpu.memory_space<hbm>> -> memref<10000xi32, #tpu.memory_space<hbm>>
        tpu.wait_dma2 semaphore(%run_scoped3A_76 : memref<!tpu.dma_semaphore, #tpu.memory_space<semaphore_mem>>) src(%dma_wait3A_80 : memref<10000xi32, #tpu.memory_space<hbm>>) dst(%run_scoped3A : memref<10000xi32, #tpu.memory_space<vmem>>)
        tpu.yield
      }) : () -> ()
      "tpu.region"() ({
        %run_scoped3A_76 = tpu.sem_alloc : memref<!tpu.dma_semaphore, #tpu.memory_space<semaphore_mem>>
        %dma_start3A_77 = arith.constant 0 : i32
        %dma_start3A_78 = arith.constant 0 : i32
        %dma_start3A_79 = tpu.memref_slice %arg4[%add3A, %dma_start3A_77, %dma_start3A_78] : memref<32x125x80xi32, #tpu.memory_space<hbm>> -> memref<1x125x80xi32, #tpu.memory_space<hbm>>
        %dma_start3A_80 = tpu.memref_squeeze %dma_start3A_79 : memref<1x125x80xi32, #tpu.memory_space<hbm>> -> memref<125x80xi32, #tpu.memory_space<hbm>>
        %dma_start3A_81 = arith.constant 0 : i32
        %dma_start3A_82 = arith.constant 0 : i32
        %dma_start3A_83 = tpu.memref_slice %arg4[%add3A, %dma_start3A_81, %dma_start3A_82] : memref<32x125x80xi32, #tpu.memory_space<hbm>> -> memref<1x125x80xi32, #tpu.memory_space<hbm>>
        %dma_start3A_84 = tpu.memref_squeeze %dma_start3A_83 : memref<1x125x80xi32, #tpu.memory_space<hbm>> -> memref<125x80xi32, #tpu.memory_space<hbm>>
        tpu.enqueue_dma source(%dma_start3A_84 : memref<125x80xi32, #tpu.memory_space<hbm>>) target(%run_scoped3A_1 : memref<125x80xi32, #tpu.memory_space<vmem>>) target_semaphore(%run_scoped3A_76 : memref<!tpu.dma_semaphore, #tpu.memory_space<semaphore_mem>>)
        %dma_wait3A_85 = arith.constant 0 : i32
        %dma_wait3A_86 = arith.constant 0 : i32
        %dma_wait3A_87 = tpu.memref_slice %arg4[%add3A, %dma_wait3A_85, %dma_wait3A_86] : memref<32x125x80xi32, #tpu.memory_space<hbm>> -> memref<1x125x80xi32, #tpu.memory_space<hbm>>
        %dma_wait3A_88 = tpu.memref_squeeze %dma_wait3A_87 : memref<1x125x80xi32, #tpu.memory_space<hbm>> -> memref<125x80xi32, #tpu.memory_space<hbm>>
        %dma_wait3A_89 = arith.constant 0 : i32
        %dma_wait3A_90 = arith.constant 0 : i32
        %dma_wait3A_91 = tpu.memref_slice %arg4[%add3A, %dma_wait3A_89, %dma_wait3A_90] : memref<32x125x80xi32, #tpu.memory_space<hbm>> -> memref<1x125x80xi32, #tpu.memory_space<hbm>>
        %dma_wait3A_92 = tpu.memref_squeeze %dma_wait3A_91 : memref<1x125x80xi32, #tpu.memory_space<hbm>> -> memref<125x80xi32, #tpu.memory_space<hbm>>
        tpu.wait_dma2 semaphore(%run_scoped3A_76 : memref<!tpu.dma_semaphore, #tpu.memory_space<semaphore_mem>>) src(%dma_wait3A_92 : memref<125x80xi32, #tpu.memory_space<hbm>>) dst(%run_scoped3A_1 : memref<125x80xi32, #tpu.memory_space<vmem>>)
        tpu.yield
      }) : () -> ()
      %barrier3A = arith.constant 0 : index
      tpu.barrier barrier_id(%barrier3A)
      %multiple_of3A_12 = arith.constant 0 : i32
      %multiple_of3A_13 = tpu.assume_multiple %multiple_of3A_12, 8 : i32
      %dma_start3A = tpu.memref_slice %run_scoped3A[%multiple_of3A_13] : memref<10000xi32, #tpu.memory_space<vmem>> -> memref<80xi32, #tpu.memory_space<vmem>>
      %dma_start3A_14 = arith.constant 0 : i32
      %dma_start3A_15 = arith.constant 0 : i32
      %dma_start3A_16 = tpu.memref_slice %arg2[%dma_start3A_14, %dma_start3A_15] : memref<10000x128xf32, #tpu.memory_space<hbm>> -> memref<10000x128xf32, #tpu.memory_space<hbm>>
      tpu.enqueue_indirect_dma source(%dma_start3A_16 : memref<10000x128xf32, #tpu.memory_space<hbm>>) target(%run_scoped3A_2 : memref<80x128xf32, #tpu.memory_space<vmem>>) offsets(%dma_start3A : memref<80xi32, #tpu.memory_space<vmem>>) semaphore(%arg8 : memref<!tpu.dma_semaphore, #tpu.memory_space<semaphore_mem>>)
      %scan3A = arith.constant 0 : i32
      %scan3A_17 = arith.constant 0 : i32
      %scan3A_18 = arith.constant 62 : i32
      %scan3A_19 = arith.addi %scan3A_17, %scan3A_18 : i32
      %scan3A_20 = arith.constant 1 : i32
      scf.for %scan3A_76 = %scan3A_17 to %scan3A_19 step %scan3A_20  : i32 {
        %mul3A_77 = arith.constant 2 : i32
        %mul3A_78 = arith.muli %scan3A_76, %mul3A_77 : i32
        %add3A_79 = arith.constant 0 : i32
        %add3A_80 = arith.addi %mul3A_78, %add3A_79 : i32
        %add3A_81 = arith.constant 1 : i32
        %add3A_82 = arith.addi %add3A_80, %add3A_81 : i32
        %ge3A_83 = arith.constant 1 : i32
        %ge3A_84 = arith.cmpi sge, %add3A_80, %ge3A_83 : i32
        %lt3A_85 = arith.constant 125 : i32
        %lt3A_86 = arith.cmpi slt, %add3A_82, %lt3A_85 : i32
        %and3A_87 = arith.andi %ge3A_84, %lt3A_86 : i1
        %convert_element_type3A_88 = arith.extui %and3A_87 : i1 to i32
        %cond3A_89 = arith.constant 0 : i32
        %cond3A_90 = arith.cmpi ne, %convert_element_type3A_88, %cond3A_89 : i32
        scf.if %cond3A_90 {
          %sub3A = arith.constant 2 : i32
          %sub3A_141 = arith.subi %add3A_82, %sub3A : i32
          %dma_wait3A_142 = arith.constant 0 : i32
          %dma_wait3A_143 = tpu.memref_slice %run_scoped3A_1[%sub3A_141, %dma_wait3A_142] : memref<125x80xi32, #tpu.memory_space<vmem>> -> memref<1x80xi32, #tpu.memory_space<vmem>>
          %dma_wait3A_144 = tpu.memref_squeeze %dma_wait3A_143 : memref<1x80xi32, #tpu.memory_space<vmem>> -> memref<80xi32, #tpu.memory_space<vmem>>
          %dma_wait3A_145 = arith.constant 0 : i32
          %dma_wait3A_146 = arith.constant 0 : i32
          %dma_wait3A_147 = tpu.memref_slice %arg7[%dma_wait3A_145, %dma_wait3A_146] : memref<10000x128xf32, #tpu.memory_space<vmem_shared>> -> memref<10000x128xf32, #tpu.memory_space<vmem_shared>>
          tpu.wait_indirect_dma semaphore(%arg11 : memref<!tpu.dma_semaphore, #tpu.memory_space<semaphore_mem>>) src(%run_scoped3A_3 : memref<80x128xf32, #tpu.memory_space<vmem>>) dst(%dma_wait3A_147 : memref<10000x128xf32, #tpu.memory_space<vmem_shared>>)
        } else {
        }
        %lt3A_91 = arith.constant 125 : i32
        %lt3A_92 = arith.cmpi slt, %add3A_82, %lt3A_91 : i32
        %convert_element_type3A_93 = arith.extui %lt3A_92 : i1 to i32
        %cond3A_94 = arith.constant 0 : i32
        %cond3A_95 = arith.cmpi ne, %convert_element_type3A_93, %cond3A_94 : i32
        scf.if %cond3A_95 {
          %mul3A_141 = arith.constant 80 : i32
          %mul3A_142 = arith.muli %add3A_82, %mul3A_141 : i32
          %multiple_of3A_143 = tpu.assume_multiple %mul3A_142, 8 : i32
          %dma_start3A_144 = tpu.memref_slice %run_scoped3A[%multiple_of3A_143] : memref<10000xi32, #tpu.memory_space<vmem>> -> memref<80xi32, #tpu.memory_space<vmem>>
          %dma_start3A_145 = arith.constant 0 : i32
          %dma_start3A_146 = arith.constant 0 : i32
          %dma_start3A_147 = tpu.memref_slice %arg2[%dma_start3A_145, %dma_start3A_146] : memref<10000x128xf32, #tpu.memory_space<hbm>> -> memref<10000x128xf32, #tpu.memory_space<hbm>>
          tpu.enqueue_indirect_dma source(%dma_start3A_147 : memref<10000x128xf32, #tpu.memory_space<hbm>>) target(%run_scoped3A_3 : memref<80x128xf32, #tpu.memory_space<vmem>>) offsets(%dma_start3A_144 : memref<80xi32, #tpu.memory_space<vmem>>) semaphore(%arg9 : memref<!tpu.dma_semaphore, #tpu.memory_space<semaphore_mem>>)
        } else {
        }
        %mul3A_96 = arith.constant 80 : i32
        %mul3A_97 = arith.muli %add3A_80, %mul3A_96 : i32
        %multiple_of3A_98 = tpu.assume_multiple %mul3A_97, 8 : i32
        %dma_wait3A_99 = tpu.memref_slice %run_scoped3A[%multiple_of3A_98] : memref<10000xi32, #tpu.memory_space<vmem>> -> memref<80xi32, #tpu.memory_space<vmem>>
        %dma_wait3A_100 = arith.constant 0 : i32
        %dma_wait3A_101 = arith.constant 0 : i32
        %dma_wait3A_102 = tpu.memref_slice %arg2[%dma_wait3A_100, %dma_wait3A_101] : memref<10000x128xf32, #tpu.memory_space<hbm>> -> memref<10000x128xf32, #tpu.memory_space<hbm>>
        tpu.wait_indirect_dma semaphore(%arg8 : memref<!tpu.dma_semaphore, #tpu.memory_space<semaphore_mem>>) src(%dma_wait3A_102 : memref<10000x128xf32, #tpu.memory_space<hbm>>) dst(%run_scoped3A_2 : memref<80x128xf32, #tpu.memory_space<vmem>>)
        %dma_start3A_103 = arith.constant 0 : i32
        %dma_start3A_104 = tpu.memref_slice %run_scoped3A_1[%add3A_80, %dma_start3A_103] : memref<125x80xi32, #tpu.memory_space<vmem>> -> memref<1x80xi32, #tpu.memory_space<vmem>>
        %dma_start3A_105 = tpu.memref_squeeze %dma_start3A_104 : memref<1x80xi32, #tpu.memory_space<vmem>> -> memref<80xi32, #tpu.memory_space<vmem>>
        %dma_start3A_106 = arith.constant 0 : i32
        %dma_start3A_107 = arith.constant 0 : i32
        %dma_start3A_108 = tpu.memref_slice %arg7[%dma_start3A_106, %dma_start3A_107] : memref<10000x128xf32, #tpu.memory_space<vmem_shared>> -> memref<10000x128xf32, #tpu.memory_space<vmem_shared>>
        tpu.enqueue_indirect_dma source(%run_scoped3A_2 : memref<80x128xf32, #tpu.memory_space<vmem>>) target(%dma_start3A_108 : memref<10000x128xf32, #tpu.memory_space<vmem_shared>>) offsets(%dma_start3A_105 : memref<80xi32, #tpu.memory_space<vmem>>) semaphore(%arg10 : memref<!tpu.dma_semaphore, #tpu.memory_space<semaphore_mem>>) {add = true}
        %mul3A_109 = arith.constant 2 : i32
        %mul3A_110 = arith.muli %scan3A_76, %mul3A_109 : i32
        %add3A_111 = arith.constant 1 : i32
        %add3A_112 = arith.addi %mul3A_110, %add3A_111 : i32
        %add3A_113 = arith.constant 1 : i32
        %add3A_114 = arith.addi %add3A_112, %add3A_113 : i32
        %ge3A_115 = arith.constant 1 : i32
        %ge3A_116 = arith.cmpi sge, %add3A_112, %ge3A_115 : i32
        %lt3A_117 = arith.constant 125 : i32
        %lt3A_118 = arith.cmpi slt, %add3A_114, %lt3A_117 : i32
        %and3A_119 = arith.andi %ge3A_116, %lt3A_118 : i1
        %convert_element_type3A_120 = arith.extui %and3A_119 : i1 to i32
        %cond3A_121 = arith.constant 0 : i32
        %cond3A_122 = arith.cmpi ne, %convert_element_type3A_120, %cond3A_121 : i32
        scf.if %cond3A_122 {
          %sub3A = arith.constant 2 : i32
          %sub3A_141 = arith.subi %add3A_114, %sub3A : i32
          %dma_wait3A_142 = arith.constant 0 : i32
          %dma_wait3A_143 = tpu.memref_slice %run_scoped3A_1[%sub3A_141, %dma_wait3A_142] : memref<125x80xi32, #tpu.memory_space<vmem>> -> memref<1x80xi32, #tpu.memory_space<vmem>>
          %dma_wait3A_144 = tpu.memref_squeeze %dma_wait3A_143 : memref<1x80xi32, #tpu.memory_space<vmem>> -> memref<80xi32, #tpu.memory_space<vmem>>
          %dma_wait3A_145 = arith.constant 0 : i32
          %dma_wait3A_146 = arith.constant 0 : i32
          %dma_wait3A_147 = tpu.memref_slice %arg7[%dma_wait3A_145, %dma_wait3A_146] : memref<10000x128xf32, #tpu.memory_space<vmem_shared>> -> memref<10000x128xf32, #tpu.memory_space<vmem_shared>>
          tpu.wait_indirect_dma semaphore(%arg10 : memref<!tpu.dma_semaphore, #tpu.memory_space<semaphore_mem>>) src(%run_scoped3A_2 : memref<80x128xf32, #tpu.memory_space<vmem>>) dst(%dma_wait3A_147 : memref<10000x128xf32, #tpu.memory_space<vmem_shared>>)
        } else {
        }
        %lt3A_123 = arith.constant 125 : i32
        %lt3A_124 = arith.cmpi slt, %add3A_114, %lt3A_123 : i32
        %convert_element_type3A_125 = arith.extui %lt3A_124 : i1 to i32
        %cond3A_126 = arith.constant 0 : i32
        %cond3A_127 = arith.cmpi ne, %convert_element_type3A_125, %cond3A_126 : i32
        scf.if %cond3A_127 {
          %mul3A_141 = arith.constant 80 : i32
          %mul3A_142 = arith.muli %add3A_114, %mul3A_141 : i32
          %multiple_of3A_143 = tpu.assume_multiple %mul3A_142, 8 : i32
          %dma_start3A_144 = tpu.memref_slice %run_scoped3A[%multiple_of3A_143] : memref<10000xi32, #tpu.memory_space<vmem>> -> memref<80xi32, #tpu.memory_space<vmem>>
          %dma_start3A_145 = arith.constant 0 : i32
          %dma_start3A_146 = arith.constant 0 : i32
          %dma_start3A_147 = tpu.memref_slice %arg2[%dma_start3A_145, %dma_start3A_146] : memref<10000x128xf32, #tpu.memory_space<hbm>> -> memref<10000x128xf32, #tpu.memory_space<hbm>>
          tpu.enqueue_indirect_dma source(%dma_start3A_147 : memref<10000x128xf32, #tpu.memory_space<hbm>>) target(%run_scoped3A_2 : memref<80x128xf32, #tpu.memory_space<vmem>>) offsets(%dma_start3A_144 : memref<80xi32, #tpu.memory_space<vmem>>) semaphore(%arg8 : memref<!tpu.dma_semaphore, #tpu.memory_space<semaphore_mem>>)
        } else {
        }
        %mul3A_128 = arith.constant 80 : i32
        %mul3A_129 = arith.muli %add3A_112, %mul3A_128 : i32
        %multiple_of3A_130 = tpu.assume_multiple %mul3A_129, 8 : i32
        %dma_wait3A_131 = tpu.memref_slice %run_scoped3A[%multiple_of3A_130] : memref<10000xi32, #tpu.memory_space<vmem>> -> memref<80xi32, #tpu.memory_space<vmem>>
        %dma_wait3A_132 = arith.constant 0 : i32
        %dma_wait3A_133 = arith.constant 0 : i32
        %dma_wait3A_134 = tpu.memref_slice %arg2[%dma_wait3A_132, %dma_wait3A_133] : memref<10000x128xf32, #tpu.memory_space<hbm>> -> memref<10000x128xf32, #tpu.memory_space<hbm>>
        tpu.wait_indirect_dma semaphore(%arg9 : memref<!tpu.dma_semaphore, #tpu.memory_space<semaphore_mem>>) src(%dma_wait3A_134 : memref<10000x128xf32, #tpu.memory_space<hbm>>) dst(%run_scoped3A_3 : memref<80x128xf32, #tpu.memory_space<vmem>>)
        %dma_start3A_135 = arith.constant 0 : i32
        %dma_start3A_136 = tpu.memref_slice %run_scoped3A_1[%add3A_112, %dma_start3A_135] : memref<125x80xi32, #tpu.memory_space<vmem>> -> memref<1x80xi32, #tpu.memory_space<vmem>>
        %dma_start3A_137 = tpu.memref_squeeze %dma_start3A_136 : memref<1x80xi32, #tpu.memory_space<vmem>> -> memref<80xi32, #tpu.memory_space<vmem>>
        %dma_start3A_138 = arith.constant 0 : i32
        %dma_start3A_139 = arith.constant 0 : i32
        %dma_start3A_140 = tpu.memref_slice %arg7[%dma_start3A_138, %dma_start3A_139] : memref<10000x128xf32, #tpu.memory_space<vmem_shared>> -> memref<10000x128xf32, #tpu.memory_space<vmem_shared>>
        tpu.enqueue_indirect_dma source(%run_scoped3A_3 : memref<80x128xf32, #tpu.memory_space<vmem>>) target(%dma_start3A_140 : memref<10000x128xf32, #tpu.memory_space<vmem_shared>>) offsets(%dma_start3A_137 : memref<80xi32, #tpu.memory_space<vmem>>) semaphore(%arg11 : memref<!tpu.dma_semaphore, #tpu.memory_space<semaphore_mem>>) {add = true}
      }
      %scan3A_21 = arith.constant 62 : i32
      %add3A_22 = arith.constant 124 : i32
      %add3A_23 = arith.constant 1 : i32
      %add3A_24 = arith.addi %add3A_22, %add3A_23 : i32
      %ge3A = arith.constant 124 : i32
      %ge3A_25 = arith.constant 1 : i32
      %ge3A_26 = arith.cmpi sge, %ge3A, %ge3A_25 : i32
      %lt3A_27 = arith.constant 125 : i32
      %lt3A_28 = arith.cmpi slt, %add3A_24, %lt3A_27 : i32
      %and3A = arith.andi %ge3A_26, %lt3A_28 : i1
      %convert_element_type3A_29 = arith.extui %and3A : i1 to i32
      %cond3A_30 = arith.constant 0 : i32
      %cond3A_31 = arith.cmpi ne, %convert_element_type3A_29, %cond3A_30 : i32
      scf.if %cond3A_31 {
        %sub3A = arith.constant 2 : i32
        %sub3A_76 = arith.subi %add3A_24, %sub3A : i32
        %dma_wait3A_77 = arith.constant 0 : i32
        %dma_wait3A_78 = tpu.memref_slice %run_scoped3A_1[%sub3A_76, %dma_wait3A_77] : memref<125x80xi32, #tpu.memory_space<vmem>> -> memref<1x80xi32, #tpu.memory_space<vmem>>
        %dma_wait3A_79 = tpu.memref_squeeze %dma_wait3A_78 : memref<1x80xi32, #tpu.memory_space<vmem>> -> memref<80xi32, #tpu.memory_space<vmem>>
        %dma_wait3A_80 = arith.constant 0 : i32
        %dma_wait3A_81 = arith.constant 0 : i32
        %dma_wait3A_82 = tpu.memref_slice %arg7[%dma_wait3A_80, %dma_wait3A_81] : memref<10000x128xf32, #tpu.memory_space<vmem_shared>> -> memref<10000x128xf32, #tpu.memory_space<vmem_shared>>
        tpu.wait_indirect_dma semaphore(%arg11 : memref<!tpu.dma_semaphore, #tpu.memory_space<semaphore_mem>>) src(%run_scoped3A_3 : memref<80x128xf32, #tpu.memory_space<vmem>>) dst(%dma_wait3A_82 : memref<10000x128xf32, #tpu.memory_space<vmem_shared>>)
      } else {
      }
      %lt3A_32 = arith.constant 125 : i32
      %lt3A_33 = arith.cmpi slt, %add3A_24, %lt3A_32 : i32
      %convert_element_type3A_34 = arith.extui %lt3A_33 : i1 to i32
      %cond3A_35 = arith.constant 0 : i32
      %cond3A_36 = arith.cmpi ne, %convert_element_type3A_34, %cond3A_35 : i32
      scf.if %cond3A_36 {
        %mul3A_76 = arith.constant 80 : i32
        %mul3A_77 = arith.muli %add3A_24, %mul3A_76 : i32
        %multiple_of3A_78 = tpu.assume_multiple %mul3A_77, 8 : i32
        %dma_start3A_79 = tpu.memref_slice %run_scoped3A[%multiple_of3A_78] : memref<10000xi32, #tpu.memory_space<vmem>> -> memref<80xi32, #tpu.memory_space<vmem>>
        %dma_start3A_80 = arith.constant 0 : i32
        %dma_start3A_81 = arith.constant 0 : i32
        %dma_start3A_82 = tpu.memref_slice %arg2[%dma_start3A_80, %dma_start3A_81] : memref<10000x128xf32, #tpu.memory_space<hbm>> -> memref<10000x128xf32, #tpu.memory_space<hbm>>
        tpu.enqueue_indirect_dma source(%dma_start3A_82 : memref<10000x128xf32, #tpu.memory_space<hbm>>) target(%run_scoped3A_3 : memref<80x128xf32, #tpu.memory_space<vmem>>) offsets(%dma_start3A_79 : memref<80xi32, #tpu.memory_space<vmem>>) semaphore(%arg9 : memref<!tpu.dma_semaphore, #tpu.memory_space<semaphore_mem>>)
      } else {
      }
      %mul3A_37 = arith.constant 124 : i32
      %mul3A_38 = arith.constant 80 : i32
      %mul3A_39 = arith.muli %mul3A_37, %mul3A_38 : i32
      %multiple_of3A_40 = tpu.assume_multiple %mul3A_39, 8 : i32
      %dma_wait3A = tpu.memref_slice %run_scoped3A[%multiple_of3A_40] : memref<10000xi32, #tpu.memory_space<vmem>> -> memref<80xi32, #tpu.memory_space<vmem>>
      %dma_wait3A_41 = arith.constant 0 : i32
      %dma_wait3A_42 = arith.constant 0 : i32
      %dma_wait3A_43 = tpu.memref_slice %arg2[%dma_wait3A_41, %dma_wait3A_42] : memref<10000x128xf32, #tpu.memory_space<hbm>> -> memref<10000x128xf32, #tpu.memory_space<hbm>>
      tpu.wait_indirect_dma semaphore(%arg8 : memref<!tpu.dma_semaphore, #tpu.memory_space<semaphore_mem>>) src(%dma_wait3A_43 : memref<10000x128xf32, #tpu.memory_space<hbm>>) dst(%run_scoped3A_2 : memref<80x128xf32, #tpu.memory_space<vmem>>)
      %dma_start3A_44 = arith.constant 124 : i32
      %dma_start3A_45 = arith.constant 0 : i32
      %dma_start3A_46 = tpu.memref_slice %run_scoped3A_1[%dma_start3A_44, %dma_start3A_45] : memref<125x80xi32, #tpu.memory_space<vmem>> -> memref<1x80xi32, #tpu.memory_space<vmem>>
      %dma_start3A_47 = tpu.memref_squeeze %dma_start3A_46 : memref<1x80xi32, #tpu.memory_space<vmem>> -> memref<80xi32, #tpu.memory_space<vmem>>
      %dma_start3A_48 = arith.constant 0 : i32
      %dma_start3A_49 = arith.constant 0 : i32
      %dma_start3A_50 = tpu.memref_slice %arg7[%dma_start3A_48, %dma_start3A_49] : memref<10000x128xf32, #tpu.memory_space<vmem_shared>> -> memref<10000x128xf32, #tpu.memory_space<vmem_shared>>
      tpu.enqueue_indirect_dma source(%run_scoped3A_2 : memref<80x128xf32, #tpu.memory_space<vmem>>) target(%dma_start3A_50 : memref<10000x128xf32, #tpu.memory_space<vmem_shared>>) offsets(%dma_start3A_47 : memref<80xi32, #tpu.memory_space<vmem>>) semaphore(%arg10 : memref<!tpu.dma_semaphore, #tpu.memory_space<semaphore_mem>>) {add = true}
      %dma_wait3A_51 = arith.constant 123 : i32
      %dma_wait3A_52 = arith.constant 0 : i32
      %dma_wait3A_53 = tpu.memref_slice %run_scoped3A_1[%dma_wait3A_51, %dma_wait3A_52] : memref<125x80xi32, #tpu.memory_space<vmem>> -> memref<1x80xi32, #tpu.memory_space<vmem>>
      %dma_wait3A_54 = tpu.memref_squeeze %dma_wait3A_53 : memref<1x80xi32, #tpu.memory_space<vmem>> -> memref<80xi32, #tpu.memory_space<vmem>>
      %dma_wait3A_55 = arith.constant 0 : i32
      %dma_wait3A_56 = arith.constant 0 : i32
      %dma_wait3A_57 = tpu.memref_slice %arg7[%dma_wait3A_55, %dma_wait3A_56] : memref<10000x128xf32, #tpu.memory_space<vmem_shared>> -> memref<10000x128xf32, #tpu.memory_space<vmem_shared>>
      tpu.wait_indirect_dma semaphore(%arg11 : memref<!tpu.dma_semaphore, #tpu.memory_space<semaphore_mem>>) src(%run_scoped3A_3 : memref<80x128xf32, #tpu.memory_space<vmem>>) dst(%dma_wait3A_57 : memref<10000x128xf32, #tpu.memory_space<vmem_shared>>)
      %dma_wait3A_58 = arith.constant 124 : i32
      %dma_wait3A_59 = arith.constant 0 : i32
      %dma_wait3A_60 = tpu.memref_slice %run_scoped3A_1[%dma_wait3A_58, %dma_wait3A_59] : memref<125x80xi32, #tpu.memory_space<vmem>> -> memref<1x80xi32, #tpu.memory_space<vmem>>
      %dma_wait3A_61 = tpu.memref_squeeze %dma_wait3A_60 : memref<1x80xi32, #tpu.memory_space<vmem>> -> memref<80xi32, #tpu.memory_space<vmem>>
      %dma_wait3A_62 = arith.constant 0 : i32
      %dma_wait3A_63 = arith.constant 0 : i32
      %dma_wait3A_64 = tpu.memref_slice %arg7[%dma_wait3A_62, %dma_wait3A_63] : memref<10000x128xf32, #tpu.memory_space<vmem_shared>> -> memref<10000x128xf32, #tpu.memory_space<vmem_shared>>
      tpu.wait_indirect_dma semaphore(%arg10 : memref<!tpu.dma_semaphore, #tpu.memory_space<semaphore_mem>>) src(%run_scoped3A_2 : memref<80x128xf32, #tpu.memory_space<vmem>>) dst(%dma_wait3A_64 : memref<10000x128xf32, #tpu.memory_space<vmem_shared>>)
      %barrier3A_65 = arith.constant 0 : index
      tpu.barrier barrier_id(%barrier3A_65)
      %lt3A_66 = arith.constant 15 : i32
      %lt3A_67 = arith.cmpi slt, %arg1, %lt3A_66 : i32
      %convert_element_type3A_68 = arith.extui %lt3A_67 : i1 to i32
      %cond3A_69 = arith.constant 0 : i32
      %cond3A_70 = arith.cmpi ne, %convert_element_type3A_68, %cond3A_69 : i32
      scf.if %cond3A_70 {
        %mul3A_76 = arith.constant 632 : i32
        %mul3A_77 = arith.muli %arg1, %mul3A_76 : i32
        %multiple_of3A_78 = tpu.assume_multiple %mul3A_77, 8 : i32
        "tpu.region"() ({
          %run_scoped3A_79 = tpu.sem_alloc : memref<!tpu.dma_semaphore, #tpu.memory_space<semaphore_mem>>
          %dma_start3A_80 = arith.constant 0 : i32
          %dma_start3A_81 = arith.constant 0 : i32
          %dma_start3A_82 = tpu.memref_slice %arg6[%arg0, %dma_start3A_80, %dma_start3A_81] : memref<2x10000x128xf32, #tpu.memory_space<hbm>> -> memref<1x10000x128xf32, #tpu.memory_space<hbm>>
          %dma_start3A_83 = tpu.memref_squeeze %dma_start3A_82 : memref<1x10000x128xf32, #tpu.memory_space<hbm>> -> memref<10000x128xf32, #tpu.memory_space<hbm>>
          %dma_start3A_84 = arith.constant 0 : i32
          %dma_start3A_85 = tpu.memref_slice %dma_start3A_83[%multiple_of3A_78, %dma_start3A_84] : memref<10000x128xf32, #tpu.memory_space<hbm>> -> memref<632x128xf32, #tpu.memory_space<hbm>>
          %dma_start3A_86 = arith.constant 0 : i32
          %dma_start3A_87 = tpu.memref_slice %arg7[%multiple_of3A_78, %dma_start3A_86] : memref<10000x128xf32, #tpu.memory_space<vmem_shared>> -> memref<632x128xf32, #tpu.memory_space<vmem_shared>>
          tpu.enqueue_dma source(%dma_start3A_87 : memref<632x128xf32, #tpu.memory_space<vmem_shared>>) target(%dma_start3A_85 : memref<632x128xf32, #tpu.memory_space<hbm>>) target_semaphore(%run_scoped3A_79 : memref<!tpu.dma_semaphore, #tpu.memory_space<semaphore_mem>>)
          %dma_wait3A_88 = arith.constant 0 : i32
          %dma_wait3A_89 = arith.constant 0 : i32
          %dma_wait3A_90 = tpu.memref_slice %arg6[%arg0, %dma_wait3A_88, %dma_wait3A_89] : memref<2x10000x128xf32, #tpu.memory_space<hbm>> -> memref<1x10000x128xf32, #tpu.memory_space<hbm>>
          %dma_wait3A_91 = tpu.memref_squeeze %dma_wait3A_90 : memref<1x10000x128xf32, #tpu.memory_space<hbm>> -> memref<10000x128xf32, #tpu.memory_space<hbm>>
          %dma_wait3A_92 = arith.constant 0 : i32
          %dma_wait3A_93 = tpu.memref_slice %dma_wait3A_91[%multiple_of3A_78, %dma_wait3A_92] : memref<10000x128xf32, #tpu.memory_space<hbm>> -> memref<632x128xf32, #tpu.memory_space<hbm>>
          %dma_wait3A_94 = arith.constant 0 : i32
          %dma_wait3A_95 = tpu.memref_slice %arg7[%multiple_of3A_78, %dma_wait3A_94] : memref<10000x128xf32, #tpu.memory_space<vmem_shared>> -> memref<632x128xf32, #tpu.memory_space<vmem_shared>>
          tpu.wait_dma2 semaphore(%run_scoped3A_79 : memref<!tpu.dma_semaphore, #tpu.memory_space<semaphore_mem>>) src(%dma_wait3A_95 : memref<632x128xf32, #tpu.memory_space<vmem_shared>>) dst(%dma_wait3A_93 : memref<632x128xf32, #tpu.memory_space<hbm>>)
          tpu.yield
        }) : () -> ()
      } else {
      }
      %eq3A_71 = arith.constant 15 : i32
      %eq3A_72 = arith.cmpi eq, %arg1, %eq3A_71 : i32
      %convert_element_type3A_73 = arith.extui %eq3A_72 : i1 to i32
      %cond3A_74 = arith.constant 0 : i32
      %cond3A_75 = arith.cmpi ne, %convert_element_type3A_73, %cond3A_74 : i32
      scf.if %cond3A_75 {
        "tpu.region"() ({
          %run_scoped3A_76 = tpu.sem_alloc : memref<!tpu.dma_semaphore, #tpu.memory_space<semaphore_mem>>
          %dma_start3A_77 = arith.constant 0 : i32
          %dma_start3A_78 = arith.constant 0 : i32
          %dma_start3A_79 = tpu.memref_slice %arg6[%arg0, %dma_start3A_77, %dma_start3A_78] : memref<2x10000x128xf32, #tpu.memory_space<hbm>> -> memref<1x10000x128xf32, #tpu.memory_space<hbm>>
          %dma_start3A_80 = tpu.memref_squeeze %dma_start3A_79 : memref<1x10000x128xf32, #tpu.memory_space<hbm>> -> memref<10000x128xf32, #tpu.memory_space<hbm>>
          %dma_start3A_81 = arith.constant 9480 : i32
          %dma_start3A_82 = arith.constant 0 : i32
          %dma_start3A_83 = tpu.memref_slice %dma_start3A_80[%dma_start3A_81, %dma_start3A_82] : memref<10000x128xf32, #tpu.memory_space<hbm>> -> memref<520x128xf32, #tpu.memory_space<hbm>>
          %dma_start3A_84 = arith.constant 9480 : i32
          %dma_start3A_85 = arith.constant 0 : i32
          %dma_start3A_86 = tpu.memref_slice %arg7[%dma_start3A_84, %dma_start3A_85] : memref<10000x128xf32, #tpu.memory_space<vmem_shared>> -> memref<520x128xf32, #tpu.memory_space<vmem_shared>>
          tpu.enqueue_dma source(%dma_start3A_86 : memref<520x128xf32, #tpu.memory_space<vmem_shared>>) target(%dma_start3A_83 : memref<520x128xf32, #tpu.memory_space<hbm>>) target_semaphore(%run_scoped3A_76 : memref<!tpu.dma_semaphore, #tpu.memory_space<semaphore_mem>>)
          %dma_wait3A_87 = arith.constant 0 : i32
          %dma_wait3A_88 = arith.constant 0 : i32
          %dma_wait3A_89 = tpu.memref_slice %arg6[%arg0, %dma_wait3A_87, %dma_wait3A_88] : memref<2x10000x128xf32, #tpu.memory_space<hbm>> -> memref<1x10000x128xf32, #tpu.memory_space<hbm>>
          %dma_wait3A_90 = tpu.memref_squeeze %dma_wait3A_89 : memref<1x10000x128xf32, #tpu.memory_space<hbm>> -> memref<10000x128xf32, #tpu.memory_space<hbm>>
          %dma_wait3A_91 = arith.constant 9480 : i32
          %dma_wait3A_92 = arith.constant 0 : i32
          %dma_wait3A_93 = tpu.memref_slice %dma_wait3A_90[%dma_wait3A_91, %dma_wait3A_92] : memref<10000x128xf32, #tpu.memory_space<hbm>> -> memref<520x128xf32, #tpu.memory_space<hbm>>
          %dma_wait3A_94 = arith.constant 9480 : i32
          %dma_wait3A_95 = arith.constant 0 : i32
          %dma_wait3A_96 = tpu.memref_slice %arg7[%dma_wait3A_94, %dma_wait3A_95] : memref<10000x128xf32, #tpu.memory_space<vmem_shared>> -> memref<520x128xf32, #tpu.memory_space<vmem_shared>>
          tpu.wait_dma2 semaphore(%run_scoped3A_76 : memref<!tpu.dma_semaphore, #tpu.memory_space<semaphore_mem>>) src(%dma_wait3A_96 : memref<520x128xf32, #tpu.memory_space<vmem_shared>>) dst(%dma_wait3A_93 : memref<520x128xf32, #tpu.memory_space<hbm>>)
          tpu.yield
        }) : () -> ()
      } else {
      }
      tpu.yield
    }) : () -> ()
    return
  }
}

#map = affine_map<(d0, d1) -> (0, 0)>
#map1 = affine_map<(d0, d1) -> (0)>
#map2 = affine_map<(d0, d1) -> (0, 0, 0)>
module attributes {stable_mosaic.version = 14 : i64} {
  func.func @_sc_edge_agg(%arg0: i32, %arg1: i32, %arg2: memref<10000x128xf32, #tpu.memory_space<hbm>>, %arg3: memref<320000xi32, #tpu.memory_space<hbm>>, %arg4: memref<32x125x80xi32, #tpu.memory_space<hbm>>, %arg5: memref<10000x128xf32, #tpu.memory_space<hbm>>, %arg6: memref<2x10000x128xf32, #tpu.memory_space<hbm>>, %arg7: memref<10000x128xf32, #tpu.memory_space<vmem_shared>>, %arg8: memref<!tpu.dma_semaphore, #tpu.memory_space<semaphore_mem>>, %arg9: memref<!tpu.dma_semaphore, #tpu.memory_space<semaphore_mem>>, %arg10: memref<!tpu.dma_semaphore, #tpu.memory_space<semaphore_mem>>, %arg11: memref<!tpu.dma_semaphore, #tpu.memory_space<semaphore_mem>>) attributes {dimension_semantics = [#tpu.dimension_semantics<core_parallel>, #tpu.dimension_semantics<subcore_parallel>], iteration_bounds = array<i64: 2, 16>, scalar_prefetch = 0 : i64, scratch_operands = 5 : i64, tpu.core_type = #tpu.core_type<sc_vector_subcore>, window_params = [{transform_indices = #map}, {transform_indices = #map1}, {transform_indices = #map2}, {transform_indices = #map}, {transform_indices = #map2}]} {
    %mul3A = arith.constant 16 : i32
    %mul3A_0 = arith.muli %arg0, %mul3A : i32
    %add3A = arith.addi %mul3A_0, %arg1 : i32
    "tpu.region"() ({
      %run_scoped3A = memref.alloca() : memref<10000xi32, #tpu.memory_space<vmem>>
      %run_scoped3A_1 = memref.alloca() : memref<125x80xi32, #tpu.memory_space<vmem>>
      %run_scoped3A_2 = memref.alloca() : memref<80x128xf32, #tpu.memory_space<vmem>>
      %run_scoped3A_3 = memref.alloca() : memref<80x128xf32, #tpu.memory_space<vmem>>
      %lt3A = arith.constant 15 : i32
      %lt3A_4 = arith.cmpi slt, %arg1, %lt3A : i32
      %convert_element_type3A = arith.extui %lt3A_4 : i1 to i32
      %cond3A = arith.constant 0 : i32
      %cond3A_5 = arith.cmpi ne, %convert_element_type3A, %cond3A : i32
      scf.if %cond3A_5 {
        %mul3A_76 = arith.constant 632 : i32
        %mul3A_77 = arith.muli %arg1, %mul3A_76 : i32
        %multiple_of3A_78 = tpu.assume_multiple %mul3A_77, 8 : i32
        "tpu.region"() ({
          %run_scoped3A_79 = tpu.sem_alloc : memref<!tpu.dma_semaphore, #tpu.memory_space<semaphore_mem>>
          %dma_start3A_80 = arith.constant 0 : i32
          %dma_start3A_81 = tpu.memref_slice %arg7[%multiple_of3A_78, %dma_start3A_80] : memref<10000x128xf32, #tpu.memory_space<vmem_shared>> -> memref<632x128xf32, #tpu.memory_space<vmem_shared>>
          %dma_start3A_82 = arith.constant 0 : i32
          %dma_start3A_83 = tpu.memref_slice %arg5[%multiple_of3A_78, %dma_start3A_82] : memref<10000x128xf32, #tpu.memory_space<hbm>> -> memref<632x128xf32, #tpu.memory_space<hbm>>
          tpu.enqueue_dma source(%dma_start3A_83 : memref<632x128xf32, #tpu.memory_space<hbm>>) target(%dma_start3A_81 : memref<632x128xf32, #tpu.memory_space<vmem_shared>>) target_semaphore(%run_scoped3A_79 : memref<!tpu.dma_semaphore, #tpu.memory_space<semaphore_mem>>)
          %dma_wait3A_84 = arith.constant 0 : i32
          %dma_wait3A_85 = tpu.memref_slice %arg7[%multiple_of3A_78, %dma_wait3A_84] : memref<10000x128xf32, #tpu.memory_space<vmem_shared>> -> memref<632x128xf32, #tpu.memory_space<vmem_shared>>
          %dma_wait3A_86 = arith.constant 0 : i32
          %dma_wait3A_87 = tpu.memref_slice %arg5[%multiple_of3A_78, %dma_wait3A_86] : memref<10000x128xf32, #tpu.memory_space<hbm>> -> memref<632x128xf32, #tpu.memory_space<hbm>>
          tpu.wait_dma2 semaphore(%run_scoped3A_79 : memref<!tpu.dma_semaphore, #tpu.memory_space<semaphore_mem>>) src(%dma_wait3A_87 : memref<632x128xf32, #tpu.memory_space<hbm>>) dst(%dma_wait3A_85 : memref<632x128xf32, #tpu.memory_space<vmem_shared>>)
          tpu.yield
        }) : () -> ()
      } else {
      }
      %eq3A = arith.constant 15 : i32
      %eq3A_6 = arith.cmpi eq, %arg1, %eq3A : i32
      %convert_element_type3A_7 = arith.extui %eq3A_6 : i1 to i32
      %cond3A_8 = arith.constant 0 : i32
      %cond3A_9 = arith.cmpi ne, %convert_element_type3A_7, %cond3A_8 : i32
      scf.if %cond3A_9 {
        "tpu.region"() ({
          %run_scoped3A_76 = tpu.sem_alloc : memref<!tpu.dma_semaphore, #tpu.memory_space<semaphore_mem>>
          %dma_start3A_77 = arith.constant 9480 : i32
          %dma_start3A_78 = arith.constant 0 : i32
          %dma_start3A_79 = tpu.memref_slice %arg7[%dma_start3A_77, %dma_start3A_78] : memref<10000x128xf32, #tpu.memory_space<vmem_shared>> -> memref<520x128xf32, #tpu.memory_space<vmem_shared>>
          %dma_start3A_80 = arith.constant 9480 : i32
          %dma_start3A_81 = arith.constant 0 : i32
          %dma_start3A_82 = tpu.memref_slice %arg5[%dma_start3A_80, %dma_start3A_81] : memref<10000x128xf32, #tpu.memory_space<hbm>> -> memref<520x128xf32, #tpu.memory_space<hbm>>
          tpu.enqueue_dma source(%dma_start3A_82 : memref<520x128xf32, #tpu.memory_space<hbm>>) target(%dma_start3A_79 : memref<520x128xf32, #tpu.memory_space<vmem_shared>>) target_semaphore(%run_scoped3A_76 : memref<!tpu.dma_semaphore, #tpu.memory_space<semaphore_mem>>)
          %dma_wait3A_83 = arith.constant 9480 : i32
          %dma_wait3A_84 = arith.constant 0 : i32
          %dma_wait3A_85 = tpu.memref_slice %arg7[%dma_wait3A_83, %dma_wait3A_84] : memref<10000x128xf32, #tpu.memory_space<vmem_shared>> -> memref<520x128xf32, #tpu.memory_space<vmem_shared>>
          %dma_wait3A_86 = arith.constant 9480 : i32
          %dma_wait3A_87 = arith.constant 0 : i32
          %dma_wait3A_88 = tpu.memref_slice %arg5[%dma_wait3A_86, %dma_wait3A_87] : memref<10000x128xf32, #tpu.memory_space<hbm>> -> memref<520x128xf32, #tpu.memory_space<hbm>>
          tpu.wait_dma2 semaphore(%run_scoped3A_76 : memref<!tpu.dma_semaphore, #tpu.memory_space<semaphore_mem>>) src(%dma_wait3A_88 : memref<520x128xf32, #tpu.memory_space<hbm>>) dst(%dma_wait3A_85 : memref<520x128xf32, #tpu.memory_space<vmem_shared>>)
          tpu.yield
        }) : () -> ()
      } else {
      }
      %mul3A_10 = arith.constant 10000 : i32
      %mul3A_11 = arith.muli %add3A, %mul3A_10 : i32
      %multiple_of3A = tpu.assume_multiple %mul3A_11, 8 : i32
      "tpu.region"() ({
        %run_scoped3A_76 = tpu.sem_alloc : memref<!tpu.dma_semaphore, #tpu.memory_space<semaphore_mem>>
        %dma_start3A_77 = tpu.memref_slice %arg3[%multiple_of3A] : memref<320000xi32, #tpu.memory_space<hbm>> -> memref<10000xi32, #tpu.memory_space<hbm>>
        %dma_start3A_78 = tpu.memref_slice %arg3[%multiple_of3A] : memref<320000xi32, #tpu.memory_space<hbm>> -> memref<10000xi32, #tpu.memory_space<hbm>>
        tpu.enqueue_dma source(%dma_start3A_78 : memref<10000xi32, #tpu.memory_space<hbm>>) target(%run_scoped3A : memref<10000xi32, #tpu.memory_space<vmem>>) target_semaphore(%run_scoped3A_76 : memref<!tpu.dma_semaphore, #tpu.memory_space<semaphore_mem>>)
        %dma_wait3A_79 = tpu.memref_slice %arg3[%multiple_of3A] : memref<320000xi32, #tpu.memory_space<hbm>> -> memref<10000xi32, #tpu.memory_space<hbm>>
        %dma_wait3A_80 = tpu.memref_slice %arg3[%multiple_of3A] : memref<320000xi32, #tpu.memory_space<hbm>> -> memref<10000xi32, #tpu.memory_space<hbm>>
        tpu.wait_dma2 semaphore(%run_scoped3A_76 : memref<!tpu.dma_semaphore, #tpu.memory_space<semaphore_mem>>) src(%dma_wait3A_80 : memref<10000xi32, #tpu.memory_space<hbm>>) dst(%run_scoped3A : memref<10000xi32, #tpu.memory_space<vmem>>)
        tpu.yield
      }) : () -> ()
      "tpu.region"() ({
        %run_scoped3A_76 = tpu.sem_alloc : memref<!tpu.dma_semaphore, #tpu.memory_space<semaphore_mem>>
        %dma_start3A_77 = arith.constant 0 : i32
        %dma_start3A_78 = arith.constant 0 : i32
        %dma_start3A_79 = tpu.memref_slice %arg4[%add3A, %dma_start3A_77, %dma_start3A_78] : memref<32x125x80xi32, #tpu.memory_space<hbm>> -> memref<1x125x80xi32, #tpu.memory_space<hbm>>
        %dma_start3A_80 = tpu.memref_squeeze %dma_start3A_79 : memref<1x125x80xi32, #tpu.memory_space<hbm>> -> memref<125x80xi32, #tpu.memory_space<hbm>>
        %dma_start3A_81 = arith.constant 0 : i32
        %dma_start3A_82 = arith.constant 0 : i32
        %dma_start3A_83 = tpu.memref_slice %arg4[%add3A, %dma_start3A_81, %dma_start3A_82] : memref<32x125x80xi32, #tpu.memory_space<hbm>> -> memref<1x125x80xi32, #tpu.memory_space<hbm>>
        %dma_start3A_84 = tpu.memref_squeeze %dma_start3A_83 : memref<1x125x80xi32, #tpu.memory_space<hbm>> -> memref<125x80xi32, #tpu.memory_space<hbm>>
        tpu.enqueue_dma source(%dma_start3A_84 : memref<125x80xi32, #tpu.memory_space<hbm>>) target(%run_scoped3A_1 : memref<125x80xi32, #tpu.memory_space<vmem>>) target_semaphore(%run_scoped3A_76 : memref<!tpu.dma_semaphore, #tpu.memory_space<semaphore_mem>>)
        %dma_wait3A_85 = arith.constant 0 : i32
        %dma_wait3A_86 = arith.constant 0 : i32
        %dma_wait3A_87 = tpu.memref_slice %arg4[%add3A, %dma_wait3A_85, %dma_wait3A_86] : memref<32x125x80xi32, #tpu.memory_space<hbm>> -> memref<1x125x80xi32, #tpu.memory_space<hbm>>
        %dma_wait3A_88 = tpu.memref_squeeze %dma_wait3A_87 : memref<1x125x80xi32, #tpu.memory_space<hbm>> -> memref<125x80xi32, #tpu.memory_space<hbm>>
        %dma_wait3A_89 = arith.constant 0 : i32
        %dma_wait3A_90 = arith.constant 0 : i32
        %dma_wait3A_91 = tpu.memref_slice %arg4[%add3A, %dma_wait3A_89, %dma_wait3A_90] : memref<32x125x80xi32, #tpu.memory_space<hbm>> -> memref<1x125x80xi32, #tpu.memory_space<hbm>>
        %dma_wait3A_92 = tpu.memref_squeeze %dma_wait3A_91 : memref<1x125x80xi32, #tpu.memory_space<hbm>> -> memref<125x80xi32, #tpu.memory_space<hbm>>
        tpu.wait_dma2 semaphore(%run_scoped3A_76 : memref<!tpu.dma_semaphore, #tpu.memory_space<semaphore_mem>>) src(%dma_wait3A_92 : memref<125x80xi32, #tpu.memory_space<hbm>>) dst(%run_scoped3A_1 : memref<125x80xi32, #tpu.memory_space<vmem>>)
        tpu.yield
      }) : () -> ()
      %barrier3A = arith.constant 0 : index
      tpu.barrier barrier_id(%barrier3A)
      %multiple_of3A_12 = arith.constant 0 : i32
      %multiple_of3A_13 = tpu.assume_multiple %multiple_of3A_12, 8 : i32
      %dma_start3A = tpu.memref_slice %run_scoped3A[%multiple_of3A_13] : memref<10000xi32, #tpu.memory_space<vmem>> -> memref<80xi32, #tpu.memory_space<vmem>>
      %dma_start3A_14 = arith.constant 0 : i32
      %dma_start3A_15 = arith.constant 0 : i32
      %dma_start3A_16 = tpu.memref_slice %arg2[%dma_start3A_14, %dma_start3A_15] : memref<10000x128xf32, #tpu.memory_space<hbm>> -> memref<10000x128xf32, #tpu.memory_space<hbm>>
      tpu.enqueue_indirect_dma source(%dma_start3A_16 : memref<10000x128xf32, #tpu.memory_space<hbm>>) target(%run_scoped3A_2 : memref<80x128xf32, #tpu.memory_space<vmem>>) offsets(%dma_start3A : memref<80xi32, #tpu.memory_space<vmem>>) semaphore(%arg8 : memref<!tpu.dma_semaphore, #tpu.memory_space<semaphore_mem>>)
      %scan3A = arith.constant 0 : i32
      %scan3A_17 = arith.constant 0 : i32
      %scan3A_18 = arith.constant 62 : i32
      %scan3A_19 = arith.addi %scan3A_17, %scan3A_18 : i32
      %scan3A_20 = arith.constant 1 : i32
      scf.for %scan3A_76 = %scan3A_17 to %scan3A_19 step %scan3A_20  : i32 {
        %mul3A_77 = arith.constant 2 : i32
        %mul3A_78 = arith.muli %scan3A_76, %mul3A_77 : i32
        %add3A_79 = arith.constant 0 : i32
        %add3A_80 = arith.addi %mul3A_78, %add3A_79 : i32
        %add3A_81 = arith.constant 1 : i32
        %add3A_82 = arith.addi %add3A_80, %add3A_81 : i32
        %ge3A_83 = arith.constant 1 : i32
        %ge3A_84 = arith.cmpi sge, %add3A_80, %ge3A_83 : i32
        %lt3A_85 = arith.constant 125 : i32
        %lt3A_86 = arith.cmpi slt, %add3A_82, %lt3A_85 : i32
        %and3A_87 = arith.andi %ge3A_84, %lt3A_86 : i1
        %convert_element_type3A_88 = arith.extui %and3A_87 : i1 to i32
        %cond3A_89 = arith.constant 0 : i32
        %cond3A_90 = arith.cmpi ne, %convert_element_type3A_88, %cond3A_89 : i32
        scf.if %cond3A_90 {
          %sub3A = arith.constant 2 : i32
          %sub3A_141 = arith.subi %add3A_82, %sub3A : i32
          %dma_wait3A_142 = arith.constant 0 : i32
          %dma_wait3A_143 = tpu.memref_slice %run_scoped3A_1[%sub3A_141, %dma_wait3A_142] : memref<125x80xi32, #tpu.memory_space<vmem>> -> memref<1x80xi32, #tpu.memory_space<vmem>>
          %dma_wait3A_144 = tpu.memref_squeeze %dma_wait3A_143 : memref<1x80xi32, #tpu.memory_space<vmem>> -> memref<80xi32, #tpu.memory_space<vmem>>
          %dma_wait3A_145 = arith.constant 0 : i32
          %dma_wait3A_146 = arith.constant 0 : i32
          %dma_wait3A_147 = tpu.memref_slice %arg7[%dma_wait3A_145, %dma_wait3A_146] : memref<10000x128xf32, #tpu.memory_space<vmem_shared>> -> memref<10000x128xf32, #tpu.memory_space<vmem_shared>>
          tpu.wait_indirect_dma semaphore(%arg11 : memref<!tpu.dma_semaphore, #tpu.memory_space<semaphore_mem>>) src(%run_scoped3A_3 : memref<80x128xf32, #tpu.memory_space<vmem>>) dst(%dma_wait3A_147 : memref<10000x128xf32, #tpu.memory_space<vmem_shared>>)
        } else {
        }
        %lt3A_91 = arith.constant 125 : i32
        %lt3A_92 = arith.cmpi slt, %add3A_82, %lt3A_91 : i32
        %convert_element_type3A_93 = arith.extui %lt3A_92 : i1 to i32
        %cond3A_94 = arith.constant 0 : i32
        %cond3A_95 = arith.cmpi ne, %convert_element_type3A_93, %cond3A_94 : i32
        scf.if %cond3A_95 {
          %mul3A_141 = arith.constant 80 : i32
          %mul3A_142 = arith.muli %add3A_82, %mul3A_141 : i32
          %multiple_of3A_143 = tpu.assume_multiple %mul3A_142, 8 : i32
          %dma_start3A_144 = tpu.memref_slice %run_scoped3A[%multiple_of3A_143] : memref<10000xi32, #tpu.memory_space<vmem>> -> memref<80xi32, #tpu.memory_space<vmem>>
          %dma_start3A_145 = arith.constant 0 : i32
          %dma_start3A_146 = arith.constant 0 : i32
          %dma_start3A_147 = tpu.memref_slice %arg2[%dma_start3A_145, %dma_start3A_146] : memref<10000x128xf32, #tpu.memory_space<hbm>> -> memref<10000x128xf32, #tpu.memory_space<hbm>>
          tpu.enqueue_indirect_dma source(%dma_start3A_147 : memref<10000x128xf32, #tpu.memory_space<hbm>>) target(%run_scoped3A_3 : memref<80x128xf32, #tpu.memory_space<vmem>>) offsets(%dma_start3A_144 : memref<80xi32, #tpu.memory_space<vmem>>) semaphore(%arg9 : memref<!tpu.dma_semaphore, #tpu.memory_space<semaphore_mem>>)
        } else {
        }
        %mul3A_96 = arith.constant 80 : i32
        %mul3A_97 = arith.muli %add3A_80, %mul3A_96 : i32
        %multiple_of3A_98 = tpu.assume_multiple %mul3A_97, 8 : i32
        %dma_wait3A_99 = tpu.memref_slice %run_scoped3A[%multiple_of3A_98] : memref<10000xi32, #tpu.memory_space<vmem>> -> memref<80xi32, #tpu.memory_space<vmem>>
        %dma_wait3A_100 = arith.constant 0 : i32
        %dma_wait3A_101 = arith.constant 0 : i32
        %dma_wait3A_102 = tpu.memref_slice %arg2[%dma_wait3A_100, %dma_wait3A_101] : memref<10000x128xf32, #tpu.memory_space<hbm>> -> memref<10000x128xf32, #tpu.memory_space<hbm>>
        tpu.wait_indirect_dma semaphore(%arg8 : memref<!tpu.dma_semaphore, #tpu.memory_space<semaphore_mem>>) src(%dma_wait3A_102 : memref<10000x128xf32, #tpu.memory_space<hbm>>) dst(%run_scoped3A_2 : memref<80x128xf32, #tpu.memory_space<vmem>>)
        %dma_start3A_103 = arith.constant 0 : i32
        %dma_start3A_104 = tpu.memref_slice %run_scoped3A_1[%add3A_80, %dma_start3A_103] : memref<125x80xi32, #tpu.memory_space<vmem>> -> memref<1x80xi32, #tpu.memory_space<vmem>>
        %dma_start3A_105 = tpu.memref_squeeze %dma_start3A_104 : memref<1x80xi32, #tpu.memory_space<vmem>> -> memref<80xi32, #tpu.memory_space<vmem>>
        %dma_start3A_106 = arith.constant 0 : i32
        %dma_start3A_107 = arith.constant 0 : i32
        %dma_start3A_108 = tpu.memref_slice %arg7[%dma_start3A_106, %dma_start3A_107] : memref<10000x128xf32, #tpu.memory_space<vmem_shared>> -> memref<10000x128xf32, #tpu.memory_space<vmem_shared>>
        tpu.enqueue_indirect_dma source(%run_scoped3A_2 : memref<80x128xf32, #tpu.memory_space<vmem>>) target(%dma_start3A_108 : memref<10000x128xf32, #tpu.memory_space<vmem_shared>>) offsets(%dma_start3A_105 : memref<80xi32, #tpu.memory_space<vmem>>) semaphore(%arg10 : memref<!tpu.dma_semaphore, #tpu.memory_space<semaphore_mem>>) {add = true}
        %mul3A_109 = arith.constant 2 : i32
        %mul3A_110 = arith.muli %scan3A_76, %mul3A_109 : i32
        %add3A_111 = arith.constant 1 : i32
        %add3A_112 = arith.addi %mul3A_110, %add3A_111 : i32
        %add3A_113 = arith.constant 1 : i32
        %add3A_114 = arith.addi %add3A_112, %add3A_113 : i32
        %ge3A_115 = arith.constant 1 : i32
        %ge3A_116 = arith.cmpi sge, %add3A_112, %ge3A_115 : i32
        %lt3A_117 = arith.constant 125 : i32
        %lt3A_118 = arith.cmpi slt, %add3A_114, %lt3A_117 : i32
        %and3A_119 = arith.andi %ge3A_116, %lt3A_118 : i1
        %convert_element_type3A_120 = arith.extui %and3A_119 : i1 to i32
        %cond3A_121 = arith.constant 0 : i32
        %cond3A_122 = arith.cmpi ne, %convert_element_type3A_120, %cond3A_121 : i32
        scf.if %cond3A_122 {
          %sub3A = arith.constant 2 : i32
          %sub3A_141 = arith.subi %add3A_114, %sub3A : i32
          %dma_wait3A_142 = arith.constant 0 : i32
          %dma_wait3A_143 = tpu.memref_slice %run_scoped3A_1[%sub3A_141, %dma_wait3A_142] : memref<125x80xi32, #tpu.memory_space<vmem>> -> memref<1x80xi32, #tpu.memory_space<vmem>>
          %dma_wait3A_144 = tpu.memref_squeeze %dma_wait3A_143 : memref<1x80xi32, #tpu.memory_space<vmem>> -> memref<80xi32, #tpu.memory_space<vmem>>
          %dma_wait3A_145 = arith.constant 0 : i32
          %dma_wait3A_146 = arith.constant 0 : i32
          %dma_wait3A_147 = tpu.memref_slice %arg7[%dma_wait3A_145, %dma_wait3A_146] : memref<10000x128xf32, #tpu.memory_space<vmem_shared>> -> memref<10000x128xf32, #tpu.memory_space<vmem_shared>>
          tpu.wait_indirect_dma semaphore(%arg10 : memref<!tpu.dma_semaphore, #tpu.memory_space<semaphore_mem>>) src(%run_scoped3A_2 : memref<80x128xf32, #tpu.memory_space<vmem>>) dst(%dma_wait3A_147 : memref<10000x128xf32, #tpu.memory_space<vmem_shared>>)
        } else {
        }
        %lt3A_123 = arith.constant 125 : i32
        %lt3A_124 = arith.cmpi slt, %add3A_114, %lt3A_123 : i32
        %convert_element_type3A_125 = arith.extui %lt3A_124 : i1 to i32
        %cond3A_126 = arith.constant 0 : i32
        %cond3A_127 = arith.cmpi ne, %convert_element_type3A_125, %cond3A_126 : i32
        scf.if %cond3A_127 {
          %mul3A_141 = arith.constant 80 : i32
          %mul3A_142 = arith.muli %add3A_114, %mul3A_141 : i32
          %multiple_of3A_143 = tpu.assume_multiple %mul3A_142, 8 : i32
          %dma_start3A_144 = tpu.memref_slice %run_scoped3A[%multiple_of3A_143] : memref<10000xi32, #tpu.memory_space<vmem>> -> memref<80xi32, #tpu.memory_space<vmem>>
          %dma_start3A_145 = arith.constant 0 : i32
          %dma_start3A_146 = arith.constant 0 : i32
          %dma_start3A_147 = tpu.memref_slice %arg2[%dma_start3A_145, %dma_start3A_146] : memref<10000x128xf32, #tpu.memory_space<hbm>> -> memref<10000x128xf32, #tpu.memory_space<hbm>>
          tpu.enqueue_indirect_dma source(%dma_start3A_147 : memref<10000x128xf32, #tpu.memory_space<hbm>>) target(%run_scoped3A_2 : memref<80x128xf32, #tpu.memory_space<vmem>>) offsets(%dma_start3A_144 : memref<80xi32, #tpu.memory_space<vmem>>) semaphore(%arg8 : memref<!tpu.dma_semaphore, #tpu.memory_space<semaphore_mem>>)
        } else {
        }
        %mul3A_128 = arith.constant 80 : i32
        %mul3A_129 = arith.muli %add3A_112, %mul3A_128 : i32
        %multiple_of3A_130 = tpu.assume_multiple %mul3A_129, 8 : i32
        %dma_wait3A_131 = tpu.memref_slice %run_scoped3A[%multiple_of3A_130] : memref<10000xi32, #tpu.memory_space<vmem>> -> memref<80xi32, #tpu.memory_space<vmem>>
        %dma_wait3A_132 = arith.constant 0 : i32
        %dma_wait3A_133 = arith.constant 0 : i32
        %dma_wait3A_134 = tpu.memref_slice %arg2[%dma_wait3A_132, %dma_wait3A_133] : memref<10000x128xf32, #tpu.memory_space<hbm>> -> memref<10000x128xf32, #tpu.memory_space<hbm>>
        tpu.wait_indirect_dma semaphore(%arg9 : memref<!tpu.dma_semaphore, #tpu.memory_space<semaphore_mem>>) src(%dma_wait3A_134 : memref<10000x128xf32, #tpu.memory_space<hbm>>) dst(%run_scoped3A_3 : memref<80x128xf32, #tpu.memory_space<vmem>>)
        %dma_start3A_135 = arith.constant 0 : i32
        %dma_start3A_136 = tpu.memref_slice %run_scoped3A_1[%add3A_112, %dma_start3A_135] : memref<125x80xi32, #tpu.memory_space<vmem>> -> memref<1x80xi32, #tpu.memory_space<vmem>>
        %dma_start3A_137 = tpu.memref_squeeze %dma_start3A_136 : memref<1x80xi32, #tpu.memory_space<vmem>> -> memref<80xi32, #tpu.memory_space<vmem>>
        %dma_start3A_138 = arith.constant 0 : i32
        %dma_start3A_139 = arith.constant 0 : i32
        %dma_start3A_140 = tpu.memref_slice %arg7[%dma_start3A_138, %dma_start3A_139] : memref<10000x128xf32, #tpu.memory_space<vmem_shared>> -> memref<10000x128xf32, #tpu.memory_space<vmem_shared>>
        tpu.enqueue_indirect_dma source(%run_scoped3A_3 : memref<80x128xf32, #tpu.memory_space<vmem>>) target(%dma_start3A_140 : memref<10000x128xf32, #tpu.memory_space<vmem_shared>>) offsets(%dma_start3A_137 : memref<80xi32, #tpu.memory_space<vmem>>) semaphore(%arg11 : memref<!tpu.dma_semaphore, #tpu.memory_space<semaphore_mem>>) {add = true}
      }
      %scan3A_21 = arith.constant 62 : i32
      %add3A_22 = arith.constant 124 : i32
      %add3A_23 = arith.constant 1 : i32
      %add3A_24 = arith.addi %add3A_22, %add3A_23 : i32
      %ge3A = arith.constant 124 : i32
      %ge3A_25 = arith.constant 1 : i32
      %ge3A_26 = arith.cmpi sge, %ge3A, %ge3A_25 : i32
      %lt3A_27 = arith.constant 125 : i32
      %lt3A_28 = arith.cmpi slt, %add3A_24, %lt3A_27 : i32
      %and3A = arith.andi %ge3A_26, %lt3A_28 : i1
      %convert_element_type3A_29 = arith.extui %and3A : i1 to i32
      %cond3A_30 = arith.constant 0 : i32
      %cond3A_31 = arith.cmpi ne, %convert_element_type3A_29, %cond3A_30 : i32
      scf.if %cond3A_31 {
        %sub3A = arith.constant 2 : i32
        %sub3A_76 = arith.subi %add3A_24, %sub3A : i32
        %dma_wait3A_77 = arith.constant 0 : i32
        %dma_wait3A_78 = tpu.memref_slice %run_scoped3A_1[%sub3A_76, %dma_wait3A_77] : memref<125x80xi32, #tpu.memory_space<vmem>> -> memref<1x80xi32, #tpu.memory_space<vmem>>
        %dma_wait3A_79 = tpu.memref_squeeze %dma_wait3A_78 : memref<1x80xi32, #tpu.memory_space<vmem>> -> memref<80xi32, #tpu.memory_space<vmem>>
        %dma_wait3A_80 = arith.constant 0 : i32
        %dma_wait3A_81 = arith.constant 0 : i32
        %dma_wait3A_82 = tpu.memref_slice %arg7[%dma_wait3A_80, %dma_wait3A_81] : memref<10000x128xf32, #tpu.memory_space<vmem_shared>> -> memref<10000x128xf32, #tpu.memory_space<vmem_shared>>
        tpu.wait_indirect_dma semaphore(%arg11 : memref<!tpu.dma_semaphore, #tpu.memory_space<semaphore_mem>>) src(%run_scoped3A_3 : memref<80x128xf32, #tpu.memory_space<vmem>>) dst(%dma_wait3A_82 : memref<10000x128xf32, #tpu.memory_space<vmem_shared>>)
      } else {
      }
      %lt3A_32 = arith.constant 125 : i32
      %lt3A_33 = arith.cmpi slt, %add3A_24, %lt3A_32 : i32
      %convert_element_type3A_34 = arith.extui %lt3A_33 : i1 to i32
      %cond3A_35 = arith.constant 0 : i32
      %cond3A_36 = arith.cmpi ne, %convert_element_type3A_34, %cond3A_35 : i32
      scf.if %cond3A_36 {
        %mul3A_76 = arith.constant 80 : i32
        %mul3A_77 = arith.muli %add3A_24, %mul3A_76 : i32
        %multiple_of3A_78 = tpu.assume_multiple %mul3A_77, 8 : i32
        %dma_start3A_79 = tpu.memref_slice %run_scoped3A[%multiple_of3A_78] : memref<10000xi32, #tpu.memory_space<vmem>> -> memref<80xi32, #tpu.memory_space<vmem>>
        %dma_start3A_80 = arith.constant 0 : i32
        %dma_start3A_81 = arith.constant 0 : i32
        %dma_start3A_82 = tpu.memref_slice %arg2[%dma_start3A_80, %dma_start3A_81] : memref<10000x128xf32, #tpu.memory_space<hbm>> -> memref<10000x128xf32, #tpu.memory_space<hbm>>
        tpu.enqueue_indirect_dma source(%dma_start3A_82 : memref<10000x128xf32, #tpu.memory_space<hbm>>) target(%run_scoped3A_3 : memref<80x128xf32, #tpu.memory_space<vmem>>) offsets(%dma_start3A_79 : memref<80xi32, #tpu.memory_space<vmem>>) semaphore(%arg9 : memref<!tpu.dma_semaphore, #tpu.memory_space<semaphore_mem>>)
      } else {
      }
      %mul3A_37 = arith.constant 124 : i32
      %mul3A_38 = arith.constant 80 : i32
      %mul3A_39 = arith.muli %mul3A_37, %mul3A_38 : i32
      %multiple_of3A_40 = tpu.assume_multiple %mul3A_39, 8 : i32
      %dma_wait3A = tpu.memref_slice %run_scoped3A[%multiple_of3A_40] : memref<10000xi32, #tpu.memory_space<vmem>> -> memref<80xi32, #tpu.memory_space<vmem>>
      %dma_wait3A_41 = arith.constant 0 : i32
      %dma_wait3A_42 = arith.constant 0 : i32
      %dma_wait3A_43 = tpu.memref_slice %arg2[%dma_wait3A_41, %dma_wait3A_42] : memref<10000x128xf32, #tpu.memory_space<hbm>> -> memref<10000x128xf32, #tpu.memory_space<hbm>>
      tpu.wait_indirect_dma semaphore(%arg8 : memref<!tpu.dma_semaphore, #tpu.memory_space<semaphore_mem>>) src(%dma_wait3A_43 : memref<10000x128xf32, #tpu.memory_space<hbm>>) dst(%run_scoped3A_2 : memref<80x128xf32, #tpu.memory_space<vmem>>)
      %dma_start3A_44 = arith.constant 124 : i32
      %dma_start3A_45 = arith.constant 0 : i32
      %dma_start3A_46 = tpu.memref_slice %run_scoped3A_1[%dma_start3A_44, %dma_start3A_45] : memref<125x80xi32, #tpu.memory_space<vmem>> -> memref<1x80xi32, #tpu.memory_space<vmem>>
      %dma_start3A_47 = tpu.memref_squeeze %dma_start3A_46 : memref<1x80xi32, #tpu.memory_space<vmem>> -> memref<80xi32, #tpu.memory_space<vmem>>
      %dma_start3A_48 = arith.constant 0 : i32
      %dma_start3A_49 = arith.constant 0 : i32
      %dma_start3A_50 = tpu.memref_slice %arg7[%dma_start3A_48, %dma_start3A_49] : memref<10000x128xf32, #tpu.memory_space<vmem_shared>> -> memref<10000x128xf32, #tpu.memory_space<vmem_shared>>
      tpu.enqueue_indirect_dma source(%run_scoped3A_2 : memref<80x128xf32, #tpu.memory_space<vmem>>) target(%dma_start3A_50 : memref<10000x128xf32, #tpu.memory_space<vmem_shared>>) offsets(%dma_start3A_47 : memref<80xi32, #tpu.memory_space<vmem>>) semaphore(%arg10 : memref<!tpu.dma_semaphore, #tpu.memory_space<semaphore_mem>>) {add = true}
      %dma_wait3A_51 = arith.constant 123 : i32
      %dma_wait3A_52 = arith.constant 0 : i32
      %dma_wait3A_53 = tpu.memref_slice %run_scoped3A_1[%dma_wait3A_51, %dma_wait3A_52] : memref<125x80xi32, #tpu.memory_space<vmem>> -> memref<1x80xi32, #tpu.memory_space<vmem>>
      %dma_wait3A_54 = tpu.memref_squeeze %dma_wait3A_53 : memref<1x80xi32, #tpu.memory_space<vmem>> -> memref<80xi32, #tpu.memory_space<vmem>>
      %dma_wait3A_55 = arith.constant 0 : i32
      %dma_wait3A_56 = arith.constant 0 : i32
      %dma_wait3A_57 = tpu.memref_slice %arg7[%dma_wait3A_55, %dma_wait3A_56] : memref<10000x128xf32, #tpu.memory_space<vmem_shared>> -> memref<10000x128xf32, #tpu.memory_space<vmem_shared>>
      tpu.wait_indirect_dma semaphore(%arg11 : memref<!tpu.dma_semaphore, #tpu.memory_space<semaphore_mem>>) src(%run_scoped3A_3 : memref<80x128xf32, #tpu.memory_space<vmem>>) dst(%dma_wait3A_57 : memref<10000x128xf32, #tpu.memory_space<vmem_shared>>)
      %dma_wait3A_58 = arith.constant 124 : i32
      %dma_wait3A_59 = arith.constant 0 : i32
      %dma_wait3A_60 = tpu.memref_slice %run_scoped3A_1[%dma_wait3A_58, %dma_wait3A_59] : memref<125x80xi32, #tpu.memory_space<vmem>> -> memref<1x80xi32, #tpu.memory_space<vmem>>
      %dma_wait3A_61 = tpu.memref_squeeze %dma_wait3A_60 : memref<1x80xi32, #tpu.memory_space<vmem>> -> memref<80xi32, #tpu.memory_space<vmem>>
      %dma_wait3A_62 = arith.constant 0 : i32
      %dma_wait3A_63 = arith.constant 0 : i32
      %dma_wait3A_64 = tpu.memref_slice %arg7[%dma_wait3A_62, %dma_wait3A_63] : memref<10000x128xf32, #tpu.memory_space<vmem_shared>> -> memref<10000x128xf32, #tpu.memory_space<vmem_shared>>
      tpu.wait_indirect_dma semaphore(%arg10 : memref<!tpu.dma_semaphore, #tpu.memory_space<semaphore_mem>>) src(%run_scoped3A_2 : memref<80x128xf32, #tpu.memory_space<vmem>>) dst(%dma_wait3A_64 : memref<10000x128xf32, #tpu.memory_space<vmem_shared>>)
      %barrier3A_65 = arith.constant 0 : index
      tpu.barrier barrier_id(%barrier3A_65)
      %lt3A_66 = arith.constant 15 : i32
      %lt3A_67 = arith.cmpi slt, %arg1, %lt3A_66 : i32
      %convert_element_type3A_68 = arith.extui %lt3A_67 : i1 to i32
      %cond3A_69 = arith.constant 0 : i32
      %cond3A_70 = arith.cmpi ne, %convert_element_type3A_68, %cond3A_69 : i32
      scf.if %cond3A_70 {
        %mul3A_76 = arith.constant 632 : i32
        %mul3A_77 = arith.muli %arg1, %mul3A_76 : i32
        %multiple_of3A_78 = tpu.assume_multiple %mul3A_77, 8 : i32
        "tpu.region"() ({
          %run_scoped3A_79 = tpu.sem_alloc : memref<!tpu.dma_semaphore, #tpu.memory_space<semaphore_mem>>
          %dma_start3A_80 = arith.constant 0 : i32
          %dma_start3A_81 = arith.constant 0 : i32
          %dma_start3A_82 = tpu.memref_slice %arg6[%arg0, %dma_start3A_80, %dma_start3A_81] : memref<2x10000x128xf32, #tpu.memory_space<hbm>> -> memref<1x10000x128xf32, #tpu.memory_space<hbm>>
          %dma_start3A_83 = tpu.memref_squeeze %dma_start3A_82 : memref<1x10000x128xf32, #tpu.memory_space<hbm>> -> memref<10000x128xf32, #tpu.memory_space<hbm>>
          %dma_start3A_84 = arith.constant 0 : i32
          %dma_start3A_85 = tpu.memref_slice %dma_start3A_83[%multiple_of3A_78, %dma_start3A_84] : memref<10000x128xf32, #tpu.memory_space<hbm>> -> memref<632x128xf32, #tpu.memory_space<hbm>>
          %dma_start3A_86 = arith.constant 0 : i32
          %dma_start3A_87 = tpu.memref_slice %arg7[%multiple_of3A_78, %dma_start3A_86] : memref<10000x128xf32, #tpu.memory_space<vmem_shared>> -> memref<632x128xf32, #tpu.memory_space<vmem_shared>>
          tpu.enqueue_dma source(%dma_start3A_87 : memref<632x128xf32, #tpu.memory_space<vmem_shared>>) target(%dma_start3A_85 : memref<632x128xf32, #tpu.memory_space<hbm>>) target_semaphore(%run_scoped3A_79 : memref<!tpu.dma_semaphore, #tpu.memory_space<semaphore_mem>>)
          %dma_wait3A_88 = arith.constant 0 : i32
          %dma_wait3A_89 = arith.constant 0 : i32
          %dma_wait3A_90 = tpu.memref_slice %arg6[%arg0, %dma_wait3A_88, %dma_wait3A_89] : memref<2x10000x128xf32, #tpu.memory_space<hbm>> -> memref<1x10000x128xf32, #tpu.memory_space<hbm>>
          %dma_wait3A_91 = tpu.memref_squeeze %dma_wait3A_90 : memref<1x10000x128xf32, #tpu.memory_space<hbm>> -> memref<10000x128xf32, #tpu.memory_space<hbm>>
          %dma_wait3A_92 = arith.constant 0 : i32
          %dma_wait3A_93 = tpu.memref_slice %dma_wait3A_91[%multiple_of3A_78, %dma_wait3A_92] : memref<10000x128xf32, #tpu.memory_space<hbm>> -> memref<632x128xf32, #tpu.memory_space<hbm>>
          %dma_wait3A_94 = arith.constant 0 : i32
          %dma_wait3A_95 = tpu.memref_slice %arg7[%multiple_of3A_78, %dma_wait3A_94] : memref<10000x128xf32, #tpu.memory_space<vmem_shared>> -> memref<632x128xf32, #tpu.memory_space<vmem_shared>>
          tpu.wait_dma2 semaphore(%run_scoped3A_79 : memref<!tpu.dma_semaphore, #tpu.memory_space<semaphore_mem>>) src(%dma_wait3A_95 : memref<632x128xf32, #tpu.memory_space<vmem_shared>>) dst(%dma_wait3A_93 : memref<632x128xf32, #tpu.memory_space<hbm>>)
          tpu.yield
        }) : () -> ()
      } else {
      }
      %eq3A_71 = arith.constant 15 : i32
      %eq3A_72 = arith.cmpi eq, %arg1, %eq3A_71 : i32
      %convert_element_type3A_73 = arith.extui %eq3A_72 : i1 to i32
      %cond3A_74 = arith.constant 0 : i32
      %cond3A_75 = arith.cmpi ne, %convert_element_type3A_73, %cond3A_74 : i32
      scf.if %cond3A_75 {
        "tpu.region"() ({
          %run_scoped3A_76 = tpu.sem_alloc : memref<!tpu.dma_semaphore, #tpu.memory_space<semaphore_mem>>
          %dma_start3A_77 = arith.constant 0 : i32
          %dma_start3A_78 = arith.constant 0 : i32
          %dma_start3A_79 = tpu.memref_slice %arg6[%arg0, %dma_start3A_77, %dma_start3A_78] : memref<2x10000x128xf32, #tpu.memory_space<hbm>> -> memref<1x10000x128xf32, #tpu.memory_space<hbm>>
          %dma_start3A_80 = tpu.memref_squeeze %dma_start3A_79 : memref<1x10000x128xf32, #tpu.memory_space<hbm>> -> memref<10000x128xf32, #tpu.memory_space<hbm>>
          %dma_start3A_81 = arith.constant 9480 : i32
          %dma_start3A_82 = arith.constant 0 : i32
          %dma_start3A_83 = tpu.memref_slice %dma_start3A_80[%dma_start3A_81, %dma_start3A_82] : memref<10000x128xf32, #tpu.memory_space<hbm>> -> memref<520x128xf32, #tpu.memory_space<hbm>>
          %dma_start3A_84 = arith.constant 9480 : i32
          %dma_start3A_85 = arith.constant 0 : i32
          %dma_start3A_86 = tpu.memref_slice %arg7[%dma_start3A_84, %dma_start3A_85] : memref<10000x128xf32, #tpu.memory_space<vmem_shared>> -> memref<520x128xf32, #tpu.memory_space<vmem_shared>>
          tpu.enqueue_dma source(%dma_start3A_86 : memref<520x128xf32, #tpu.memory_space<vmem_shared>>) target(%dma_start3A_83 : memref<520x128xf32, #tpu.memory_space<hbm>>) target_semaphore(%run_scoped3A_76 : memref<!tpu.dma_semaphore, #tpu.memory_space<semaphore_mem>>)
          %dma_wait3A_87 = arith.constant 0 : i32
          %dma_wait3A_88 = arith.constant 0 : i32
          %dma_wait3A_89 = tpu.memref_slice %arg6[%arg0, %dma_wait3A_87, %dma_wait3A_88] : memref<2x10000x128xf32, #tpu.memory_space<hbm>> -> memref<1x10000x128xf32, #tpu.memory_space<hbm>>
          %dma_wait3A_90 = tpu.memref_squeeze %dma_wait3A_89 : memref<1x10000x128xf32, #tpu.memory_space<hbm>> -> memref<10000x128xf32, #tpu.memory_space<hbm>>
          %dma_wait3A_91 = arith.constant 9480 : i32
          %dma_wait3A_92 = arith.constant 0 : i32
          %dma_wait3A_93 = tpu.memref_slice %dma_wait3A_90[%dma_wait3A_91, %dma_wait3A_92] : memref<10000x128xf32, #tpu.memory_space<hbm>> -> memref<520x128xf32, #tpu.memory_space<hbm>>
          %dma_wait3A_94 = arith.constant 9480 : i32
          %dma_wait3A_95 = arith.constant 0 : i32
          %dma_wait3A_96 = tpu.memref_slice %arg7[%dma_wait3A_94, %dma_wait3A_95] : memref<10000x128xf32, #tpu.memory_space<vmem_shared>> -> memref<520x128xf32, #tpu.memory_space<vmem_shared>>
          tpu.wait_dma2 semaphore(%run_scoped3A_76 : memref<!tpu.dma_semaphore, #tpu.memory_space<semaphore_mem>>) src(%dma_wait3A_96 : memref<520x128xf32, #tpu.memory_space<vmem_shared>>) dst(%dma_wait3A_93 : memref<520x128xf32, #tpu.memory_space<hbm>>)
          tpu.yield
        }) : () -> ()
      } else {
      }
      tpu.yield
    }) : () -> ()
    return
  }
}

#map = affine_map<(d0, d1) -> (0, 0)>
#map1 = affine_map<(d0, d1) -> (0)>
#map2 = affine_map<(d0, d1) -> (0, 0, 0)>
module attributes {stable_mosaic.version = 14 : i64} {
  func.func @_sc_edge_agg(%arg0: i32, %arg1: i32, %arg2: memref<10000x128xf32, #tpu.memory_space<hbm>>, %arg3: memref<320000xi32, #tpu.memory_space<hbm>>, %arg4: memref<32x125x80xi32, #tpu.memory_space<hbm>>, %arg5: memref<10000x128xf32, #tpu.memory_space<hbm>>, %arg6: memref<2x10000x128xf32, #tpu.memory_space<hbm>>, %arg7: memref<10000x128xf32, #tpu.memory_space<vmem_shared>>, %arg8: memref<!tpu.dma_semaphore, #tpu.memory_space<semaphore_mem>>, %arg9: memref<!tpu.dma_semaphore, #tpu.memory_space<semaphore_mem>>, %arg10: memref<!tpu.dma_semaphore, #tpu.memory_space<semaphore_mem>>, %arg11: memref<!tpu.dma_semaphore, #tpu.memory_space<semaphore_mem>>) attributes {dimension_semantics = [#tpu.dimension_semantics<core_parallel>, #tpu.dimension_semantics<subcore_parallel>], iteration_bounds = array<i64: 2, 16>, scalar_prefetch = 0 : i64, scratch_operands = 5 : i64, tpu.core_type = #tpu.core_type<sc_vector_subcore>, window_params = [{transform_indices = #map}, {transform_indices = #map1}, {transform_indices = #map2}, {transform_indices = #map}, {transform_indices = #map2}]} {
    %mul3A = arith.constant 16 : i32
    %mul3A_0 = arith.muli %arg0, %mul3A : i32
    %add3A = arith.addi %mul3A_0, %arg1 : i32
    "tpu.region"() ({
      %run_scoped3A = memref.alloca() : memref<10000xi32, #tpu.memory_space<vmem>>
      %run_scoped3A_1 = memref.alloca() : memref<125x80xi32, #tpu.memory_space<vmem>>
      %run_scoped3A_2 = memref.alloca() : memref<80x128xf32, #tpu.memory_space<vmem>>
      %run_scoped3A_3 = memref.alloca() : memref<80x128xf32, #tpu.memory_space<vmem>>
      %lt3A = arith.constant 15 : i32
      %lt3A_4 = arith.cmpi slt, %arg1, %lt3A : i32
      %convert_element_type3A = arith.extui %lt3A_4 : i1 to i32
      %cond3A = arith.constant 0 : i32
      %cond3A_5 = arith.cmpi ne, %convert_element_type3A, %cond3A : i32
      scf.if %cond3A_5 {
        %mul3A_76 = arith.constant 632 : i32
        %mul3A_77 = arith.muli %arg1, %mul3A_76 : i32
        %multiple_of3A_78 = tpu.assume_multiple %mul3A_77, 8 : i32
        "tpu.region"() ({
          %run_scoped3A_79 = tpu.sem_alloc : memref<!tpu.dma_semaphore, #tpu.memory_space<semaphore_mem>>
          %dma_start3A_80 = arith.constant 0 : i32
          %dma_start3A_81 = tpu.memref_slice %arg7[%multiple_of3A_78, %dma_start3A_80] : memref<10000x128xf32, #tpu.memory_space<vmem_shared>> -> memref<632x128xf32, #tpu.memory_space<vmem_shared>>
          %dma_start3A_82 = arith.constant 0 : i32
          %dma_start3A_83 = tpu.memref_slice %arg5[%multiple_of3A_78, %dma_start3A_82] : memref<10000x128xf32, #tpu.memory_space<hbm>> -> memref<632x128xf32, #tpu.memory_space<hbm>>
          tpu.enqueue_dma source(%dma_start3A_83 : memref<632x128xf32, #tpu.memory_space<hbm>>) target(%dma_start3A_81 : memref<632x128xf32, #tpu.memory_space<vmem_shared>>) target_semaphore(%run_scoped3A_79 : memref<!tpu.dma_semaphore, #tpu.memory_space<semaphore_mem>>)
          %dma_wait3A_84 = arith.constant 0 : i32
          %dma_wait3A_85 = tpu.memref_slice %arg7[%multiple_of3A_78, %dma_wait3A_84] : memref<10000x128xf32, #tpu.memory_space<vmem_shared>> -> memref<632x128xf32, #tpu.memory_space<vmem_shared>>
          %dma_wait3A_86 = arith.constant 0 : i32
          %dma_wait3A_87 = tpu.memref_slice %arg5[%multiple_of3A_78, %dma_wait3A_86] : memref<10000x128xf32, #tpu.memory_space<hbm>> -> memref<632x128xf32, #tpu.memory_space<hbm>>
          tpu.wait_dma2 semaphore(%run_scoped3A_79 : memref<!tpu.dma_semaphore, #tpu.memory_space<semaphore_mem>>) src(%dma_wait3A_87 : memref<632x128xf32, #tpu.memory_space<hbm>>) dst(%dma_wait3A_85 : memref<632x128xf32, #tpu.memory_space<vmem_shared>>)
          tpu.yield
        }) : () -> ()
      } else {
      }
      %eq3A = arith.constant 15 : i32
      %eq3A_6 = arith.cmpi eq, %arg1, %eq3A : i32
      %convert_element_type3A_7 = arith.extui %eq3A_6 : i1 to i32
      %cond3A_8 = arith.constant 0 : i32
      %cond3A_9 = arith.cmpi ne, %convert_element_type3A_7, %cond3A_8 : i32
      scf.if %cond3A_9 {
        "tpu.region"() ({
          %run_scoped3A_76 = tpu.sem_alloc : memref<!tpu.dma_semaphore, #tpu.memory_space<semaphore_mem>>
          %dma_start3A_77 = arith.constant 9480 : i32
          %dma_start3A_78 = arith.constant 0 : i32
          %dma_start3A_79 = tpu.memref_slice %arg7[%dma_start3A_77, %dma_start3A_78] : memref<10000x128xf32, #tpu.memory_space<vmem_shared>> -> memref<520x128xf32, #tpu.memory_space<vmem_shared>>
          %dma_start3A_80 = arith.constant 9480 : i32
          %dma_start3A_81 = arith.constant 0 : i32
          %dma_start3A_82 = tpu.memref_slice %arg5[%dma_start3A_80, %dma_start3A_81] : memref<10000x128xf32, #tpu.memory_space<hbm>> -> memref<520x128xf32, #tpu.memory_space<hbm>>
          tpu.enqueue_dma source(%dma_start3A_82 : memref<520x128xf32, #tpu.memory_space<hbm>>) target(%dma_start3A_79 : memref<520x128xf32, #tpu.memory_space<vmem_shared>>) target_semaphore(%run_scoped3A_76 : memref<!tpu.dma_semaphore, #tpu.memory_space<semaphore_mem>>)
          %dma_wait3A_83 = arith.constant 9480 : i32
          %dma_wait3A_84 = arith.constant 0 : i32
          %dma_wait3A_85 = tpu.memref_slice %arg7[%dma_wait3A_83, %dma_wait3A_84] : memref<10000x128xf32, #tpu.memory_space<vmem_shared>> -> memref<520x128xf32, #tpu.memory_space<vmem_shared>>
          %dma_wait3A_86 = arith.constant 9480 : i32
          %dma_wait3A_87 = arith.constant 0 : i32
          %dma_wait3A_88 = tpu.memref_slice %arg5[%dma_wait3A_86, %dma_wait3A_87] : memref<10000x128xf32, #tpu.memory_space<hbm>> -> memref<520x128xf32, #tpu.memory_space<hbm>>
          tpu.wait_dma2 semaphore(%run_scoped3A_76 : memref<!tpu.dma_semaphore, #tpu.memory_space<semaphore_mem>>) src(%dma_wait3A_88 : memref<520x128xf32, #tpu.memory_space<hbm>>) dst(%dma_wait3A_85 : memref<520x128xf32, #tpu.memory_space<vmem_shared>>)
          tpu.yield
        }) : () -> ()
      } else {
      }
      %mul3A_10 = arith.constant 10000 : i32
      %mul3A_11 = arith.muli %add3A, %mul3A_10 : i32
      %multiple_of3A = tpu.assume_multiple %mul3A_11, 8 : i32
      "tpu.region"() ({
        %run_scoped3A_76 = tpu.sem_alloc : memref<!tpu.dma_semaphore, #tpu.memory_space<semaphore_mem>>
        %dma_start3A_77 = tpu.memref_slice %arg3[%multiple_of3A] : memref<320000xi32, #tpu.memory_space<hbm>> -> memref<10000xi32, #tpu.memory_space<hbm>>
        %dma_start3A_78 = tpu.memref_slice %arg3[%multiple_of3A] : memref<320000xi32, #tpu.memory_space<hbm>> -> memref<10000xi32, #tpu.memory_space<hbm>>
        tpu.enqueue_dma source(%dma_start3A_78 : memref<10000xi32, #tpu.memory_space<hbm>>) target(%run_scoped3A : memref<10000xi32, #tpu.memory_space<vmem>>) target_semaphore(%run_scoped3A_76 : memref<!tpu.dma_semaphore, #tpu.memory_space<semaphore_mem>>)
        %dma_wait3A_79 = tpu.memref_slice %arg3[%multiple_of3A] : memref<320000xi32, #tpu.memory_space<hbm>> -> memref<10000xi32, #tpu.memory_space<hbm>>
        %dma_wait3A_80 = tpu.memref_slice %arg3[%multiple_of3A] : memref<320000xi32, #tpu.memory_space<hbm>> -> memref<10000xi32, #tpu.memory_space<hbm>>
        tpu.wait_dma2 semaphore(%run_scoped3A_76 : memref<!tpu.dma_semaphore, #tpu.memory_space<semaphore_mem>>) src(%dma_wait3A_80 : memref<10000xi32, #tpu.memory_space<hbm>>) dst(%run_scoped3A : memref<10000xi32, #tpu.memory_space<vmem>>)
        tpu.yield
      }) : () -> ()
      "tpu.region"() ({
        %run_scoped3A_76 = tpu.sem_alloc : memref<!tpu.dma_semaphore, #tpu.memory_space<semaphore_mem>>
        %dma_start3A_77 = arith.constant 0 : i32
        %dma_start3A_78 = arith.constant 0 : i32
        %dma_start3A_79 = tpu.memref_slice %arg4[%add3A, %dma_start3A_77, %dma_start3A_78] : memref<32x125x80xi32, #tpu.memory_space<hbm>> -> memref<1x125x80xi32, #tpu.memory_space<hbm>>
        %dma_start3A_80 = tpu.memref_squeeze %dma_start3A_79 : memref<1x125x80xi32, #tpu.memory_space<hbm>> -> memref<125x80xi32, #tpu.memory_space<hbm>>
        %dma_start3A_81 = arith.constant 0 : i32
        %dma_start3A_82 = arith.constant 0 : i32
        %dma_start3A_83 = tpu.memref_slice %arg4[%add3A, %dma_start3A_81, %dma_start3A_82] : memref<32x125x80xi32, #tpu.memory_space<hbm>> -> memref<1x125x80xi32, #tpu.memory_space<hbm>>
        %dma_start3A_84 = tpu.memref_squeeze %dma_start3A_83 : memref<1x125x80xi32, #tpu.memory_space<hbm>> -> memref<125x80xi32, #tpu.memory_space<hbm>>
        tpu.enqueue_dma source(%dma_start3A_84 : memref<125x80xi32, #tpu.memory_space<hbm>>) target(%run_scoped3A_1 : memref<125x80xi32, #tpu.memory_space<vmem>>) target_semaphore(%run_scoped3A_76 : memref<!tpu.dma_semaphore, #tpu.memory_space<semaphore_mem>>)
        %dma_wait3A_85 = arith.constant 0 : i32
        %dma_wait3A_86 = arith.constant 0 : i32
        %dma_wait3A_87 = tpu.memref_slice %arg4[%add3A, %dma_wait3A_85, %dma_wait3A_86] : memref<32x125x80xi32, #tpu.memory_space<hbm>> -> memref<1x125x80xi32, #tpu.memory_space<hbm>>
        %dma_wait3A_88 = tpu.memref_squeeze %dma_wait3A_87 : memref<1x125x80xi32, #tpu.memory_space<hbm>> -> memref<125x80xi32, #tpu.memory_space<hbm>>
        %dma_wait3A_89 = arith.constant 0 : i32
        %dma_wait3A_90 = arith.constant 0 : i32
        %dma_wait3A_91 = tpu.memref_slice %arg4[%add3A, %dma_wait3A_89, %dma_wait3A_90] : memref<32x125x80xi32, #tpu.memory_space<hbm>> -> memref<1x125x80xi32, #tpu.memory_space<hbm>>
        %dma_wait3A_92 = tpu.memref_squeeze %dma_wait3A_91 : memref<1x125x80xi32, #tpu.memory_space<hbm>> -> memref<125x80xi32, #tpu.memory_space<hbm>>
        tpu.wait_dma2 semaphore(%run_scoped3A_76 : memref<!tpu.dma_semaphore, #tpu.memory_space<semaphore_mem>>) src(%dma_wait3A_92 : memref<125x80xi32, #tpu.memory_space<hbm>>) dst(%run_scoped3A_1 : memref<125x80xi32, #tpu.memory_space<vmem>>)
        tpu.yield
      }) : () -> ()
      %barrier3A = arith.constant 0 : index
      tpu.barrier barrier_id(%barrier3A)
      %multiple_of3A_12 = arith.constant 0 : i32
      %multiple_of3A_13 = tpu.assume_multiple %multiple_of3A_12, 8 : i32
      %dma_start3A = tpu.memref_slice %run_scoped3A[%multiple_of3A_13] : memref<10000xi32, #tpu.memory_space<vmem>> -> memref<80xi32, #tpu.memory_space<vmem>>
      %dma_start3A_14 = arith.constant 0 : i32
      %dma_start3A_15 = arith.constant 0 : i32
      %dma_start3A_16 = tpu.memref_slice %arg2[%dma_start3A_14, %dma_start3A_15] : memref<10000x128xf32, #tpu.memory_space<hbm>> -> memref<10000x128xf32, #tpu.memory_space<hbm>>
      tpu.enqueue_indirect_dma source(%dma_start3A_16 : memref<10000x128xf32, #tpu.memory_space<hbm>>) target(%run_scoped3A_2 : memref<80x128xf32, #tpu.memory_space<vmem>>) offsets(%dma_start3A : memref<80xi32, #tpu.memory_space<vmem>>) semaphore(%arg8 : memref<!tpu.dma_semaphore, #tpu.memory_space<semaphore_mem>>)
      %scan3A = arith.constant 0 : i32
      %scan3A_17 = arith.constant 0 : i32
      %scan3A_18 = arith.constant 62 : i32
      %scan3A_19 = arith.addi %scan3A_17, %scan3A_18 : i32
      %scan3A_20 = arith.constant 1 : i32
      scf.for %scan3A_76 = %scan3A_17 to %scan3A_19 step %scan3A_20  : i32 {
        %mul3A_77 = arith.constant 2 : i32
        %mul3A_78 = arith.muli %scan3A_76, %mul3A_77 : i32
        %add3A_79 = arith.constant 0 : i32
        %add3A_80 = arith.addi %mul3A_78, %add3A_79 : i32
        %add3A_81 = arith.constant 1 : i32
        %add3A_82 = arith.addi %add3A_80, %add3A_81 : i32
        %ge3A_83 = arith.constant 1 : i32
        %ge3A_84 = arith.cmpi sge, %add3A_80, %ge3A_83 : i32
        %lt3A_85 = arith.constant 125 : i32
        %lt3A_86 = arith.cmpi slt, %add3A_82, %lt3A_85 : i32
        %and3A_87 = arith.andi %ge3A_84, %lt3A_86 : i1
        %convert_element_type3A_88 = arith.extui %and3A_87 : i1 to i32
        %cond3A_89 = arith.constant 0 : i32
        %cond3A_90 = arith.cmpi ne, %convert_element_type3A_88, %cond3A_89 : i32
        scf.if %cond3A_90 {
          %sub3A = arith.constant 2 : i32
          %sub3A_141 = arith.subi %add3A_82, %sub3A : i32
          %dma_wait3A_142 = arith.constant 0 : i32
          %dma_wait3A_143 = tpu.memref_slice %run_scoped3A_1[%sub3A_141, %dma_wait3A_142] : memref<125x80xi32, #tpu.memory_space<vmem>> -> memref<1x80xi32, #tpu.memory_space<vmem>>
          %dma_wait3A_144 = tpu.memref_squeeze %dma_wait3A_143 : memref<1x80xi32, #tpu.memory_space<vmem>> -> memref<80xi32, #tpu.memory_space<vmem>>
          %dma_wait3A_145 = arith.constant 0 : i32
          %dma_wait3A_146 = arith.constant 0 : i32
          %dma_wait3A_147 = tpu.memref_slice %arg7[%dma_wait3A_145, %dma_wait3A_146] : memref<10000x128xf32, #tpu.memory_space<vmem_shared>> -> memref<10000x128xf32, #tpu.memory_space<vmem_shared>>
          tpu.wait_indirect_dma semaphore(%arg11 : memref<!tpu.dma_semaphore, #tpu.memory_space<semaphore_mem>>) src(%run_scoped3A_3 : memref<80x128xf32, #tpu.memory_space<vmem>>) dst(%dma_wait3A_147 : memref<10000x128xf32, #tpu.memory_space<vmem_shared>>)
        } else {
        }
        %lt3A_91 = arith.constant 125 : i32
        %lt3A_92 = arith.cmpi slt, %add3A_82, %lt3A_91 : i32
        %convert_element_type3A_93 = arith.extui %lt3A_92 : i1 to i32
        %cond3A_94 = arith.constant 0 : i32
        %cond3A_95 = arith.cmpi ne, %convert_element_type3A_93, %cond3A_94 : i32
        scf.if %cond3A_95 {
          %mul3A_141 = arith.constant 80 : i32
          %mul3A_142 = arith.muli %add3A_82, %mul3A_141 : i32
          %multiple_of3A_143 = tpu.assume_multiple %mul3A_142, 8 : i32
          %dma_start3A_144 = tpu.memref_slice %run_scoped3A[%multiple_of3A_143] : memref<10000xi32, #tpu.memory_space<vmem>> -> memref<80xi32, #tpu.memory_space<vmem>>
          %dma_start3A_145 = arith.constant 0 : i32
          %dma_start3A_146 = arith.constant 0 : i32
          %dma_start3A_147 = tpu.memref_slice %arg2[%dma_start3A_145, %dma_start3A_146] : memref<10000x128xf32, #tpu.memory_space<hbm>> -> memref<10000x128xf32, #tpu.memory_space<hbm>>
          tpu.enqueue_indirect_dma source(%dma_start3A_147 : memref<10000x128xf32, #tpu.memory_space<hbm>>) target(%run_scoped3A_3 : memref<80x128xf32, #tpu.memory_space<vmem>>) offsets(%dma_start3A_144 : memref<80xi32, #tpu.memory_space<vmem>>) semaphore(%arg9 : memref<!tpu.dma_semaphore, #tpu.memory_space<semaphore_mem>>)
        } else {
        }
        %mul3A_96 = arith.constant 80 : i32
        %mul3A_97 = arith.muli %add3A_80, %mul3A_96 : i32
        %multiple_of3A_98 = tpu.assume_multiple %mul3A_97, 8 : i32
        %dma_wait3A_99 = tpu.memref_slice %run_scoped3A[%multiple_of3A_98] : memref<10000xi32, #tpu.memory_space<vmem>> -> memref<80xi32, #tpu.memory_space<vmem>>
        %dma_wait3A_100 = arith.constant 0 : i32
        %dma_wait3A_101 = arith.constant 0 : i32
        %dma_wait3A_102 = tpu.memref_slice %arg2[%dma_wait3A_100, %dma_wait3A_101] : memref<10000x128xf32, #tpu.memory_space<hbm>> -> memref<10000x128xf32, #tpu.memory_space<hbm>>
        tpu.wait_indirect_dma semaphore(%arg8 : memref<!tpu.dma_semaphore, #tpu.memory_space<semaphore_mem>>) src(%dma_wait3A_102 : memref<10000x128xf32, #tpu.memory_space<hbm>>) dst(%run_scoped3A_2 : memref<80x128xf32, #tpu.memory_space<vmem>>)
        %dma_start3A_103 = arith.constant 0 : i32
        %dma_start3A_104 = tpu.memref_slice %run_scoped3A_1[%add3A_80, %dma_start3A_103] : memref<125x80xi32, #tpu.memory_space<vmem>> -> memref<1x80xi32, #tpu.memory_space<vmem>>
        %dma_start3A_105 = tpu.memref_squeeze %dma_start3A_104 : memref<1x80xi32, #tpu.memory_space<vmem>> -> memref<80xi32, #tpu.memory_space<vmem>>
        %dma_start3A_106 = arith.constant 0 : i32
        %dma_start3A_107 = arith.constant 0 : i32
        %dma_start3A_108 = tpu.memref_slice %arg7[%dma_start3A_106, %dma_start3A_107] : memref<10000x128xf32, #tpu.memory_space<vmem_shared>> -> memref<10000x128xf32, #tpu.memory_space<vmem_shared>>
        tpu.enqueue_indirect_dma source(%run_scoped3A_2 : memref<80x128xf32, #tpu.memory_space<vmem>>) target(%dma_start3A_108 : memref<10000x128xf32, #tpu.memory_space<vmem_shared>>) offsets(%dma_start3A_105 : memref<80xi32, #tpu.memory_space<vmem>>) semaphore(%arg10 : memref<!tpu.dma_semaphore, #tpu.memory_space<semaphore_mem>>) {add = true}
        %mul3A_109 = arith.constant 2 : i32
        %mul3A_110 = arith.muli %scan3A_76, %mul3A_109 : i32
        %add3A_111 = arith.constant 1 : i32
        %add3A_112 = arith.addi %mul3A_110, %add3A_111 : i32
        %add3A_113 = arith.constant 1 : i32
        %add3A_114 = arith.addi %add3A_112, %add3A_113 : i32
        %ge3A_115 = arith.constant 1 : i32
        %ge3A_116 = arith.cmpi sge, %add3A_112, %ge3A_115 : i32
        %lt3A_117 = arith.constant 125 : i32
        %lt3A_118 = arith.cmpi slt, %add3A_114, %lt3A_117 : i32
        %and3A_119 = arith.andi %ge3A_116, %lt3A_118 : i1
        %convert_element_type3A_120 = arith.extui %and3A_119 : i1 to i32
        %cond3A_121 = arith.constant 0 : i32
        %cond3A_122 = arith.cmpi ne, %convert_element_type3A_120, %cond3A_121 : i32
        scf.if %cond3A_122 {
          %sub3A = arith.constant 2 : i32
          %sub3A_141 = arith.subi %add3A_114, %sub3A : i32
          %dma_wait3A_142 = arith.constant 0 : i32
          %dma_wait3A_143 = tpu.memref_slice %run_scoped3A_1[%sub3A_141, %dma_wait3A_142] : memref<125x80xi32, #tpu.memory_space<vmem>> -> memref<1x80xi32, #tpu.memory_space<vmem>>
          %dma_wait3A_144 = tpu.memref_squeeze %dma_wait3A_143 : memref<1x80xi32, #tpu.memory_space<vmem>> -> memref<80xi32, #tpu.memory_space<vmem>>
          %dma_wait3A_145 = arith.constant 0 : i32
          %dma_wait3A_146 = arith.constant 0 : i32
          %dma_wait3A_147 = tpu.memref_slice %arg7[%dma_wait3A_145, %dma_wait3A_146] : memref<10000x128xf32, #tpu.memory_space<vmem_shared>> -> memref<10000x128xf32, #tpu.memory_space<vmem_shared>>
          tpu.wait_indirect_dma semaphore(%arg10 : memref<!tpu.dma_semaphore, #tpu.memory_space<semaphore_mem>>) src(%run_scoped3A_2 : memref<80x128xf32, #tpu.memory_space<vmem>>) dst(%dma_wait3A_147 : memref<10000x128xf32, #tpu.memory_space<vmem_shared>>)
        } else {
        }
        %lt3A_123 = arith.constant 125 : i32
        %lt3A_124 = arith.cmpi slt, %add3A_114, %lt3A_123 : i32
        %convert_element_type3A_125 = arith.extui %lt3A_124 : i1 to i32
        %cond3A_126 = arith.constant 0 : i32
        %cond3A_127 = arith.cmpi ne, %convert_element_type3A_125, %cond3A_126 : i32
        scf.if %cond3A_127 {
          %mul3A_141 = arith.constant 80 : i32
          %mul3A_142 = arith.muli %add3A_114, %mul3A_141 : i32
          %multiple_of3A_143 = tpu.assume_multiple %mul3A_142, 8 : i32
          %dma_start3A_144 = tpu.memref_slice %run_scoped3A[%multiple_of3A_143] : memref<10000xi32, #tpu.memory_space<vmem>> -> memref<80xi32, #tpu.memory_space<vmem>>
          %dma_start3A_145 = arith.constant 0 : i32
          %dma_start3A_146 = arith.constant 0 : i32
          %dma_start3A_147 = tpu.memref_slice %arg2[%dma_start3A_145, %dma_start3A_146] : memref<10000x128xf32, #tpu.memory_space<hbm>> -> memref<10000x128xf32, #tpu.memory_space<hbm>>
          tpu.enqueue_indirect_dma source(%dma_start3A_147 : memref<10000x128xf32, #tpu.memory_space<hbm>>) target(%run_scoped3A_2 : memref<80x128xf32, #tpu.memory_space<vmem>>) offsets(%dma_start3A_144 : memref<80xi32, #tpu.memory_space<vmem>>) semaphore(%arg8 : memref<!tpu.dma_semaphore, #tpu.memory_space<semaphore_mem>>)
        } else {
        }
        %mul3A_128 = arith.constant 80 : i32
        %mul3A_129 = arith.muli %add3A_112, %mul3A_128 : i32
        %multiple_of3A_130 = tpu.assume_multiple %mul3A_129, 8 : i32
        %dma_wait3A_131 = tpu.memref_slice %run_scoped3A[%multiple_of3A_130] : memref<10000xi32, #tpu.memory_space<vmem>> -> memref<80xi32, #tpu.memory_space<vmem>>
        %dma_wait3A_132 = arith.constant 0 : i32
        %dma_wait3A_133 = arith.constant 0 : i32
        %dma_wait3A_134 = tpu.memref_slice %arg2[%dma_wait3A_132, %dma_wait3A_133] : memref<10000x128xf32, #tpu.memory_space<hbm>> -> memref<10000x128xf32, #tpu.memory_space<hbm>>
        tpu.wait_indirect_dma semaphore(%arg9 : memref<!tpu.dma_semaphore, #tpu.memory_space<semaphore_mem>>) src(%dma_wait3A_134 : memref<10000x128xf32, #tpu.memory_space<hbm>>) dst(%run_scoped3A_3 : memref<80x128xf32, #tpu.memory_space<vmem>>)
        %dma_start3A_135 = arith.constant 0 : i32
        %dma_start3A_136 = tpu.memref_slice %run_scoped3A_1[%add3A_112, %dma_start3A_135] : memref<125x80xi32, #tpu.memory_space<vmem>> -> memref<1x80xi32, #tpu.memory_space<vmem>>
        %dma_start3A_137 = tpu.memref_squeeze %dma_start3A_136 : memref<1x80xi32, #tpu.memory_space<vmem>> -> memref<80xi32, #tpu.memory_space<vmem>>
        %dma_start3A_138 = arith.constant 0 : i32
        %dma_start3A_139 = arith.constant 0 : i32
        %dma_start3A_140 = tpu.memref_slice %arg7[%dma_start3A_138, %dma_start3A_139] : memref<10000x128xf32, #tpu.memory_space<vmem_shared>> -> memref<10000x128xf32, #tpu.memory_space<vmem_shared>>
        tpu.enqueue_indirect_dma source(%run_scoped3A_3 : memref<80x128xf32, #tpu.memory_space<vmem>>) target(%dma_start3A_140 : memref<10000x128xf32, #tpu.memory_space<vmem_shared>>) offsets(%dma_start3A_137 : memref<80xi32, #tpu.memory_space<vmem>>) semaphore(%arg11 : memref<!tpu.dma_semaphore, #tpu.memory_space<semaphore_mem>>) {add = true}
      }
      %scan3A_21 = arith.constant 62 : i32
      %add3A_22 = arith.constant 124 : i32
      %add3A_23 = arith.constant 1 : i32
      %add3A_24 = arith.addi %add3A_22, %add3A_23 : i32
      %ge3A = arith.constant 124 : i32
      %ge3A_25 = arith.constant 1 : i32
      %ge3A_26 = arith.cmpi sge, %ge3A, %ge3A_25 : i32
      %lt3A_27 = arith.constant 125 : i32
      %lt3A_28 = arith.cmpi slt, %add3A_24, %lt3A_27 : i32
      %and3A = arith.andi %ge3A_26, %lt3A_28 : i1
      %convert_element_type3A_29 = arith.extui %and3A : i1 to i32
      %cond3A_30 = arith.constant 0 : i32
      %cond3A_31 = arith.cmpi ne, %convert_element_type3A_29, %cond3A_30 : i32
      scf.if %cond3A_31 {
        %sub3A = arith.constant 2 : i32
        %sub3A_76 = arith.subi %add3A_24, %sub3A : i32
        %dma_wait3A_77 = arith.constant 0 : i32
        %dma_wait3A_78 = tpu.memref_slice %run_scoped3A_1[%sub3A_76, %dma_wait3A_77] : memref<125x80xi32, #tpu.memory_space<vmem>> -> memref<1x80xi32, #tpu.memory_space<vmem>>
        %dma_wait3A_79 = tpu.memref_squeeze %dma_wait3A_78 : memref<1x80xi32, #tpu.memory_space<vmem>> -> memref<80xi32, #tpu.memory_space<vmem>>
        %dma_wait3A_80 = arith.constant 0 : i32
        %dma_wait3A_81 = arith.constant 0 : i32
        %dma_wait3A_82 = tpu.memref_slice %arg7[%dma_wait3A_80, %dma_wait3A_81] : memref<10000x128xf32, #tpu.memory_space<vmem_shared>> -> memref<10000x128xf32, #tpu.memory_space<vmem_shared>>
        tpu.wait_indirect_dma semaphore(%arg11 : memref<!tpu.dma_semaphore, #tpu.memory_space<semaphore_mem>>) src(%run_scoped3A_3 : memref<80x128xf32, #tpu.memory_space<vmem>>) dst(%dma_wait3A_82 : memref<10000x128xf32, #tpu.memory_space<vmem_shared>>)
      } else {
      }
      %lt3A_32 = arith.constant 125 : i32
      %lt3A_33 = arith.cmpi slt, %add3A_24, %lt3A_32 : i32
      %convert_element_type3A_34 = arith.extui %lt3A_33 : i1 to i32
      %cond3A_35 = arith.constant 0 : i32
      %cond3A_36 = arith.cmpi ne, %convert_element_type3A_34, %cond3A_35 : i32
      scf.if %cond3A_36 {
        %mul3A_76 = arith.constant 80 : i32
        %mul3A_77 = arith.muli %add3A_24, %mul3A_76 : i32
        %multiple_of3A_78 = tpu.assume_multiple %mul3A_77, 8 : i32
        %dma_start3A_79 = tpu.memref_slice %run_scoped3A[%multiple_of3A_78] : memref<10000xi32, #tpu.memory_space<vmem>> -> memref<80xi32, #tpu.memory_space<vmem>>
        %dma_start3A_80 = arith.constant 0 : i32
        %dma_start3A_81 = arith.constant 0 : i32
        %dma_start3A_82 = tpu.memref_slice %arg2[%dma_start3A_80, %dma_start3A_81] : memref<10000x128xf32, #tpu.memory_space<hbm>> -> memref<10000x128xf32, #tpu.memory_space<hbm>>
        tpu.enqueue_indirect_dma source(%dma_start3A_82 : memref<10000x128xf32, #tpu.memory_space<hbm>>) target(%run_scoped3A_3 : memref<80x128xf32, #tpu.memory_space<vmem>>) offsets(%dma_start3A_79 : memref<80xi32, #tpu.memory_space<vmem>>) semaphore(%arg9 : memref<!tpu.dma_semaphore, #tpu.memory_space<semaphore_mem>>)
      } else {
      }
      %mul3A_37 = arith.constant 124 : i32
      %mul3A_38 = arith.constant 80 : i32
      %mul3A_39 = arith.muli %mul3A_37, %mul3A_38 : i32
      %multiple_of3A_40 = tpu.assume_multiple %mul3A_39, 8 : i32
      %dma_wait3A = tpu.memref_slice %run_scoped3A[%multiple_of3A_40] : memref<10000xi32, #tpu.memory_space<vmem>> -> memref<80xi32, #tpu.memory_space<vmem>>
      %dma_wait3A_41 = arith.constant 0 : i32
      %dma_wait3A_42 = arith.constant 0 : i32
      %dma_wait3A_43 = tpu.memref_slice %arg2[%dma_wait3A_41, %dma_wait3A_42] : memref<10000x128xf32, #tpu.memory_space<hbm>> -> memref<10000x128xf32, #tpu.memory_space<hbm>>
      tpu.wait_indirect_dma semaphore(%arg8 : memref<!tpu.dma_semaphore, #tpu.memory_space<semaphore_mem>>) src(%dma_wait3A_43 : memref<10000x128xf32, #tpu.memory_space<hbm>>) dst(%run_scoped3A_2 : memref<80x128xf32, #tpu.memory_space<vmem>>)
      %dma_start3A_44 = arith.constant 124 : i32
      %dma_start3A_45 = arith.constant 0 : i32
      %dma_start3A_46 = tpu.memref_slice %run_scoped3A_1[%dma_start3A_44, %dma_start3A_45] : memref<125x80xi32, #tpu.memory_space<vmem>> -> memref<1x80xi32, #tpu.memory_space<vmem>>
      %dma_start3A_47 = tpu.memref_squeeze %dma_start3A_46 : memref<1x80xi32, #tpu.memory_space<vmem>> -> memref<80xi32, #tpu.memory_space<vmem>>
      %dma_start3A_48 = arith.constant 0 : i32
      %dma_start3A_49 = arith.constant 0 : i32
      %dma_start3A_50 = tpu.memref_slice %arg7[%dma_start3A_48, %dma_start3A_49] : memref<10000x128xf32, #tpu.memory_space<vmem_shared>> -> memref<10000x128xf32, #tpu.memory_space<vmem_shared>>
      tpu.enqueue_indirect_dma source(%run_scoped3A_2 : memref<80x128xf32, #tpu.memory_space<vmem>>) target(%dma_start3A_50 : memref<10000x128xf32, #tpu.memory_space<vmem_shared>>) offsets(%dma_start3A_47 : memref<80xi32, #tpu.memory_space<vmem>>) semaphore(%arg10 : memref<!tpu.dma_semaphore, #tpu.memory_space<semaphore_mem>>) {add = true}
      %dma_wait3A_51 = arith.constant 123 : i32
      %dma_wait3A_52 = arith.constant 0 : i32
      %dma_wait3A_53 = tpu.memref_slice %run_scoped3A_1[%dma_wait3A_51, %dma_wait3A_52] : memref<125x80xi32, #tpu.memory_space<vmem>> -> memref<1x80xi32, #tpu.memory_space<vmem>>
      %dma_wait3A_54 = tpu.memref_squeeze %dma_wait3A_53 : memref<1x80xi32, #tpu.memory_space<vmem>> -> memref<80xi32, #tpu.memory_space<vmem>>
      %dma_wait3A_55 = arith.constant 0 : i32
      %dma_wait3A_56 = arith.constant 0 : i32
      %dma_wait3A_57 = tpu.memref_slice %arg7[%dma_wait3A_55, %dma_wait3A_56] : memref<10000x128xf32, #tpu.memory_space<vmem_shared>> -> memref<10000x128xf32, #tpu.memory_space<vmem_shared>>
      tpu.wait_indirect_dma semaphore(%arg11 : memref<!tpu.dma_semaphore, #tpu.memory_space<semaphore_mem>>) src(%run_scoped3A_3 : memref<80x128xf32, #tpu.memory_space<vmem>>) dst(%dma_wait3A_57 : memref<10000x128xf32, #tpu.memory_space<vmem_shared>>)
      %dma_wait3A_58 = arith.constant 124 : i32
      %dma_wait3A_59 = arith.constant 0 : i32
      %dma_wait3A_60 = tpu.memref_slice %run_scoped3A_1[%dma_wait3A_58, %dma_wait3A_59] : memref<125x80xi32, #tpu.memory_space<vmem>> -> memref<1x80xi32, #tpu.memory_space<vmem>>
      %dma_wait3A_61 = tpu.memref_squeeze %dma_wait3A_60 : memref<1x80xi32, #tpu.memory_space<vmem>> -> memref<80xi32, #tpu.memory_space<vmem>>
      %dma_wait3A_62 = arith.constant 0 : i32
      %dma_wait3A_63 = arith.constant 0 : i32
      %dma_wait3A_64 = tpu.memref_slice %arg7[%dma_wait3A_62, %dma_wait3A_63] : memref<10000x128xf32, #tpu.memory_space<vmem_shared>> -> memref<10000x128xf32, #tpu.memory_space<vmem_shared>>
      tpu.wait_indirect_dma semaphore(%arg10 : memref<!tpu.dma_semaphore, #tpu.memory_space<semaphore_mem>>) src(%run_scoped3A_2 : memref<80x128xf32, #tpu.memory_space<vmem>>) dst(%dma_wait3A_64 : memref<10000x128xf32, #tpu.memory_space<vmem_shared>>)
      %barrier3A_65 = arith.constant 0 : index
      tpu.barrier barrier_id(%barrier3A_65)
      %lt3A_66 = arith.constant 15 : i32
      %lt3A_67 = arith.cmpi slt, %arg1, %lt3A_66 : i32
      %convert_element_type3A_68 = arith.extui %lt3A_67 : i1 to i32
      %cond3A_69 = arith.constant 0 : i32
      %cond3A_70 = arith.cmpi ne, %convert_element_type3A_68, %cond3A_69 : i32
      scf.if %cond3A_70 {
        %mul3A_76 = arith.constant 632 : i32
        %mul3A_77 = arith.muli %arg1, %mul3A_76 : i32
        %multiple_of3A_78 = tpu.assume_multiple %mul3A_77, 8 : i32
        "tpu.region"() ({
          %run_scoped3A_79 = tpu.sem_alloc : memref<!tpu.dma_semaphore, #tpu.memory_space<semaphore_mem>>
          %dma_start3A_80 = arith.constant 0 : i32
          %dma_start3A_81 = arith.constant 0 : i32
          %dma_start3A_82 = tpu.memref_slice %arg6[%arg0, %dma_start3A_80, %dma_start3A_81] : memref<2x10000x128xf32, #tpu.memory_space<hbm>> -> memref<1x10000x128xf32, #tpu.memory_space<hbm>>
          %dma_start3A_83 = tpu.memref_squeeze %dma_start3A_82 : memref<1x10000x128xf32, #tpu.memory_space<hbm>> -> memref<10000x128xf32, #tpu.memory_space<hbm>>
          %dma_start3A_84 = arith.constant 0 : i32
          %dma_start3A_85 = tpu.memref_slice %dma_start3A_83[%multiple_of3A_78, %dma_start3A_84] : memref<10000x128xf32, #tpu.memory_space<hbm>> -> memref<632x128xf32, #tpu.memory_space<hbm>>
          %dma_start3A_86 = arith.constant 0 : i32
          %dma_start3A_87 = tpu.memref_slice %arg7[%multiple_of3A_78, %dma_start3A_86] : memref<10000x128xf32, #tpu.memory_space<vmem_shared>> -> memref<632x128xf32, #tpu.memory_space<vmem_shared>>
          tpu.enqueue_dma source(%dma_start3A_87 : memref<632x128xf32, #tpu.memory_space<vmem_shared>>) target(%dma_start3A_85 : memref<632x128xf32, #tpu.memory_space<hbm>>) target_semaphore(%run_scoped3A_79 : memref<!tpu.dma_semaphore, #tpu.memory_space<semaphore_mem>>)
          %dma_wait3A_88 = arith.constant 0 : i32
          %dma_wait3A_89 = arith.constant 0 : i32
          %dma_wait3A_90 = tpu.memref_slice %arg6[%arg0, %dma_wait3A_88, %dma_wait3A_89] : memref<2x10000x128xf32, #tpu.memory_space<hbm>> -> memref<1x10000x128xf32, #tpu.memory_space<hbm>>
          %dma_wait3A_91 = tpu.memref_squeeze %dma_wait3A_90 : memref<1x10000x128xf32, #tpu.memory_space<hbm>> -> memref<10000x128xf32, #tpu.memory_space<hbm>>
          %dma_wait3A_92 = arith.constant 0 : i32
          %dma_wait3A_93 = tpu.memref_slice %dma_wait3A_91[%multiple_of3A_78, %dma_wait3A_92] : memref<10000x128xf32, #tpu.memory_space<hbm>> -> memref<632x128xf32, #tpu.memory_space<hbm>>
          %dma_wait3A_94 = arith.constant 0 : i32
          %dma_wait3A_95 = tpu.memref_slice %arg7[%multiple_of3A_78, %dma_wait3A_94] : memref<10000x128xf32, #tpu.memory_space<vmem_shared>> -> memref<632x128xf32, #tpu.memory_space<vmem_shared>>
          tpu.wait_dma2 semaphore(%run_scoped3A_79 : memref<!tpu.dma_semaphore, #tpu.memory_space<semaphore_mem>>) src(%dma_wait3A_95 : memref<632x128xf32, #tpu.memory_space<vmem_shared>>) dst(%dma_wait3A_93 : memref<632x128xf32, #tpu.memory_space<hbm>>)
          tpu.yield
        }) : () -> ()
      } else {
      }
      %eq3A_71 = arith.constant 15 : i32
      %eq3A_72 = arith.cmpi eq, %arg1, %eq3A_71 : i32
      %convert_element_type3A_73 = arith.extui %eq3A_72 : i1 to i32
      %cond3A_74 = arith.constant 0 : i32
      %cond3A_75 = arith.cmpi ne, %convert_element_type3A_73, %cond3A_74 : i32
      scf.if %cond3A_75 {
        "tpu.region"() ({
          %run_scoped3A_76 = tpu.sem_alloc : memref<!tpu.dma_semaphore, #tpu.memory_space<semaphore_mem>>
          %dma_start3A_77 = arith.constant 0 : i32
          %dma_start3A_78 = arith.constant 0 : i32
          %dma_start3A_79 = tpu.memref_slice %arg6[%arg0, %dma_start3A_77, %dma_start3A_78] : memref<2x10000x128xf32, #tpu.memory_space<hbm>> -> memref<1x10000x128xf32, #tpu.memory_space<hbm>>
          %dma_start3A_80 = tpu.memref_squeeze %dma_start3A_79 : memref<1x10000x128xf32, #tpu.memory_space<hbm>> -> memref<10000x128xf32, #tpu.memory_space<hbm>>
          %dma_start3A_81 = arith.constant 9480 : i32
          %dma_start3A_82 = arith.constant 0 : i32
          %dma_start3A_83 = tpu.memref_slice %dma_start3A_80[%dma_start3A_81, %dma_start3A_82] : memref<10000x128xf32, #tpu.memory_space<hbm>> -> memref<520x128xf32, #tpu.memory_space<hbm>>
          %dma_start3A_84 = arith.constant 9480 : i32
          %dma_start3A_85 = arith.constant 0 : i32
          %dma_start3A_86 = tpu.memref_slice %arg7[%dma_start3A_84, %dma_start3A_85] : memref<10000x128xf32, #tpu.memory_space<vmem_shared>> -> memref<520x128xf32, #tpu.memory_space<vmem_shared>>
          tpu.enqueue_dma source(%dma_start3A_86 : memref<520x128xf32, #tpu.memory_space<vmem_shared>>) target(%dma_start3A_83 : memref<520x128xf32, #tpu.memory_space<hbm>>) target_semaphore(%run_scoped3A_76 : memref<!tpu.dma_semaphore, #tpu.memory_space<semaphore_mem>>)
          %dma_wait3A_87 = arith.constant 0 : i32
          %dma_wait3A_88 = arith.constant 0 : i32
          %dma_wait3A_89 = tpu.memref_slice %arg6[%arg0, %dma_wait3A_87, %dma_wait3A_88] : memref<2x10000x128xf32, #tpu.memory_space<hbm>> -> memref<1x10000x128xf32, #tpu.memory_space<hbm>>
          %dma_wait3A_90 = tpu.memref_squeeze %dma_wait3A_89 : memref<1x10000x128xf32, #tpu.memory_space<hbm>> -> memref<10000x128xf32, #tpu.memory_space<hbm>>
          %dma_wait3A_91 = arith.constant 9480 : i32
          %dma_wait3A_92 = arith.constant 0 : i32
          %dma_wait3A_93 = tpu.memref_slice %dma_wait3A_90[%dma_wait3A_91, %dma_wait3A_92] : memref<10000x128xf32, #tpu.memory_space<hbm>> -> memref<520x128xf32, #tpu.memory_space<hbm>>
          %dma_wait3A_94 = arith.constant 9480 : i32
          %dma_wait3A_95 = arith.constant 0 : i32
          %dma_wait3A_96 = tpu.memref_slice %arg7[%dma_wait3A_94, %dma_wait3A_95] : memref<10000x128xf32, #tpu.memory_space<vmem_shared>> -> memref<520x128xf32, #tpu.memory_space<vmem_shared>>
          tpu.wait_dma2 semaphore(%run_scoped3A_76 : memref<!tpu.dma_semaphore, #tpu.memory_space<semaphore_mem>>) src(%dma_wait3A_96 : memref<520x128xf32, #tpu.memory_space<vmem_shared>>) dst(%dma_wait3A_93 : memref<520x128xf32, #tpu.memory_space<hbm>>)
          tpu.yield
        }) : () -> ()
      } else {
      }
      tpu.yield
    }) : () -> ()
    return
  }
}

#map = affine_map<(d0, d1) -> (0, 0)>
#map1 = affine_map<(d0, d1) -> (0)>
#map2 = affine_map<(d0, d1) -> (0, 0, 0)>
module attributes {stable_mosaic.version = 14 : i64} {
  func.func @_sc_readout(%arg0: i32, %arg1: i32, %arg2: memref<10000x128xf32, #tpu.memory_space<hbm>>, %arg3: memref<10000xi32, #tpu.memory_space<hbm>>, %arg4: memref<32x64x128xf32, #tpu.memory_space<hbm>>, %arg5: memref<32x64x128xf32, #tpu.memory_space<hbm>>, %arg6: memref<32x64x16xf32, #tpu.memory_space<hbm>>, %arg7: memref<320x128xf32, #tpu.memory_space<vmem>>, %arg8: memref<336xi32, #tpu.memory_space<vmem>>, %arg9: memref<64x128xf32, #tpu.memory_space<vmem>>, %arg10: memref<64x128xf32, #tpu.memory_space<vmem>>, %arg11: memref<64x16xf32, #tpu.memory_space<vmem>>) attributes {dimension_semantics = [#tpu.dimension_semantics<core_parallel>, #tpu.dimension_semantics<subcore_parallel>], iteration_bounds = array<i64: 2, 16>, scalar_prefetch = 0 : i64, scratch_operands = 5 : i64, tpu.core_type = #tpu.core_type<sc_vector_subcore>, window_params = [{transform_indices = #map}, {transform_indices = #map1}, {transform_indices = #map2}, {transform_indices = #map2}, {transform_indices = #map2}]} {
    %mul3A = arith.constant 16 : i32
    %mul3A_0 = arith.muli %arg0, %mul3A : i32
    %add3A = arith.addi %mul3A_0, %arg1 : i32
    %mul3A_1 = arith.constant 320 : i32
    %mul3A_2 = arith.muli %add3A, %mul3A_1 : i32
    %lt3A = arith.constant 31 : i32
    %lt3A_3 = arith.cmpi slt, %add3A, %lt3A : i32
    %jit3A = arith.constant 320 : i32
    %jit3A_4 = arith.constant 80 : i32
    %select_n3A = arith.select %lt3A_3, %jit3A, %jit3A_4 : i32
    %jit3A_5 = arith.constant 80 : i32
    %div3A = arith.divsi %select_n3A, %jit3A_5 : i32
    %sign3A = arith.constant 0 : i32
    %sign3A_6 = arith.cmpi sgt, %select_n3A, %sign3A : i32
    %sign3A_7 = arith.extui %sign3A_6 : i1 to i32
    %sign3A_8 = arith.constant 0 : i32
    %sign3A_9 = arith.cmpi slt, %select_n3A, %sign3A_8 : i32
    %sign3A_10 = arith.extui %sign3A_9 : i1 to i32
    %sign3A_11 = arith.subi %sign3A_7, %sign3A_10 : i32
    %sign3A_12 = arith.constant 0 : i32
    %sign3A_13 = arith.cmpi sgt, %jit3A_5, %sign3A_12 : i32
    %sign3A_14 = arith.extui %sign3A_13 : i1 to i32
    %sign3A_15 = arith.constant 0 : i32
    %sign3A_16 = arith.cmpi slt, %jit3A_5, %sign3A_15 : i32
    %sign3A_17 = arith.extui %sign3A_16 : i1 to i32
    %sign3A_18 = arith.subi %sign3A_14, %sign3A_17 : i32
    %ne3A = arith.cmpi ne, %sign3A_11, %sign3A_18 : i32
    %rem3A = arith.remsi %select_n3A, %jit3A_5 : i32
    %ne3A_19 = arith.constant 0 : i32
    %ne3A_20 = arith.cmpi ne, %rem3A, %ne3A_19 : i32
    %and3A = arith.andi %ne3A, %ne3A_20 : i1
    %sub3A = arith.constant 1 : i32
    %sub3A_21 = arith.subi %div3A, %sub3A : i32
    %select_n3A_22 = arith.select %and3A, %sub3A_21, %div3A : i32
    %broadcast_in_dim3A = arith.constant 0xFF800000 : f32
    %broadcast_in_dim3A_23 = vector.broadcast %broadcast_in_dim3A : f32 to vector<16xf32>
    %broadcast_in_dim3A_24 = arith.constant 0.000000e+00 : f32
    %broadcast_in_dim3A_25 = vector.broadcast %broadcast_in_dim3A_24 : f32 to vector<16xf32>
    %broadcast_in_dim3A_26 = arith.constant 1.000000e+00 : f32
    %broadcast_in_dim3A_27 = vector.broadcast %broadcast_in_dim3A_26 : f32 to vector<16xf32>
    %scan3A = arith.constant 0 : i32
    %scan3A_28 = arith.constant 0 : i32
    %scan3A_29 = arith.constant 64 : i32
    %scan3A_30 = arith.addi %scan3A_28, %scan3A_29 : i32
    %scan3A_31 = arith.constant 1 : i32
    scf.for %scan3A_52 = %scan3A_28 to %scan3A_30 step %scan3A_31  : i32 {
      %swap3A = arith.index_cast %scan3A_52 : i32 to index
      %swap3A_53 = arith.constant 0 : index
      %swap3A_54 = tpu.vector_load %arg9[%swap3A, %swap3A_53] {strides = array<i32>} : memref<64x128xf32, #tpu.memory_space<vmem>>, vector<1x16xf32>,
      %swap3A_55 = vector.shape_cast %swap3A_54 : vector<1x16xf32> to vector<16xf32>
      %swap3A_56 = vector.shape_cast %broadcast_in_dim3A_23 : vector<16xf32> to vector<1x16xf32>
      tpu.vector_store %arg9[%swap3A, %swap3A_53], %swap3A_56 {strides = array<i32>} : memref<64x128xf32, #tpu.memory_space<vmem>>, vector<1x16xf32>,
      %swap3A_57 = arith.index_cast %scan3A_52 : i32 to index
      %swap3A_58 = arith.constant 0 : index
      %swap3A_59 = tpu.vector_load %arg10[%swap3A_57, %swap3A_58] {strides = array<i32>} : memref<64x128xf32, #tpu.memory_space<vmem>>, vector<1x16xf32>,
      %swap3A_60 = vector.shape_cast %swap3A_59 : vector<1x16xf32> to vector<16xf32>
      %swap3A_61 = vector.shape_cast %broadcast_in_dim3A_25 : vector<16xf32> to vector<1x16xf32>
      tpu.vector_store %arg10[%swap3A_57, %swap3A_58], %swap3A_61 {strides = array<i32>} : memref<64x128xf32, #tpu.memory_space<vmem>>, vector<1x16xf32>,
      %swap3A_62 = arith.index_cast %scan3A_52 : i32 to index
      %swap3A_63 = arith.constant 16 : index
      %swap3A_64 = tpu.vector_load %arg9[%swap3A_62, %swap3A_63] {strides = array<i32>} : memref<64x128xf32, #tpu.memory_space<vmem>>, vector<1x16xf32>,
      %swap3A_65 = vector.shape_cast %swap3A_64 : vector<1x16xf32> to vector<16xf32>
      %swap3A_66 = vector.shape_cast %broadcast_in_dim3A_23 : vector<16xf32> to vector<1x16xf32>
      tpu.vector_store %arg9[%swap3A_62, %swap3A_63], %swap3A_66 {strides = array<i32>} : memref<64x128xf32, #tpu.memory_space<vmem>>, vector<1x16xf32>,
      %swap3A_67 = arith.index_cast %scan3A_52 : i32 to index
      %swap3A_68 = arith.constant 16 : index
      %swap3A_69 = tpu.vector_load %arg10[%swap3A_67, %swap3A_68] {strides = array<i32>} : memref<64x128xf32, #tpu.memory_space<vmem>>, vector<1x16xf32>,
      %swap3A_70 = vector.shape_cast %swap3A_69 : vector<1x16xf32> to vector<16xf32>
      %swap3A_71 = vector.shape_cast %broadcast_in_dim3A_25 : vector<16xf32> to vector<1x16xf32>
      tpu.vector_store %arg10[%swap3A_67, %swap3A_68], %swap3A_71 {strides = array<i32>} : memref<64x128xf32, #tpu.memory_space<vmem>>, vector<1x16xf32>,
      %swap3A_72 = arith.index_cast %scan3A_52 : i32 to index
      %swap3A_73 = arith.constant 32 : index
      %swap3A_74 = tpu.vector_load %arg9[%swap3A_72, %swap3A_73] {strides = array<i32>} : memref<64x128xf32, #tpu.memory_space<vmem>>, vector<1x16xf32>,
      %swap3A_75 = vector.shape_cast %swap3A_74 : vector<1x16xf32> to vector<16xf32>
      %swap3A_76 = vector.shape_cast %broadcast_in_dim3A_23 : vector<16xf32> to vector<1x16xf32>
      tpu.vector_store %arg9[%swap3A_72, %swap3A_73], %swap3A_76 {strides = array<i32>} : memref<64x128xf32, #tpu.memory_space<vmem>>, vector<1x16xf32>,
      %swap3A_77 = arith.index_cast %scan3A_52 : i32 to index
      %swap3A_78 = arith.constant 32 : index
      %swap3A_79 = tpu.vector_load %arg10[%swap3A_77, %swap3A_78] {strides = array<i32>} : memref<64x128xf32, #tpu.memory_space<vmem>>, vector<1x16xf32>,
      %swap3A_80 = vector.shape_cast %swap3A_79 : vector<1x16xf32> to vector<16xf32>
      %swap3A_81 = vector.shape_cast %broadcast_in_dim3A_25 : vector<16xf32> to vector<1x16xf32>
      tpu.vector_store %arg10[%swap3A_77, %swap3A_78], %swap3A_81 {strides = array<i32>} : memref<64x128xf32, #tpu.memory_space<vmem>>, vector<1x16xf32>,
      %swap3A_82 = arith.index_cast %scan3A_52 : i32 to index
      %swap3A_83 = arith.constant 48 : index
      %swap3A_84 = tpu.vector_load %arg9[%swap3A_82, %swap3A_83] {strides = array<i32>} : memref<64x128xf32, #tpu.memory_space<vmem>>, vector<1x16xf32>,
      %swap3A_85 = vector.shape_cast %swap3A_84 : vector<1x16xf32> to vector<16xf32>
      %swap3A_86 = vector.shape_cast %broadcast_in_dim3A_23 : vector<16xf32> to vector<1x16xf32>
      tpu.vector_store %arg9[%swap3A_82, %swap3A_83], %swap3A_86 {strides = array<i32>} : memref<64x128xf32, #tpu.memory_space<vmem>>, vector<1x16xf32>,
      %swap3A_87 = arith.index_cast %scan3A_52 : i32 to index
      %swap3A_88 = arith.constant 48 : index
      %swap3A_89 = tpu.vector_load %arg10[%swap3A_87, %swap3A_88] {strides = array<i32>} : memref<64x128xf32, #tpu.memory_space<vmem>>, vector<1x16xf32>,
      %swap3A_90 = vector.shape_cast %swap3A_89 : vector<1x16xf32> to vector<16xf32>
      %swap3A_91 = vector.shape_cast %broadcast_in_dim3A_25 : vector<16xf32> to vector<1x16xf32>
      tpu.vector_store %arg10[%swap3A_87, %swap3A_88], %swap3A_91 {strides = array<i32>} : memref<64x128xf32, #tpu.memory_space<vmem>>, vector<1x16xf32>,
      %swap3A_92 = arith.index_cast %scan3A_52 : i32 to index
      %swap3A_93 = arith.constant 64 : index
      %swap3A_94 = tpu.vector_load %arg9[%swap3A_92, %swap3A_93] {strides = array<i32>} : memref<64x128xf32, #tpu.memory_space<vmem>>, vector<1x16xf32>,
      %swap3A_95 = vector.shape_cast %swap3A_94 : vector<1x16xf32> to vector<16xf32>
      %swap3A_96 = vector.shape_cast %broadcast_in_dim3A_23 : vector<16xf32> to vector<1x16xf32>
      tpu.vector_store %arg9[%swap3A_92, %swap3A_93], %swap3A_96 {strides = array<i32>} : memref<64x128xf32, #tpu.memory_space<vmem>>, vector<1x16xf32>,
      %swap3A_97 = arith.index_cast %scan3A_52 : i32 to index
      %swap3A_98 = arith.constant 64 : index
      %swap3A_99 = tpu.vector_load %arg10[%swap3A_97, %swap3A_98] {strides = array<i32>} : memref<64x128xf32, #tpu.memory_space<vmem>>, vector<1x16xf32>,
      %swap3A_100 = vector.shape_cast %swap3A_99 : vector<1x16xf32> to vector<16xf32>
      %swap3A_101 = vector.shape_cast %broadcast_in_dim3A_25 : vector<16xf32> to vector<1x16xf32>
      tpu.vector_store %arg10[%swap3A_97, %swap3A_98], %swap3A_101 {strides = array<i32>} : memref<64x128xf32, #tpu.memory_space<vmem>>, vector<1x16xf32>,
      %swap3A_102 = arith.index_cast %scan3A_52 : i32 to index
      %swap3A_103 = arith.constant 80 : index
      %swap3A_104 = tpu.vector_load %arg9[%swap3A_102, %swap3A_103] {strides = array<i32>} : memref<64x128xf32, #tpu.memory_space<vmem>>, vector<1x16xf32>,
      %swap3A_105 = vector.shape_cast %swap3A_104 : vector<1x16xf32> to vector<16xf32>
      %swap3A_106 = vector.shape_cast %broadcast_in_dim3A_23 : vector<16xf32> to vector<1x16xf32>
      tpu.vector_store %arg9[%swap3A_102, %swap3A_103], %swap3A_106 {strides = array<i32>} : memref<64x128xf32, #tpu.memory_space<vmem>>, vector<1x16xf32>,
      %swap3A_107 = arith.index_cast %scan3A_52 : i32 to index
      %swap3A_108 = arith.constant 80 : index
      %swap3A_109 = tpu.vector_load %arg10[%swap3A_107, %swap3A_108] {strides = array<i32>} : memref<64x128xf32, #tpu.memory_space<vmem>>, vector<1x16xf32>,
      %swap3A_110 = vector.shape_cast %swap3A_109 : vector<1x16xf32> to vector<16xf32>
      %swap3A_111 = vector.shape_cast %broadcast_in_dim3A_25 : vector<16xf32> to vector<1x16xf32>
      tpu.vector_store %arg10[%swap3A_107, %swap3A_108], %swap3A_111 {strides = array<i32>} : memref<64x128xf32, #tpu.memory_space<vmem>>, vector<1x16xf32>,
      %swap3A_112 = arith.index_cast %scan3A_52 : i32 to index
      %swap3A_113 = arith.constant 96 : index
      %swap3A_114 = tpu.vector_load %arg9[%swap3A_112, %swap3A_113] {strides = array<i32>} : memref<64x128xf32, #tpu.memory_space<vmem>>, vector<1x16xf32>,
      %swap3A_115 = vector.shape_cast %swap3A_114 : vector<1x16xf32> to vector<16xf32>
      %swap3A_116 = vector.shape_cast %broadcast_in_dim3A_23 : vector<16xf32> to vector<1x16xf32>
      tpu.vector_store %arg9[%swap3A_112, %swap3A_113], %swap3A_116 {strides = array<i32>} : memref<64x128xf32, #tpu.memory_space<vmem>>, vector<1x16xf32>,
      %swap3A_117 = arith.index_cast %scan3A_52 : i32 to index
      %swap3A_118 = arith.constant 96 : index
      %swap3A_119 = tpu.vector_load %arg10[%swap3A_117, %swap3A_118] {strides = array<i32>} : memref<64x128xf32, #tpu.memory_space<vmem>>, vector<1x16xf32>,
      %swap3A_120 = vector.shape_cast %swap3A_119 : vector<1x16xf32> to vector<16xf32>
      %swap3A_121 = vector.shape_cast %broadcast_in_dim3A_25 : vector<16xf32> to vector<1x16xf32>
      tpu.vector_store %arg10[%swap3A_117, %swap3A_118], %swap3A_121 {strides = array<i32>} : memref<64x128xf32, #tpu.memory_space<vmem>>, vector<1x16xf32>,
      %swap3A_122 = arith.index_cast %scan3A_52 : i32 to index
      %swap3A_123 = arith.constant 112 : index
      %swap3A_124 = tpu.vector_load %arg9[%swap3A_122, %swap3A_123] {strides = array<i32>} : memref<64x128xf32, #tpu.memory_space<vmem>>, vector<1x16xf32>,
      %swap3A_125 = vector.shape_cast %swap3A_124 : vector<1x16xf32> to vector<16xf32>
      %swap3A_126 = vector.shape_cast %broadcast_in_dim3A_23 : vector<16xf32> to vector<1x16xf32>
      tpu.vector_store %arg9[%swap3A_122, %swap3A_123], %swap3A_126 {strides = array<i32>} : memref<64x128xf32, #tpu.memory_space<vmem>>, vector<1x16xf32>,
      %swap3A_127 = arith.index_cast %scan3A_52 : i32 to index
      %swap3A_128 = arith.constant 112 : index
      %swap3A_129 = tpu.vector_load %arg10[%swap3A_127, %swap3A_128] {strides = array<i32>} : memref<64x128xf32, #tpu.memory_space<vmem>>, vector<1x16xf32>,
      %swap3A_130 = vector.shape_cast %swap3A_129 : vector<1x16xf32> to vector<16xf32>
      %swap3A_131 = vector.shape_cast %broadcast_in_dim3A_25 : vector<16xf32> to vector<1x16xf32>
      tpu.vector_store %arg10[%swap3A_127, %swap3A_128], %swap3A_131 {strides = array<i32>} : memref<64x128xf32, #tpu.memory_space<vmem>>, vector<1x16xf32>,
      %swap3A_132 = arith.index_cast %scan3A_52 : i32 to index
      %swap3A_133 = arith.constant 0 : index
      %swap3A_134 = tpu.vector_load %arg11[%swap3A_132, %swap3A_133] {strides = array<i32>} : memref<64x16xf32, #tpu.memory_space<vmem>>, vector<1x16xf32>,
      %swap3A_135 = vector.shape_cast %swap3A_134 : vector<1x16xf32> to vector<16xf32>
      %swap3A_136 = vector.shape_cast %broadcast_in_dim3A_25 : vector<16xf32> to vector<1x16xf32>
      tpu.vector_store %arg11[%swap3A_132, %swap3A_133], %swap3A_136 {strides = array<i32>} : memref<64x16xf32, #tpu.memory_space<vmem>>, vector<1x16xf32>,
    }
    %scan3A_32 = arith.constant 64 : i32
    %while3A = arith.constant 0 : i32
    %while3A_33 = arith.constant 0 : i32
    %while3A_34 = arith.subi %select_n3A_22, %while3A_33 : i32
    %while3A_35 = arith.addi %while3A_33, %while3A_34 : i32
    %while3A_36 = arith.constant 1 : i32
    %while3A_37 = arith.divsi %while3A_34, %while3A_36 : i32
    %while3A_38 = arith.muli %while3A_37, %while3A_36 : i32
    %while3A_39 = arith.addi %while3A_33, %while3A_38 : i32
    %while3A_40 = arith.constant 1 : i32
    scf.for %while3A_52 = %while3A_33 to %while3A_39 step %while3A_40  : i32 {
      %mul3A_53 = arith.constant 80 : i32
      %mul3A_54 = arith.muli %while3A_52, %mul3A_53 : i32
      %add3A_55 = arith.addi %mul3A_2, %mul3A_54 : i32
      %multiple_of3A = tpu.assume_multiple %add3A_55, 8 : i32
      %mul3A_56 = arith.constant 80 : i32
      %mul3A_57 = arith.muli %while3A_52, %mul3A_56 : i32
      "tpu.region"() ({
        %run_scoped3A = tpu.sem_alloc : memref<!tpu.dma_semaphore, #tpu.memory_space<semaphore_mem>>
        %dma_start3A = arith.constant 0 : i32
        %dma_start3A_60 = tpu.memref_slice %arg7[%mul3A_57, %dma_start3A] : memref<320x128xf32, #tpu.memory_space<vmem>> -> memref<80x128xf32, #tpu.memory_space<vmem>>
        %dma_start3A_61 = arith.constant 0 : i32
        %dma_start3A_62 = tpu.memref_slice %arg2[%multiple_of3A, %dma_start3A_61] : memref<10000x128xf32, #tpu.memory_space<hbm>> -> memref<80x128xf32, #tpu.memory_space<hbm>>
        %dma_start3A_63 = arith.constant 0 : i32
        %dma_start3A_64 = tpu.memref_slice %arg7[%mul3A_57, %dma_start3A_63] : memref<320x128xf32, #tpu.memory_space<vmem>> -> memref<80x128xf32, #tpu.memory_space<vmem>>
        %dma_start3A_65 = arith.constant 0 : i32
        %dma_start3A_66 = tpu.memref_slice %arg2[%multiple_of3A, %dma_start3A_65] : memref<10000x128xf32, #tpu.memory_space<hbm>> -> memref<80x128xf32, #tpu.memory_space<hbm>>
        tpu.enqueue_dma source(%dma_start3A_66 : memref<80x128xf32, #tpu.memory_space<hbm>>) target(%dma_start3A_64 : memref<80x128xf32, #tpu.memory_space<vmem>>) target_semaphore(%run_scoped3A : memref<!tpu.dma_semaphore, #tpu.memory_space<semaphore_mem>>)
        %dma_wait3A = arith.constant 0 : i32
        %dma_wait3A_67 = tpu.memref_slice %arg7[%mul3A_57, %dma_wait3A] : memref<320x128xf32, #tpu.memory_space<vmem>> -> memref<80x128xf32, #tpu.memory_space<vmem>>
        %dma_wait3A_68 = arith.constant 0 : i32
        %dma_wait3A_69 = tpu.memref_slice %arg2[%multiple_of3A, %dma_wait3A_68] : memref<10000x128xf32, #tpu.memory_space<hbm>> -> memref<80x128xf32, #tpu.memory_space<hbm>>
        %dma_wait3A_70 = arith.constant 0 : i32
        %dma_wait3A_71 = tpu.memref_slice %arg7[%mul3A_57, %dma_wait3A_70] : memref<320x128xf32, #tpu.memory_space<vmem>> -> memref<80x128xf32, #tpu.memory_space<vmem>>
        %dma_wait3A_72 = arith.constant 0 : i32
        %dma_wait3A_73 = tpu.memref_slice %arg2[%multiple_of3A, %dma_wait3A_72] : memref<10000x128xf32, #tpu.memory_space<hbm>> -> memref<80x128xf32, #tpu.memory_space<hbm>>
        tpu.wait_dma2 semaphore(%run_scoped3A : memref<!tpu.dma_semaphore, #tpu.memory_space<semaphore_mem>>) src(%dma_wait3A_73 : memref<80x128xf32, #tpu.memory_space<hbm>>) dst(%dma_wait3A_71 : memref<80x128xf32, #tpu.memory_space<vmem>>)
        tpu.yield
      }) : () -> ()
      %mul3A_58 = arith.constant 80 : i32
      %mul3A_59 = arith.muli %while3A_52, %mul3A_58 : i32
      "tpu.region"() ({
        %run_scoped3A = tpu.sem_alloc : memref<!tpu.dma_semaphore, #tpu.memory_space<semaphore_mem>>
        %dma_start3A = tpu.memref_slice %arg8[%mul3A_59] : memref<336xi32, #tpu.memory_space<vmem>> -> memref<80xi32, #tpu.memory_space<vmem>>
        %dma_start3A_60 = tpu.memref_slice %arg3[%multiple_of3A] : memref<10000xi32, #tpu.memory_space<hbm>> -> memref<80xi32, #tpu.memory_space<hbm>>
        %dma_start3A_61 = tpu.memref_slice %arg8[%mul3A_59] : memref<336xi32, #tpu.memory_space<vmem>> -> memref<80xi32, #tpu.memory_space<vmem>>
        %dma_start3A_62 = tpu.memref_slice %arg3[%multiple_of3A] : memref<10000xi32, #tpu.memory_space<hbm>> -> memref<80xi32, #tpu.memory_space<hbm>>
        tpu.enqueue_dma source(%dma_start3A_62 : memref<80xi32, #tpu.memory_space<hbm>>) target(%dma_start3A_61 : memref<80xi32, #tpu.memory_space<vmem>>) target_semaphore(%run_scoped3A : memref<!tpu.dma_semaphore, #tpu.memory_space<semaphore_mem>>)
        %dma_wait3A = tpu.memref_slice %arg8[%mul3A_59] : memref<336xi32, #tpu.memory_space<vmem>> -> memref<80xi32, #tpu.memory_space<vmem>>
        %dma_wait3A_63 = tpu.memref_slice %arg3[%multiple_of3A] : memref<10000xi32, #tpu.memory_space<hbm>> -> memref<80xi32, #tpu.memory_space<hbm>>
        %dma_wait3A_64 = tpu.memref_slice %arg8[%mul3A_59] : memref<336xi32, #tpu.memory_space<vmem>> -> memref<80xi32, #tpu.memory_space<vmem>>
        %dma_wait3A_65 = tpu.memref_slice %arg3[%multiple_of3A] : memref<10000xi32, #tpu.memory_space<hbm>> -> memref<80xi32, #tpu.memory_space<hbm>>
        tpu.wait_dma2 semaphore(%run_scoped3A : memref<!tpu.dma_semaphore, #tpu.memory_space<semaphore_mem>>) src(%dma_wait3A_65 : memref<80xi32, #tpu.memory_space<hbm>>) dst(%dma_wait3A_64 : memref<80xi32, #tpu.memory_space<vmem>>)
        tpu.yield
      }) : () -> ()
    }
    %while3A_41 = arith.constant 1 : i32
    scf.for %while3A_52 = %while3A_39 to %while3A_35 step %while3A_41  : i32 {
      %mul3A_53 = arith.constant 80 : i32
      %mul3A_54 = arith.muli %while3A_52, %mul3A_53 : i32
      %add3A_55 = arith.addi %mul3A_2, %mul3A_54 : i32
      %multiple_of3A = tpu.assume_multiple %add3A_55, 8 : i32
      %mul3A_56 = arith.constant 80 : i32
      %mul3A_57 = arith.muli %while3A_52, %mul3A_56 : i32
      "tpu.region"() ({
        %run_scoped3A = tpu.sem_alloc : memref<!tpu.dma_semaphore, #tpu.memory_space<semaphore_mem>>
        %dma_start3A = arith.constant 0 : i32
        %dma_start3A_60 = tpu.memref_slice %arg7[%mul3A_57, %dma_start3A] : memref<320x128xf32, #tpu.memory_space<vmem>> -> memref<80x128xf32, #tpu.memory_space<vmem>>
        %dma_start3A_61 = arith.constant 0 : i32
        %dma_start3A_62 = tpu.memref_slice %arg2[%multiple_of3A, %dma_start3A_61] : memref<10000x128xf32, #tpu.memory_space<hbm>> -> memref<80x128xf32, #tpu.memory_space<hbm>>
        %dma_start3A_63 = arith.constant 0 : i32
        %dma_start3A_64 = tpu.memref_slice %arg7[%mul3A_57, %dma_start3A_63] : memref<320x128xf32, #tpu.memory_space<vmem>> -> memref<80x128xf32, #tpu.memory_space<vmem>>
        %dma_start3A_65 = arith.constant 0 : i32
        %dma_start3A_66 = tpu.memref_slice %arg2[%multiple_of3A, %dma_start3A_65] : memref<10000x128xf32, #tpu.memory_space<hbm>> -> memref<80x128xf32, #tpu.memory_space<hbm>>
        tpu.enqueue_dma source(%dma_start3A_66 : memref<80x128xf32, #tpu.memory_space<hbm>>) target(%dma_start3A_64 : memref<80x128xf32, #tpu.memory_space<vmem>>) target_semaphore(%run_scoped3A : memref<!tpu.dma_semaphore, #tpu.memory_space<semaphore_mem>>)
        %dma_wait3A = arith.constant 0 : i32
        %dma_wait3A_67 = tpu.memref_slice %arg7[%mul3A_57, %dma_wait3A] : memref<320x128xf32, #tpu.memory_space<vmem>> -> memref<80x128xf32, #tpu.memory_space<vmem>>
        %dma_wait3A_68 = arith.constant 0 : i32
        %dma_wait3A_69 = tpu.memref_slice %arg2[%multiple_of3A, %dma_wait3A_68] : memref<10000x128xf32, #tpu.memory_space<hbm>> -> memref<80x128xf32, #tpu.memory_space<hbm>>
        %dma_wait3A_70 = arith.constant 0 : i32
        %dma_wait3A_71 = tpu.memref_slice %arg7[%mul3A_57, %dma_wait3A_70] : memref<320x128xf32, #tpu.memory_space<vmem>> -> memref<80x128xf32, #tpu.memory_space<vmem>>
        %dma_wait3A_72 = arith.constant 0 : i32
        %dma_wait3A_73 = tpu.memref_slice %arg2[%multiple_of3A, %dma_wait3A_72] : memref<10000x128xf32, #tpu.memory_space<hbm>> -> memref<80x128xf32, #tpu.memory_space<hbm>>
        tpu.wait_dma2 semaphore(%run_scoped3A : memref<!tpu.dma_semaphore, #tpu.memory_space<semaphore_mem>>) src(%dma_wait3A_73 : memref<80x128xf32, #tpu.memory_space<hbm>>) dst(%dma_wait3A_71 : memref<80x128xf32, #tpu.memory_space<vmem>>)
        tpu.yield
      }) : () -> ()
      %mul3A_58 = arith.constant 80 : i32
      %mul3A_59 = arith.muli %while3A_52, %mul3A_58 : i32
      "tpu.region"() ({
        %run_scoped3A = tpu.sem_alloc : memref<!tpu.dma_semaphore, #tpu.memory_space<semaphore_mem>>
        %dma_start3A = tpu.memref_slice %arg8[%mul3A_59] : memref<336xi32, #tpu.memory_space<vmem>> -> memref<80xi32, #tpu.memory_space<vmem>>
        %dma_start3A_60 = tpu.memref_slice %arg3[%multiple_of3A] : memref<10000xi32, #tpu.memory_space<hbm>> -> memref<80xi32, #tpu.memory_space<hbm>>
        %dma_start3A_61 = tpu.memref_slice %arg8[%mul3A_59] : memref<336xi32, #tpu.memory_space<vmem>> -> memref<80xi32, #tpu.memory_space<vmem>>
        %dma_start3A_62 = tpu.memref_slice %arg3[%multiple_of3A] : memref<10000xi32, #tpu.memory_space<hbm>> -> memref<80xi32, #tpu.memory_space<hbm>>
        tpu.enqueue_dma source(%dma_start3A_62 : memref<80xi32, #tpu.memory_space<hbm>>) target(%dma_start3A_61 : memref<80xi32, #tpu.memory_space<vmem>>) target_semaphore(%run_scoped3A : memref<!tpu.dma_semaphore, #tpu.memory_space<semaphore_mem>>)
        %dma_wait3A = tpu.memref_slice %arg8[%mul3A_59] : memref<336xi32, #tpu.memory_space<vmem>> -> memref<80xi32, #tpu.memory_space<vmem>>
        %dma_wait3A_63 = tpu.memref_slice %arg3[%multiple_of3A] : memref<10000xi32, #tpu.memory_space<hbm>> -> memref<80xi32, #tpu.memory_space<hbm>>
        %dma_wait3A_64 = tpu.memref_slice %arg8[%mul3A_59] : memref<336xi32, #tpu.memory_space<vmem>> -> memref<80xi32, #tpu.memory_space<vmem>>
        %dma_wait3A_65 = tpu.memref_slice %arg3[%multiple_of3A] : memref<10000xi32, #tpu.memory_space<hbm>> -> memref<80xi32, #tpu.memory_space<hbm>>
        tpu.wait_dma2 semaphore(%run_scoped3A : memref<!tpu.dma_semaphore, #tpu.memory_space<semaphore_mem>>) src(%dma_wait3A_65 : memref<80xi32, #tpu.memory_space<hbm>>) dst(%dma_wait3A_64 : memref<80xi32, #tpu.memory_space<vmem>>)
        tpu.yield
      }) : () -> ()
    }
    %while3A_42 = arith.constant 0 : i32
    %while3A_43 = arith.constant 0 : i32
    %while3A_44 = arith.subi %select_n3A, %while3A_43 : i32
    %while3A_45 = arith.addi %while3A_43, %while3A_44 : i32
    %while3A_46 = arith.constant 1 : i32
    %while3A_47 = arith.divsi %while3A_44, %while3A_46 : i32
    %while3A_48 = arith.muli %while3A_47, %while3A_46 : i32
    %while3A_49 = arith.addi %while3A_43, %while3A_48 : i32
    %while3A_50 = arith.constant 1 : i32
    scf.for %while3A_52 = %while3A_43 to %while3A_49 step %while3A_50  : i32 {
      %get3A = arith.index_cast %while3A_52 : i32 to index
      %get3A_53 = tpu.vector_load %arg8[%get3A] {strides = array<i32>} : memref<336xi32, #tpu.memory_space<vmem>>, vector<16xi32>,
      %get3A_54 = vector.shape_cast %get3A_53 : vector<16xi32> to vector<16xi32>
      %slice3A = vector.extract_strided_slice %get3A_54 {offsets = [0], sizes = [1], strides = [1]} : vector<16xi32> to vector<1xi32>
      %squeeze3A = vector.extract %slice3A[0] : i32 from vector<1xi32>
      %get3A_55 = arith.index_cast %while3A_52 : i32 to index
      %get3A_56 = arith.constant 0 : index
      %get3A_57 = tpu.vector_load %arg7[%get3A_55, %get3A_56] {strides = array<i32>} : memref<320x128xf32, #tpu.memory_space<vmem>>, vector<1x16xf32>,
      %get3A_58 = vector.shape_cast %get3A_57 : vector<1x16xf32> to vector<16xf32>
      %get3A_59 = arith.index_cast %squeeze3A : i32 to index
      %get3A_60 = arith.constant 0 : index
      %get3A_61 = tpu.vector_load %arg9[%get3A_59, %get3A_60] {strides = array<i32>} : memref<64x128xf32, #tpu.memory_space<vmem>>, vector<1x16xf32>,
      %get3A_62 = vector.shape_cast %get3A_61 : vector<1x16xf32> to vector<16xf32>
      %max3A = arith.maximumf %get3A_62, %get3A_58 : vector<16xf32>
      %swap3A = arith.index_cast %squeeze3A : i32 to index
      %swap3A_63 = arith.constant 0 : index
      %swap3A_64 = tpu.vector_load %arg9[%swap3A, %swap3A_63] {strides = array<i32>} : memref<64x128xf32, #tpu.memory_space<vmem>>, vector<1x16xf32>,
      %swap3A_65 = vector.shape_cast %swap3A_64 : vector<1x16xf32> to vector<16xf32>
      %swap3A_66 = vector.shape_cast %max3A : vector<16xf32> to vector<1x16xf32>
      tpu.vector_store %arg9[%swap3A, %swap3A_63], %swap3A_66 {strides = array<i32>} : memref<64x128xf32, #tpu.memory_space<vmem>>, vector<1x16xf32>,
      %get3A_67 = arith.index_cast %squeeze3A : i32 to index
      %get3A_68 = arith.constant 0 : index
      %get3A_69 = tpu.vector_load %arg10[%get3A_67, %get3A_68] {strides = array<i32>} : memref<64x128xf32, #tpu.memory_space<vmem>>, vector<1x16xf32>,
      %get3A_70 = vector.shape_cast %get3A_69 : vector<1x16xf32> to vector<16xf32>
      %add3A_71 = arith.addf %get3A_70, %get3A_58 : vector<16xf32>
      %swap3A_72 = arith.index_cast %squeeze3A : i32 to index
      %swap3A_73 = arith.constant 0 : index
      %swap3A_74 = tpu.vector_load %arg10[%swap3A_72, %swap3A_73] {strides = array<i32>} : memref<64x128xf32, #tpu.memory_space<vmem>>, vector<1x16xf32>,
      %swap3A_75 = vector.shape_cast %swap3A_74 : vector<1x16xf32> to vector<16xf32>
      %swap3A_76 = vector.shape_cast %add3A_71 : vector<16xf32> to vector<1x16xf32>
      tpu.vector_store %arg10[%swap3A_72, %swap3A_73], %swap3A_76 {strides = array<i32>} : memref<64x128xf32, #tpu.memory_space<vmem>>, vector<1x16xf32>,
      %get3A_77 = arith.index_cast %while3A_52 : i32 to index
      %get3A_78 = arith.constant 16 : index
      %get3A_79 = tpu.vector_load %arg7[%get3A_77, %get3A_78] {strides = array<i32>} : memref<320x128xf32, #tpu.memory_space<vmem>>, vector<1x16xf32>,
      %get3A_80 = vector.shape_cast %get3A_79 : vector<1x16xf32> to vector<16xf32>
      %get3A_81 = arith.index_cast %squeeze3A : i32 to index
      %get3A_82 = arith.constant 16 : index
      %get3A_83 = tpu.vector_load %arg9[%get3A_81, %get3A_82] {strides = array<i32>} : memref<64x128xf32, #tpu.memory_space<vmem>>, vector<1x16xf32>,
      %get3A_84 = vector.shape_cast %get3A_83 : vector<1x16xf32> to vector<16xf32>
      %max3A_85 = arith.maximumf %get3A_84, %get3A_80 : vector<16xf32>
      %swap3A_86 = arith.index_cast %squeeze3A : i32 to index
      %swap3A_87 = arith.constant 16 : index
      %swap3A_88 = tpu.vector_load %arg9[%swap3A_86, %swap3A_87] {strides = array<i32>} : memref<64x128xf32, #tpu.memory_space<vmem>>, vector<1x16xf32>,
      %swap3A_89 = vector.shape_cast %swap3A_88 : vector<1x16xf32> to vector<16xf32>
      %swap3A_90 = vector.shape_cast %max3A_85 : vector<16xf32> to vector<1x16xf32>
      tpu.vector_store %arg9[%swap3A_86, %swap3A_87], %swap3A_90 {strides = array<i32>} : memref<64x128xf32, #tpu.memory_space<vmem>>, vector<1x16xf32>,
      %get3A_91 = arith.index_cast %squeeze3A : i32 to index
      %get3A_92 = arith.constant 16 : index
      %get3A_93 = tpu.vector_load %arg10[%get3A_91, %get3A_92] {strides = array<i32>} : memref<64x128xf32, #tpu.memory_space<vmem>>, vector<1x16xf32>,
      %get3A_94 = vector.shape_cast %get3A_93 : vector<1x16xf32> to vector<16xf32>
      %add3A_95 = arith.addf %get3A_94, %get3A_80 : vector<16xf32>
      %swap3A_96 = arith.index_cast %squeeze3A : i32 to index
      %swap3A_97 = arith.constant 16 : index
      %swap3A_98 = tpu.vector_load %arg10[%swap3A_96, %swap3A_97] {strides = array<i32>} : memref<64x128xf32, #tpu.memory_space<vmem>>, vector<1x16xf32>,
      %swap3A_99 = vector.shape_cast %swap3A_98 : vector<1x16xf32> to vector<16xf32>
      %swap3A_100 = vector.shape_cast %add3A_95 : vector<16xf32> to vector<1x16xf32>
      tpu.vector_store %arg10[%swap3A_96, %swap3A_97], %swap3A_100 {strides = array<i32>} : memref<64x128xf32, #tpu.memory_space<vmem>>, vector<1x16xf32>,
      %get3A_101 = arith.index_cast %while3A_52 : i32 to index
      %get3A_102 = arith.constant 32 : index
      %get3A_103 = tpu.vector_load %arg7[%get3A_101, %get3A_102] {strides = array<i32>} : memref<320x128xf32, #tpu.memory_space<vmem>>, vector<1x16xf32>,
      %get3A_104 = vector.shape_cast %get3A_103 : vector<1x16xf32> to vector<16xf32>
      %get3A_105 = arith.index_cast %squeeze3A : i32 to index
      %get3A_106 = arith.constant 32 : index
      %get3A_107 = tpu.vector_load %arg9[%get3A_105, %get3A_106] {strides = array<i32>} : memref<64x128xf32, #tpu.memory_space<vmem>>, vector<1x16xf32>,
      %get3A_108 = vector.shape_cast %get3A_107 : vector<1x16xf32> to vector<16xf32>
      %max3A_109 = arith.maximumf %get3A_108, %get3A_104 : vector<16xf32>
      %swap3A_110 = arith.index_cast %squeeze3A : i32 to index
      %swap3A_111 = arith.constant 32 : index
      %swap3A_112 = tpu.vector_load %arg9[%swap3A_110, %swap3A_111] {strides = array<i32>} : memref<64x128xf32, #tpu.memory_space<vmem>>, vector<1x16xf32>,
      %swap3A_113 = vector.shape_cast %swap3A_112 : vector<1x16xf32> to vector<16xf32>
      %swap3A_114 = vector.shape_cast %max3A_109 : vector<16xf32> to vector<1x16xf32>
      tpu.vector_store %arg9[%swap3A_110, %swap3A_111], %swap3A_114 {strides = array<i32>} : memref<64x128xf32, #tpu.memory_space<vmem>>, vector<1x16xf32>,
      %get3A_115 = arith.index_cast %squeeze3A : i32 to index
      %get3A_116 = arith.constant 32 : index
      %get3A_117 = tpu.vector_load %arg10[%get3A_115, %get3A_116] {strides = array<i32>} : memref<64x128xf32, #tpu.memory_space<vmem>>, vector<1x16xf32>,
      %get3A_118 = vector.shape_cast %get3A_117 : vector<1x16xf32> to vector<16xf32>
      %add3A_119 = arith.addf %get3A_118, %get3A_104 : vector<16xf32>
      %swap3A_120 = arith.index_cast %squeeze3A : i32 to index
      %swap3A_121 = arith.constant 32 : index
      %swap3A_122 = tpu.vector_load %arg10[%swap3A_120, %swap3A_121] {strides = array<i32>} : memref<64x128xf32, #tpu.memory_space<vmem>>, vector<1x16xf32>,
      %swap3A_123 = vector.shape_cast %swap3A_122 : vector<1x16xf32> to vector<16xf32>
      %swap3A_124 = vector.shape_cast %add3A_119 : vector<16xf32> to vector<1x16xf32>
      tpu.vector_store %arg10[%swap3A_120, %swap3A_121], %swap3A_124 {strides = array<i32>} : memref<64x128xf32, #tpu.memory_space<vmem>>, vector<1x16xf32>,
      %get3A_125 = arith.index_cast %while3A_52 : i32 to index
      %get3A_126 = arith.constant 48 : index
      %get3A_127 = tpu.vector_load %arg7[%get3A_125, %get3A_126] {strides = array<i32>} : memref<320x128xf32, #tpu.memory_space<vmem>>, vector<1x16xf32>,
      %get3A_128 = vector.shape_cast %get3A_127 : vector<1x16xf32> to vector<16xf32>
      %get3A_129 = arith.index_cast %squeeze3A : i32 to index
      %get3A_130 = arith.constant 48 : index
      %get3A_131 = tpu.vector_load %arg9[%get3A_129, %get3A_130] {strides = array<i32>} : memref<64x128xf32, #tpu.memory_space<vmem>>, vector<1x16xf32>,
      %get3A_132 = vector.shape_cast %get3A_131 : vector<1x16xf32> to vector<16xf32>
      %max3A_133 = arith.maximumf %get3A_132, %get3A_128 : vector<16xf32>
      %swap3A_134 = arith.index_cast %squeeze3A : i32 to index
      %swap3A_135 = arith.constant 48 : index
      %swap3A_136 = tpu.vector_load %arg9[%swap3A_134, %swap3A_135] {strides = array<i32>} : memref<64x128xf32, #tpu.memory_space<vmem>>, vector<1x16xf32>,
      %swap3A_137 = vector.shape_cast %swap3A_136 : vector<1x16xf32> to vector<16xf32>
      %swap3A_138 = vector.shape_cast %max3A_133 : vector<16xf32> to vector<1x16xf32>
      tpu.vector_store %arg9[%swap3A_134, %swap3A_135], %swap3A_138 {strides = array<i32>} : memref<64x128xf32, #tpu.memory_space<vmem>>, vector<1x16xf32>,
      %get3A_139 = arith.index_cast %squeeze3A : i32 to index
      %get3A_140 = arith.constant 48 : index
      %get3A_141 = tpu.vector_load %arg10[%get3A_139, %get3A_140] {strides = array<i32>} : memref<64x128xf32, #tpu.memory_space<vmem>>, vector<1x16xf32>,
      %get3A_142 = vector.shape_cast %get3A_141 : vector<1x16xf32> to vector<16xf32>
      %add3A_143 = arith.addf %get3A_142, %get3A_128 : vector<16xf32>
      %swap3A_144 = arith.index_cast %squeeze3A : i32 to index
      %swap3A_145 = arith.constant 48 : index
      %swap3A_146 = tpu.vector_load %arg10[%swap3A_144, %swap3A_145] {strides = array<i32>} : memref<64x128xf32, #tpu.memory_space<vmem>>, vector<1x16xf32>,
      %swap3A_147 = vector.shape_cast %swap3A_146 : vector<1x16xf32> to vector<16xf32>
      %swap3A_148 = vector.shape_cast %add3A_143 : vector<16xf32> to vector<1x16xf32>
      tpu.vector_store %arg10[%swap3A_144, %swap3A_145], %swap3A_148 {strides = array<i32>} : memref<64x128xf32, #tpu.memory_space<vmem>>, vector<1x16xf32>,
      %get3A_149 = arith.index_cast %while3A_52 : i32 to index
      %get3A_150 = arith.constant 64 : index
      %get3A_151 = tpu.vector_load %arg7[%get3A_149, %get3A_150] {strides = array<i32>} : memref<320x128xf32, #tpu.memory_space<vmem>>, vector<1x16xf32>,
      %get3A_152 = vector.shape_cast %get3A_151 : vector<1x16xf32> to vector<16xf32>
      %get3A_153 = arith.index_cast %squeeze3A : i32 to index
      %get3A_154 = arith.constant 64 : index
      %get3A_155 = tpu.vector_load %arg9[%get3A_153, %get3A_154] {strides = array<i32>} : memref<64x128xf32, #tpu.memory_space<vmem>>, vector<1x16xf32>,
      %get3A_156 = vector.shape_cast %get3A_155 : vector<1x16xf32> to vector<16xf32>
      %max3A_157 = arith.maximumf %get3A_156, %get3A_152 : vector<16xf32>
      %swap3A_158 = arith.index_cast %squeeze3A : i32 to index
      %swap3A_159 = arith.constant 64 : index
      %swap3A_160 = tpu.vector_load %arg9[%swap3A_158, %swap3A_159] {strides = array<i32>} : memref<64x128xf32, #tpu.memory_space<vmem>>, vector<1x16xf32>,
      %swap3A_161 = vector.shape_cast %swap3A_160 : vector<1x16xf32> to vector<16xf32>
      %swap3A_162 = vector.shape_cast %max3A_157 : vector<16xf32> to vector<1x16xf32>
      tpu.vector_store %arg9[%swap3A_158, %swap3A_159], %swap3A_162 {strides = array<i32>} : memref<64x128xf32, #tpu.memory_space<vmem>>, vector<1x16xf32>,
      %get3A_163 = arith.index_cast %squeeze3A : i32 to index
      %get3A_164 = arith.constant 64 : index
      %get3A_165 = tpu.vector_load %arg10[%get3A_163, %get3A_164] {strides = array<i32>} : memref<64x128xf32, #tpu.memory_space<vmem>>, vector<1x16xf32>,
      %get3A_166 = vector.shape_cast %get3A_165 : vector<1x16xf32> to vector<16xf32>
      %add3A_167 = arith.addf %get3A_166, %get3A_152 : vector<16xf32>
      %swap3A_168 = arith.index_cast %squeeze3A : i32 to index
      %swap3A_169 = arith.constant 64 : index
      %swap3A_170 = tpu.vector_load %arg10[%swap3A_168, %swap3A_169] {strides = array<i32>} : memref<64x128xf32, #tpu.memory_space<vmem>>, vector<1x16xf32>,
      %swap3A_171 = vector.shape_cast %swap3A_170 : vector<1x16xf32> to vector<16xf32>
      %swap3A_172 = vector.shape_cast %add3A_167 : vector<16xf32> to vector<1x16xf32>
      tpu.vector_store %arg10[%swap3A_168, %swap3A_169], %swap3A_172 {strides = array<i32>} : memref<64x128xf32, #tpu.memory_space<vmem>>, vector<1x16xf32>,
      %get3A_173 = arith.index_cast %while3A_52 : i32 to index
      %get3A_174 = arith.constant 80 : index
      %get3A_175 = tpu.vector_load %arg7[%get3A_173, %get3A_174] {strides = array<i32>} : memref<320x128xf32, #tpu.memory_space<vmem>>, vector<1x16xf32>,
      %get3A_176 = vector.shape_cast %get3A_175 : vector<1x16xf32> to vector<16xf32>
      %get3A_177 = arith.index_cast %squeeze3A : i32 to index
      %get3A_178 = arith.constant 80 : index
      %get3A_179 = tpu.vector_load %arg9[%get3A_177, %get3A_178] {strides = array<i32>} : memref<64x128xf32, #tpu.memory_space<vmem>>, vector<1x16xf32>,
      %get3A_180 = vector.shape_cast %get3A_179 : vector<1x16xf32> to vector<16xf32>
      %max3A_181 = arith.maximumf %get3A_180, %get3A_176 : vector<16xf32>
      %swap3A_182 = arith.index_cast %squeeze3A : i32 to index
      %swap3A_183 = arith.constant 80 : index
      %swap3A_184 = tpu.vector_load %arg9[%swap3A_182, %swap3A_183] {strides = array<i32>} : memref<64x128xf32, #tpu.memory_space<vmem>>, vector<1x16xf32>,
      %swap3A_185 = vector.shape_cast %swap3A_184 : vector<1x16xf32> to vector<16xf32>
      %swap3A_186 = vector.shape_cast %max3A_181 : vector<16xf32> to vector<1x16xf32>
      tpu.vector_store %arg9[%swap3A_182, %swap3A_183], %swap3A_186 {strides = array<i32>} : memref<64x128xf32, #tpu.memory_space<vmem>>, vector<1x16xf32>,
      %get3A_187 = arith.index_cast %squeeze3A : i32 to index
      %get3A_188 = arith.constant 80 : index
      %get3A_189 = tpu.vector_load %arg10[%get3A_187, %get3A_188] {strides = array<i32>} : memref<64x128xf32, #tpu.memory_space<vmem>>, vector<1x16xf32>,
      %get3A_190 = vector.shape_cast %get3A_189 : vector<1x16xf32> to vector<16xf32>
      %add3A_191 = arith.addf %get3A_190, %get3A_176 : vector<16xf32>
      %swap3A_192 = arith.index_cast %squeeze3A : i32 to index
      %swap3A_193 = arith.constant 80 : index
      %swap3A_194 = tpu.vector_load %arg10[%swap3A_192, %swap3A_193] {strides = array<i32>} : memref<64x128xf32, #tpu.memory_space<vmem>>, vector<1x16xf32>,
      %swap3A_195 = vector.shape_cast %swap3A_194 : vector<1x16xf32> to vector<16xf32>
      %swap3A_196 = vector.shape_cast %add3A_191 : vector<16xf32> to vector<1x16xf32>
      tpu.vector_store %arg10[%swap3A_192, %swap3A_193], %swap3A_196 {strides = array<i32>} : memref<64x128xf32, #tpu.memory_space<vmem>>, vector<1x16xf32>,
      %get3A_197 = arith.index_cast %while3A_52 : i32 to index
      %get3A_198 = arith.constant 96 : index
      %get3A_199 = tpu.vector_load %arg7[%get3A_197, %get3A_198] {strides = array<i32>} : memref<320x128xf32, #tpu.memory_space<vmem>>, vector<1x16xf32>,
      %get3A_200 = vector.shape_cast %get3A_199 : vector<1x16xf32> to vector<16xf32>
      %get3A_201 = arith.index_cast %squeeze3A : i32 to index
      %get3A_202 = arith.constant 96 : index
      %get3A_203 = tpu.vector_load %arg9[%get3A_201, %get3A_202] {strides = array<i32>} : memref<64x128xf32, #tpu.memory_space<vmem>>, vector<1x16xf32>,
      %get3A_204 = vector.shape_cast %get3A_203 : vector<1x16xf32> to vector<16xf32>
      %max3A_205 = arith.maximumf %get3A_204, %get3A_200 : vector<16xf32>
      %swap3A_206 = arith.index_cast %squeeze3A : i32 to index
      %swap3A_207 = arith.constant 96 : index
      %swap3A_208 = tpu.vector_load %arg9[%swap3A_206, %swap3A_207] {strides = array<i32>} : memref<64x128xf32, #tpu.memory_space<vmem>>, vector<1x16xf32>,
      %swap3A_209 = vector.shape_cast %swap3A_208 : vector<1x16xf32> to vector<16xf32>
      %swap3A_210 = vector.shape_cast %max3A_205 : vector<16xf32> to vector<1x16xf32>
      tpu.vector_store %arg9[%swap3A_206, %swap3A_207], %swap3A_210 {strides = array<i32>} : memref<64x128xf32, #tpu.memory_space<vmem>>, vector<1x16xf32>,
      %get3A_211 = arith.index_cast %squeeze3A : i32 to index
      %get3A_212 = arith.constant 96 : index
      %get3A_213 = tpu.vector_load %arg10[%get3A_211, %get3A_212] {strides = array<i32>} : memref<64x128xf32, #tpu.memory_space<vmem>>, vector<1x16xf32>,
      %get3A_214 = vector.shape_cast %get3A_213 : vector<1x16xf32> to vector<16xf32>
      %add3A_215 = arith.addf %get3A_214, %get3A_200 : vector<16xf32>
      %swap3A_216 = arith.index_cast %squeeze3A : i32 to index
      %swap3A_217 = arith.constant 96 : index
      %swap3A_218 = tpu.vector_load %arg10[%swap3A_216, %swap3A_217] {strides = array<i32>} : memref<64x128xf32, #tpu.memory_space<vmem>>, vector<1x16xf32>,
      %swap3A_219 = vector.shape_cast %swap3A_218 : vector<1x16xf32> to vector<16xf32>
      %swap3A_220 = vector.shape_cast %add3A_215 : vector<16xf32> to vector<1x16xf32>
      tpu.vector_store %arg10[%swap3A_216, %swap3A_217], %swap3A_220 {strides = array<i32>} : memref<64x128xf32, #tpu.memory_space<vmem>>, vector<1x16xf32>,
      %get3A_221 = arith.index_cast %while3A_52 : i32 to index
      %get3A_222 = arith.constant 112 : index
      %get3A_223 = tpu.vector_load %arg7[%get3A_221, %get3A_222] {strides = array<i32>} : memref<320x128xf32, #tpu.memory_space<vmem>>, vector<1x16xf32>,
      %get3A_224 = vector.shape_cast %get3A_223 : vector<1x16xf32> to vector<16xf32>
      %get3A_225 = arith.index_cast %squeeze3A : i32 to index
      %get3A_226 = arith.constant 112 : index
      %get3A_227 = tpu.vector_load %arg9[%get3A_225, %get3A_226] {strides = array<i32>} : memref<64x128xf32, #tpu.memory_space<vmem>>, vector<1x16xf32>,
      %get3A_228 = vector.shape_cast %get3A_227 : vector<1x16xf32> to vector<16xf32>
      %max3A_229 = arith.maximumf %get3A_228, %get3A_224 : vector<16xf32>
      %swap3A_230 = arith.index_cast %squeeze3A : i32 to index
      %swap3A_231 = arith.constant 112 : index
      %swap3A_232 = tpu.vector_load %arg9[%swap3A_230, %swap3A_231] {strides = array<i32>} : memref<64x128xf32, #tpu.memory_space<vmem>>, vector<1x16xf32>,
      %swap3A_233 = vector.shape_cast %swap3A_232 : vector<1x16xf32> to vector<16xf32>
      %swap3A_234 = vector.shape_cast %max3A_229 : vector<16xf32> to vector<1x16xf32>
      tpu.vector_store %arg9[%swap3A_230, %swap3A_231], %swap3A_234 {strides = array<i32>} : memref<64x128xf32, #tpu.memory_space<vmem>>, vector<1x16xf32>,
      %get3A_235 = arith.index_cast %squeeze3A : i32 to index
      %get3A_236 = arith.constant 112 : index
      %get3A_237 = tpu.vector_load %arg10[%get3A_235, %get3A_236] {strides = array<i32>} : memref<64x128xf32, #tpu.memory_space<vmem>>, vector<1x16xf32>,
      %get3A_238 = vector.shape_cast %get3A_237 : vector<1x16xf32> to vector<16xf32>
      %add3A_239 = arith.addf %get3A_238, %get3A_224 : vector<16xf32>
      %swap3A_240 = arith.index_cast %squeeze3A : i32 to index
      %swap3A_241 = arith.constant 112 : index
      %swap3A_242 = tpu.vector_load %arg10[%swap3A_240, %swap3A_241] {strides = array<i32>} : memref<64x128xf32, #tpu.memory_space<vmem>>, vector<1x16xf32>,
      %swap3A_243 = vector.shape_cast %swap3A_242 : vector<1x16xf32> to vector<16xf32>
      %swap3A_244 = vector.shape_cast %add3A_239 : vector<16xf32> to vector<1x16xf32>
      tpu.vector_store %arg10[%swap3A_240, %swap3A_241], %swap3A_244 {strides = array<i32>} : memref<64x128xf32, #tpu.memory_space<vmem>>, vector<1x16xf32>,
      %get3A_245 = arith.index_cast %squeeze3A : i32 to index
      %get3A_246 = arith.constant 0 : index
      %get3A_247 = tpu.vector_load %arg11[%get3A_245, %get3A_246] {strides = array<i32>} : memref<64x16xf32, #tpu.memory_space<vmem>>, vector<1x16xf32>,
      %get3A_248 = vector.shape_cast %get3A_247 : vector<1x16xf32> to vector<16xf32>
      %add3A_249 = arith.addf %get3A_248, %broadcast_in_dim3A_27 : vector<16xf32>
      %swap3A_250 = arith.index_cast %squeeze3A : i32 to index
      %swap3A_251 = arith.constant 0 : index
      %swap3A_252 = tpu.vector_load %arg11[%swap3A_250, %swap3A_251] {strides = array<i32>} : memref<64x16xf32, #tpu.memory_space<vmem>>, vector<1x16xf32>,
      %swap3A_253 = vector.shape_cast %swap3A_252 : vector<1x16xf32> to vector<16xf32>
      %swap3A_254 = vector.shape_cast %add3A_249 : vector<16xf32> to vector<1x16xf32>
      tpu.vector_store %arg11[%swap3A_250, %swap3A_251], %swap3A_254 {strides = array<i32>} : memref<64x16xf32, #tpu.memory_space<vmem>>, vector<1x16xf32>,
    }
    %while3A_51 = arith.constant 1 : i32
    scf.for %while3A_52 = %while3A_49 to %while3A_45 step %while3A_51  : i32 {
      %get3A = arith.index_cast %while3A_52 : i32 to index
      %get3A_53 = tpu.vector_load %arg8[%get3A] {strides = array<i32>} : memref<336xi32, #tpu.memory_space<vmem>>, vector<16xi32>,
      %get3A_54 = vector.shape_cast %get3A_53 : vector<16xi32> to vector<16xi32>
      %slice3A = vector.extract_strided_slice %get3A_54 {offsets = [0], sizes = [1], strides = [1]} : vector<16xi32> to vector<1xi32>
      %squeeze3A = vector.extract %slice3A[0] : i32 from vector<1xi32>
      %get3A_55 = arith.index_cast %while3A_52 : i32 to index
      %get3A_56 = arith.constant 0 : index
      %get3A_57 = tpu.vector_load %arg7[%get3A_55, %get3A_56] {strides = array<i32>} : memref<320x128xf32, #tpu.memory_space<vmem>>, vector<1x16xf32>,
      %get3A_58 = vector.shape_cast %get3A_57 : vector<1x16xf32> to vector<16xf32>
      %get3A_59 = arith.index_cast %squeeze3A : i32 to index
      %get3A_60 = arith.constant 0 : index
      %get3A_61 = tpu.vector_load %arg9[%get3A_59, %get3A_60] {strides = array<i32>} : memref<64x128xf32, #tpu.memory_space<vmem>>, vector<1x16xf32>,
      %get3A_62 = vector.shape_cast %get3A_61 : vector<1x16xf32> to vector<16xf32>
      %max3A = arith.maximumf %get3A_62, %get3A_58 : vector<16xf32>
      %swap3A = arith.index_cast %squeeze3A : i32 to index
      %swap3A_63 = arith.constant 0 : index
      %swap3A_64 = tpu.vector_load %arg9[%swap3A, %swap3A_63] {strides = array<i32>} : memref<64x128xf32, #tpu.memory_space<vmem>>, vector<1x16xf32>,
      %swap3A_65 = vector.shape_cast %swap3A_64 : vector<1x16xf32> to vector<16xf32>
      %swap3A_66 = vector.shape_cast %max3A : vector<16xf32> to vector<1x16xf32>
      tpu.vector_store %arg9[%swap3A, %swap3A_63], %swap3A_66 {strides = array<i32>} : memref<64x128xf32, #tpu.memory_space<vmem>>, vector<1x16xf32>,
      %get3A_67 = arith.index_cast %squeeze3A : i32 to index
      %get3A_68 = arith.constant 0 : index
      %get3A_69 = tpu.vector_load %arg10[%get3A_67, %get3A_68] {strides = array<i32>} : memref<64x128xf32, #tpu.memory_space<vmem>>, vector<1x16xf32>,
      %get3A_70 = vector.shape_cast %get3A_69 : vector<1x16xf32> to vector<16xf32>
      %add3A_71 = arith.addf %get3A_70, %get3A_58 : vector<16xf32>
      %swap3A_72 = arith.index_cast %squeeze3A : i32 to index
      %swap3A_73 = arith.constant 0 : index
      %swap3A_74 = tpu.vector_load %arg10[%swap3A_72, %swap3A_73] {strides = array<i32>} : memref<64x128xf32, #tpu.memory_space<vmem>>, vector<1x16xf32>,
      %swap3A_75 = vector.shape_cast %swap3A_74 : vector<1x16xf32> to vector<16xf32>
      %swap3A_76 = vector.shape_cast %add3A_71 : vector<16xf32> to vector<1x16xf32>
      tpu.vector_store %arg10[%swap3A_72, %swap3A_73], %swap3A_76 {strides = array<i32>} : memref<64x128xf32, #tpu.memory_space<vmem>>, vector<1x16xf32>,
      %get3A_77 = arith.index_cast %while3A_52 : i32 to index
      %get3A_78 = arith.constant 16 : index
      %get3A_79 = tpu.vector_load %arg7[%get3A_77, %get3A_78] {strides = array<i32>} : memref<320x128xf32, #tpu.memory_space<vmem>>, vector<1x16xf32>,
      %get3A_80 = vector.shape_cast %get3A_79 : vector<1x16xf32> to vector<16xf32>
      %get3A_81 = arith.index_cast %squeeze3A : i32 to index
      %get3A_82 = arith.constant 16 : index
      %get3A_83 = tpu.vector_load %arg9[%get3A_81, %get3A_82] {strides = array<i32>} : memref<64x128xf32, #tpu.memory_space<vmem>>, vector<1x16xf32>,
      %get3A_84 = vector.shape_cast %get3A_83 : vector<1x16xf32> to vector<16xf32>
      %max3A_85 = arith.maximumf %get3A_84, %get3A_80 : vector<16xf32>
      %swap3A_86 = arith.index_cast %squeeze3A : i32 to index
      %swap3A_87 = arith.constant 16 : index
      %swap3A_88 = tpu.vector_load %arg9[%swap3A_86, %swap3A_87] {strides = array<i32>} : memref<64x128xf32, #tpu.memory_space<vmem>>, vector<1x16xf32>,
      %swap3A_89 = vector.shape_cast %swap3A_88 : vector<1x16xf32> to vector<16xf32>
      %swap3A_90 = vector.shape_cast %max3A_85 : vector<16xf32> to vector<1x16xf32>
      tpu.vector_store %arg9[%swap3A_86, %swap3A_87], %swap3A_90 {strides = array<i32>} : memref<64x128xf32, #tpu.memory_space<vmem>>, vector<1x16xf32>,
      %get3A_91 = arith.index_cast %squeeze3A : i32 to index
      %get3A_92 = arith.constant 16 : index
      %get3A_93 = tpu.vector_load %arg10[%get3A_91, %get3A_92] {strides = array<i32>} : memref<64x128xf32, #tpu.memory_space<vmem>>, vector<1x16xf32>,
      %get3A_94 = vector.shape_cast %get3A_93 : vector<1x16xf32> to vector<16xf32>
      %add3A_95 = arith.addf %get3A_94, %get3A_80 : vector<16xf32>
      %swap3A_96 = arith.index_cast %squeeze3A : i32 to index
      %swap3A_97 = arith.constant 16 : index
      %swap3A_98 = tpu.vector_load %arg10[%swap3A_96, %swap3A_97] {strides = array<i32>} : memref<64x128xf32, #tpu.memory_space<vmem>>, vector<1x16xf32>,
      %swap3A_99 = vector.shape_cast %swap3A_98 : vector<1x16xf32> to vector<16xf32>
      %swap3A_100 = vector.shape_cast %add3A_95 : vector<16xf32> to vector<1x16xf32>
      tpu.vector_store %arg10[%swap3A_96, %swap3A_97], %swap3A_100 {strides = array<i32>} : memref<64x128xf32, #tpu.memory_space<vmem>>, vector<1x16xf32>,
      %get3A_101 = arith.index_cast %while3A_52 : i32 to index
      %get3A_102 = arith.constant 32 : index
      %get3A_103 = tpu.vector_load %arg7[%get3A_101, %get3A_102] {strides = array<i32>} : memref<320x128xf32, #tpu.memory_space<vmem>>, vector<1x16xf32>,
      %get3A_104 = vector.shape_cast %get3A_103 : vector<1x16xf32> to vector<16xf32>
      %get3A_105 = arith.index_cast %squeeze3A : i32 to index
      %get3A_106 = arith.constant 32 : index
      %get3A_107 = tpu.vector_load %arg9[%get3A_105, %get3A_106] {strides = array<i32>} : memref<64x128xf32, #tpu.memory_space<vmem>>, vector<1x16xf32>,
      %get3A_108 = vector.shape_cast %get3A_107 : vector<1x16xf32> to vector<16xf32>
      %max3A_109 = arith.maximumf %get3A_108, %get3A_104 : vector<16xf32>
      %swap3A_110 = arith.index_cast %squeeze3A : i32 to index
      %swap3A_111 = arith.constant 32 : index
      %swap3A_112 = tpu.vector_load %arg9[%swap3A_110, %swap3A_111] {strides = array<i32>} : memref<64x128xf32, #tpu.memory_space<vmem>>, vector<1x16xf32>,
      %swap3A_113 = vector.shape_cast %swap3A_112 : vector<1x16xf32> to vector<16xf32>
      %swap3A_114 = vector.shape_cast %max3A_109 : vector<16xf32> to vector<1x16xf32>
      tpu.vector_store %arg9[%swap3A_110, %swap3A_111], %swap3A_114 {strides = array<i32>} : memref<64x128xf32, #tpu.memory_space<vmem>>, vector<1x16xf32>,
      %get3A_115 = arith.index_cast %squeeze3A : i32 to index
      %get3A_116 = arith.constant 32 : index
      %get3A_117 = tpu.vector_load %arg10[%get3A_115, %get3A_116] {strides = array<i32>} : memref<64x128xf32, #tpu.memory_space<vmem>>, vector<1x16xf32>,
      %get3A_118 = vector.shape_cast %get3A_117 : vector<1x16xf32> to vector<16xf32>
      %add3A_119 = arith.addf %get3A_118, %get3A_104 : vector<16xf32>
      %swap3A_120 = arith.index_cast %squeeze3A : i32 to index
      %swap3A_121 = arith.constant 32 : index
      %swap3A_122 = tpu.vector_load %arg10[%swap3A_120, %swap3A_121] {strides = array<i32>} : memref<64x128xf32, #tpu.memory_space<vmem>>, vector<1x16xf32>,
      %swap3A_123 = vector.shape_cast %swap3A_122 : vector<1x16xf32> to vector<16xf32>
      %swap3A_124 = vector.shape_cast %add3A_119 : vector<16xf32> to vector<1x16xf32>
      tpu.vector_store %arg10[%swap3A_120, %swap3A_121], %swap3A_124 {strides = array<i32>} : memref<64x128xf32, #tpu.memory_space<vmem>>, vector<1x16xf32>,
      %get3A_125 = arith.index_cast %while3A_52 : i32 to index
      %get3A_126 = arith.constant 48 : index
      %get3A_127 = tpu.vector_load %arg7[%get3A_125, %get3A_126] {strides = array<i32>} : memref<320x128xf32, #tpu.memory_space<vmem>>, vector<1x16xf32>,
      %get3A_128 = vector.shape_cast %get3A_127 : vector<1x16xf32> to vector<16xf32>
      %get3A_129 = arith.index_cast %squeeze3A : i32 to index
      %get3A_130 = arith.constant 48 : index
      %get3A_131 = tpu.vector_load %arg9[%get3A_129, %get3A_130] {strides = array<i32>} : memref<64x128xf32, #tpu.memory_space<vmem>>, vector<1x16xf32>,
      %get3A_132 = vector.shape_cast %get3A_131 : vector<1x16xf32> to vector<16xf32>
      %max3A_133 = arith.maximumf %get3A_132, %get3A_128 : vector<16xf32>
      %swap3A_134 = arith.index_cast %squeeze3A : i32 to index
      %swap3A_135 = arith.constant 48 : index
      %swap3A_136 = tpu.vector_load %arg9[%swap3A_134, %swap3A_135] {strides = array<i32>} : memref<64x128xf32, #tpu.memory_space<vmem>>, vector<1x16xf32>,
      %swap3A_137 = vector.shape_cast %swap3A_136 : vector<1x16xf32> to vector<16xf32>
      %swap3A_138 = vector.shape_cast %max3A_133 : vector<16xf32> to vector<1x16xf32>
      tpu.vector_store %arg9[%swap3A_134, %swap3A_135], %swap3A_138 {strides = array<i32>} : memref<64x128xf32, #tpu.memory_space<vmem>>, vector<1x16xf32>,
      %get3A_139 = arith.index_cast %squeeze3A : i32 to index
      %get3A_140 = arith.constant 48 : index
      %get3A_141 = tpu.vector_load %arg10[%get3A_139, %get3A_140] {strides = array<i32>} : memref<64x128xf32, #tpu.memory_space<vmem>>, vector<1x16xf32>,
      %get3A_142 = vector.shape_cast %get3A_141 : vector<1x16xf32> to vector<16xf32>
      %add3A_143 = arith.addf %get3A_142, %get3A_128 : vector<16xf32>
      %swap3A_144 = arith.index_cast %squeeze3A : i32 to index
      %swap3A_145 = arith.constant 48 : index
      %swap3A_146 = tpu.vector_load %arg10[%swap3A_144, %swap3A_145] {strides = array<i32>} : memref<64x128xf32, #tpu.memory_space<vmem>>, vector<1x16xf32>,
      %swap3A_147 = vector.shape_cast %swap3A_146 : vector<1x16xf32> to vector<16xf32>
      %swap3A_148 = vector.shape_cast %add3A_143 : vector<16xf32> to vector<1x16xf32>
      tpu.vector_store %arg10[%swap3A_144, %swap3A_145], %swap3A_148 {strides = array<i32>} : memref<64x128xf32, #tpu.memory_space<vmem>>, vector<1x16xf32>,
      %get3A_149 = arith.index_cast %while3A_52 : i32 to index
      %get3A_150 = arith.constant 64 : index
      %get3A_151 = tpu.vector_load %arg7[%get3A_149, %get3A_150] {strides = array<i32>} : memref<320x128xf32, #tpu.memory_space<vmem>>, vector<1x16xf32>,
      %get3A_152 = vector.shape_cast %get3A_151 : vector<1x16xf32> to vector<16xf32>
      %get3A_153 = arith.index_cast %squeeze3A : i32 to index
      %get3A_154 = arith.constant 64 : index
      %get3A_155 = tpu.vector_load %arg9[%get3A_153, %get3A_154] {strides = array<i32>} : memref<64x128xf32, #tpu.memory_space<vmem>>, vector<1x16xf32>,
      %get3A_156 = vector.shape_cast %get3A_155 : vector<1x16xf32> to vector<16xf32>
      %max3A_157 = arith.maximumf %get3A_156, %get3A_152 : vector<16xf32>
      %swap3A_158 = arith.index_cast %squeeze3A : i32 to index
      %swap3A_159 = arith.constant 64 : index
      %swap3A_160 = tpu.vector_load %arg9[%swap3A_158, %swap3A_159] {strides = array<i32>} : memref<64x128xf32, #tpu.memory_space<vmem>>, vector<1x16xf32>,
      %swap3A_161 = vector.shape_cast %swap3A_160 : vector<1x16xf32> to vector<16xf32>
      %swap3A_162 = vector.shape_cast %max3A_157 : vector<16xf32> to vector<1x16xf32>
      tpu.vector_store %arg9[%swap3A_158, %swap3A_159], %swap3A_162 {strides = array<i32>} : memref<64x128xf32, #tpu.memory_space<vmem>>, vector<1x16xf32>,
      %get3A_163 = arith.index_cast %squeeze3A : i32 to index
      %get3A_164 = arith.constant 64 : index
      %get3A_165 = tpu.vector_load %arg10[%get3A_163, %get3A_164] {strides = array<i32>} : memref<64x128xf32, #tpu.memory_space<vmem>>, vector<1x16xf32>,
      %get3A_166 = vector.shape_cast %get3A_165 : vector<1x16xf32> to vector<16xf32>
      %add3A_167 = arith.addf %get3A_166, %get3A_152 : vector<16xf32>
      %swap3A_168 = arith.index_cast %squeeze3A : i32 to index
      %swap3A_169 = arith.constant 64 : index
      %swap3A_170 = tpu.vector_load %arg10[%swap3A_168, %swap3A_169] {strides = array<i32>} : memref<64x128xf32, #tpu.memory_space<vmem>>, vector<1x16xf32>,
      %swap3A_171 = vector.shape_cast %swap3A_170 : vector<1x16xf32> to vector<16xf32>
      %swap3A_172 = vector.shape_cast %add3A_167 : vector<16xf32> to vector<1x16xf32>
      tpu.vector_store %arg10[%swap3A_168, %swap3A_169], %swap3A_172 {strides = array<i32>} : memref<64x128xf32, #tpu.memory_space<vmem>>, vector<1x16xf32>,
      %get3A_173 = arith.index_cast %while3A_52 : i32 to index
      %get3A_174 = arith.constant 80 : index
      %get3A_175 = tpu.vector_load %arg7[%get3A_173, %get3A_174] {strides = array<i32>} : memref<320x128xf32, #tpu.memory_space<vmem>>, vector<1x16xf32>,
      %get3A_176 = vector.shape_cast %get3A_175 : vector<1x16xf32> to vector<16xf32>
      %get3A_177 = arith.index_cast %squeeze3A : i32 to index
      %get3A_178 = arith.constant 80 : index
      %get3A_179 = tpu.vector_load %arg9[%get3A_177, %get3A_178] {strides = array<i32>} : memref<64x128xf32, #tpu.memory_space<vmem>>, vector<1x16xf32>,
      %get3A_180 = vector.shape_cast %get3A_179 : vector<1x16xf32> to vector<16xf32>
      %max3A_181 = arith.maximumf %get3A_180, %get3A_176 : vector<16xf32>
      %swap3A_182 = arith.index_cast %squeeze3A : i32 to index
      %swap3A_183 = arith.constant 80 : index
      %swap3A_184 = tpu.vector_load %arg9[%swap3A_182, %swap3A_183] {strides = array<i32>} : memref<64x128xf32, #tpu.memory_space<vmem>>, vector<1x16xf32>,
      %swap3A_185 = vector.shape_cast %swap3A_184 : vector<1x16xf32> to vector<16xf32>
      %swap3A_186 = vector.shape_cast %max3A_181 : vector<16xf32> to vector<1x16xf32>
      tpu.vector_store %arg9[%swap3A_182, %swap3A_183], %swap3A_186 {strides = array<i32>} : memref<64x128xf32, #tpu.memory_space<vmem>>, vector<1x16xf32>,
      %get3A_187 = arith.index_cast %squeeze3A : i32 to index
      %get3A_188 = arith.constant 80 : index
      %get3A_189 = tpu.vector_load %arg10[%get3A_187, %get3A_188] {strides = array<i32>} : memref<64x128xf32, #tpu.memory_space<vmem>>, vector<1x16xf32>,
      %get3A_190 = vector.shape_cast %get3A_189 : vector<1x16xf32> to vector<16xf32>
      %add3A_191 = arith.addf %get3A_190, %get3A_176 : vector<16xf32>
      %swap3A_192 = arith.index_cast %squeeze3A : i32 to index
      %swap3A_193 = arith.constant 80 : index
      %swap3A_194 = tpu.vector_load %arg10[%swap3A_192, %swap3A_193] {strides = array<i32>} : memref<64x128xf32, #tpu.memory_space<vmem>>, vector<1x16xf32>,
      %swap3A_195 = vector.shape_cast %swap3A_194 : vector<1x16xf32> to vector<16xf32>
      %swap3A_196 = vector.shape_cast %add3A_191 : vector<16xf32> to vector<1x16xf32>
      tpu.vector_store %arg10[%swap3A_192, %swap3A_193], %swap3A_196 {strides = array<i32>} : memref<64x128xf32, #tpu.memory_space<vmem>>, vector<1x16xf32>,
      %get3A_197 = arith.index_cast %while3A_52 : i32 to index
      %get3A_198 = arith.constant 96 : index
      %get3A_199 = tpu.vector_load %arg7[%get3A_197, %get3A_198] {strides = array<i32>} : memref<320x128xf32, #tpu.memory_space<vmem>>, vector<1x16xf32>,
      %get3A_200 = vector.shape_cast %get3A_199 : vector<1x16xf32> to vector<16xf32>
      %get3A_201 = arith.index_cast %squeeze3A : i32 to index
      %get3A_202 = arith.constant 96 : index
      %get3A_203 = tpu.vector_load %arg9[%get3A_201, %get3A_202] {strides = array<i32>} : memref<64x128xf32, #tpu.memory_space<vmem>>, vector<1x16xf32>,
      %get3A_204 = vector.shape_cast %get3A_203 : vector<1x16xf32> to vector<16xf32>
      %max3A_205 = arith.maximumf %get3A_204, %get3A_200 : vector<16xf32>
      %swap3A_206 = arith.index_cast %squeeze3A : i32 to index
      %swap3A_207 = arith.constant 96 : index
      %swap3A_208 = tpu.vector_load %arg9[%swap3A_206, %swap3A_207] {strides = array<i32>} : memref<64x128xf32, #tpu.memory_space<vmem>>, vector<1x16xf32>,
      %swap3A_209 = vector.shape_cast %swap3A_208 : vector<1x16xf32> to vector<16xf32>
      %swap3A_210 = vector.shape_cast %max3A_205 : vector<16xf32> to vector<1x16xf32>
      tpu.vector_store %arg9[%swap3A_206, %swap3A_207], %swap3A_210 {strides = array<i32>} : memref<64x128xf32, #tpu.memory_space<vmem>>, vector<1x16xf32>,
      %get3A_211 = arith.index_cast %squeeze3A : i32 to index
      %get3A_212 = arith.constant 96 : index
      %get3A_213 = tpu.vector_load %arg10[%get3A_211, %get3A_212] {strides = array<i32>} : memref<64x128xf32, #tpu.memory_space<vmem>>, vector<1x16xf32>,
      %get3A_214 = vector.shape_cast %get3A_213 : vector<1x16xf32> to vector<16xf32>
      %add3A_215 = arith.addf %get3A_214, %get3A_200 : vector<16xf32>
      %swap3A_216 = arith.index_cast %squeeze3A : i32 to index
      %swap3A_217 = arith.constant 96 : index
      %swap3A_218 = tpu.vector_load %arg10[%swap3A_216, %swap3A_217] {strides = array<i32>} : memref<64x128xf32, #tpu.memory_space<vmem>>, vector<1x16xf32>,
      %swap3A_219 = vector.shape_cast %swap3A_218 : vector<1x16xf32> to vector<16xf32>
      %swap3A_220 = vector.shape_cast %add3A_215 : vector<16xf32> to vector<1x16xf32>
      tpu.vector_store %arg10[%swap3A_216, %swap3A_217], %swap3A_220 {strides = array<i32>} : memref<64x128xf32, #tpu.memory_space<vmem>>, vector<1x16xf32>,
      %get3A_221 = arith.index_cast %while3A_52 : i32 to index
      %get3A_222 = arith.constant 112 : index
      %get3A_223 = tpu.vector_load %arg7[%get3A_221, %get3A_222] {strides = array<i32>} : memref<320x128xf32, #tpu.memory_space<vmem>>, vector<1x16xf32>,
      %get3A_224 = vector.shape_cast %get3A_223 : vector<1x16xf32> to vector<16xf32>
      %get3A_225 = arith.index_cast %squeeze3A : i32 to index
      %get3A_226 = arith.constant 112 : index
      %get3A_227 = tpu.vector_load %arg9[%get3A_225, %get3A_226] {strides = array<i32>} : memref<64x128xf32, #tpu.memory_space<vmem>>, vector<1x16xf32>,
      %get3A_228 = vector.shape_cast %get3A_227 : vector<1x16xf32> to vector<16xf32>
      %max3A_229 = arith.maximumf %get3A_228, %get3A_224 : vector<16xf32>
      %swap3A_230 = arith.index_cast %squeeze3A : i32 to index
      %swap3A_231 = arith.constant 112 : index
      %swap3A_232 = tpu.vector_load %arg9[%swap3A_230, %swap3A_231] {strides = array<i32>} : memref<64x128xf32, #tpu.memory_space<vmem>>, vector<1x16xf32>,
      %swap3A_233 = vector.shape_cast %swap3A_232 : vector<1x16xf32> to vector<16xf32>
      %swap3A_234 = vector.shape_cast %max3A_229 : vector<16xf32> to vector<1x16xf32>
      tpu.vector_store %arg9[%swap3A_230, %swap3A_231], %swap3A_234 {strides = array<i32>} : memref<64x128xf32, #tpu.memory_space<vmem>>, vector<1x16xf32>,
      %get3A_235 = arith.index_cast %squeeze3A : i32 to index
      %get3A_236 = arith.constant 112 : index
      %get3A_237 = tpu.vector_load %arg10[%get3A_235, %get3A_236] {strides = array<i32>} : memref<64x128xf32, #tpu.memory_space<vmem>>, vector<1x16xf32>,
      %get3A_238 = vector.shape_cast %get3A_237 : vector<1x16xf32> to vector<16xf32>
      %add3A_239 = arith.addf %get3A_238, %get3A_224 : vector<16xf32>
      %swap3A_240 = arith.index_cast %squeeze3A : i32 to index
      %swap3A_241 = arith.constant 112 : index
      %swap3A_242 = tpu.vector_load %arg10[%swap3A_240, %swap3A_241] {strides = array<i32>} : memref<64x128xf32, #tpu.memory_space<vmem>>, vector<1x16xf32>,
      %swap3A_243 = vector.shape_cast %swap3A_242 : vector<1x16xf32> to vector<16xf32>
      %swap3A_244 = vector.shape_cast %add3A_239 : vector<16xf32> to vector<1x16xf32>
      tpu.vector_store %arg10[%swap3A_240, %swap3A_241], %swap3A_244 {strides = array<i32>} : memref<64x128xf32, #tpu.memory_space<vmem>>, vector<1x16xf32>,
      %get3A_245 = arith.index_cast %squeeze3A : i32 to index
      %get3A_246 = arith.constant 0 : index
      %get3A_247 = tpu.vector_load %arg11[%get3A_245, %get3A_246] {strides = array<i32>} : memref<64x16xf32, #tpu.memory_space<vmem>>, vector<1x16xf32>,
      %get3A_248 = vector.shape_cast %get3A_247 : vector<1x16xf32> to vector<16xf32>
      %add3A_249 = arith.addf %get3A_248, %broadcast_in_dim3A_27 : vector<16xf32>
      %swap3A_250 = arith.index_cast %squeeze3A : i32 to index
      %swap3A_251 = arith.constant 0 : index
      %swap3A_252 = tpu.vector_load %arg11[%swap3A_250, %swap3A_251] {strides = array<i32>} : memref<64x16xf32, #tpu.memory_space<vmem>>, vector<1x16xf32>,
      %swap3A_253 = vector.shape_cast %swap3A_252 : vector<1x16xf32> to vector<16xf32>
      %swap3A_254 = vector.shape_cast %add3A_249 : vector<16xf32> to vector<1x16xf32>
      tpu.vector_store %arg11[%swap3A_250, %swap3A_251], %swap3A_254 {strides = array<i32>} : memref<64x16xf32, #tpu.memory_space<vmem>>, vector<1x16xf32>,
    }
    "tpu.region"() ({
      %run_scoped3A = tpu.sem_alloc : memref<!tpu.dma_semaphore, #tpu.memory_space<semaphore_mem>>
      %dma_start3A = arith.constant 0 : i32
      %dma_start3A_52 = arith.constant 0 : i32
      %dma_start3A_53 = tpu.memref_slice %arg4[%add3A, %dma_start3A, %dma_start3A_52] : memref<32x64x128xf32, #tpu.memory_space<hbm>> -> memref<1x64x128xf32, #tpu.memory_space<hbm>>
      %dma_start3A_54 = tpu.memref_squeeze %dma_start3A_53 : memref<1x64x128xf32, #tpu.memory_space<hbm>> -> memref<64x128xf32, #tpu.memory_space<hbm>>
      %dma_start3A_55 = arith.constant 0 : i32
      %dma_start3A_56 = arith.constant 0 : i32
      %dma_start3A_57 = tpu.memref_slice %arg4[%add3A, %dma_start3A_55, %dma_start3A_56] : memref<32x64x128xf32, #tpu.memory_space<hbm>> -> memref<1x64x128xf32, #tpu.memory_space<hbm>>
      %dma_start3A_58 = tpu.memref_squeeze %dma_start3A_57 : memref<1x64x128xf32, #tpu.memory_space<hbm>> -> memref<64x128xf32, #tpu.memory_space<hbm>>
      tpu.enqueue_dma source(%arg9 : memref<64x128xf32, #tpu.memory_space<vmem>>) target(%dma_start3A_58 : memref<64x128xf32, #tpu.memory_space<hbm>>) target_semaphore(%run_scoped3A : memref<!tpu.dma_semaphore, #tpu.memory_space<semaphore_mem>>)
      %dma_wait3A = arith.constant 0 : i32
      %dma_wait3A_59 = arith.constant 0 : i32
      %dma_wait3A_60 = tpu.memref_slice %arg4[%add3A, %dma_wait3A, %dma_wait3A_59] : memref<32x64x128xf32, #tpu.memory_space<hbm>> -> memref<1x64x128xf32, #tpu.memory_space<hbm>>
      %dma_wait3A_61 = tpu.memref_squeeze %dma_wait3A_60 : memref<1x64x128xf32, #tpu.memory_space<hbm>> -> memref<64x128xf32, #tpu.memory_space<hbm>>
      %dma_wait3A_62 = arith.constant 0 : i32
      %dma_wait3A_63 = arith.constant 0 : i32
      %dma_wait3A_64 = tpu.memref_slice %arg4[%add3A, %dma_wait3A_62, %dma_wait3A_63] : memref<32x64x128xf32, #tpu.memory_space<hbm>> -> memref<1x64x128xf32, #tpu.memory_space<hbm>>
      %dma_wait3A_65 = tpu.memref_squeeze %dma_wait3A_64 : memref<1x64x128xf32, #tpu.memory_space<hbm>> -> memref<64x128xf32, #tpu.memory_space<hbm>>
      tpu.wait_dma2 semaphore(%run_scoped3A : memref<!tpu.dma_semaphore, #tpu.memory_space<semaphore_mem>>) src(%arg9 : memref<64x128xf32, #tpu.memory_space<vmem>>) dst(%dma_wait3A_65 : memref<64x128xf32, #tpu.memory_space<hbm>>)
      tpu.yield
    }) : () -> ()
    "tpu.region"() ({
      %run_scoped3A = tpu.sem_alloc : memref<!tpu.dma_semaphore, #tpu.memory_space<semaphore_mem>>
      %dma_start3A = arith.constant 0 : i32
      %dma_start3A_52 = arith.constant 0 : i32
      %dma_start3A_53 = tpu.memref_slice %arg5[%add3A, %dma_start3A, %dma_start3A_52] : memref<32x64x128xf32, #tpu.memory_space<hbm>> -> memref<1x64x128xf32, #tpu.memory_space<hbm>>
      %dma_start3A_54 = tpu.memref_squeeze %dma_start3A_53 : memref<1x64x128xf32, #tpu.memory_space<hbm>> -> memref<64x128xf32, #tpu.memory_space<hbm>>
      %dma_start3A_55 = arith.constant 0 : i32
      %dma_start3A_56 = arith.constant 0 : i32
      %dma_start3A_57 = tpu.memref_slice %arg5[%add3A, %dma_start3A_55, %dma_start3A_56] : memref<32x64x128xf32, #tpu.memory_space<hbm>> -> memref<1x64x128xf32, #tpu.memory_space<hbm>>
      %dma_start3A_58 = tpu.memref_squeeze %dma_start3A_57 : memref<1x64x128xf32, #tpu.memory_space<hbm>> -> memref<64x128xf32, #tpu.memory_space<hbm>>
      tpu.enqueue_dma source(%arg10 : memref<64x128xf32, #tpu.memory_space<vmem>>) target(%dma_start3A_58 : memref<64x128xf32, #tpu.memory_space<hbm>>) target_semaphore(%run_scoped3A : memref<!tpu.dma_semaphore, #tpu.memory_space<semaphore_mem>>)
      %dma_wait3A = arith.constant 0 : i32
      %dma_wait3A_59 = arith.constant 0 : i32
      %dma_wait3A_60 = tpu.memref_slice %arg5[%add3A, %dma_wait3A, %dma_wait3A_59] : memref<32x64x128xf32, #tpu.memory_space<hbm>> -> memref<1x64x128xf32, #tpu.memory_space<hbm>>
      %dma_wait3A_61 = tpu.memref_squeeze %dma_wait3A_60 : memref<1x64x128xf32, #tpu.memory_space<hbm>> -> memref<64x128xf32, #tpu.memory_space<hbm>>
      %dma_wait3A_62 = arith.constant 0 : i32
      %dma_wait3A_63 = arith.constant 0 : i32
      %dma_wait3A_64 = tpu.memref_slice %arg5[%add3A, %dma_wait3A_62, %dma_wait3A_63] : memref<32x64x128xf32, #tpu.memory_space<hbm>> -> memref<1x64x128xf32, #tpu.memory_space<hbm>>
      %dma_wait3A_65 = tpu.memref_squeeze %dma_wait3A_64 : memref<1x64x128xf32, #tpu.memory_space<hbm>> -> memref<64x128xf32, #tpu.memory_space<hbm>>
      tpu.wait_dma2 semaphore(%run_scoped3A : memref<!tpu.dma_semaphore, #tpu.memory_space<semaphore_mem>>) src(%arg10 : memref<64x128xf32, #tpu.memory_space<vmem>>) dst(%dma_wait3A_65 : memref<64x128xf32, #tpu.memory_space<hbm>>)
      tpu.yield
    }) : () -> ()
    "tpu.region"() ({
      %run_scoped3A = tpu.sem_alloc : memref<!tpu.dma_semaphore, #tpu.memory_space<semaphore_mem>>
      %dma_start3A = arith.constant 0 : i32
      %dma_start3A_52 = arith.constant 0 : i32
      %dma_start3A_53 = tpu.memref_slice %arg6[%add3A, %dma_start3A, %dma_start3A_52] : memref<32x64x16xf32, #tpu.memory_space<hbm>> -> memref<1x64x16xf32, #tpu.memory_space<hbm>>
      %dma_start3A_54 = tpu.memref_squeeze %dma_start3A_53 : memref<1x64x16xf32, #tpu.memory_space<hbm>> -> memref<64x16xf32, #tpu.memory_space<hbm>>
      %dma_start3A_55 = arith.constant 0 : i32
      %dma_start3A_56 = arith.constant 0 : i32
      %dma_start3A_57 = tpu.memref_slice %arg6[%add3A, %dma_start3A_55, %dma_start3A_56] : memref<32x64x16xf32, #tpu.memory_space<hbm>> -> memref<1x64x16xf32, #tpu.memory_space<hbm>>
      %dma_start3A_58 = tpu.memref_squeeze %dma_start3A_57 : memref<1x64x16xf32, #tpu.memory_space<hbm>> -> memref<64x16xf32, #tpu.memory_space<hbm>>
      tpu.enqueue_dma source(%arg11 : memref<64x16xf32, #tpu.memory_space<vmem>>) target(%dma_start3A_58 : memref<64x16xf32, #tpu.memory_space<hbm>>) target_semaphore(%run_scoped3A : memref<!tpu.dma_semaphore, #tpu.memory_space<semaphore_mem>>)
      %dma_wait3A = arith.constant 0 : i32
      %dma_wait3A_59 = arith.constant 0 : i32
      %dma_wait3A_60 = tpu.memref_slice %arg6[%add3A, %dma_wait3A, %dma_wait3A_59] : memref<32x64x16xf32, #tpu.memory_space<hbm>> -> memref<1x64x16xf32, #tpu.memory_space<hbm>>
      %dma_wait3A_61 = tpu.memref_squeeze %dma_wait3A_60 : memref<1x64x16xf32, #tpu.memory_space<hbm>> -> memref<64x16xf32, #tpu.memory_space<hbm>>
      %dma_wait3A_62 = arith.constant 0 : i32
      %dma_wait3A_63 = arith.constant 0 : i32
      %dma_wait3A_64 = tpu.memref_slice %arg6[%add3A, %dma_wait3A_62, %dma_wait3A_63] : memref<32x64x16xf32, #tpu.memory_space<hbm>> -> memref<1x64x16xf32, #tpu.memory_space<hbm>>
      %dma_wait3A_65 = tpu.memref_squeeze %dma_wait3A_64 : memref<1x64x16xf32, #tpu.memory_space<hbm>> -> memref<64x16xf32, #tpu.memory_space<hbm>>
      tpu.wait_dma2 semaphore(%run_scoped3A : memref<!tpu.dma_semaphore, #tpu.memory_space<semaphore_mem>>) src(%arg11 : memref<64x16xf32, #tpu.memory_space<vmem>>) dst(%dma_wait3A_65 : memref<64x16xf32, #tpu.memory_space<hbm>>)
      tpu.yield
    }) : () -> ()
    return
  }
}

module attributes {stable_mosaic.version = 14 : i64} {
  func.func @_tc0_body(%arg0: i32, %arg1: memref<1000x128xf32, #tpu.memory_space<vmem>>, %arg2: memref<128x128xf32, #tpu.memory_space<vmem>>, %arg3: memref<1000x16xf32, #tpu.memory_space<vmem>>, %arg4: memref<1000x16xf32, #tpu.memory_space<vmem>>, %arg5: memref<1000x128xf32, #tpu.memory_space<vmem>>) attributes {dimension_semantics = [#tpu.dimension_semantics<arbitrary>], iteration_bounds = array<i64: 10>, scalar_prefetch = 0 : i64, scratch_operands = 0 : i64, tpu.core_type = #tpu.core_type<tc>, window_params = [{transform_indices = @transform_0, window_bounds = array<i64: 1000, 128>}, {pipeline_mode = #tpu.pipeline_mode<synchronous>, transform_indices = @transform_1, window_bounds = array<i64: 128, 128>}, {transform_indices = @transform_2, window_bounds = array<i64: 1000, 16>}, {transform_indices = @transform_3, window_bounds = array<i64: 1000, 16>}, {transform_indices = @transform_4, window_bounds = array<i64: 1000, 128>}]} {
    %get3A = arith.constant 0 : index
    %get3A_0 = arith.constant 0 : index
    %get3A_1 = vector.load %arg3[%get3A, %get3A_0] : memref<1000x16xf32, #tpu.memory_space<vmem>>, vector<1000x16xf32>
    %get3A_2 = arith.constant 0 : index
    %get3A_3 = arith.constant 0 : index
    %get3A_4 = vector.load %arg4[%get3A_2, %get3A_3] : memref<1000x16xf32, #tpu.memory_space<vmem>>, vector<1000x16xf32>
    %slice3A = vector.extract_strided_slice %get3A_1 {offsets = [0, 0], sizes = [1000, 1], strides = [1, 1]} : vector<1000x16xf32> to vector<1000x1xf32>
    %slice3A_5 = vector.extract_strided_slice %get3A_4 {offsets = [0, 0], sizes = [1000, 1], strides = [1, 1]} : vector<1000x16xf32> to vector<1000x1xf32>
    %add3A = arith.addf %slice3A, %slice3A_5 : vector<1000x1xf32>
    %add3A_6 = arith.constant 1.000000e+00 : f32
    %add3A_7 = vector.broadcast %add3A_6 : f32 to vector<1000x1xf32>
    %add3A_8 = arith.addf %add3A, %add3A_7 : vector<1000x1xf32>
    %rsqrt3A = math.rsqrt %add3A_8 : vector<1000x1xf32>
    %get3A_9 = arith.constant 0 : index
    %get3A_10 = arith.constant 0 : index
    %get3A_11 = vector.load %arg1[%get3A_9, %get3A_10] : memref<1000x128xf32, #tpu.memory_space<vmem>>, vector<1000x128xf32>
    %get3A_12 = arith.constant 0 : index
    %get3A_13 = arith.constant 0 : index
    %get3A_14 = vector.load %arg2[%get3A_12, %get3A_13] : memref<128x128xf32, #tpu.memory_space<vmem>>, vector<128x128xf32>
    %dot_general3A = arith.constant dense<0.000000e+00> : vector<1000x128xf32>
    %dot_general3A_15 = tpu.matmul %get3A_11, %get3A_14, %dot_general3A {dimension_numbers = #tpu.dot_dimension_numbers<[1], [0], [0], [1], [0, 0, 1, 1], [], []>, transpose_lhs_hint = false} : vector<1000x128xf32>, vector<128x128xf32>, vector<1000x128xf32> -> vector<1000x128xf32>
    %mul3A = vector.broadcast %rsqrt3A : vector<1000x1xf32> to vector<1000x128xf32>
    %mul3A_16 = arith.mulf %mul3A, %dot_general3A_15 : vector<1000x128xf32>
    %swap3A = arith.constant 0 : index
    %swap3A_17 = arith.constant 0 : index
    %swap3A_18 = vector.load %arg5[%swap3A, %swap3A_17] : memref<1000x128xf32, #tpu.memory_space<vmem>>, vector<1000x128xf32>
    tpu.vector_store %arg5[%swap3A, %swap3A_17], %mul3A_16 {strides = array<i32>} : memref<1000x128xf32, #tpu.memory_space<vmem>>, vector<1000x128xf32>,
    return
  }
  func.func @transform_0(%arg0: i32) -> (i32, i32) {
    %c0_i32 = arith.constant 0 : i32
    %c0_i32_0 = arith.constant 0 : i32
    return %arg0, %c0_i32 : i32, i32
  }
  func.func @transform_1(%arg0: i32) -> (i32, i32) {
    %c0_i32 = arith.constant 0 : i32
    %c0_i32_0 = arith.constant 0 : i32
    %c0_i32_1 = arith.constant 0 : i32
    return %c0_i32, %c0_i32_0 : i32, i32
  }
  func.func @transform_2(%arg0: i32) -> (i32, i32) {
    %c0_i32 = arith.constant 0 : i32
    %c0_i32_0 = arith.constant 0 : i32
    return %arg0, %c0_i32 : i32, i32
  }
  func.func @transform_3(%arg0: i32) -> (i32, i32) {
    %c0_i32 = arith.constant 0 : i32
    %c0_i32_0 = arith.constant 0 : i32
    return %arg0, %c0_i32 : i32, i32
  }
  func.func @transform_4(%arg0: i32) -> (i32, i32) {
    %c0_i32 = arith.constant 0 : i32
    %c0_i32_0 = arith.constant 0 : i32
    return %arg0, %c0_i32 : i32, i32
  }
}

module attributes {stable_mosaic.version = 14 : i64} {
  func.func @_tcmid_body(%arg0: i32, %arg1: memref<1000x128xf32, #tpu.memory_space<vmem>>, %arg2: memref<1000x128xf32, #tpu.memory_space<vmem>>, %arg3: memref<1000x128xf32, #tpu.memory_space<vmem>>, %arg4: memref<1000x16xf32, #tpu.memory_space<vmem>>, %arg5: memref<1000x16xf32, #tpu.memory_space<vmem>>, %arg6: memref<1x128xf32, #tpu.memory_space<vmem>>, %arg7: memref<128x128xf32, #tpu.memory_space<vmem>>, %arg8: memref<1000x128xf32, #tpu.memory_space<vmem>>) attributes {dimension_semantics = [#tpu.dimension_semantics<arbitrary>], iteration_bounds = array<i64: 10>, scalar_prefetch = 0 : i64, scratch_operands = 0 : i64, tpu.core_type = #tpu.core_type<tc>, window_params = [{transform_indices = @transform_0, window_bounds = array<i64: 1000, 128>}, {transform_indices = @transform_1, window_bounds = array<i64: 1000, 128>}, {transform_indices = @transform_2, window_bounds = array<i64: 1000, 128>}, {transform_indices = @transform_3, window_bounds = array<i64: 1000, 16>}, {transform_indices = @transform_4, window_bounds = array<i64: 1000, 16>}, {pipeline_mode = #tpu.pipeline_mode<synchronous>, transform_indices = @transform_5, window_bounds = array<i64: 1, 128>}, {pipeline_mode = #tpu.pipeline_mode<synchronous>, transform_indices = @transform_6, window_bounds = array<i64: 128, 128>}, {transform_indices = @transform_7, window_bounds = array<i64: 1000, 128>}]} {
    %get3A = arith.constant 0 : index
    %get3A_0 = arith.constant 0 : index
    %get3A_1 = vector.load %arg4[%get3A, %get3A_0] : memref<1000x16xf32, #tpu.memory_space<vmem>>, vector<1000x16xf32>
    %get3A_2 = arith.constant 0 : index
    %get3A_3 = arith.constant 0 : index
    %get3A_4 = vector.load %arg5[%get3A_2, %get3A_3] : memref<1000x16xf32, #tpu.memory_space<vmem>>, vector<1000x16xf32>
    %slice3A = vector.extract_strided_slice %get3A_1 {offsets = [0, 0], sizes = [1000, 1], strides = [1, 1]} : vector<1000x16xf32> to vector<1000x1xf32>
    %slice3A_5 = vector.extract_strided_slice %get3A_4 {offsets = [0, 0], sizes = [1000, 1], strides = [1, 1]} : vector<1000x16xf32> to vector<1000x1xf32>
    %add3A = arith.addf %slice3A, %slice3A_5 : vector<1000x1xf32>
    %add3A_6 = arith.constant 1.000000e+00 : f32
    %add3A_7 = vector.broadcast %add3A_6 : f32 to vector<1000x1xf32>
    %add3A_8 = arith.addf %add3A, %add3A_7 : vector<1000x1xf32>
    %rsqrt3A = math.rsqrt %add3A_8 : vector<1000x1xf32>
    %get3A_9 = arith.constant 0 : index
    %get3A_10 = arith.constant 0 : index
    %get3A_11 = vector.load %arg1[%get3A_9, %get3A_10] : memref<1000x128xf32, #tpu.memory_space<vmem>>, vector<1000x128xf32>
    %get3A_12 = arith.constant 0 : index
    %get3A_13 = arith.constant 0 : index
    %get3A_14 = vector.load %arg2[%get3A_12, %get3A_13] : memref<1000x128xf32, #tpu.memory_space<vmem>>, vector<1000x128xf32>
    %add3A_15 = arith.addf %get3A_11, %get3A_14 : vector<1000x128xf32>
    %get3A_16 = arith.constant 0 : index
    %get3A_17 = arith.constant 0 : index
    %get3A_18 = vector.load %arg3[%get3A_16, %get3A_17] : memref<1000x128xf32, #tpu.memory_space<vmem>>, vector<1000x128xf32>
    %add3A_19 = arith.addf %add3A_15, %get3A_18 : vector<1000x128xf32>
    %mul3A = vector.broadcast %rsqrt3A : vector<1000x1xf32> to vector<1000x128xf32>
    %mul3A_20 = arith.mulf %mul3A, %add3A_19 : vector<1000x128xf32>
    %get3A_21 = arith.constant 0 : index
    %get3A_22 = arith.constant 0 : index
    %get3A_23 = vector.load %arg6[%get3A_21, %get3A_22] : memref<1x128xf32, #tpu.memory_space<vmem>>, vector<1x128xf32>
    %add3A_24 = vector.broadcast %get3A_23 : vector<1x128xf32> to vector<1000x128xf32>
    %add3A_25 = arith.addf %mul3A_20, %add3A_24 : vector<1000x128xf32>
    %max3A = arith.constant 0.000000e+00 : f32
    %max3A_26 = vector.broadcast %max3A : f32 to vector<1000x128xf32>
    %max3A_27 = arith.maximumf %add3A_25, %max3A_26 : vector<1000x128xf32>
    %get3A_28 = arith.constant 0 : index
    %get3A_29 = arith.constant 0 : index
    %get3A_30 = vector.load %arg7[%get3A_28, %get3A_29] : memref<128x128xf32, #tpu.memory_space<vmem>>, vector<128x128xf32>
    %dot_general3A = arith.constant dense<0.000000e+00> : vector<1000x128xf32>
    %dot_general3A_31 = tpu.matmul %max3A_27, %get3A_30, %dot_general3A {dimension_numbers = #tpu.dot_dimension_numbers<[1], [0], [0], [1], [0, 0, 1, 1], [], []>, transpose_lhs_hint = false} : vector<1000x128xf32>, vector<128x128xf32>, vector<1000x128xf32> -> vector<1000x128xf32>
    %mul3A_32 = vector.broadcast %rsqrt3A : vector<1000x1xf32> to vector<1000x128xf32>
    %mul3A_33 = arith.mulf %mul3A_32, %dot_general3A_31 : vector<1000x128xf32>
    %swap3A = arith.constant 0 : index
    %swap3A_34 = arith.constant 0 : index
    %swap3A_35 = vector.load %arg8[%swap3A, %swap3A_34] : memref<1000x128xf32, #tpu.memory_space<vmem>>, vector<1000x128xf32>
    tpu.vector_store %arg8[%swap3A, %swap3A_34], %mul3A_33 {strides = array<i32>} : memref<1000x128xf32, #tpu.memory_space<vmem>>, vector<1000x128xf32>,
    return
  }
  func.func @transform_0(%arg0: i32) -> (i32, i32) {
    %c0_i32 = arith.constant 0 : i32
    %c0_i32_0 = arith.constant 0 : i32
    return %arg0, %c0_i32 : i32, i32
  }
  func.func @transform_1(%arg0: i32) -> (i32, i32) {
    %c0_i32 = arith.constant 0 : i32
    %c0_i32_0 = arith.constant 0 : i32
    return %arg0, %c0_i32 : i32, i32
  }
  func.func @transform_2(%arg0: i32) -> (i32, i32) {
    %c0_i32 = arith.constant 0 : i32
    %c0_i32_0 = arith.constant 0 : i32
    return %arg0, %c0_i32 : i32, i32
  }
  func.func @transform_3(%arg0: i32) -> (i32, i32) {
    %c0_i32 = arith.constant 0 : i32
    %c0_i32_0 = arith.constant 0 : i32
    return %arg0, %c0_i32 : i32, i32
  }
  func.func @transform_4(%arg0: i32) -> (i32, i32) {
    %c0_i32 = arith.constant 0 : i32
    %c0_i32_0 = arith.constant 0 : i32
    return %arg0, %c0_i32 : i32, i32
  }
  func.func @transform_5(%arg0: i32) -> (i32, i32) {
    %c0_i32 = arith.constant 0 : i32
    %c0_i32_0 = arith.constant 0 : i32
    %c0_i32_1 = arith.constant 0 : i32
    return %c0_i32, %c0_i32_0 : i32, i32
  }
  func.func @transform_6(%arg0: i32) -> (i32, i32) {
    %c0_i32 = arith.constant 0 : i32
    %c0_i32_0 = arith.constant 0 : i32
    %c0_i32_1 = arith.constant 0 : i32
    return %c0_i32, %c0_i32_0 : i32, i32
  }
  func.func @transform_7(%arg0: i32) -> (i32, i32) {
    %c0_i32 = arith.constant 0 : i32
    %c0_i32_0 = arith.constant 0 : i32
    return %arg0, %c0_i32 : i32, i32
  }
}

module attributes {stable_mosaic.version = 14 : i64} {
  func.func @_tclast_body(%arg0: i32, %arg1: memref<1000x128xf32, #tpu.memory_space<vmem>>, %arg2: memref<1000x128xf32, #tpu.memory_space<vmem>>, %arg3: memref<1000x128xf32, #tpu.memory_space<vmem>>, %arg4: memref<1000x16xf32, #tpu.memory_space<vmem>>, %arg5: memref<1000x16xf32, #tpu.memory_space<vmem>>, %arg6: memref<1x128xf32, #tpu.memory_space<vmem>>, %arg7: memref<1000x128xf32, #tpu.memory_space<vmem>>) attributes {dimension_semantics = [#tpu.dimension_semantics<arbitrary>], iteration_bounds = array<i64: 10>, scalar_prefetch = 0 : i64, scratch_operands = 0 : i64, tpu.core_type = #tpu.core_type<tc>, window_params = [{transform_indices = @transform_0, window_bounds = array<i64: 1000, 128>}, {transform_indices = @transform_1, window_bounds = array<i64: 1000, 128>}, {transform_indices = @transform_2, window_bounds = array<i64: 1000, 128>}, {transform_indices = @transform_3, window_bounds = array<i64: 1000, 16>}, {transform_indices = @transform_4, window_bounds = array<i64: 1000, 16>}, {pipeline_mode = #tpu.pipeline_mode<synchronous>, transform_indices = @transform_5, window_bounds = array<i64: 1, 128>}, {transform_indices = @transform_6, window_bounds = array<i64: 1000, 128>}]} {
    %get3A = arith.constant 0 : index
    %get3A_0 = arith.constant 0 : index
    %get3A_1 = vector.load %arg4[%get3A, %get3A_0] : memref<1000x16xf32, #tpu.memory_space<vmem>>, vector<1000x16xf32>
    %get3A_2 = arith.constant 0 : index
    %get3A_3 = arith.constant 0 : index
    %get3A_4 = vector.load %arg5[%get3A_2, %get3A_3] : memref<1000x16xf32, #tpu.memory_space<vmem>>, vector<1000x16xf32>
    %slice3A = vector.extract_strided_slice %get3A_1 {offsets = [0, 0], sizes = [1000, 1], strides = [1, 1]} : vector<1000x16xf32> to vector<1000x1xf32>
    %slice3A_5 = vector.extract_strided_slice %get3A_4 {offsets = [0, 0], sizes = [1000, 1], strides = [1, 1]} : vector<1000x16xf32> to vector<1000x1xf32>
    %add3A = arith.addf %slice3A, %slice3A_5 : vector<1000x1xf32>
    %add3A_6 = arith.constant 1.000000e+00 : f32
    %add3A_7 = vector.broadcast %add3A_6 : f32 to vector<1000x1xf32>
    %add3A_8 = arith.addf %add3A, %add3A_7 : vector<1000x1xf32>
    %rsqrt3A = math.rsqrt %add3A_8 : vector<1000x1xf32>
    %get3A_9 = arith.constant 0 : index
    %get3A_10 = arith.constant 0 : index
    %get3A_11 = vector.load %arg1[%get3A_9, %get3A_10] : memref<1000x128xf32, #tpu.memory_space<vmem>>, vector<1000x128xf32>
    %get3A_12 = arith.constant 0 : index
    %get3A_13 = arith.constant 0 : index
    %get3A_14 = vector.load %arg2[%get3A_12, %get3A_13] : memref<1000x128xf32, #tpu.memory_space<vmem>>, vector<1000x128xf32>
    %add3A_15 = arith.addf %get3A_11, %get3A_14 : vector<1000x128xf32>
    %get3A_16 = arith.constant 0 : index
    %get3A_17 = arith.constant 0 : index
    %get3A_18 = vector.load %arg3[%get3A_16, %get3A_17] : memref<1000x128xf32, #tpu.memory_space<vmem>>, vector<1000x128xf32>
    %add3A_19 = arith.addf %add3A_15, %get3A_18 : vector<1000x128xf32>
    %mul3A = vector.broadcast %rsqrt3A : vector<1000x1xf32> to vector<1000x128xf32>
    %mul3A_20 = arith.mulf %mul3A, %add3A_19 : vector<1000x128xf32>
    %get3A_21 = arith.constant 0 : index
    %get3A_22 = arith.constant 0 : index
    %get3A_23 = vector.load %arg6[%get3A_21, %get3A_22] : memref<1x128xf32, #tpu.memory_space<vmem>>, vector<1x128xf32>
    %add3A_24 = vector.broadcast %get3A_23 : vector<1x128xf32> to vector<1000x128xf32>
    %add3A_25 = arith.addf %mul3A_20, %add3A_24 : vector<1000x128xf32>
    %max3A = arith.constant 0.000000e+00 : f32
    %max3A_26 = vector.broadcast %max3A : f32 to vector<1000x128xf32>
    %max3A_27 = arith.maximumf %add3A_25, %max3A_26 : vector<1000x128xf32>
    %swap3A = arith.constant 0 : index
    %swap3A_28 = arith.constant 0 : index
    %swap3A_29 = vector.load %arg7[%swap3A, %swap3A_28] : memref<1000x128xf32, #tpu.memory_space<vmem>>, vector<1000x128xf32>
    tpu.vector_store %arg7[%swap3A, %swap3A_28], %max3A_27 {strides = array<i32>} : memref<1000x128xf32, #tpu.memory_space<vmem>>, vector<1000x128xf32>,
    return
  }
  func.func @transform_0(%arg0: i32) -> (i32, i32) {
    %c0_i32 = arith.constant 0 : i32
    %c0_i32_0 = arith.constant 0 : i32
    return %arg0, %c0_i32 : i32, i32
  }
  func.func @transform_1(%arg0: i32) -> (i32, i32) {
    %c0_i32 = arith.constant 0 : i32
    %c0_i32_0 = arith.constant 0 : i32
    return %arg0, %c0_i32 : i32, i32
  }
  func.func @transform_2(%arg0: i32) -> (i32, i32) {
    %c0_i32 = arith.constant 0 : i32
    %c0_i32_0 = arith.constant 0 : i32
    return %arg0, %c0_i32 : i32, i32
  }
  func.func @transform_3(%arg0: i32) -> (i32, i32) {
    %c0_i32 = arith.constant 0 : i32
    %c0_i32_0 = arith.constant 0 : i32
    return %arg0, %c0_i32 : i32, i32
  }
  func.func @transform_4(%arg0: i32) -> (i32, i32) {
    %c0_i32 = arith.constant 0 : i32
    %c0_i32_0 = arith.constant 0 : i32
    return %arg0, %c0_i32 : i32, i32
  }
  func.func @transform_5(%arg0: i32) -> (i32, i32) {
    %c0_i32 = arith.constant 0 : i32
    %c0_i32_0 = arith.constant 0 : i32
    %c0_i32_1 = arith.constant 0 : i32
    return %c0_i32, %c0_i32_0 : i32, i32
  }
  func.func @transform_6(%arg0: i32) -> (i32, i32) {
    %c0_i32 = arith.constant 0 : i32
    %c0_i32_0 = arith.constant 0 : i32
    return %arg0, %c0_i32 : i32, i32
  }
}

module attributes {stable_mosaic.version = 14 : i64} {
  func.func @_mlp_body(%arg0: memref<32x64x128xf32, #tpu.memory_space<vmem>>, %arg1: memref<32x64x128xf32, #tpu.memory_space<vmem>>, %arg2: memref<32x64x16xf32, #tpu.memory_space<vmem>>, %arg3: memref<256x128xf32, #tpu.memory_space<vmem>>, %arg4: memref<1x128xf32, #tpu.memory_space<vmem>>, %arg5: memref<128x128xf32, #tpu.memory_space<vmem>>, %arg6: memref<1x128xf32, #tpu.memory_space<vmem>>, %arg7: memref<64x128xf32, #tpu.memory_space<vmem>>) attributes {dimension_semantics = [], scalar_prefetch = 0 : i64, scratch_operands = 0 : i64, tpu.core_type = #tpu.core_type<tc>} {
    %get3A = arith.constant 0 : index
    %get3A_0 = arith.constant 0 : index
    %get3A_1 = arith.constant 0 : index
    %get3A_2 = vector.load %arg0[%get3A, %get3A_0, %get3A_1] : memref<32x64x128xf32, #tpu.memory_space<vmem>>, vector<32x64x128xf32>
    %reduce_max3A = arith.constant dense<0xFF800000> : vector<64x128xf32>
    %reduce_max3A_3 = vector.multi_reduction <maximumf>, %get3A_2, %reduce_max3A [0] : vector<32x64x128xf32> to vector<64x128xf32>
    %get3A_4 = arith.constant 0 : index
    %get3A_5 = arith.constant 0 : index
    %get3A_6 = arith.constant 0 : index
    %get3A_7 = vector.load %arg1[%get3A_4, %get3A_5, %get3A_6] : memref<32x64x128xf32, #tpu.memory_space<vmem>>, vector<32x64x128xf32>
    %reduce_sum3A = arith.constant dense<0.000000e+00> : vector<64x128xf32>
    %reduce_sum3A_8 = vector.multi_reduction <add>, %get3A_7, %reduce_sum3A [0] : vector<32x64x128xf32> to vector<64x128xf32>
    %get3A_9 = arith.constant 0 : index
    %get3A_10 = arith.constant 0 : index
    %get3A_11 = arith.constant 0 : index
    %get3A_12 = vector.load %arg2[%get3A_9, %get3A_10, %get3A_11] : memref<32x64x16xf32, #tpu.memory_space<vmem>>, vector<32x64x16xf32>
    %reduce_sum3A_13 = arith.constant dense<0.000000e+00> : vector<64x16xf32>
    %reduce_sum3A_14 = vector.multi_reduction <add>, %get3A_12, %reduce_sum3A_13 [0] : vector<32x64x16xf32> to vector<64x16xf32>
    %slice3A = vector.extract_strided_slice %reduce_sum3A_14 {offsets = [0, 0], sizes = [64, 1], strides = [1, 1]} : vector<64x16xf32> to vector<64x1xf32>
    %max3A = arith.constant 1.000000e+00 : f32
    %max3A_15 = vector.broadcast %max3A : f32 to vector<64x1xf32>
    %max3A_16 = arith.maximumf %slice3A, %max3A_15 : vector<64x1xf32>
    %div3A = vector.broadcast %max3A_16 : vector<64x1xf32> to vector<64x128xf32>
    %div3A_17 = arith.divf %reduce_sum3A_8, %div3A : vector<64x128xf32>
    %concatenate3A = tpu.concatenate %reduce_max3A_3, %div3A_17 in 1 : vector<64x128xf32>, vector<64x128xf32> -> vector<64x256xf32>
    %get3A_18 = arith.constant 0 : index
    %get3A_19 = arith.constant 0 : index
    %get3A_20 = vector.load %arg3[%get3A_18, %get3A_19] : memref<256x128xf32, #tpu.memory_space<vmem>>, vector<256x128xf32>
    %dot_general3A = arith.constant dense<0.000000e+00> : vector<64x128xf32>
    %dot_general3A_21 = tpu.matmul %concatenate3A, %get3A_20, %dot_general3A {dimension_numbers = #tpu.dot_dimension_numbers<[1], [0], [0], [1], [0, 0, 1, 1], [], []>, transpose_lhs_hint = false} : vector<64x256xf32>, vector<256x128xf32>, vector<64x128xf32> -> vector<64x128xf32>
    %get3A_22 = arith.constant 0 : index
    %get3A_23 = arith.constant 0 : index
    %get3A_24 = vector.load %arg4[%get3A_22, %get3A_23] : memref<1x128xf32, #tpu.memory_space<vmem>>, vector<1x128xf32>
    %add3A = vector.broadcast %get3A_24 : vector<1x128xf32> to vector<64x128xf32>
    %add3A_25 = arith.addf %dot_general3A_21, %add3A : vector<64x128xf32>
    %max3A_26 = arith.constant 0.000000e+00 : f32
    %max3A_27 = vector.broadcast %max3A_26 : f32 to vector<64x128xf32>
    %max3A_28 = arith.maximumf %add3A_25, %max3A_27 : vector<64x128xf32>
    %get3A_29 = arith.constant 0 : index
    %get3A_30 = arith.constant 0 : index
    %get3A_31 = vector.load %arg5[%get3A_29, %get3A_30] : memref<128x128xf32, #tpu.memory_space<vmem>>, vector<128x128xf32>
    %dot_general3A_32 = arith.constant dense<0.000000e+00> : vector<64x128xf32>
    %dot_general3A_33 = tpu.matmul %max3A_28, %get3A_31, %dot_general3A_32 {dimension_numbers = #tpu.dot_dimension_numbers<[1], [0], [0], [1], [0, 0, 1, 1], [], []>, transpose_lhs_hint = false} : vector<64x128xf32>, vector<128x128xf32>, vector<64x128xf32> -> vector<64x128xf32>
    %get3A_34 = arith.constant 0 : index
    %get3A_35 = arith.constant 0 : index
    %get3A_36 = vector.load %arg6[%get3A_34, %get3A_35] : memref<1x128xf32, #tpu.memory_space<vmem>>, vector<1x128xf32>
    %add3A_37 = vector.broadcast %get3A_36 : vector<1x128xf32> to vector<64x128xf32>
    %add3A_38 = arith.addf %dot_general3A_33, %add3A_37 : vector<64x128xf32>
    %swap3A = arith.constant 0 : index
    %swap3A_39 = arith.constant 0 : index
    %swap3A_40 = vector.load %arg7[%swap3A, %swap3A_39] : memref<64x128xf32, #tpu.memory_space<vmem>>, vector<64x128xf32>
    tpu.vector_store %arg7[%swap3A, %swap3A_39], %add3A_38 {strides = array<i32>} : memref<64x128xf32, #tpu.memory_space<vmem>>, vector<64x128xf32>,
    return
  }
}

</mosaic_0001>

<sc_bundles>
// kernel: kernel.16.cloned.1.call-start
scs
__scs_entry_jumppad:
0x0: {  	(pc) =	sbr.rel $0x88, $3  }
0x1: {  	(tag) =	ssettag $0x0;
	lr =	simm.s32 $0x1  }
0x2: {  	[smem:$0x3F90] =	sst lr;
	_ =	strace $0xD0000000  }
0x3: {  	_ = 	snop  }
0x4: {  	_ = 	snop  }
0x5: {  	_ = 	snop  }
0x6: {  	_ = 	snop  }
0x7: {  	_ = 	snop  }
__scs_overlays_trampoline_lowered:
0x8: {  	[smem:$0x3F9F] =	sst s0  }
0x9: {  	[smem:$0x3FA0] =	sst s1  }
0xa: {  	[smem:$0x3FA1] =	sst s2  }
0xb: {  	[smem:$0x3FA2] =	sst s3  }
0xc: {  	[smem:$0x3FA3] =	sst s4  }
0xd: {  	[smem:$0x3FA4] =	sst s5  }
0xe: {  	[smem:$0x3FA5] =	sst s6  }
0xf: {  	[smem:$0x3FA6] =	sst s7  }
0x10: {  	[smem:$0x3FA7] =	sst s8  }
0x11: {  	[smem:$0x3FA8] =	sst s9;
	s0 =	simm.s32 @!p0 $0x0  }
0x12: {  	s1 =	sld [smem:$0x3F8E];
	s0 =	simm.s32 @p0 $0x1  }
0x13: {  	[smem:$0x3FA9] =	sst s0;
	s0 =	simm.s32 @!p1 $0x0  }
0x14: {  	s2 =	sld [smem:$0x3F8D];
	s0 =	simm.s32 @p1 $0x1  }
0x15: {  	[smem:$0x3FAA] =	sst s0;
	s0 =	simm.s32 @!p2 $0x0  }
0x16: {  	s3 =	sld [smem:$0x3FDB];
	s0 =	simm.s32 @p2 $0x1  }
0x17: {  	s4 =	simm.s32 $0x1BF5;
	[smem:$0x3FAC] =	sst s0  }
0x18: {  	s0 =	sld [smem:$0x3F8F];
	_ =	swait.ge [sflag:s4], $0x0  }
0x19: {  	s7 =	sld [smem:$0x3F90]  }
0x1a: {  	s8 =	sadd.s32 $0xFFFFE003, lr  }
0x1b: {  	s9 =	sadd.s32 $0xFFFFFEF7, lr;
	s5 =	simm.s32 $0xFFFFFFFF;
	p2 =	slt.u32 s8, $0xFFFFF086  }
0x1c: {  	p1 =	slt.u32 s9, $0xF7A;
	s5 =	simm.s32 @!p2 $0x0  }
0x1d: {  	s5 =	simm.s32 @p1 $0x1;
	p0 =	seq.s32 s7, s2  }
0x1e: {  	s7 =	smul.u32 @!p0 $0xF7A, s2;
	p2 =	seq.s32 @!p0 s5, $0x0  }
0x1f: {  	s9 =	smul.u32 $0xF7A, s1;
	s8 =	simm.s32 @!p0 $0x1BF5;
	p2 =	por !p2, p0  }
0x20: {  	[sflag:s8] =	ssyncset.s32 @!p0 $0xFFFFF086;
	s6 =	sadd.s32 @!p0 s3, s7;
	s7 =	simm.s32 @!p0 $0x108  }
0x21: {  	s3 =	sadd.s32 s3, s9;
	s6 =	sadd.s32 @!p0 $0x88, s6;
	s7 =	simm.s32 @p2 $0x1082  }
0x22: {  	[simem:s7], [sflag:s8] =	dma.local @!p0 [hbm:s6], $0xF7A  }
0x23: {  	s9 =	sor.u32 $0xD0000000, s2;
	s6 =	simm.s32 $0x108;
	_ =	swait.ge @!p0 [sflag:s8], $0x0  }
0x24: {  	s3 =	sadd.s32 $0x88, s3;
	s6 =	simm.s32 @!p1 $0x1082;
	[sflag:s4] =	ssyncset.s32 $0xFFFFF086  }
0x25: {  	[simem:s6], [sflag:s4] =	dma.local [hbm:s3], $0xF7A  }
0x26: {  	[smem:$0x3F90] =	sst s1;
	(tag) =	ssettag s2;
	_ =	strace s9  }
0x27: {  	s1 =	sld [smem:$0x3FA0]  }
0x28: {  	s2 =	sld [smem:$0x3FA1]  }
0x29: {  	s4 =	sld [smem:$0x3FA3]  }
0x2a: {  	p0 =	seq.s32 s5, $0x0;
	s5 =	sld [smem:$0x3FA4]  }
0x2b: {  	s6 =	sld [smem:$0x3FA5]  }
0x2c: {  	s7 =	sld [smem:$0x3FA6]  }
0x2d: {  	s3 =	simm.s32 $0x108;
	s8 =	sld [smem:$0x3FA7]  }
0x2e: {  	s3 =	simm.s32 @!p0 $0x1082;
	s9 =	sld [smem:$0x3FA8]  }
0x2f: {  	lr =	sadd.s32 s0, s3;
	s0 =	sld [smem:$0x3F9F]  }
0x30: {  	s3 =	sld [smem:$0x3FA2]  }
0x31: {  	[smem:$0x3FAB] =	sst s10  }
0x32: {  	s10 =	sld [smem:$0x3FA9];
	_ =	sdelay $0x3  }
0x33: {  	p0 =	seq.s32 s10, $0x1;
	s10 =	sld [smem:$0x3FAB];
	_ =	sdelay $0x3  }
0x34: {  	[smem:$0x3FAB] =	sst s10  }
0x35: {  	s10 =	sld [smem:$0x3FAA];
	_ =	sdelay $0x3  }
0x36: {  	p1 =	seq.s32 s10, $0x1;
	s10 =	sld [smem:$0x3FAB];
	_ =	sdelay $0x3  }
0x37: {  	[smem:$0x3FAB] =	sst s10  }
0x38: {  	s10 =	sld [smem:$0x3FAC]  }
0x39: {  	_ = 	snop;
	(pc) =	sbr.ind lr, $3  }
0x3a: {  	_ = 	snop  }
0x3b: {  	_ = 	snop  }
0x3c: {  	p2 =	seq.s32 s10, $0x1;
	s10 =	sld [smem:$0x3FAB]  }
0x3d: {  	_ =	shalt  }
0x3e: {  	_ =	shalt  }
0x3f: {  	_ =	shalt  }
0x40: {  	_ =	shalt  }
0x41: {  	_ =	shalt  }
0x42: {  	_ =	shalt  }
0x43: {  	_ =	shalt  }
0x44: {  	_ =	shalt  }
0x45: {  	_ =	shalt  }
0x46: {  	_ =	shalt  }
0x47: {  	_ =	shalt  }
0x48: {  	_ =	shalt  }
0x49: {  	_ =	shalt  }
0x4a: {  	_ =	shalt  }
0x4b: {  	_ =	shalt  }
0x4c: {  	_ =	shalt  }
0x4d: {  	_ =	shalt  }
0x4e: {  	_ =	shalt  }
0x4f: {  	_ =	shalt  }
0x50: {  	_ =	shalt  }
0x51: {  	_ =	shalt  }
0x52: {  	_ =	shalt  }
0x53: {  	_ =	shalt  }
0x54: {  	_ =	shalt  }
0x55: {  	_ =	shalt  }
0x56: {  	_ =	shalt  }
0x57: {  	_ =	shalt  }
0x58: {  	_ =	shalt  }
0x59: {  	_ =	shalt  }
0x5a: {  	_ =	shalt  }
0x5b: {  	_ =	shalt  }
0x5c: {  	_ =	shalt  }
0x5d: {  	_ =	shalt  }
0x5e: {  	_ =	shalt  }
0x5f: {  	_ =	shalt  }
0x60: {  	_ =	shalt  }
0x61: {  	_ =	shalt  }
0x62: {  	_ =	shalt  }
0x63: {  	_ =	shalt  }
0x64: {  	_ =	shalt  }
0x65: {  	_ =	shalt  }
0x66: {  	_ =	shalt  }
0x67: {  	_ =	shalt  }
0x68: {  	_ =	shalt  }
0x69: {  	_ =	shalt  }
0x6a: {  	_ =	shalt  }
0x6b: {  	_ =	shalt  }
0x6c: {  	_ =	shalt  }
0x6d: {  	_ =	shalt  }
0x6e: {  	_ =	shalt  }
0x6f: {  	_ =	shalt  }
0x70: {  	_ =	shalt  }
0x71: {  	_ =	shalt  }
0x72: {  	_ =	shalt  }
0x73: {  	_ =	shalt  }
0x74: {  	_ =	shalt  }
0x75: {  	_ =	shalt  }
0x76: {  	_ =	shalt  }
0x77: {  	_ =	shalt  }
0x78: {  	_ =	shalt  }
0x79: {  	_ =	shalt  }
0x7a: {  	_ =	shalt  }
0x7b: {  	_ =	shalt  }
0x7c: {  	_ =	shalt  }
0x7d: {  	_ =	shalt  }
0x7e: {  	_ =	shalt  }
0x7f: {  	_ =	shalt  }
0x80: {  	_ =	shalt  }
0x81: {  	_ =	shalt  }
0x82: {  	_ =	shalt  }
0x83: {  	_ =	shalt  }
0x84: {  	_ =	shalt  }
0x85: {  	_ =	shalt  }
0x86: {  	_ =	shalt  }
0x87: {  	_ =	shalt  }
.Lfunc_end0:
.L_simem_size_0:
called_computation_lowered:
.L_overlay_start_0:
0x88: {  	s2 =	sld [smem:$0x3FD9]  }
0x89: {  	s3 =	sld [smem:$0x3FFE];
	_ =	sdelay $0x1  }
0x8a: {  	s1 =	srdreg.scid  }
0x8b: {  	s0 =	sand.u32 $0x1, s1  }
0x8c: {  	s16 =	sshll.u32 s0, $0xA;
	s2 =	sadd.s32 s3, s2  }
0x8d: {  	s2 =	sadd.s32 s2, s16  }
0x8e: {  	[smem:$0x3FB7] =	sst s2  }
0x8f: {  	_ = 	snop  }
0x90: {  	(tm) =	ssettm $0x1  }
0x91: {  	s17 =	sld [smem:$0x3FFB];
	_ =	sdelay $0x3  }
0x92: {  	_ =	strace s17  }
0x93: {  	s2 =	sld [smem:$0x3FFC];
	_ =	sdelay $0x3  }
0x94: {  	_ =	strace s2  }
0x95: {  	s2 =	sld [smem:$0x3FFD];
	_ =	sdelay $0x3  }
0x96: {  	_ =	strace s2  }
0x97: {  	_ =	strace $0x8FFFFFFF  }
0x98: {  	s18 =	sld [smem:$0x3FDB];
	_ =	sdelay $0x1  }
0x99: {  	s19 =	simm.s32 $_scs_section_size  }
0x9a: {  	s4 =	simm.s32 $_size__tile_overlayer_lowered;
	s5 =	simm.s32 $_tile_overlayer_lowered  }
0x9b: {  	s22 =	simm.s32 $0x1BFF;
	s21 =	sshll.u32 s5, $0x1;
	s2 =	sadd.s32 s19, s18  }
0x9c: {  	s6 =	simm.s32 $0x0;
	s20 =	sshll.u32 s4, $0x1;
	s4 =	sadd.s32 s21, s2  }
0x9d: {  	[timem:s6], [sflag:s22] =	dma.local [hbm:s4], s20  }
0x9e: {  	_ =	swait.ge [sflag:s22], s20  }
0x9f: {  	s3 =	ssub.s32 $0x0, s20;
	[sflag:s22] =	ssyncset.done $0x0  }
0xa0: {  	[sflag:s22] =	ssyncadd.s32 s3;
	_ =	sdelay $0x1  }
0xa1: {  	s23 =	simm.s32 $0x1B8B  }
0xa2: {  	_ =	swait.ge [sflag:s23], $0x1  }
0xa3: {  	[sflag:s23] =	ssyncset.done $0x0  }
0xa4: {  	s25 =	simm.s32 $0x1B8E;
	s24 =	sld [smem:$0x3FFE];
	[sflag:s23] =	ssyncadd.s32 $0xFFFFFFFF  }
0xa5: {  	s26 =	simm.s32 $execute0_lowered;
	[smem:$0x3FD2] =	sst s25  }
0xa6: {  	s4 =	sshll.u32 s26, $0x1;
	_ =	strace $0x80000046;
	[dreg:$0x1] =	wrdreg $0xFFFFFFFF  }
0xa7: {  	s28 =	simm.s32 $_size_execute0_lowered;
	s2 =	sadd.s32 s2, s4;
	[dreg:$0x0] =	wrdreg $0x0  }
0xa8: {  	s4 =	sshll.u32 s28, $0x1;
	[dreg:$0x2] =	wrdreg s2  }
0xa9: {  	[dreg:$0x3] =	wrdreg s4  }
0xaa: {  	[dreg:$0x4] =	wrdreg $0xC0  }
0xab: {  	_ =	task [dreg:s6], $0x5FFFF  }
0xac: {  	[dreg:$0x1] =	wrdreg $0xFFFFFFFF  }
0xad: {  	[dreg:$0x0] =	wrdreg $0x60  }
0xae: {  	[dreg:$0x2] =	wrdreg s24  }
0xaf: {  	[dreg:$0x3] =	wrdreg $0x0  }
0xb0: {  	[dreg:$0x4] =	wrdreg $0x9  }
0xb1: {  	_ =	task.clear_ibuf [dreg:s6], $0x5FFFF;
	_ =	strace $0x90000046  }
0xb2: {  	s29 =	simm.s32 $0x9;
	_ =	strace $0x80000048  }
0xb3: {  	_ =	swait.ge [sflag:s29], $0x1  }
0xb4: {  	[sflag:s29] =	ssyncadd.s32 $0xFFFFFFFF  }
0xb5: {  	_ =	strace $0x90000048  }
0xb6: {  	_ =	sfence  }
0xb7: {  	s30 =	sld [smem:$0x0];
	_ =	sdelay $0x2  }
0xb8: {  	s31 =	sshll.u32 s1, $0xD;
	s1 =	sshrl.u32 s1, $0x2  }
0xb9: {  	s3 =	sand.u32 $0x4000, s31;
	s1 =	sadd.s32 s1, s30  }
0xba: {  	s0 =	sor.u32 s3, s0;
	s1 =	sshll.u32 s1, $0x11  }
0xbb: {  	s0 =	sor.u32 s1, s0  }
0xbc: {  	s0 =	sadd.s32 $0x8F2B, s0  }
0xbd: {  	[sflag:s0] =	ssyncadd.remote.s32 $0x1  }
0xbe: {  	_ =	sfence.sel $0xFFFF  }
0xbf: {  	[dreg:$0x0] =	wrdreg $0xFFFFFFFF;
	(pc) =	sbr.abs _section_cstart, $3  }
0xc0: {  	[dreg:$0x1] =	wrdreg $0xFFFFFFFF  }
0xc1: {  	_ =	task.clear_ibuf [dreg:s6], $0x2FFFF;
	_ =	strace $0x9FFFFFFF  }
0xc2: {  	(tm) =	ssettm $0x7FFFFFFF  }
0xc3: {  	_ =	shalt  }
tec
execute0_lowered:
.L_overlay_start_1:
0x0: {  	(tag) =	ssettag $0x1  }
0x1: {  	s7 =	rddreg [dreg:$0x0]  }
0x2: {  	s2 =	rddreg [dreg:$0x1]  }
0x3: {  	s0 =	rddreg [dreg:$0x2]  }
0x4: {  	s3 =	simm.s32 $0x0;
	s1 =	stileid.u32;
	s5 =	srdreg.scid  }
0x5: {  	s15 =	simm.s32 $0x6;
	s16 =	simm.s32 $0x13880;
	s17 =	simm.s32 $0x50  }
0x6: {  	s18 =	simm.s32 $0x13900;
	s19 =	simm.s32 $0x13980;
	s20 =	simm.s32 $0x13A00  }
0x7: {  	s21 =	simm.s32 $0x1;
	s22 =	simm.s32 $0x2;
	s23 =	simm.s32 $0x3  }
0x8: {  	s24 =	simm.s32 $0x4;
	s25 =	simm.s32 $0x17680;
	s26 =	simm.s32 $0x0  }
0x9: {  	[smem:$0x7FF] =	sst s3;
	s4 =	smul.u32 $0x2780, s1;
	s8 =	sand.u32 $0x1, s5  }
0xa: {  	s30 =	sshll.u32 s1, $0xB;
	s11 =	smul.u32 $0x4F000, s1;
	s5 =	sadd.s32 $0x49400, s7  }
0xb: {  	p0 =	seq.s32 s1, $0xF;
	_ =	strace $0x80000047;
	s6 =	smul.u32 $0x27100, s8  }
0xc: {  	s9 =	sadd.s32 s30, s7;
	s10 =	ssub.s32 $0x2, s8;
	s8 =	sshll.u32 s8, $0xF  }
0xd: {  	s12 =	sadd.s32 s4, s7;
	s13 =	sshrl.u32 s10, $0x1;
	s31 =	sshrl.u32 s11, $0x2  }
0xe: {  	s11 =	sadd.s32 $0x128400, s2;
	s8 =	sadd.s32 s8, s9;
	s14 =	sadd.s32 s6, s7  }
0xf: {  	s10 =	ssub.s32 s10, s13;
	s13 =	sadd.s32 s31, s2;
	s6 =	sadd.s32 $0x22200, s12  }
0x10: {  	s7 =	sadd.s32 $0x47280, s7;
	s8 =	sadd.s32 $0x12200, s8;
	s11 =	sshrl.u32 @p0 s11, $0x3  }
0x11: {  	s12 =	sshll.u32 @!p0 s1, $0x6;
	s9 =	sadd.s32 $0x49A00, s14;
	s10 =	smax.u32 s10, $0x1  }
0x12: {  	s12 =	sor.u32 @!p0 $0x1C06, s12;
	s13 =	sshrl.u32 @!p0 s13, $0x3;
	s14 =	simm.s32 $0x17700  }
.LBB2_1:
0x13: {  	s28 =	simm.s32 @p0 $0x1FC6  }
0x14: {  	[spmem:s11], [sflag:s28] =	dma.local @p0 [hbm:s7], $0x2080  }
0x15: {  	s28 =	simm.s32 @p0 $0x6  }
0x16: {  	_ =	swait.ge @p0 [sflag:s28], $0x2080  }
0x17: {  	[sflag:s28] =	ssyncset.done @p0 $0x0  }
0x18: {  	[sflag:s28] =	ssyncadd.s32 @p0 $0xFFFFDF80;
	s28 =	simm.s32 @!p0 $0x6  }
0x19: {  	[spmem:s13], [sflag:s12] =	dma.local @!p0 [hbm:s6], $0x2780  }
0x1a: {  	_ =	swait.ge @!p0 [sflag:s28], $0x2780  }
0x1b: {  	[sflag:s28] =	ssyncset.done @!p0 $0x0  }
0x1c: {  	[sflag:s28] =	ssyncadd.s32 @!p0 $0xFFFFD880  }
0x1d: {  	[tilespmem:s14], [sflag:$0x6] =	stream.linear.gather [hbm4b:s5+s3], $0x2800, $0x38;
	[tilespmem:$0x19F00] =	vst v63  }
0x1e: {  	_ =	swait.ge [sflag:s15], $0x2800  }
0x1f: {  	[sflag:s15] =	ssyncset.done $0x0  }
0x20: {  	[sflag:s15] =	ssyncadd.s32 $0xFFFFD800  }
0x21: {  	[tilespmem:s16], [sflag:$0x6] =	stream.linear.gather [hbm4b:s8+s3], $0x3E80, $0x38;
	[tilespmem:$0x19F00] =	vst v63  }
0x22: {  	_ =	swait.ge [sflag:s15], $0x3E80  }
0x23: {  	[sflag:s15] =	ssyncset.done $0x0  }
0x24: {  	[sflag:s15] =	ssyncadd.s32 $0xFFFFC180  }
0x25: {  	[bflag:$0x0] =	sbarrier.arrive $0xFFFF  }
0x26: {  	[spmem:s2] =	stream.indirect.scatter.add.f32 [tilespmem:s14], [sflag:$0x1], $0x80, s16, s17, $0xb8;
	[tilespmem:$0x19F00] =	vst v63  }
0x27: {  	_ = 	snop  }
0x28: {  	[spmem:s2] =	stream.indirect.scatter.add.f32 [tilespmem:s14], [sflag:$0x2], $0x80, s18, s17, $0xb8;
	[tilespmem:$0x19F00] =	vst v63  }
0x29: {  	_ = 	snop  }
0x2a: {  	[spmem:s2] =	stream.indirect.scatter.add.f32 [tilespmem:s14], [sflag:$0x3], $0x80, s19, s17, $0xb8;
	[tilespmem:$0x19F00] =	vst v63  }
0x2b: {  	_ = 	snop  }
0x2c: {  	[spmem:s2] =	stream.indirect.scatter.add.f32 [tilespmem:s14], [sflag:$0x4], $0x80, s20, s17, $0xb8;
	[tilespmem:$0x19F00] =	vst v63  }
0x2d: {  	_ =	swait.ge [sflag:s21], $0x2800  }
0x2e: {  	[sflag:s21] =	ssyncset.done $0x0  }
0x2f: {  	s28 =	simm.s32 $0x13A80;
	[sflag:s21] =	ssyncadd.s32 $0xFFFFD800  }
0x30: {  	[spmem:s2] =	stream.indirect.scatter.add.f32 [tilespmem:s14], [sflag:$0x1], $0x80, s28, s17, $0xb8;
	[tilespmem:$0x19F00] =	vst v63  }
0x31: {  	_ =	swait.ge [sflag:s22], $0x2800  }
0x32: {  	[sflag:s22] =	ssyncset.done $0x0  }
0x33: {  	s28 =	simm.s32 $0x13B00;
	[sflag:s22] =	ssyncadd.s32 $0xFFFFD800  }
0x34: {  	[spmem:s2] =	stream.indirect.scatter.add.f32 [tilespmem:s14], [sflag:$0x2], $0x80, s28, s17, $0xb8;
	[tilespmem:$0x19F00] =	vst v63  }
0x35: {  	_ =	swait.ge [sflag:s23], $0x2800  }
0x36: {  	[sflag:s23] =	ssyncset.done $0x0  }
0x37: {  	s28 =	simm.s32 $0x13B80;
	[sflag:s23] =	ssyncadd.s32 $0xFFFFD800  }
0x38: {  	[spmem:s2] =	stream.indirect.scatter.add.f32 [tilespmem:s14], [sflag:$0x3], $0x80, s28, s17, $0xb8;
	[tilespmem:$0x19F00] =	vst v63  }
0x39: {  	_ =	swait.ge [sflag:s24], $0x2800  }
0x3a: {  	[sflag:s24] =	ssyncset.done $0x0  }
0x3b: {  	s29 =	simm.s32 $0x13C00;
	s28 =	simm.s32 $0xFFFF1800;
	[sflag:s24] =	ssyncadd.s32 $0xFFFFD800  }
.LBB2_2:
0x3c: {  	[spmem:s2] =	stream.indirect.scatter.add.f32 [tilespmem:s14], [sflag:$0x4], $0x80, s29, s17, $0xb8;
	[tilespmem:$0x19F00] =	vst v63  }
0x3d: {  	s29 =	smov.u32 s28  }
0x3e: {  	p1 =	sne.s32 s28, $0xFFFFF800;
	s28 =	sadd.s32 $0x800, s28;
	_ =	swait.ge [sflag:s21], $0x2800  }
0x3f: {  	s29 =	sshra.s32 s29, $0x2;
	[sflag:s21] =	ssyncset.done $0x0  }
0x40: {  	s30 =	sadd.s32 $0x17680, s29;
	[sflag:s21] =	ssyncadd.s32 $0xFFFFD800  }
0x41: {  	[spmem:s2] =	stream.indirect.scatter.add.f32 [tilespmem:s14], [sflag:$0x1], $0x80, s30, s17, $0xb8;
	[tilespmem:$0x19F00] =	vst v63  }
0x42: {  	_ =	swait.ge [sflag:s22], $0x2800  }
0x43: {  	[sflag:s22] =	ssyncset.done $0x0  }
0x44: {  	s30 =	sadd.s32 $0x17700, s29;
	[sflag:s22] =	ssyncadd.s32 $0xFFFFD800  }
0x45: {  	[spmem:s2] =	stream.indirect.scatter.add.f32 [tilespmem:s14], [sflag:$0x2], $0x80, s30, s17, $0xb8;
	[tilespmem:$0x19F00] =	vst v63  }
0x46: {  	_ =	swait.ge [sflag:s23], $0x2800  }
0x47: {  	[sflag:s23] =	ssyncset.done $0x0  }
.Ltmp0:
0x48: {  	s30 =	sadd.s32 $0x17780, s29;
	[sflag:s23] =	ssyncadd.s32 $0xFFFFD800;
	(pc) =	sbr.rel @p1 .LBB2_2-.Ltmp0, $4  }
0x49: {  	[spmem:s2] =	stream.indirect.scatter.add.f32 [tilespmem:s14], [sflag:$0x3], $0x80, s30, s17, $0xb8;
	[tilespmem:$0x19F00] =	vst v63  }
0x4a: {  	_ =	swait.ge [sflag:s24], $0x2800  }
0x4b: {  	[sflag:s24] =	ssyncset.done $0x0  }
0x4c: {  	s29 =	sadd.s32 $0x17800, s29;
	[sflag:s24] =	ssyncadd.s32 $0xFFFFD800  }
0x4d: {  	[spmem:s2] =	stream.indirect.scatter.add.f32 [tilespmem:s14], [sflag:$0x4], $0x80, s29, s17, $0xb8;
	[tilespmem:$0x19F00] =	vst v63  }
0x4e: {  	_ =	swait.ge [sflag:s21], $0x2800  }
0x4f: {  	[sflag:s21] =	ssyncset.done $0x0  }
0x50: {  	[sflag:s21] =	ssyncadd.s32 $0xFFFFD800  }
0x51: {  	[spmem:s2] =	stream.indirect.scatter.add.f32 [tilespmem:s14], [sflag:$0x1], $0x80, s25, s17, $0xb8;
	[tilespmem:$0x19F00] =	vst v63  }
0x52: {  	_ =	swait.ge [sflag:s22], $0x2800  }
0x53: {  	[sflag:s22] =	ssyncset.done $0x0  }
0x54: {  	[sflag:s22] =	ssyncadd.s32 $0xFFFFD800  }
0x55: {  	_ =	swait.ge [sflag:s23], $0x2800  }
0x56: {  	[sflag:s23] =	ssyncset.done $0x0  }
0x57: {  	[sflag:s23] =	ssyncadd.s32 $0xFFFFD800  }
0x58: {  	_ =	swait.ge [sflag:s24], $0x2800  }
0x59: {  	[sflag:s24] =	ssyncset.done $0x0  }
0x5a: {  	[sflag:s24] =	ssyncadd.s32 $0xFFFFD800  }
0x5b: {  	_ =	swait.ge [sflag:s21], $0x2800  }
0x5c: {  	[sflag:s21] =	ssyncset.done $0x0  }
0x5d: {  	[sflag:s21] =	ssyncadd.s32 $0xFFFFD800  }
0x5e: {  	s28 =	sadd.s32 @p0 $0x25080, s9;
	s29 =	simm.s32 @p0 $0x1FC5;
	[bflag:$0x0] =	sbarrier.arrive $0xFFFF  }
0x5f: {  	[hbm:s28], [sflag:s29] =	dma.local @p0 [spmem:s11], $0x2080  }
0x60: {  	s28 =	simm.s32 @p0 $0x5  }
0x61: {  	_ =	swait.ge @p0 [sflag:s28], $0x2080  }
0x62: {  	s26 =	sadd.s32 $0x1, s26;
	[sflag:s28] =	ssyncset.done @p0 $0x0  }
0x63: {  	p1 =	sne.s32 s26, s10;
	[sflag:s28] =	ssyncadd.s32 @p0 $0xFFFFDF80;
	s28 =	sadd.s32 @!p0 s4, s9  }
0x64: {  	[hbm:s28], [sflag:s12] =	dma.local @!p0 [spmem:s13], $0x2780  }
.Ltmp1:
0x65: {  	_ = 	snop;
	(pc) =	sbr.rel @p1 .LBB2_1-.Ltmp1, $4  }
0x66: {  	s28 =	simm.s32 @!p0 $0x6  }
0x67: {  	_ =	swait.ge @!p0 [sflag:s28], $0x2780  }
0x68: {  	[sflag:s28] =	ssyncset.done @!p0 $0x0  }
0x69: {  	[sflag:s28] =	ssyncadd.s32 @!p0 $0xFFFFD880  }
0x6a: {  	_ =	sfence.sel $0x180000  }
0x6b: {  	[bflag:$0x0] =	sbarrier.arrive $0xFFFF  }
0x6c: {  	p0 =	sne.s32 s1, $0x0;
	_ =	strace $0x90000047  }
0x6d: {  	s0 =	sadd.s32 @!p0 $0x100000, s0;
	[bflag:$0x2] =	sbarrier.arrive $0xFFFF  }
0x6e: {  	[sflag:s0] =	ssyncadd.tile.s32 @!p0 $0x1;
	_ =	shalt  }
.Lfunc_end2:
_tile_overlayer_lowered:
.L_overlay_start_2:
0x6f: {  	(tag) =	ssettag $0x2  }
0x70: {  	s0 =	rddreg [dreg:$0x0];
	s2 =	stileid.u32  }
0x71: {  	s1 =	rddreg [dreg:$0x1];
	p0 =	sne.s32 s2, $0x0  }
0x72: {  	s3 =	rddreg [dreg:$0x2];
	[bflag:$0x3] =	sbarrier.arrive $0xFFFF;
	s2 =	simm.s32 @!p0 $0x1C05  }
0x73: {  	[timem:s3], [sflag:s2] =	dma.local @!p0 [hbm:s0], s1  }
0x74: {  	s0 =	simm.s32 @!p0 $0x5  }
0x75: {  	_ =	swait.ge @!p0 [sflag:s0], s1  }
0x76: {  	s1 =	ssub.s32 @!p0 $0x0, s1;
	[sflag:s0] =	ssyncset.done @!p0 $0x0  }
0x77: {  	[sflag:s0] =	ssyncadd.s32 @!p0 s1  }
0x78: {  	[bflag:$0x3] =	sbarrier.arrive $0xFFFF  }
0x79: {  	_ =	shalt  }

// kernel: kernel.19.cloned.1.call-start
scs
__scs_entry_jumppad:
0x0: {  	(pc) =	sbr.rel $0x88, $3  }
0x1: {  	(tag) =	ssettag $0x0;
	lr =	simm.s32 $0x1  }
0x2: {  	[smem:$0x3F90] =	sst lr;
	_ =	strace $0xD0000000  }
0x3: {  	_ = 	snop  }
0x4: {  	_ = 	snop  }
0x5: {  	_ = 	snop  }
0x6: {  	_ = 	snop  }
0x7: {  	_ = 	snop  }
__scs_overlays_trampoline_lowered:
0x8: {  	[smem:$0x3F9F] =	sst s0  }
0x9: {  	[smem:$0x3FA0] =	sst s1  }
0xa: {  	[smem:$0x3FA1] =	sst s2  }
0xb: {  	[smem:$0x3FA2] =	sst s3  }
0xc: {  	[smem:$0x3FA3] =	sst s4  }
0xd: {  	[smem:$0x3FA4] =	sst s5  }
0xe: {  	[smem:$0x3FA5] =	sst s6  }
0xf: {  	[smem:$0x3FA6] =	sst s7  }
0x10: {  	[smem:$0x3FA7] =	sst s8  }
0x11: {  	[smem:$0x3FA8] =	sst s9;
	s0 =	simm.s32 @!p0 $0x0  }
0x12: {  	s1 =	sld [smem:$0x3F8E];
	s0 =	simm.s32 @p0 $0x1  }
0x13: {  	[smem:$0x3FA9] =	sst s0;
	s0 =	simm.s32 @!p1 $0x0  }
0x14: {  	s2 =	sld [smem:$0x3F8D];
	s0 =	simm.s32 @p1 $0x1  }
0x15: {  	[smem:$0x3FAA] =	sst s0;
	s0 =	simm.s32 @!p2 $0x0  }
0x16: {  	s3 =	sld [smem:$0x3FDB];
	s0 =	simm.s32 @p2 $0x1  }
0x17: {  	s4 =	simm.s32 $0x1BF5;
	[smem:$0x3FAC] =	sst s0  }
0x18: {  	s0 =	sld [smem:$0x3F8F];
	_ =	swait.ge [sflag:s4], $0x0  }
0x19: {  	s7 =	sld [smem:$0x3F90]  }
0x1a: {  	s8 =	sadd.s32 $0xFFFFE003, lr  }
0x1b: {  	s9 =	sadd.s32 $0xFFFFFEF7, lr;
	s5 =	simm.s32 $0xFFFFFFFF;
	p2 =	slt.u32 s8, $0xFFFFF086  }
0x1c: {  	p1 =	slt.u32 s9, $0xF7A;
	s5 =	simm.s32 @!p2 $0x0  }
0x1d: {  	s5 =	simm.s32 @p1 $0x1;
	p0 =	seq.s32 s7, s2  }
0x1e: {  	s7 =	smul.u32 @!p0 $0xF7A, s2;
	p2 =	seq.s32 @!p0 s5, $0x0  }
0x1f: {  	s9 =	smul.u32 $0xF7A, s1;
	s8 =	simm.s32 @!p0 $0x1BF5;
	p2 =	por !p2, p0  }
0x20: {  	[sflag:s8] =	ssyncset.s32 @!p0 $0xFFFFF086;
	s6 =	sadd.s32 @!p0 s3, s7;
	s7 =	simm.s32 @!p0 $0x108  }
0x21: {  	s3 =	sadd.s32 s3, s9;
	s6 =	sadd.s32 @!p0 $0x88, s6;
	s7 =	simm.s32 @p2 $0x1082  }
0x22: {  	[simem:s7], [sflag:s8] =	dma.local @!p0 [hbm:s6], $0xF7A  }
0x23: {  	s9 =	sor.u32 $0xD0000000, s2;
	s6 =	simm.s32 $0x108;
	_ =	swait.ge @!p0 [sflag:s8], $0x0  }
0x24: {  	s3 =	sadd.s32 $0x88, s3;
	s6 =	simm.s32 @!p1 $0x1082;
	[sflag:s4] =	ssyncset.s32 $0xFFFFF086  }
0x25: {  	[simem:s6], [sflag:s4] =	dma.local [hbm:s3], $0xF7A  }
0x26: {  	[smem:$0x3F90] =	sst s1;
	(tag) =	ssettag s2;
	_ =	strace s9  }
0x27: {  	s1 =	sld [smem:$0x3FA0]  }
0x28: {  	s2 =	sld [smem:$0x3FA1]  }
0x29: {  	s4 =	sld [smem:$0x3FA3]  }
0x2a: {  	p0 =	seq.s32 s5, $0x0;
	s5 =	sld [smem:$0x3FA4]  }
0x2b: {  	s6 =	sld [smem:$0x3FA5]  }
0x2c: {  	s7 =	sld [smem:$0x3FA6]  }
0x2d: {  	s3 =	simm.s32 $0x108;
	s8 =	sld [smem:$0x3FA7]  }
0x2e: {  	s3 =	simm.s32 @!p0 $0x1082;
	s9 =	sld [smem:$0x3FA8]  }
0x2f: {  	lr =	sadd.s32 s0, s3;
	s0 =	sld [smem:$0x3F9F]  }
0x30: {  	s3 =	sld [smem:$0x3FA2]  }
0x31: {  	[smem:$0x3FAB] =	sst s10  }
0x32: {  	s10 =	sld [smem:$0x3FA9];
	_ =	sdelay $0x3  }
0x33: {  	p0 =	seq.s32 s10, $0x1;
	s10 =	sld [smem:$0x3FAB];
	_ =	sdelay $0x3  }
0x34: {  	[smem:$0x3FAB] =	sst s10  }
0x35: {  	s10 =	sld [smem:$0x3FAA];
	_ =	sdelay $0x3  }
0x36: {  	p1 =	seq.s32 s10, $0x1;
	s10 =	sld [smem:$0x3FAB];
	_ =	sdelay $0x3  }
0x37: {  	[smem:$0x3FAB] =	sst s10  }
0x38: {  	s10 =	sld [smem:$0x3FAC]  }
0x39: {  	_ = 	snop;
	(pc) =	sbr.ind lr, $3  }
0x3a: {  	_ = 	snop  }
0x3b: {  	_ = 	snop  }
0x3c: {  	p2 =	seq.s32 s10, $0x1;
	s10 =	sld [smem:$0x3FAB]  }
0x3d: {  	_ =	shalt  }
0x3e: {  	_ =	shalt  }
0x3f: {  	_ =	shalt  }
0x40: {  	_ =	shalt  }
0x41: {  	_ =	shalt  }
0x42: {  	_ =	shalt  }
0x43: {  	_ =	shalt  }
0x44: {  	_ =	shalt  }
0x45: {  	_ =	shalt  }
0x46: {  	_ =	shalt  }
0x47: {  	_ =	shalt  }
0x48: {  	_ =	shalt  }
0x49: {  	_ =	shalt  }
0x4a: {  	_ =	shalt  }
0x4b: {  	_ =	shalt  }
0x4c: {  	_ =	shalt  }
0x4d: {  	_ =	shalt  }
0x4e: {  	_ =	shalt  }
0x4f: {  	_ =	shalt  }
0x50: {  	_ =	shalt  }
0x51: {  	_ =	shalt  }
0x52: {  	_ =	shalt  }
0x53: {  	_ =	shalt  }
0x54: {  	_ =	shalt  }
0x55: {  	_ =	shalt  }
0x56: {  	_ =	shalt  }
0x57: {  	_ =	shalt  }
0x58: {  	_ =	shalt  }
0x59: {  	_ =	shalt  }
0x5a: {  	_ =	shalt  }
0x5b: {  	_ =	shalt  }
0x5c: {  	_ =	shalt  }
0x5d: {  	_ =	shalt  }
0x5e: {  	_ =	shalt  }
0x5f: {  	_ =	shalt  }
0x60: {  	_ =	shalt  }
0x61: {  	_ =	shalt  }
0x62: {  	_ =	shalt  }
0x63: {  	_ =	shalt  }
0x64: {  	_ =	shalt  }
0x65: {  	_ =	shalt  }
0x66: {  	_ =	shalt  }
0x67: {  	_ =	shalt  }
0x68: {  	_ =	shalt  }
0x69: {  	_ =	shalt  }
0x6a: {  	_ =	shalt  }
0x6b: {  	_ =	shalt  }
0x6c: {  	_ =	shalt  }
0x6d: {  	_ =	shalt  }
0x6e: {  	_ =	shalt  }
0x6f: {  	_ =	shalt  }
0x70: {  	_ =	shalt  }
0x71: {  	_ =	shalt  }
0x72: {  	_ =	shalt  }
0x73: {  	_ =	shalt  }
0x74: {  	_ =	shalt  }
0x75: {  	_ =	shalt  }
0x76: {  	_ =	shalt  }
0x77: {  	_ =	shalt  }
0x78: {  	_ =	shalt  }
0x79: {  	_ =	shalt  }
0x7a: {  	_ =	shalt  }
0x7b: {  	_ =	shalt  }
0x7c: {  	_ =	shalt  }
0x7d: {  	_ =	shalt  }
0x7e: {  	_ =	shalt  }
0x7f: {  	_ =	shalt  }
0x80: {  	_ =	shalt  }
0x81: {  	_ =	shalt  }
0x82: {  	_ =	shalt  }
0x83: {  	_ =	shalt  }
0x84: {  	_ =	shalt  }
0x85: {  	_ =	shalt  }
0x86: {  	_ =	shalt  }
0x87: {  	_ =	shalt  }
.Lfunc_end0:
.L_simem_size_0:
called_computation.1_lowered:
.L_overlay_start_0:
0x88: {  	s2 =	sld [smem:$0x3FD9]  }
0x89: {  	s3 =	sld [smem:$0x3FFE];
	_ =	sdelay $0x1  }
0x8a: {  	s1 =	srdreg.scid  }
0x8b: {  	s0 =	sand.u32 $0x1, s1  }
0x8c: {  	s16 =	sshll.u32 s0, $0xA;
	s2 =	sadd.s32 s3, s2  }
0x8d: {  	s2 =	sadd.s32 s2, s16  }
0x8e: {  	[smem:$0x3FB7] =	sst s2  }
0x8f: {  	_ = 	snop  }
0x90: {  	(tm) =	ssettm $0x1  }
0x91: {  	s17 =	sld [smem:$0x3FFB];
	_ =	sdelay $0x3  }
0x92: {  	_ =	strace s17  }
0x93: {  	s2 =	sld [smem:$0x3FFC];
	_ =	sdelay $0x3  }
0x94: {  	_ =	strace s2  }
0x95: {  	s2 =	sld [smem:$0x3FFD];
	_ =	sdelay $0x3  }
0x96: {  	_ =	strace s2  }
0x97: {  	_ =	strace $0x8FFFFFFF  }
0x98: {  	s18 =	sld [smem:$0x3FDB];
	_ =	sdelay $0x1  }
0x99: {  	s19 =	simm.s32 $_scs_section_size  }
0x9a: {  	s4 =	simm.s32 $_size__tile_overlayer_lowered;
	s5 =	simm.s32 $_tile_overlayer_lowered  }
0x9b: {  	s22 =	simm.s32 $0x1BFF;
	s21 =	sshll.u32 s5, $0x1;
	s2 =	sadd.s32 s19, s18  }
0x9c: {  	s6 =	simm.s32 $0x0;
	s20 =	sshll.u32 s4, $0x1;
	s4 =	sadd.s32 s21, s2  }
0x9d: {  	[timem:s6], [sflag:s22] =	dma.local [hbm:s4], s20  }
0x9e: {  	_ =	swait.ge [sflag:s22], s20  }
0x9f: {  	s3 =	ssub.s32 $0x0, s20;
	[sflag:s22] =	ssyncset.done $0x0  }
0xa0: {  	[sflag:s22] =	ssyncadd.s32 s3;
	_ =	sdelay $0x1  }
0xa1: {  	s23 =	simm.s32 $0x1B8B  }
0xa2: {  	_ =	swait.ge [sflag:s23], $0x1  }
0xa3: {  	[sflag:s23] =	ssyncset.done $0x0  }
0xa4: {  	s25 =	simm.s32 $0x1B8E;
	s24 =	sld [smem:$0x3FFE];
	[sflag:s23] =	ssyncadd.s32 $0xFFFFFFFF  }
0xa5: {  	s26 =	simm.s32 $execute0_lowered;
	[smem:$0x3FD2] =	sst s25  }
0xa6: {  	s4 =	sshll.u32 s26, $0x1;
	_ =	strace $0x80000049;
	[dreg:$0x1] =	wrdreg $0xFFFFFFFF  }
0xa7: {  	s28 =	simm.s32 $_size_execute0_lowered;
	s2 =	sadd.s32 s2, s4;
	[dreg:$0x0] =	wrdreg $0x0  }
0xa8: {  	s4 =	sshll.u32 s28, $0x1;
	[dreg:$0x2] =	wrdreg s2  }
0xa9: {  	[dreg:$0x3] =	wrdreg s4  }
0xaa: {  	[dreg:$0x4] =	wrdreg $0xC0  }
0xab: {  	_ =	task [dreg:s6], $0x5FFFF  }
0xac: {  	[dreg:$0x1] =	wrdreg $0xFFFFFFFF  }
0xad: {  	[dreg:$0x0] =	wrdreg $0x60  }
0xae: {  	[dreg:$0x2] =	wrdreg s24  }
0xaf: {  	[dreg:$0x3] =	wrdreg $0x0  }
0xb0: {  	[dreg:$0x4] =	wrdreg $0x9  }
0xb1: {  	_ =	task.clear_ibuf [dreg:s6], $0x5FFFF;
	_ =	strace $0x90000049  }
0xb2: {  	s29 =	simm.s32 $0x9;
	_ =	strace $0x8000004B  }
0xb3: {  	_ =	swait.ge [sflag:s29], $0x1  }
0xb4: {  	[sflag:s29] =	ssyncadd.s32 $0xFFFFFFFF  }
0xb5: {  	_ =	strace $0x9000004B  }
0xb6: {  	_ =	sfence  }
0xb7: {  	s30 =	sld [smem:$0x0];
	_ =	sdelay $0x2  }
0xb8: {  	s31 =	sshll.u32 s1, $0xD;
	s1 =	sshrl.u32 s1, $0x2  }
0xb9: {  	s3 =	sand.u32 $0x4000, s31;
	s1 =	sadd.s32 s1, s30  }
0xba: {  	s0 =	sor.u32 s3, s0;
	s1 =	sshll.u32 s1, $0x11  }
0xbb: {  	s0 =	sor.u32 s1, s0  }
0xbc: {  	s0 =	sadd.s32 $0x8F2B, s0  }
0xbd: {  	[sflag:s0] =	ssyncadd.remote.s32 $0x1  }
0xbe: {  	_ =	sfence.sel $0xFFFF  }
0xbf: {  	[dreg:$0x0] =	wrdreg $0xFFFFFFFF;
	(pc) =	sbr.abs _section_cstart, $3  }
0xc0: {  	[dreg:$0x1] =	wrdreg $0xFFFFFFFF  }
0xc1: {  	_ =	task.clear_ibuf [dreg:s6], $0x2FFFF;
	_ =	strace $0x9FFFFFFF  }
0xc2: {  	(tm) =	ssettm $0x7FFFFFFF  }
0xc3: {  	_ =	shalt  }
tec
execute0_lowered:
.L_overlay_start_1:
0x0: {  	(tag) =	ssettag $0x1  }
0x1: {  	s1 =	rddreg [dreg:$0x0]  }
0x2: {  	s0 =	srdreg.scid;
	s2 =	rddreg [dreg:$0x1]  }
0x3: {  	s15 =	stileid.u32;
	s3 =	simm.s32 $0x0;
	s16 =	simm.s32 $0x6  }
0x4: {  	s17 =	simm.s32 $0x16000;
	s18 =	simm.s32 $0x50;
	s19 =	simm.s32 $0x19E80  }
0x5: {  	s21 =	simm.s32 $0x1C680;
	s22 =	simm.s32 $0x1;
	s23 =	simm.s32 $0x3  }
0x6: {  	s24 =	simm.s32 $0x13920;
	s25 =	simm.s32 $0x2;
	s28 =	simm.s32 $0x4  }
0x7: {  	s29 =	simm.s32 $0x19E00;
	s30 =	simm.s32 $0x0;
	s5 =	smul.u32 $0x2780, s15  }
0x8: {  	s0 =	sand.u32 $0x1, s0;
	[smem:$0x7FF] =	sst s3;
	s26 =	smul.u32 $0x4F000, s15  }
0x9: {  	s13 =	sadd.s32 $0x128400, s2;
	p0 =	seq.s32 s15, $0xF;
	s4 =	sshll.u32 s0, $0x4  }
0xa: {  	_ =	strace $0x8000004A;
	s31 =	smul.u32 $0x27100, s0;
	s0 =	ssub.s32 $0x2, s0  }
0xb: {  	s6 =	sor.u32 s15, s4;
	s4 =	sadd.s32 $0x97800, s1;
	s10 =	sadd.s32 s5, s1  }
0xc: {  	s11 =	sshrl.u32 s0, $0x1;
	s7 =	smul.u32 $0x4E2, s6;
	s6 =	sshll.u32 s6, $0xB  }
0xd: {  	s12 =	sadd.s32 s31, s1;
	s0 =	ssub.s32 s0, s11;
	s9 =	sadd.s32 s6, s1  }
0xe: {  	s6 =	sadd.s32 $0x22200, s10;
	s10 =	sadd.s32 $0xBEA00, s12;
	s11 =	smax.u32 s0, $0x1  }
0xf: {  	s0 =	sshll.u32 @!p0 s15, $0x6;
	s12 =	sshrl.u32 @p0 s13, $0x3;
	s15 =	simm.s32 $0x13880  }
0x10: {  	s8 =	sadd.s32 s7, s1;
	s7 =	sshrl.u32 s26, $0x2;
	s9 =	sadd.s32 $0x12200, s9  }
0x11: {  	s13 =	sor.u32 @!p0 $0x1C06, s0;
	s26 =	simm.s32 $0x16080;
	s14 =	sadd.s32 s7, s2  }
0x12: {  	s7 =	sadd.s32 $0x47280, s1;
	s8 =	sadd.s32 $0x8400, s8;
	s14 =	sshrl.u32 @!p0 s14, $0x3  }
.LBB2_1:
0x13: {  	s0 =	simm.s32 @p0 $0x1FC6  }
0x14: {  	[spmem:s12], [sflag:s0] =	dma.local @p0 [hbm:s7], $0x2080  }
0x15: {  	s0 =	simm.s32 @p0 $0x6  }
0x16: {  	_ =	swait.ge @p0 [sflag:s0], $0x2080  }
0x17: {  	[sflag:s0] =	ssyncset.done @p0 $0x0  }
0x18: {  	[sflag:s0] =	ssyncadd.s32 @p0 $0xFFFFDF80;
	s0 =	simm.s32 @!p0 $0x6  }
0x19: {  	[spmem:s14], [sflag:s13] =	dma.local @!p0 [hbm:s6], $0x2780  }
0x1a: {  	_ =	swait.ge @!p0 [sflag:s0], $0x2780  }
0x1b: {  	[sflag:s0] =	ssyncset.done @!p0 $0x0  }
0x1c: {  	[sflag:s0] =	ssyncadd.s32 @!p0 $0xFFFFD880  }
0x1d: {  	[tilespmem:s15], [sflag:$0x6] =	stream.linear.gather [hbm4b:s8+s3], $0x2710, $0x38;
	[tilespmem:$0x1EE80] =	vst v63  }
0x1e: {  	_ =	swait.ge [sflag:s16], $0x2710  }
0x1f: {  	[sflag:s16] =	ssyncset.done $0x0  }
0x20: {  	[sflag:s16] =	ssyncadd.s32 $0xFFFFD8F0  }
0x21: {  	[tilespmem:s17], [sflag:$0x6] =	stream.linear.gather [hbm4b:s9+s3], $0x3E80, $0x38;
	[tilespmem:$0x1EE80] =	vst v63  }
0x22: {  	_ =	swait.ge [sflag:s16], $0x3E80  }
0x23: {  	[sflag:s16] =	ssyncset.done $0x0  }
0x24: {  	[sflag:s16] =	ssyncadd.s32 $0xFFFFC180  }
0x25: {  	[bflag:$0x0] =	sbarrier.arrive $0xFFFF  }
0x26: {  	[tilespmem:s19], [sflag:$0x1] =	stream.indirect.gather [hbm4b:s4+s18], $0x80, s15, s18, $0xb8;
	[tilespmem:$0x1EE80] =	vst v63  }
0x27: {  	s1 =	simm.s32 $0x138D0  }
0x28: {  	[tilespmem:s21], [sflag:$0x2] =	stream.indirect.gather [hbm4b:s4+s18], $0x80, s1, s18, $0xb8;
	[tilespmem:$0x1EE80] =	vst v63  }
0x29: {  	_ =	swait.ge [sflag:s22], $0x2800  }
0x2a: {  	[sflag:s22] =	ssyncset.done $0x0  }
0x2b: {  	[sflag:s22] =	ssyncadd.s32 $0xFFFFD800  }
0x2c: {  	[spmem:s2] =	stream.indirect.scatter.add.f32 [tilespmem:s19], [sflag:$0x3], $0x80, s17, s18, $0xb8;
	[tilespmem:$0x1EE80] =	vst v63  }
0x2d: {  	_ =	swait.ge [sflag:s23], $0x2800  }
0x2e: {  	[sflag:s23] =	ssyncset.done $0x0  }
0x2f: {  	[sflag:s23] =	ssyncadd.s32 $0xFFFFD800  }
0x30: {  	[tilespmem:s19], [sflag:$0x1] =	stream.indirect.gather [hbm4b:s4+s18], $0x80, s24, s18, $0xb8;
	[tilespmem:$0x1EE80] =	vst v63  }
0x31: {  	_ =	swait.ge [sflag:s25], $0x2800  }
0x32: {  	[sflag:s25] =	ssyncset.done $0x0  }
0x33: {  	[sflag:s25] =	ssyncadd.s32 $0xFFFFD800  }
0x34: {  	[spmem:s2] =	stream.indirect.scatter.add.f32 [tilespmem:s21], [sflag:$0x4], $0x80, s26, s18, $0xb8;
	[tilespmem:$0x1EE80] =	vst v63  }
0x35: {  	_ =	swait.ge [sflag:s28], $0x2800  }
0x36: {  	[sflag:s28] =	ssyncset.done $0x0  }
0x37: {  	s20 =	simm.s32 $0x13970;
	[sflag:s28] =	ssyncadd.s32 $0xFFFFD800  }
0x38: {  	[tilespmem:s21], [sflag:$0x2] =	stream.indirect.gather [hbm4b:s4+s18], $0x80, s20, s18, $0xb8;
	[tilespmem:$0x1EE80] =	vst v63  }
0x39: {  	_ =	swait.ge [sflag:s22], $0x2800  }
0x3a: {  	[sflag:s22] =	ssyncset.done $0x0  }
0x3b: {  	s1 =	simm.s32 $0x16100;
	[sflag:s22] =	ssyncadd.s32 $0xFFFFD800  }
0x3c: {  	[spmem:s2] =	stream.indirect.scatter.add.f32 [tilespmem:s19], [sflag:$0x3], $0x80, s1, s18, $0xb8;
	[tilespmem:$0x1EE80] =	vst v63  }
0x3d: {  	_ =	swait.ge [sflag:s23], $0x2800  }
0x3e: {  	[sflag:s23] =	ssyncset.done $0x0  }
0x3f: {  	s20 =	simm.s32 $0x139C0;
	[sflag:s23] =	ssyncadd.s32 $0xFFFFD800  }
0x40: {  	[tilespmem:s19], [sflag:$0x1] =	stream.indirect.gather [hbm4b:s4+s18], $0x80, s20, s18, $0xb8;
	[tilespmem:$0x1EE80] =	vst v63  }
0x41: {  	_ =	swait.ge [sflag:s25], $0x2800  }
0x42: {  	s31 =	simm.s32 $0xFFFF1000;
	[sflag:s25] =	ssyncset.done $0x0  }
0x43: {  	s0 =	simm.s32 $0x13A10;
	s1 =	simm.s32 $0x16180;
	[sflag:s25] =	ssyncadd.s32 $0xFFFFD800  }
.LBB2_2:
0x44: {  	[spmem:s2] =	stream.indirect.scatter.add.f32 [tilespmem:s21], [sflag:$0x4], $0x80, s1, s18, $0xb8;
	[tilespmem:$0x1EE80] =	vst v63  }
0x45: {  	s1 =	smov.u32 s31  }
0x46: {  	p1 =	sne.s32 s31, $0xFFFFFC00;
	s31 =	sadd.s32 $0x400, s31;
	_ =	swait.ge [sflag:s28], $0x2800  }
0x47: {  	[sflag:s28] =	ssyncset.done $0x0  }
0x48: {  	[sflag:s28] =	ssyncadd.s32 $0xFFFFD800  }
0x49: {  	[tilespmem:s21], [sflag:$0x2] =	stream.indirect.gather [hbm4b:s4+s18], $0x80, s0, s18, $0xb8;
	[tilespmem:$0x1EE80] =	vst v63  }
0x4a: {  	_ =	swait.ge [sflag:s22], $0x2800  }
0x4b: {  	s1 =	sshra.s32 s1, $0x2;
	[sflag:s22] =	ssyncset.done $0x0  }
0x4c: {  	s20 =	sadd.s32 $0x19E00, s1;
	[sflag:s22] =	ssyncadd.s32 $0xFFFFD800  }
0x4d: {  	[spmem:s2] =	stream.indirect.scatter.add.f32 [tilespmem:s19], [sflag:$0x3], $0x80, s20, s18, $0xb8;
	[tilespmem:$0x1EE80] =	vst v63  }
0x4e: {  	_ =	swait.ge [sflag:s23], $0x2800  }
0x4f: {  	[sflag:s23] =	ssyncset.done $0x0  }
.Ltmp0:
0x50: {  	s20 =	sadd.s32 $0x50, s0;
	[sflag:s23] =	ssyncadd.s32 $0xFFFFD800;
	(pc) =	sbr.rel @p1 .LBB2_2-.Ltmp0, $4  }
0x51: {  	[tilespmem:s19], [sflag:$0x1] =	stream.indirect.gather [hbm4b:s4+s18], $0x80, s20, s18, $0xb8;
	[tilespmem:$0x1EE80] =	vst v63  }
0x52: {  	_ =	swait.ge [sflag:s25], $0x2800  }
0x53: {  	[sflag:s25] =	ssyncset.done $0x0  }
0x54: {  	s1 =	sadd.s32 $0x19E80, s1;
	s0 =	sadd.s32 $0xA0, s0;
	[sflag:s25] =	ssyncadd.s32 $0xFFFFD800  }
0x55: {  	[spmem:s2] =	stream.indirect.scatter.add.f32 [tilespmem:s21], [sflag:$0x4], $0x80, s1, s18, $0xb8;
	[tilespmem:$0x1EE80] =	vst v63  }
0x56: {  	_ =	swait.ge [sflag:s22], $0x2800  }
0x57: {  	[sflag:s22] =	ssyncset.done $0x0  }
0x58: {  	[sflag:s22] =	ssyncadd.s32 $0xFFFFD800  }
0x59: {  	[spmem:s2] =	stream.indirect.scatter.add.f32 [tilespmem:s19], [sflag:$0x3], $0x80, s29, s18, $0xb8;
	[tilespmem:$0x1EE80] =	vst v63  }
0x5a: {  	_ =	swait.ge [sflag:s28], $0x2800  }
0x5b: {  	[sflag:s28] =	ssyncset.done $0x0  }
0x5c: {  	[sflag:s28] =	ssyncadd.s32 $0xFFFFD800  }
0x5d: {  	_ =	swait.ge [sflag:s23], $0x2800  }
0x5e: {  	[sflag:s23] =	ssyncset.done $0x0  }
0x5f: {  	[sflag:s23] =	ssyncadd.s32 $0xFFFFD800  }
0x60: {  	s0 =	sadd.s32 @p0 $0x25080, s10;
	s1 =	simm.s32 @p0 $0x1FC5;
	[bflag:$0x0] =	sbarrier.arrive $0xFFFF  }
0x61: {  	[hbm:s0], [sflag:s1] =	dma.local @p0 [spmem:s12], $0x2080  }
0x62: {  	s0 =	simm.s32 @p0 $0x5  }
0x63: {  	_ =	swait.ge @p0 [sflag:s0], $0x2080  }
0x64: {  	s30 =	sadd.s32 $0x1, s30;
	[sflag:s0] =	ssyncset.done @p0 $0x0  }
0x65: {  	p1 =	sne.s32 s30, s11;
	[sflag:s0] =	ssyncadd.s32 @p0 $0xFFFFDF80;
	s0 =	sadd.s32 @!p0 s5, s10  }
0x66: {  	[hbm:s0], [sflag:s13] =	dma.local @!p0 [spmem:s14], $0x2780  }
.Ltmp1:
0x67: {  	_ = 	snop;
	(pc) =	sbr.rel @p1 .LBB2_1-.Ltmp1, $4  }
0x68: {  	s0 =	simm.s32 @!p0 $0x6  }
0x69: {  	_ =	swait.ge @!p0 [sflag:s0], $0x2780  }
0x6a: {  	[sflag:s0] =	ssyncset.done @!p0 $0x0  }
0x6b: {  	[sflag:s0] =	ssyncadd.s32 @!p0 $0xFFFFD880  }
0x6c: {  	_ =	sfence.sel $0x180000  }
0x6d: {  	[bflag:$0x0] =	sbarrier.arrive $0xFFFF  }
0x6e: {  	_ =	strace $0x9000004A  }
0x6f: {  	s0 =	stileid.u32;
	[bflag:$0x2] =	sbarrier.arrive $0xFFFF  }
0x70: {  	p0 =	sne.s32 s0, $0x0;
	s0 =	rddreg [dreg:$0x2]  }
0x71: {  	s0 =	sadd.s32 @!p0 $0x100000, s0  }
0x72: {  	[sflag:s0] =	ssyncadd.tile.s32 @!p0 $0x1;
	_ =	shalt  }
.Lfunc_end2:
_tile_overlayer_lowered:
.L_overlay_start_2:
0x73: {  	(tag) =	ssettag $0x2  }
0x74: {  	s0 =	rddreg [dreg:$0x0];
	s2 =	stileid.u32  }
0x75: {  	s1 =	rddreg [dreg:$0x1];
	p0 =	sne.s32 s2, $0x0  }
0x76: {  	s3 =	rddreg [dreg:$0x2];
	[bflag:$0x3] =	sbarrier.arrive $0xFFFF;
	s2 =	simm.s32 @!p0 $0x1C05  }
0x77: {  	[timem:s3], [sflag:s2] =	dma.local @!p0 [hbm:s0], s1  }
0x78: {  	s0 =	simm.s32 @!p0 $0x5  }
0x79: {  	_ =	swait.ge @!p0 [sflag:s0], s1  }
0x7a: {  	s1 =	ssub.s32 @!p0 $0x0, s1;
	[sflag:s0] =	ssyncset.done @!p0 $0x0  }
0x7b: {  	[sflag:s0] =	ssyncadd.s32 @!p0 s1  }
0x7c: {  	[bflag:$0x3] =	sbarrier.arrive $0xFFFF  }
0x7d: {  	_ =	shalt  }

// kernel: kernel.22.cloned.1.call-start
scs
__scs_entry_jumppad:
0x0: {  	(pc) =	sbr.rel $0x88, $3  }
0x1: {  	(tag) =	ssettag $0x0;
	lr =	simm.s32 $0x1  }
0x2: {  	[smem:$0x3F90] =	sst lr;
	_ =	strace $0xD0000000  }
0x3: {  	_ = 	snop  }
0x4: {  	_ = 	snop  }
0x5: {  	_ = 	snop  }
0x6: {  	_ = 	snop  }
0x7: {  	_ = 	snop  }
__scs_overlays_trampoline_lowered:
0x8: {  	[smem:$0x3F9F] =	sst s0  }
0x9: {  	[smem:$0x3FA0] =	sst s1  }
0xa: {  	[smem:$0x3FA1] =	sst s2  }
0xb: {  	[smem:$0x3FA2] =	sst s3  }
0xc: {  	[smem:$0x3FA3] =	sst s4  }
0xd: {  	[smem:$0x3FA4] =	sst s5  }
0xe: {  	[smem:$0x3FA5] =	sst s6  }
0xf: {  	[smem:$0x3FA6] =	sst s7  }
0x10: {  	[smem:$0x3FA7] =	sst s8  }
0x11: {  	[smem:$0x3FA8] =	sst s9;
	s0 =	simm.s32 @!p0 $0x0  }
0x12: {  	s1 =	sld [smem:$0x3F8E];
	s0 =	simm.s32 @p0 $0x1  }
0x13: {  	[smem:$0x3FA9] =	sst s0;
	s0 =	simm.s32 @!p1 $0x0  }
0x14: {  	s2 =	sld [smem:$0x3F8D];
	s0 =	simm.s32 @p1 $0x1  }
0x15: {  	[smem:$0x3FAA] =	sst s0;
	s0 =	simm.s32 @!p2 $0x0  }
0x16: {  	s3 =	sld [smem:$0x3FDB];
	s0 =	simm.s32 @p2 $0x1  }
0x17: {  	s4 =	simm.s32 $0x1BF5;
	[smem:$0x3FAC] =	sst s0  }
0x18: {  	s0 =	sld [smem:$0x3F8F];
	_ =	swait.ge [sflag:s4], $0x0  }
0x19: {  	s7 =	sld [smem:$0x3F90]  }
0x1a: {  	s8 =	sadd.s32 $0xFFFFE003, lr  }
0x1b: {  	s9 =	sadd.s32 $0xFFFFFEF7, lr;
	s5 =	simm.s32 $0xFFFFFFFF;
	p2 =	slt.u32 s8, $0xFFFFF086  }
0x1c: {  	p1 =	slt.u32 s9, $0xF7A;
	s5 =	simm.s32 @!p2 $0x0  }
0x1d: {  	s5 =	simm.s32 @p1 $0x1;
	p0 =	seq.s32 s7, s2  }
0x1e: {  	s7 =	smul.u32 @!p0 $0xF7A, s2;
	p2 =	seq.s32 @!p0 s5, $0x0  }
0x1f: {  	s9 =	smul.u32 $0xF7A, s1;
	s8 =	simm.s32 @!p0 $0x1BF5;
	p2 =	por !p2, p0  }
0x20: {  	[sflag:s8] =	ssyncset.s32 @!p0 $0xFFFFF086;
	s6 =	sadd.s32 @!p0 s3, s7;
	s7 =	simm.s32 @!p0 $0x108  }
0x21: {  	s3 =	sadd.s32 s3, s9;
	s6 =	sadd.s32 @!p0 $0x88, s6;
	s7 =	simm.s32 @p2 $0x1082  }
0x22: {  	[simem:s7], [sflag:s8] =	dma.local @!p0 [hbm:s6], $0xF7A  }
0x23: {  	s9 =	sor.u32 $0xD0000000, s2;
	s6 =	simm.s32 $0x108;
	_ =	swait.ge @!p0 [sflag:s8], $0x0  }
0x24: {  	s3 =	sadd.s32 $0x88, s3;
	s6 =	simm.s32 @!p1 $0x1082;
	[sflag:s4] =	ssyncset.s32 $0xFFFFF086  }
0x25: {  	[simem:s6], [sflag:s4] =	dma.local [hbm:s3], $0xF7A  }
0x26: {  	[smem:$0x3F90] =	sst s1;
	(tag) =	ssettag s2;
	_ =	strace s9  }
0x27: {  	s1 =	sld [smem:$0x3FA0]  }
0x28: {  	s2 =	sld [smem:$0x3FA1]  }
0x29: {  	s4 =	sld [smem:$0x3FA3]  }
0x2a: {  	p0 =	seq.s32 s5, $0x0;
	s5 =	sld [smem:$0x3FA4]  }
0x2b: {  	s6 =	sld [smem:$0x3FA5]  }
0x2c: {  	s7 =	sld [smem:$0x3FA6]  }
0x2d: {  	s3 =	simm.s32 $0x108;
	s8 =	sld [smem:$0x3FA7]  }
0x2e: {  	s3 =	simm.s32 @!p0 $0x1082;
	s9 =	sld [smem:$0x3FA8]  }
0x2f: {  	lr =	sadd.s32 s0, s3;
	s0 =	sld [smem:$0x3F9F]  }
0x30: {  	s3 =	sld [smem:$0x3FA2]  }
0x31: {  	[smem:$0x3FAB] =	sst s10  }
0x32: {  	s10 =	sld [smem:$0x3FA9];
	_ =	sdelay $0x3  }
0x33: {  	p0 =	seq.s32 s10, $0x1;
	s10 =	sld [smem:$0x3FAB];
	_ =	sdelay $0x3  }
0x34: {  	[smem:$0x3FAB] =	sst s10  }
0x35: {  	s10 =	sld [smem:$0x3FAA];
	_ =	sdelay $0x3  }
0x36: {  	p1 =	seq.s32 s10, $0x1;
	s10 =	sld [smem:$0x3FAB];
	_ =	sdelay $0x3  }
0x37: {  	[smem:$0x3FAB] =	sst s10  }
0x38: {  	s10 =	sld [smem:$0x3FAC]  }
0x39: {  	_ = 	snop;
	(pc) =	sbr.ind lr, $3  }
0x3a: {  	_ = 	snop  }
0x3b: {  	_ = 	snop  }
0x3c: {  	p2 =	seq.s32 s10, $0x1;
	s10 =	sld [smem:$0x3FAB]  }
0x3d: {  	_ =	shalt  }
0x3e: {  	_ =	shalt  }
0x3f: {  	_ =	shalt  }
0x40: {  	_ =	shalt  }
0x41: {  	_ =	shalt  }
0x42: {  	_ =	shalt  }
0x43: {  	_ =	shalt  }
0x44: {  	_ =	shalt  }
0x45: {  	_ =	shalt  }
0x46: {  	_ =	shalt  }
0x47: {  	_ =	shalt  }
0x48: {  	_ =	shalt  }
0x49: {  	_ =	shalt  }
0x4a: {  	_ =	shalt  }
0x4b: {  	_ =	shalt  }
0x4c: {  	_ =	shalt  }
0x4d: {  	_ =	shalt  }
0x4e: {  	_ =	shalt  }
0x4f: {  	_ =	shalt  }
0x50: {  	_ =	shalt  }
0x51: {  	_ =	shalt  }
0x52: {  	_ =	shalt  }
0x53: {  	_ =	shalt  }
0x54: {  	_ =	shalt  }
0x55: {  	_ =	shalt  }
0x56: {  	_ =	shalt  }
0x57: {  	_ =	shalt  }
0x58: {  	_ =	shalt  }
0x59: {  	_ =	shalt  }
0x5a: {  	_ =	shalt  }
0x5b: {  	_ =	shalt  }
0x5c: {  	_ =	shalt  }
0x5d: {  	_ =	shalt  }
0x5e: {  	_ =	shalt  }
0x5f: {  	_ =	shalt  }
0x60: {  	_ =	shalt  }
0x61: {  	_ =	shalt  }
0x62: {  	_ =	shalt  }
0x63: {  	_ =	shalt  }
0x64: {  	_ =	shalt  }
0x65: {  	_ =	shalt  }
0x66: {  	_ =	shalt  }
0x67: {  	_ =	shalt  }
0x68: {  	_ =	shalt  }
0x69: {  	_ =	shalt  }
0x6a: {  	_ =	shalt  }
0x6b: {  	_ =	shalt  }
0x6c: {  	_ =	shalt  }
0x6d: {  	_ =	shalt  }
0x6e: {  	_ =	shalt  }
0x6f: {  	_ =	shalt  }
0x70: {  	_ =	shalt  }
0x71: {  	_ =	shalt  }
0x72: {  	_ =	shalt  }
0x73: {  	_ =	shalt  }
0x74: {  	_ =	shalt  }
0x75: {  	_ =	shalt  }
0x76: {  	_ =	shalt  }
0x77: {  	_ =	shalt  }
0x78: {  	_ =	shalt  }
0x79: {  	_ =	shalt  }
0x7a: {  	_ =	shalt  }
0x7b: {  	_ =	shalt  }
0x7c: {  	_ =	shalt  }
0x7d: {  	_ =	shalt  }
0x7e: {  	_ =	shalt  }
0x7f: {  	_ =	shalt  }
0x80: {  	_ =	shalt  }
0x81: {  	_ =	shalt  }
0x82: {  	_ =	shalt  }
0x83: {  	_ =	shalt  }
0x84: {  	_ =	shalt  }
0x85: {  	_ =	shalt  }
0x86: {  	_ =	shalt  }
0x87: {  	_ =	shalt  }
.Lfunc_end0:
.L_simem_size_0:
called_computation.2_lowered:
.L_overlay_start_0:
0x88: {  	s2 =	sld [smem:$0x3FD9]  }
0x89: {  	s3 =	sld [smem:$0x3FFE];
	_ =	sdelay $0x1  }
0x8a: {  	s1 =	srdreg.scid  }
0x8b: {  	s0 =	sand.u32 $0x1, s1  }
0x8c: {  	s16 =	sshll.u32 s0, $0xA;
	s2 =	sadd.s32 s3, s2  }
0x8d: {  	s2 =	sadd.s32 s2, s16  }
0x8e: {  	[smem:$0x3FB7] =	sst s2  }
0x8f: {  	_ = 	snop  }
0x90: {  	(tm) =	ssettm $0x1  }
0x91: {  	s17 =	sld [smem:$0x3FFB];
	_ =	sdelay $0x3  }
0x92: {  	_ =	strace s17  }
0x93: {  	s2 =	sld [smem:$0x3FFC];
	_ =	sdelay $0x3  }
0x94: {  	_ =	strace s2  }
0x95: {  	s2 =	sld [smem:$0x3FFD];
	_ =	sdelay $0x3  }
0x96: {  	_ =	strace s2  }
0x97: {  	_ =	strace $0x8FFFFFFF  }
0x98: {  	s18 =	sld [smem:$0x3FDB];
	_ =	sdelay $0x1  }
0x99: {  	s19 =	simm.s32 $_scs_section_size  }
0x9a: {  	s4 =	simm.s32 $_size__tile_overlayer_lowered;
	s5 =	simm.s32 $_tile_overlayer_lowered  }
0x9b: {  	s22 =	simm.s32 $0x1BFF;
	s21 =	sshll.u32 s5, $0x1;
	s2 =	sadd.s32 s19, s18  }
0x9c: {  	s6 =	simm.s32 $0x0;
	s20 =	sshll.u32 s4, $0x1;
	s4 =	sadd.s32 s21, s2  }
0x9d: {  	[timem:s6], [sflag:s22] =	dma.local [hbm:s4], s20  }
0x9e: {  	_ =	swait.ge [sflag:s22], s20  }
0x9f: {  	s3 =	ssub.s32 $0x0, s20;
	[sflag:s22] =	ssyncset.done $0x0  }
0xa0: {  	[sflag:s22] =	ssyncadd.s32 s3;
	_ =	sdelay $0x1  }
0xa1: {  	s23 =	simm.s32 $0x1B8B  }
0xa2: {  	_ =	swait.ge [sflag:s23], $0x1  }
0xa3: {  	[sflag:s23] =	ssyncset.done $0x0  }
0xa4: {  	s25 =	simm.s32 $0x1B8E;
	s24 =	sld [smem:$0x3FFE];
	[sflag:s23] =	ssyncadd.s32 $0xFFFFFFFF  }
0xa5: {  	s26 =	simm.s32 $execute0_lowered;
	[smem:$0x3FD2] =	sst s25  }
0xa6: {  	s4 =	sshll.u32 s26, $0x1;
	_ =	strace $0x8000004C;
	[dreg:$0x1] =	wrdreg $0xFFFFFFFF  }
0xa7: {  	s28 =	simm.s32 $_size_execute0_lowered;
	s2 =	sadd.s32 s2, s4;
	[dreg:$0x0] =	wrdreg $0x0  }
0xa8: {  	s4 =	sshll.u32 s28, $0x1;
	[dreg:$0x2] =	wrdreg s2  }
0xa9: {  	[dreg:$0x3] =	wrdreg s4  }
0xaa: {  	[dreg:$0x4] =	wrdreg $0xC0  }
0xab: {  	_ =	task [dreg:s6], $0x5FFFF  }
0xac: {  	[dreg:$0x1] =	wrdreg $0xFFFFFFFF  }
0xad: {  	[dreg:$0x0] =	wrdreg $0x60  }
0xae: {  	[dreg:$0x2] =	wrdreg s24  }
0xaf: {  	[dreg:$0x3] =	wrdreg $0x0  }
0xb0: {  	[dreg:$0x4] =	wrdreg $0x9  }
0xb1: {  	_ =	task.clear_ibuf [dreg:s6], $0x5FFFF;
	_ =	strace $0x9000004C  }
0xb2: {  	s29 =	simm.s32 $0x9;
	_ =	strace $0x8000004E  }
0xb3: {  	_ =	swait.ge [sflag:s29], $0x1  }
0xb4: {  	[sflag:s29] =	ssyncadd.s32 $0xFFFFFFFF  }
0xb5: {  	_ =	strace $0x9000004E  }
0xb6: {  	_ =	sfence  }
0xb7: {  	s30 =	sld [smem:$0x0];
	_ =	sdelay $0x2  }
0xb8: {  	s31 =	sshll.u32 s1, $0xD;
	s1 =	sshrl.u32 s1, $0x2  }
0xb9: {  	s3 =	sand.u32 $0x4000, s31;
	s1 =	sadd.s32 s1, s30  }
0xba: {  	s0 =	sor.u32 s3, s0;
	s1 =	sshll.u32 s1, $0x11  }
0xbb: {  	s0 =	sor.u32 s1, s0  }
0xbc: {  	s0 =	sadd.s32 $0x8F2B, s0  }
0xbd: {  	[sflag:s0] =	ssyncadd.remote.s32 $0x1  }
0xbe: {  	_ =	sfence.sel $0xFFFF  }
0xbf: {  	[dreg:$0x0] =	wrdreg $0xFFFFFFFF;
	(pc) =	sbr.abs _section_cstart, $3  }
0xc0: {  	[dreg:$0x1] =	wrdreg $0xFFFFFFFF  }
0xc1: {  	_ =	task.clear_ibuf [dreg:s6], $0x2FFFF;
	_ =	strace $0x9FFFFFFF  }
0xc2: {  	(tm) =	ssettm $0x7FFFFFFF  }
0xc3: {  	_ =	shalt  }
tec
execute0_lowered:
.L_overlay_start_1:
0x0: {  	(tag) =	ssettag $0x1  }
0x1: {  	s1 =	rddreg [dreg:$0x0]  }
0x2: {  	s0 =	srdreg.scid;
	s2 =	rddreg [dreg:$0x1]  }
0x3: {  	s15 =	stileid.u32;
	s3 =	simm.s32 $0x0;
	s16 =	simm.s32 $0x6  }
0x4: {  	s17 =	simm.s32 $0x16000;
	s18 =	simm.s32 $0x50;
	s19 =	simm.s32 $0x19E80  }
0x5: {  	s21 =	simm.s32 $0x1C680;
	s22 =	simm.s32 $0x1;
	s23 =	simm.s32 $0x3  }
0x6: {  	s24 =	simm.s32 $0x13920;
	s25 =	simm.s32 $0x2;
	s28 =	simm.s32 $0x4  }
0x7: {  	s29 =	simm.s32 $0x19E00;
	s30 =	simm.s32 $0x0;
	s5 =	smul.u32 $0x2780, s15  }
0x8: {  	s0 =	sand.u32 $0x1, s0;
	[smem:$0x7FF] =	sst s3;
	s26 =	smul.u32 $0x4F000, s15  }
0x9: {  	s13 =	sadd.s32 $0x128400, s2;
	p0 =	seq.s32 s15, $0xF;
	s4 =	sshll.u32 s0, $0x4  }
0xa: {  	_ =	strace $0x8000004D;
	s31 =	smul.u32 $0x27100, s0;
	s0 =	ssub.s32 $0x2, s0  }
0xb: {  	s6 =	sor.u32 s15, s4;
	s4 =	sadd.s32 $0x97800, s1;
	s10 =	sadd.s32 s5, s1  }
0xc: {  	s11 =	sshrl.u32 s0, $0x1;
	s7 =	smul.u32 $0x4E2, s6;
	s6 =	sshll.u32 s6, $0xB  }
0xd: {  	s12 =	sadd.s32 s31, s1;
	s0 =	ssub.s32 s0, s11;
	s9 =	sadd.s32 s6, s1  }
0xe: {  	s6 =	sadd.s32 $0x22200, s10;
	s10 =	sadd.s32 $0xBEA00, s12;
	s11 =	smax.u32 s0, $0x1  }
0xf: {  	s0 =	sshll.u32 @!p0 s15, $0x6;
	s12 =	sshrl.u32 @p0 s13, $0x3;
	s15 =	simm.s32 $0x13880  }
0x10: {  	s8 =	sadd.s32 s7, s1;
	s7 =	sshrl.u32 s26, $0x2;
	s9 =	sadd.s32 $0x12200, s9  }
0x11: {  	s13 =	sor.u32 @!p0 $0x1C06, s0;
	s26 =	simm.s32 $0x16080;
	s14 =	sadd.s32 s7, s2  }
0x12: {  	s7 =	sadd.s32 $0x47280, s1;
	s8 =	sadd.s32 $0x8400, s8;
	s14 =	sshrl.u32 @!p0 s14, $0x3  }
.LBB2_1:
0x13: {  	s0 =	simm.s32 @p0 $0x1FC6  }
0x14: {  	[spmem:s12], [sflag:s0] =	dma.local @p0 [hbm:s7], $0x2080  }
0x15: {  	s0 =	simm.s32 @p0 $0x6  }
0x16: {  	_ =	swait.ge @p0 [sflag:s0], $0x2080  }
0x17: {  	[sflag:s0] =	ssyncset.done @p0 $0x0  }
0x18: {  	[sflag:s0] =	ssyncadd.s32 @p0 $0xFFFFDF80;
	s0 =	simm.s32 @!p0 $0x6  }
0x19: {  	[spmem:s14], [sflag:s13] =	dma.local @!p0 [hbm:s6], $0x2780  }
0x1a: {  	_ =	swait.ge @!p0 [sflag:s0], $0x2780  }
0x1b: {  	[sflag:s0] =	ssyncset.done @!p0 $0x0  }
0x1c: {  	[sflag:s0] =	ssyncadd.s32 @!p0 $0xFFFFD880  }
0x1d: {  	[tilespmem:s15], [sflag:$0x6] =	stream.linear.gather [hbm4b:s8+s3], $0x2710, $0x38;
	[tilespmem:$0x1EE80] =	vst v63  }
0x1e: {  	_ =	swait.ge [sflag:s16], $0x2710  }
0x1f: {  	[sflag:s16] =	ssyncset.done $0x0  }
0x20: {  	[sflag:s16] =	ssyncadd.s32 $0xFFFFD8F0  }
0x21: {  	[tilespmem:s17], [sflag:$0x6] =	stream.linear.gather [hbm4b:s9+s3], $0x3E80, $0x38;
	[tilespmem:$0x1EE80] =	vst v63  }
0x22: {  	_ =	swait.ge [sflag:s16], $0x3E80  }
0x23: {  	[sflag:s16] =	ssyncset.done $0x0  }
0x24: {  	[sflag:s16] =	ssyncadd.s32 $0xFFFFC180  }
0x25: {  	[bflag:$0x0] =	sbarrier.arrive $0xFFFF  }
0x26: {  	[tilespmem:s19], [sflag:$0x1] =	stream.indirect.gather [hbm4b:s4+s18], $0x80, s15, s18, $0xb8;
	[tilespmem:$0x1EE80] =	vst v63  }
0x27: {  	s1 =	simm.s32 $0x138D0  }
0x28: {  	[tilespmem:s21], [sflag:$0x2] =	stream.indirect.gather [hbm4b:s4+s18], $0x80, s1, s18, $0xb8;
	[tilespmem:$0x1EE80] =	vst v63  }
0x29: {  	_ =	swait.ge [sflag:s22], $0x2800  }
0x2a: {  	[sflag:s22] =	ssyncset.done $0x0  }
0x2b: {  	[sflag:s22] =	ssyncadd.s32 $0xFFFFD800  }
0x2c: {  	[spmem:s2] =	stream.indirect.scatter.add.f32 [tilespmem:s19], [sflag:$0x3], $0x80, s17, s18, $0xb8;
	[tilespmem:$0x1EE80] =	vst v63  }
0x2d: {  	_ =	swait.ge [sflag:s23], $0x2800  }
0x2e: {  	[sflag:s23] =	ssyncset.done $0x0  }
0x2f: {  	[sflag:s23] =	ssyncadd.s32 $0xFFFFD800  }
0x30: {  	[tilespmem:s19], [sflag:$0x1] =	stream.indirect.gather [hbm4b:s4+s18], $0x80, s24, s18, $0xb8;
	[tilespmem:$0x1EE80] =	vst v63  }
0x31: {  	_ =	swait.ge [sflag:s25], $0x2800  }
0x32: {  	[sflag:s25] =	ssyncset.done $0x0  }
0x33: {  	[sflag:s25] =	ssyncadd.s32 $0xFFFFD800  }
0x34: {  	[spmem:s2] =	stream.indirect.scatter.add.f32 [tilespmem:s21], [sflag:$0x4], $0x80, s26, s18, $0xb8;
	[tilespmem:$0x1EE80] =	vst v63  }
0x35: {  	_ =	swait.ge [sflag:s28], $0x2800  }
0x36: {  	[sflag:s28] =	ssyncset.done $0x0  }
0x37: {  	s20 =	simm.s32 $0x13970;
	[sflag:s28] =	ssyncadd.s32 $0xFFFFD800  }
0x38: {  	[tilespmem:s21], [sflag:$0x2] =	stream.indirect.gather [hbm4b:s4+s18], $0x80, s20, s18, $0xb8;
	[tilespmem:$0x1EE80] =	vst v63  }
0x39: {  	_ =	swait.ge [sflag:s22], $0x2800  }
0x3a: {  	[sflag:s22] =	ssyncset.done $0x0  }
0x3b: {  	s1 =	simm.s32 $0x16100;
	[sflag:s22] =	ssyncadd.s32 $0xFFFFD800  }
0x3c: {  	[spmem:s2] =	stream.indirect.scatter.add.f32 [tilespmem:s19], [sflag:$0x3], $0x80, s1, s18, $0xb8;
	[tilespmem:$0x1EE80] =	vst v63  }
0x3d: {  	_ =	swait.ge [sflag:s23], $0x2800  }
0x3e: {  	[sflag:s23] =	ssyncset.done $0x0  }
0x3f: {  	s20 =	simm.s32 $0x139C0;
	[sflag:s23] =	ssyncadd.s32 $0xFFFFD800  }
0x40: {  	[tilespmem:s19], [sflag:$0x1] =	stream.indirect.gather [hbm4b:s4+s18], $0x80, s20, s18, $0xb8;
	[tilespmem:$0x1EE80] =	vst v63  }
0x41: {  	_ =	swait.ge [sflag:s25], $0x2800  }
0x42: {  	s31 =	simm.s32 $0xFFFF1000;
	[sflag:s25] =	ssyncset.done $0x0  }
0x43: {  	s0 =	simm.s32 $0x13A10;
	s1 =	simm.s32 $0x16180;
	[sflag:s25] =	ssyncadd.s32 $0xFFFFD800  }
.LBB2_2:
0x44: {  	[spmem:s2] =	stream.indirect.scatter.add.f32 [tilespmem:s21], [sflag:$0x4], $0x80, s1, s18, $0xb8;
	[tilespmem:$0x1EE80] =	vst v63  }
0x45: {  	s1 =	smov.u32 s31  }
0x46: {  	p1 =	sne.s32 s31, $0xFFFFFC00;
	s31 =	sadd.s32 $0x400, s31;
	_ =	swait.ge [sflag:s28], $0x2800  }
0x47: {  	[sflag:s28] =	ssyncset.done $0x0  }
0x48: {  	[sflag:s28] =	ssyncadd.s32 $0xFFFFD800  }
0x49: {  	[tilespmem:s21], [sflag:$0x2] =	stream.indirect.gather [hbm4b:s4+s18], $0x80, s0, s18, $0xb8;
	[tilespmem:$0x1EE80] =	vst v63  }
0x4a: {  	_ =	swait.ge [sflag:s22], $0x2800  }
0x4b: {  	s1 =	sshra.s32 s1, $0x2;
	[sflag:s22] =	ssyncset.done $0x0  }
0x4c: {  	s20 =	sadd.s32 $0x19E00, s1;
	[sflag:s22] =	ssyncadd.s32 $0xFFFFD800  }
0x4d: {  	[spmem:s2] =	stream.indirect.scatter.add.f32 [tilespmem:s19], [sflag:$0x3], $0x80, s20, s18, $0xb8;
	[tilespmem:$0x1EE80] =	vst v63  }
0x4e: {  	_ =	swait.ge [sflag:s23], $0x2800  }
0x4f: {  	[sflag:s23] =	ssyncset.done $0x0  }
.Ltmp0:
0x50: {  	s20 =	sadd.s32 $0x50, s0;
	[sflag:s23] =	ssyncadd.s32 $0xFFFFD800;
	(pc) =	sbr.rel @p1 .LBB2_2-.Ltmp0, $4  }
0x51: {  	[tilespmem:s19], [sflag:$0x1] =	stream.indirect.gather [hbm4b:s4+s18], $0x80, s20, s18, $0xb8;
	[tilespmem:$0x1EE80] =	vst v63  }
0x52: {  	_ =	swait.ge [sflag:s25], $0x2800  }
0x53: {  	[sflag:s25] =	ssyncset.done $0x0  }
0x54: {  	s1 =	sadd.s32 $0x19E80, s1;
	s0 =	sadd.s32 $0xA0, s0;
	[sflag:s25] =	ssyncadd.s32 $0xFFFFD800  }
0x55: {  	[spmem:s2] =	stream.indirect.scatter.add.f32 [tilespmem:s21], [sflag:$0x4], $0x80, s1, s18, $0xb8;
	[tilespmem:$0x1EE80] =	vst v63  }
0x56: {  	_ =	swait.ge [sflag:s22], $0x2800  }
0x57: {  	[sflag:s22] =	ssyncset.done $0x0  }
0x58: {  	[sflag:s22] =	ssyncadd.s32 $0xFFFFD800  }
0x59: {  	[spmem:s2] =	stream.indirect.scatter.add.f32 [tilespmem:s19], [sflag:$0x3], $0x80, s29, s18, $0xb8;
	[tilespmem:$0x1EE80] =	vst v63  }
0x5a: {  	_ =	swait.ge [sflag:s28], $0x2800  }
0x5b: {  	[sflag:s28] =	ssyncset.done $0x0  }
0x5c: {  	[sflag:s28] =	ssyncadd.s32 $0xFFFFD800  }
0x5d: {  	_ =	swait.ge [sflag:s23], $0x2800  }
0x5e: {  	[sflag:s23] =	ssyncset.done $0x0  }
0x5f: {  	[sflag:s23] =	ssyncadd.s32 $0xFFFFD800  }
0x60: {  	s0 =	sadd.s32 @p0 $0x25080, s10;
	s1 =	simm.s32 @p0 $0x1FC5;
	[bflag:$0x0] =	sbarrier.arrive $0xFFFF  }
0x61: {  	[hbm:s0], [sflag:s1] =	dma.local @p0 [spmem:s12], $0x2080  }
0x62: {  	s0 =	simm.s32 @p0 $0x5  }
0x63: {  	_ =	swait.ge @p0 [sflag:s0], $0x2080  }
0x64: {  	s30 =	sadd.s32 $0x1, s30;
	[sflag:s0] =	ssyncset.done @p0 $0x0  }
0x65: {  	p1 =	sne.s32 s30, s11;
	[sflag:s0] =	ssyncadd.s32 @p0 $0xFFFFDF80;
	s0 =	sadd.s32 @!p0 s5, s10  }
0x66: {  	[hbm:s0], [sflag:s13] =	dma.local @!p0 [spmem:s14], $0x2780  }
.Ltmp1:
0x67: {  	_ = 	snop;
	(pc) =	sbr.rel @p1 .LBB2_1-.Ltmp1, $4  }
0x68: {  	s0 =	simm.s32 @!p0 $0x6  }
0x69: {  	_ =	swait.ge @!p0 [sflag:s0], $0x2780  }
0x6a: {  	[sflag:s0] =	ssyncset.done @!p0 $0x0  }
0x6b: {  	[sflag:s0] =	ssyncadd.s32 @!p0 $0xFFFFD880  }
0x6c: {  	_ =	sfence.sel $0x180000  }
0x6d: {  	[bflag:$0x0] =	sbarrier.arrive $0xFFFF  }
0x6e: {  	_ =	strace $0x9000004D  }
0x6f: {  	s0 =	stileid.u32;
	[bflag:$0x2] =	sbarrier.arrive $0xFFFF  }
0x70: {  	p0 =	sne.s32 s0, $0x0;
	s0 =	rddreg [dreg:$0x2]  }
0x71: {  	s0 =	sadd.s32 @!p0 $0x100000, s0  }
0x72: {  	[sflag:s0] =	ssyncadd.tile.s32 @!p0 $0x1;
	_ =	shalt  }
.Lfunc_end2:
_tile_overlayer_lowered:
.L_overlay_start_2:
0x73: {  	(tag) =	ssettag $0x2  }
0x74: {  	s0 =	rddreg [dreg:$0x0];
	s2 =	stileid.u32  }
0x75: {  	s1 =	rddreg [dreg:$0x1];
	p0 =	sne.s32 s2, $0x0  }
0x76: {  	s3 =	rddreg [dreg:$0x2];
	[bflag:$0x3] =	sbarrier.arrive $0xFFFF;
	s2 =	simm.s32 @!p0 $0x1C05  }
0x77: {  	[timem:s3], [sflag:s2] =	dma.local @!p0 [hbm:s0], s1  }
0x78: {  	s0 =	simm.s32 @!p0 $0x5  }
0x79: {  	_ =	swait.ge @!p0 [sflag:s0], s1  }
0x7a: {  	s1 =	ssub.s32 @!p0 $0x0, s1;
	[sflag:s0] =	ssyncset.done @!p0 $0x0  }
0x7b: {  	[sflag:s0] =	ssyncadd.s32 @!p0 s1  }
0x7c: {  	[bflag:$0x3] =	sbarrier.arrive $0xFFFF  }
0x7d: {  	_ =	shalt  }

// kernel: kernel.25.cloned.1.call-start
scs
__scs_entry_jumppad:
0x0: {  	(pc) =	sbr.rel $0x88, $3  }
0x1: {  	(tag) =	ssettag $0x0;
	lr =	simm.s32 $0x1  }
0x2: {  	[smem:$0x3F90] =	sst lr;
	_ =	strace $0xD0000000  }
0x3: {  	_ = 	snop  }
0x4: {  	_ = 	snop  }
0x5: {  	_ = 	snop  }
0x6: {  	_ = 	snop  }
0x7: {  	_ = 	snop  }
__scs_overlays_trampoline_lowered:
0x8: {  	[smem:$0x3F9F] =	sst s0  }
0x9: {  	[smem:$0x3FA0] =	sst s1  }
0xa: {  	[smem:$0x3FA1] =	sst s2  }
0xb: {  	[smem:$0x3FA2] =	sst s3  }
0xc: {  	[smem:$0x3FA3] =	sst s4  }
0xd: {  	[smem:$0x3FA4] =	sst s5  }
0xe: {  	[smem:$0x3FA5] =	sst s6  }
0xf: {  	[smem:$0x3FA6] =	sst s7  }
0x10: {  	[smem:$0x3FA7] =	sst s8  }
0x11: {  	[smem:$0x3FA8] =	sst s9;
	s0 =	simm.s32 @!p0 $0x0  }
0x12: {  	s1 =	sld [smem:$0x3F8E];
	s0 =	simm.s32 @p0 $0x1  }
0x13: {  	[smem:$0x3FA9] =	sst s0;
	s0 =	simm.s32 @!p1 $0x0  }
0x14: {  	s2 =	sld [smem:$0x3F8D];
	s0 =	simm.s32 @p1 $0x1  }
0x15: {  	[smem:$0x3FAA] =	sst s0;
	s0 =	simm.s32 @!p2 $0x0  }
0x16: {  	s3 =	sld [smem:$0x3FDB];
	s0 =	simm.s32 @p2 $0x1  }
0x17: {  	s4 =	simm.s32 $0x1BF5;
	[smem:$0x3FAC] =	sst s0  }
0x18: {  	s0 =	sld [smem:$0x3F8F];
	_ =	swait.ge [sflag:s4], $0x0  }
0x19: {  	s7 =	sld [smem:$0x3F90]  }
0x1a: {  	s8 =	sadd.s32 $0xFFFFE003, lr  }
0x1b: {  	s9 =	sadd.s32 $0xFFFFFEF7, lr;
	s5 =	simm.s32 $0xFFFFFFFF;
	p2 =	slt.u32 s8, $0xFFFFF086  }
0x1c: {  	p1 =	slt.u32 s9, $0xF7A;
	s5 =	simm.s32 @!p2 $0x0  }
0x1d: {  	s5 =	simm.s32 @p1 $0x1;
	p0 =	seq.s32 s7, s2  }
0x1e: {  	s7 =	smul.u32 @!p0 $0xF7A, s2;
	p2 =	seq.s32 @!p0 s5, $0x0  }
0x1f: {  	s9 =	smul.u32 $0xF7A, s1;
	s8 =	simm.s32 @!p0 $0x1BF5;
	p2 =	por !p2, p0  }
0x20: {  	[sflag:s8] =	ssyncset.s32 @!p0 $0xFFFFF086;
	s6 =	sadd.s32 @!p0 s3, s7;
	s7 =	simm.s32 @!p0 $0x108  }
0x21: {  	s3 =	sadd.s32 s3, s9;
	s6 =	sadd.s32 @!p0 $0x88, s6;
	s7 =	simm.s32 @p2 $0x1082  }
0x22: {  	[simem:s7], [sflag:s8] =	dma.local @!p0 [hbm:s6], $0xF7A  }
0x23: {  	s9 =	sor.u32 $0xD0000000, s2;
	s6 =	simm.s32 $0x108;
	_ =	swait.ge @!p0 [sflag:s8], $0x0  }
0x24: {  	s3 =	sadd.s32 $0x88, s3;
	s6 =	simm.s32 @!p1 $0x1082;
	[sflag:s4] =	ssyncset.s32 $0xFFFFF086  }
0x25: {  	[simem:s6], [sflag:s4] =	dma.local [hbm:s3], $0xF7A  }
0x26: {  	[smem:$0x3F90] =	sst s1;
	(tag) =	ssettag s2;
	_ =	strace s9  }
0x27: {  	s1 =	sld [smem:$0x3FA0]  }
0x28: {  	s2 =	sld [smem:$0x3FA1]  }
0x29: {  	s4 =	sld [smem:$0x3FA3]  }
0x2a: {  	p0 =	seq.s32 s5, $0x0;
	s5 =	sld [smem:$0x3FA4]  }
0x2b: {  	s6 =	sld [smem:$0x3FA5]  }
0x2c: {  	s7 =	sld [smem:$0x3FA6]  }
0x2d: {  	s3 =	simm.s32 $0x108;
	s8 =	sld [smem:$0x3FA7]  }
0x2e: {  	s3 =	simm.s32 @!p0 $0x1082;
	s9 =	sld [smem:$0x3FA8]  }
0x2f: {  	lr =	sadd.s32 s0, s3;
	s0 =	sld [smem:$0x3F9F]  }
0x30: {  	s3 =	sld [smem:$0x3FA2]  }
0x31: {  	[smem:$0x3FAB] =	sst s10  }
0x32: {  	s10 =	sld [smem:$0x3FA9];
	_ =	sdelay $0x3  }
0x33: {  	p0 =	seq.s32 s10, $0x1;
	s10 =	sld [smem:$0x3FAB];
	_ =	sdelay $0x3  }
0x34: {  	[smem:$0x3FAB] =	sst s10  }
0x35: {  	s10 =	sld [smem:$0x3FAA];
	_ =	sdelay $0x3  }
0x36: {  	p1 =	seq.s32 s10, $0x1;
	s10 =	sld [smem:$0x3FAB];
	_ =	sdelay $0x3  }
0x37: {  	[smem:$0x3FAB] =	sst s10  }
0x38: {  	s10 =	sld [smem:$0x3FAC]  }
0x39: {  	_ = 	snop;
	(pc) =	sbr.ind lr, $3  }
0x3a: {  	_ = 	snop  }
0x3b: {  	_ = 	snop  }
0x3c: {  	p2 =	seq.s32 s10, $0x1;
	s10 =	sld [smem:$0x3FAB]  }
0x3d: {  	_ =	shalt  }
0x3e: {  	_ =	shalt  }
0x3f: {  	_ =	shalt  }
0x40: {  	_ =	shalt  }
0x41: {  	_ =	shalt  }
0x42: {  	_ =	shalt  }
0x43: {  	_ =	shalt  }
0x44: {  	_ =	shalt  }
0x45: {  	_ =	shalt  }
0x46: {  	_ =	shalt  }
0x47: {  	_ =	shalt  }
0x48: {  	_ =	shalt  }
0x49: {  	_ =	shalt  }
0x4a: {  	_ =	shalt  }
0x4b: {  	_ =	shalt  }
0x4c: {  	_ =	shalt  }
0x4d: {  	_ =	shalt  }
0x4e: {  	_ =	shalt  }
0x4f: {  	_ =	shalt  }
0x50: {  	_ =	shalt  }
0x51: {  	_ =	shalt  }
0x52: {  	_ =	shalt  }
0x53: {  	_ =	shalt  }
0x54: {  	_ =	shalt  }
0x55: {  	_ =	shalt  }
0x56: {  	_ =	shalt  }
0x57: {  	_ =	shalt  }
0x58: {  	_ =	shalt  }
0x59: {  	_ =	shalt  }
0x5a: {  	_ =	shalt  }
0x5b: {  	_ =	shalt  }
0x5c: {  	_ =	shalt  }
0x5d: {  	_ =	shalt  }
0x5e: {  	_ =	shalt  }
0x5f: {  	_ =	shalt  }
0x60: {  	_ =	shalt  }
0x61: {  	_ =	shalt  }
0x62: {  	_ =	shalt  }
0x63: {  	_ =	shalt  }
0x64: {  	_ =	shalt  }
0x65: {  	_ =	shalt  }
0x66: {  	_ =	shalt  }
0x67: {  	_ =	shalt  }
0x68: {  	_ =	shalt  }
0x69: {  	_ =	shalt  }
0x6a: {  	_ =	shalt  }
0x6b: {  	_ =	shalt  }
0x6c: {  	_ =	shalt  }
0x6d: {  	_ =	shalt  }
0x6e: {  	_ =	shalt  }
0x6f: {  	_ =	shalt  }
0x70: {  	_ =	shalt  }
0x71: {  	_ =	shalt  }
0x72: {  	_ =	shalt  }
0x73: {  	_ =	shalt  }
0x74: {  	_ =	shalt  }
0x75: {  	_ =	shalt  }
0x76: {  	_ =	shalt  }
0x77: {  	_ =	shalt  }
0x78: {  	_ =	shalt  }
0x79: {  	_ =	shalt  }
0x7a: {  	_ =	shalt  }
0x7b: {  	_ =	shalt  }
0x7c: {  	_ =	shalt  }
0x7d: {  	_ =	shalt  }
0x7e: {  	_ =	shalt  }
0x7f: {  	_ =	shalt  }
0x80: {  	_ =	shalt  }
0x81: {  	_ =	shalt  }
0x82: {  	_ =	shalt  }
0x83: {  	_ =	shalt  }
0x84: {  	_ =	shalt  }
0x85: {  	_ =	shalt  }
0x86: {  	_ =	shalt  }
0x87: {  	_ =	shalt  }
.Lfunc_end0:
.L_simem_size_0:
called_computation.3_lowered:
.L_overlay_start_0:
0x88: {  	s2 =	sld [smem:$0x3FD9]  }
0x89: {  	s3 =	sld [smem:$0x3FFE];
	_ =	sdelay $0x1  }
0x8a: {  	s1 =	srdreg.scid  }
0x8b: {  	s0 =	sand.u32 $0x1, s1  }
0x8c: {  	s16 =	sshll.u32 s0, $0xA;
	s2 =	sadd.s32 s3, s2  }
0x8d: {  	s2 =	sadd.s32 s2, s16  }
0x8e: {  	[smem:$0x3FB7] =	sst s2  }
0x8f: {  	_ = 	snop  }
0x90: {  	(tm) =	ssettm $0x1  }
0x91: {  	s17 =	sld [smem:$0x3FFB];
	_ =	sdelay $0x3  }
0x92: {  	_ =	strace s17  }
0x93: {  	s2 =	sld [smem:$0x3FFC];
	_ =	sdelay $0x3  }
0x94: {  	_ =	strace s2  }
0x95: {  	s2 =	sld [smem:$0x3FFD];
	_ =	sdelay $0x3  }
0x96: {  	_ =	strace s2  }
0x97: {  	_ =	strace $0x8FFFFFFF  }
0x98: {  	s18 =	sld [smem:$0x3FDB];
	_ =	sdelay $0x1  }
0x99: {  	s19 =	simm.s32 $_scs_section_size  }
0x9a: {  	s4 =	simm.s32 $_size__tile_overlayer_lowered;
	s5 =	simm.s32 $_tile_overlayer_lowered  }
0x9b: {  	s22 =	simm.s32 $0x1BFF;
	s21 =	sshll.u32 s5, $0x1;
	s2 =	sadd.s32 s19, s18  }
0x9c: {  	s6 =	simm.s32 $0x0;
	s20 =	sshll.u32 s4, $0x1;
	s4 =	sadd.s32 s21, s2  }
0x9d: {  	[timem:s6], [sflag:s22] =	dma.local [hbm:s4], s20  }
0x9e: {  	_ =	swait.ge [sflag:s22], s20  }
0x9f: {  	s3 =	ssub.s32 $0x0, s20;
	[sflag:s22] =	ssyncset.done $0x0  }
0xa0: {  	[sflag:s22] =	ssyncadd.s32 s3;
	_ =	sdelay $0x1  }
0xa1: {  	s23 =	simm.s32 $0x1B8B  }
0xa2: {  	_ =	swait.ge [sflag:s23], $0x1  }
0xa3: {  	[sflag:s23] =	ssyncset.done $0x0  }
0xa4: {  	s25 =	simm.s32 $0x1B8E;
	s24 =	sld [smem:$0x3FFE];
	[sflag:s23] =	ssyncadd.s32 $0xFFFFFFFF  }
0xa5: {  	s26 =	simm.s32 $execute0_lowered;
	[smem:$0x3FD2] =	sst s25  }
0xa6: {  	s4 =	sshll.u32 s26, $0x1;
	_ =	strace $0x8000004F;
	[dreg:$0x1] =	wrdreg $0xFFFFFFFF  }
0xa7: {  	s28 =	simm.s32 $_size_execute0_lowered;
	s2 =	sadd.s32 s2, s4;
	[dreg:$0x0] =	wrdreg $0x0  }
0xa8: {  	s4 =	sshll.u32 s28, $0x1;
	[dreg:$0x2] =	wrdreg s2  }
0xa9: {  	[dreg:$0x3] =	wrdreg s4  }
0xaa: {  	[dreg:$0x4] =	wrdreg $0xC0  }
0xab: {  	_ =	task [dreg:s6], $0x5FFFF  }
0xac: {  	[dreg:$0x1] =	wrdreg $0xFFFFFFFF  }
0xad: {  	[dreg:$0x0] =	wrdreg $0x60  }
0xae: {  	[dreg:$0x2] =	wrdreg s24  }
0xaf: {  	[dreg:$0x3] =	wrdreg $0x0  }
0xb0: {  	[dreg:$0x4] =	wrdreg $0x9  }
0xb1: {  	_ =	task.clear_ibuf [dreg:s6], $0x5FFFF;
	_ =	strace $0x9000004F  }
0xb2: {  	s29 =	simm.s32 $0x9;
	_ =	strace $0x80000051  }
0xb3: {  	_ =	swait.ge [sflag:s29], $0x1  }
0xb4: {  	[sflag:s29] =	ssyncadd.s32 $0xFFFFFFFF  }
0xb5: {  	_ =	strace $0x90000051  }
0xb6: {  	_ =	sfence  }
0xb7: {  	s30 =	sld [smem:$0x0];
	_ =	sdelay $0x2  }
0xb8: {  	s31 =	sshll.u32 s1, $0xD;
	s1 =	sshrl.u32 s1, $0x2  }
0xb9: {  	s3 =	sand.u32 $0x4000, s31;
	s1 =	sadd.s32 s1, s30  }
0xba: {  	s0 =	sor.u32 s3, s0;
	s1 =	sshll.u32 s1, $0x11  }
0xbb: {  	s0 =	sor.u32 s1, s0  }
0xbc: {  	s0 =	sadd.s32 $0x8F2B, s0  }
0xbd: {  	[sflag:s0] =	ssyncadd.remote.s32 $0x1  }
0xbe: {  	_ =	sfence.sel $0xFFFF  }
0xbf: {  	[dreg:$0x0] =	wrdreg $0xFFFFFFFF;
	(pc) =	sbr.abs _section_cstart, $3  }
0xc0: {  	[dreg:$0x1] =	wrdreg $0xFFFFFFFF  }
0xc1: {  	_ =	task.clear_ibuf [dreg:s6], $0x2FFFF;
	_ =	strace $0x9FFFFFFF  }
0xc2: {  	(tm) =	ssettm $0x7FFFFFFF  }
0xc3: {  	_ =	shalt  }
tec
execute0_lowered:
.L_overlay_start_1:
0x0: {  	(tag) =	ssettag $0x1  }
0x1: {  	s1 =	rddreg [dreg:$0x0]  }
0x2: {  	s0 =	srdreg.scid;
	s2 =	rddreg [dreg:$0x1]  }
0x3: {  	s15 =	stileid.u32;
	s3 =	simm.s32 $0x0;
	s16 =	simm.s32 $0x6  }
0x4: {  	s17 =	simm.s32 $0x16000;
	s18 =	simm.s32 $0x50;
	s19 =	simm.s32 $0x19E80  }
0x5: {  	s21 =	simm.s32 $0x1C680;
	s22 =	simm.s32 $0x1;
	s23 =	simm.s32 $0x3  }
0x6: {  	s24 =	simm.s32 $0x13920;
	s25 =	simm.s32 $0x2;
	s28 =	simm.s32 $0x4  }
0x7: {  	s29 =	simm.s32 $0x19E00;
	s30 =	simm.s32 $0x0;
	s5 =	smul.u32 $0x2780, s15  }
0x8: {  	s0 =	sand.u32 $0x1, s0;
	[smem:$0x7FF] =	sst s3;
	s26 =	smul.u32 $0x4F000, s15  }
0x9: {  	s13 =	sadd.s32 $0x128400, s2;
	p0 =	seq.s32 s15, $0xF;
	s4 =	sshll.u32 s0, $0x4  }
0xa: {  	_ =	strace $0x80000050;
	s31 =	smul.u32 $0x27100, s0;
	s0 =	ssub.s32 $0x2, s0  }
0xb: {  	s6 =	sor.u32 s15, s4;
	s4 =	sadd.s32 $0x97800, s1;
	s10 =	sadd.s32 s5, s1  }
0xc: {  	s11 =	sshrl.u32 s0, $0x1;
	s7 =	smul.u32 $0x4E2, s6;
	s6 =	sshll.u32 s6, $0xB  }
0xd: {  	s12 =	sadd.s32 s31, s1;
	s0 =	ssub.s32 s0, s11;
	s9 =	sadd.s32 s6, s1  }
0xe: {  	s6 =	sadd.s32 $0x22200, s10;
	s10 =	sadd.s32 $0xBEA00, s12;
	s11 =	smax.u32 s0, $0x1  }
0xf: {  	s0 =	sshll.u32 @!p0 s15, $0x6;
	s12 =	sshrl.u32 @p0 s13, $0x3;
	s15 =	simm.s32 $0x13880  }
0x10: {  	s8 =	sadd.s32 s7, s1;
	s7 =	sshrl.u32 s26, $0x2;
	s9 =	sadd.s32 $0x12200, s9  }
0x11: {  	s13 =	sor.u32 @!p0 $0x1C06, s0;
	s26 =	simm.s32 $0x16080;
	s14 =	sadd.s32 s7, s2  }
0x12: {  	s7 =	sadd.s32 $0x47280, s1;
	s8 =	sadd.s32 $0x8400, s8;
	s14 =	sshrl.u32 @!p0 s14, $0x3  }
.LBB2_1:
0x13: {  	s0 =	simm.s32 @p0 $0x1FC6  }
0x14: {  	[spmem:s12], [sflag:s0] =	dma.local @p0 [hbm:s7], $0x2080  }
0x15: {  	s0 =	simm.s32 @p0 $0x6  }
0x16: {  	_ =	swait.ge @p0 [sflag:s0], $0x2080  }
0x17: {  	[sflag:s0] =	ssyncset.done @p0 $0x0  }
0x18: {  	[sflag:s0] =	ssyncadd.s32 @p0 $0xFFFFDF80;
	s0 =	simm.s32 @!p0 $0x6  }
0x19: {  	[spmem:s14], [sflag:s13] =	dma.local @!p0 [hbm:s6], $0x2780  }
0x1a: {  	_ =	swait.ge @!p0 [sflag:s0], $0x2780  }
0x1b: {  	[sflag:s0] =	ssyncset.done @!p0 $0x0  }
0x1c: {  	[sflag:s0] =	ssyncadd.s32 @!p0 $0xFFFFD880  }
0x1d: {  	[tilespmem:s15], [sflag:$0x6] =	stream.linear.gather [hbm4b:s8+s3], $0x2710, $0x38;
	[tilespmem:$0x1EE80] =	vst v63  }
0x1e: {  	_ =	swait.ge [sflag:s16], $0x2710  }
0x1f: {  	[sflag:s16] =	ssyncset.done $0x0  }
0x20: {  	[sflag:s16] =	ssyncadd.s32 $0xFFFFD8F0  }
0x21: {  	[tilespmem:s17], [sflag:$0x6] =	stream.linear.gather [hbm4b:s9+s3], $0x3E80, $0x38;
	[tilespmem:$0x1EE80] =	vst v63  }
0x22: {  	_ =	swait.ge [sflag:s16], $0x3E80  }
0x23: {  	[sflag:s16] =	ssyncset.done $0x0  }
0x24: {  	[sflag:s16] =	ssyncadd.s32 $0xFFFFC180  }
0x25: {  	[bflag:$0x0] =	sbarrier.arrive $0xFFFF  }
0x26: {  	[tilespmem:s19], [sflag:$0x1] =	stream.indirect.gather [hbm4b:s4+s18], $0x80, s15, s18, $0xb8;
	[tilespmem:$0x1EE80] =	vst v63  }
0x27: {  	s1 =	simm.s32 $0x138D0  }
0x28: {  	[tilespmem:s21], [sflag:$0x2] =	stream.indirect.gather [hbm4b:s4+s18], $0x80, s1, s18, $0xb8;
	[tilespmem:$0x1EE80] =	vst v63  }
0x29: {  	_ =	swait.ge [sflag:s22], $0x2800  }
0x2a: {  	[sflag:s22] =	ssyncset.done $0x0  }
0x2b: {  	[sflag:s22] =	ssyncadd.s32 $0xFFFFD800  }
0x2c: {  	[spmem:s2] =	stream.indirect.scatter.add.f32 [tilespmem:s19], [sflag:$0x3], $0x80, s17, s18, $0xb8;
	[tilespmem:$0x1EE80] =	vst v63  }
0x2d: {  	_ =	swait.ge [sflag:s23], $0x2800  }
0x2e: {  	[sflag:s23] =	ssyncset.done $0x0  }
0x2f: {  	[sflag:s23] =	ssyncadd.s32 $0xFFFFD800  }
0x30: {  	[tilespmem:s19], [sflag:$0x1] =	stream.indirect.gather [hbm4b:s4+s18], $0x80, s24, s18, $0xb8;
	[tilespmem:$0x1EE80] =	vst v63  }
0x31: {  	_ =	swait.ge [sflag:s25], $0x2800  }
0x32: {  	[sflag:s25] =	ssyncset.done $0x0  }
0x33: {  	[sflag:s25] =	ssyncadd.s32 $0xFFFFD800  }
0x34: {  	[spmem:s2] =	stream.indirect.scatter.add.f32 [tilespmem:s21], [sflag:$0x4], $0x80, s26, s18, $0xb8;
	[tilespmem:$0x1EE80] =	vst v63  }
0x35: {  	_ =	swait.ge [sflag:s28], $0x2800  }
0x36: {  	[sflag:s28] =	ssyncset.done $0x0  }
0x37: {  	s20 =	simm.s32 $0x13970;
	[sflag:s28] =	ssyncadd.s32 $0xFFFFD800  }
0x38: {  	[tilespmem:s21], [sflag:$0x2] =	stream.indirect.gather [hbm4b:s4+s18], $0x80, s20, s18, $0xb8;
	[tilespmem:$0x1EE80] =	vst v63  }
0x39: {  	_ =	swait.ge [sflag:s22], $0x2800  }
0x3a: {  	[sflag:s22] =	ssyncset.done $0x0  }
0x3b: {  	s1 =	simm.s32 $0x16100;
	[sflag:s22] =	ssyncadd.s32 $0xFFFFD800  }
0x3c: {  	[spmem:s2] =	stream.indirect.scatter.add.f32 [tilespmem:s19], [sflag:$0x3], $0x80, s1, s18, $0xb8;
	[tilespmem:$0x1EE80] =	vst v63  }
0x3d: {  	_ =	swait.ge [sflag:s23], $0x2800  }
0x3e: {  	[sflag:s23] =	ssyncset.done $0x0  }
0x3f: {  	s20 =	simm.s32 $0x139C0;
	[sflag:s23] =	ssyncadd.s32 $0xFFFFD800  }
0x40: {  	[tilespmem:s19], [sflag:$0x1] =	stream.indirect.gather [hbm4b:s4+s18], $0x80, s20, s18, $0xb8;
	[tilespmem:$0x1EE80] =	vst v63  }
0x41: {  	_ =	swait.ge [sflag:s25], $0x2800  }
0x42: {  	s31 =	simm.s32 $0xFFFF1000;
	[sflag:s25] =	ssyncset.done $0x0  }
0x43: {  	s0 =	simm.s32 $0x13A10;
	s1 =	simm.s32 $0x16180;
	[sflag:s25] =	ssyncadd.s32 $0xFFFFD800  }
.LBB2_2:
0x44: {  	[spmem:s2] =	stream.indirect.scatter.add.f32 [tilespmem:s21], [sflag:$0x4], $0x80, s1, s18, $0xb8;
	[tilespmem:$0x1EE80] =	vst v63  }
0x45: {  	s1 =	smov.u32 s31  }
0x46: {  	p1 =	sne.s32 s31, $0xFFFFFC00;
	s31 =	sadd.s32 $0x400, s31;
	_ =	swait.ge [sflag:s28], $0x2800  }
0x47: {  	[sflag:s28] =	ssyncset.done $0x0  }
0x48: {  	[sflag:s28] =	ssyncadd.s32 $0xFFFFD800  }
0x49: {  	[tilespmem:s21], [sflag:$0x2] =	stream.indirect.gather [hbm4b:s4+s18], $0x80, s0, s18, $0xb8;
	[tilespmem:$0x1EE80] =	vst v63  }
0x4a: {  	_ =	swait.ge [sflag:s22], $0x2800  }
0x4b: {  	s1 =	sshra.s32 s1, $0x2;
	[sflag:s22] =	ssyncset.done $0x0  }
0x4c: {  	s20 =	sadd.s32 $0x19E00, s1;
	[sflag:s22] =	ssyncadd.s32 $0xFFFFD800  }
0x4d: {  	[spmem:s2] =	stream.indirect.scatter.add.f32 [tilespmem:s19], [sflag:$0x3], $0x80, s20, s18, $0xb8;
	[tilespmem:$0x1EE80] =	vst v63  }
0x4e: {  	_ =	swait.ge [sflag:s23], $0x2800  }
0x4f: {  	[sflag:s23] =	ssyncset.done $0x0  }
.Ltmp0:
0x50: {  	s20 =	sadd.s32 $0x50, s0;
	[sflag:s23] =	ssyncadd.s32 $0xFFFFD800;
	(pc) =	sbr.rel @p1 .LBB2_2-.Ltmp0, $4  }
0x51: {  	[tilespmem:s19], [sflag:$0x1] =	stream.indirect.gather [hbm4b:s4+s18], $0x80, s20, s18, $0xb8;
	[tilespmem:$0x1EE80] =	vst v63  }
0x52: {  	_ =	swait.ge [sflag:s25], $0x2800  }
0x53: {  	[sflag:s25] =	ssyncset.done $0x0  }
0x54: {  	s1 =	sadd.s32 $0x19E80, s1;
	s0 =	sadd.s32 $0xA0, s0;
	[sflag:s25] =	ssyncadd.s32 $0xFFFFD800  }
0x55: {  	[spmem:s2] =	stream.indirect.scatter.add.f32 [tilespmem:s21], [sflag:$0x4], $0x80, s1, s18, $0xb8;
	[tilespmem:$0x1EE80] =	vst v63  }
0x56: {  	_ =	swait.ge [sflag:s22], $0x2800  }
0x57: {  	[sflag:s22] =	ssyncset.done $0x0  }
0x58: {  	[sflag:s22] =	ssyncadd.s32 $0xFFFFD800  }
0x59: {  	[spmem:s2] =	stream.indirect.scatter.add.f32 [tilespmem:s19], [sflag:$0x3], $0x80, s29, s18, $0xb8;
	[tilespmem:$0x1EE80] =	vst v63  }
0x5a: {  	_ =	swait.ge [sflag:s28], $0x2800  }
0x5b: {  	[sflag:s28] =	ssyncset.done $0x0  }
0x5c: {  	[sflag:s28] =	ssyncadd.s32 $0xFFFFD800  }
0x5d: {  	_ =	swait.ge [sflag:s23], $0x2800  }
0x5e: {  	[sflag:s23] =	ssyncset.done $0x0  }
0x5f: {  	[sflag:s23] =	ssyncadd.s32 $0xFFFFD800  }
0x60: {  	s0 =	sadd.s32 @p0 $0x25080, s10;
	s1 =	simm.s32 @p0 $0x1FC5;
	[bflag:$0x0] =	sbarrier.arrive $0xFFFF  }
0x61: {  	[hbm:s0], [sflag:s1] =	dma.local @p0 [spmem:s12], $0x2080  }
0x62: {  	s0 =	simm.s32 @p0 $0x5  }
0x63: {  	_ =	swait.ge @p0 [sflag:s0], $0x2080  }
0x64: {  	s30 =	sadd.s32 $0x1, s30;
	[sflag:s0] =	ssyncset.done @p0 $0x0  }
0x65: {  	p1 =	sne.s32 s30, s11;
	[sflag:s0] =	ssyncadd.s32 @p0 $0xFFFFDF80;
	s0 =	sadd.s32 @!p0 s5, s10  }
0x66: {  	[hbm:s0], [sflag:s13] =	dma.local @!p0 [spmem:s14], $0x2780  }
.Ltmp1:
0x67: {  	_ = 	snop;
	(pc) =	sbr.rel @p1 .LBB2_1-.Ltmp1, $4  }
0x68: {  	s0 =	simm.s32 @!p0 $0x6  }
0x69: {  	_ =	swait.ge @!p0 [sflag:s0], $0x2780  }
0x6a: {  	[sflag:s0] =	ssyncset.done @!p0 $0x0  }
0x6b: {  	[sflag:s0] =	ssyncadd.s32 @!p0 $0xFFFFD880  }
0x6c: {  	_ =	sfence.sel $0x180000  }
0x6d: {  	[bflag:$0x0] =	sbarrier.arrive $0xFFFF  }
0x6e: {  	_ =	strace $0x90000050  }
0x6f: {  	s0 =	stileid.u32;
	[bflag:$0x2] =	sbarrier.arrive $0xFFFF  }
0x70: {  	p0 =	sne.s32 s0, $0x0;
	s0 =	rddreg [dreg:$0x2]  }
0x71: {  	s0 =	sadd.s32 @!p0 $0x100000, s0  }
0x72: {  	[sflag:s0] =	ssyncadd.tile.s32 @!p0 $0x1;
	_ =	shalt  }
.Lfunc_end2:
_tile_overlayer_lowered:
.L_overlay_start_2:
0x73: {  	(tag) =	ssettag $0x2  }
0x74: {  	s0 =	rddreg [dreg:$0x0];
	s2 =	stileid.u32  }
0x75: {  	s1 =	rddreg [dreg:$0x1];
	p0 =	sne.s32 s2, $0x0  }
0x76: {  	s3 =	rddreg [dreg:$0x2];
	[bflag:$0x3] =	sbarrier.arrive $0xFFFF;
	s2 =	simm.s32 @!p0 $0x1C05  }
0x77: {  	[timem:s3], [sflag:s2] =	dma.local @!p0 [hbm:s0], s1  }
0x78: {  	s0 =	simm.s32 @!p0 $0x5  }
0x79: {  	_ =	swait.ge @!p0 [sflag:s0], s1  }
0x7a: {  	s1 =	ssub.s32 @!p0 $0x0, s1;
	[sflag:s0] =	ssyncset.done @!p0 $0x0  }
0x7b: {  	[sflag:s0] =	ssyncadd.s32 @!p0 s1  }
0x7c: {  	[bflag:$0x3] =	sbarrier.arrive $0xFFFF  }
0x7d: {  	_ =	shalt  }

// kernel: kernel.28.cloned.1.call-start
scs
__scs_entry_jumppad:
0x0: {  	(pc) =	sbr.rel $0x88, $3  }
0x1: {  	(tag) =	ssettag $0x0;
	lr =	simm.s32 $0x1  }
0x2: {  	[smem:$0x3F90] =	sst lr;
	_ =	strace $0xD0000000  }
0x3: {  	_ = 	snop  }
0x4: {  	_ = 	snop  }
0x5: {  	_ = 	snop  }
0x6: {  	_ = 	snop  }
0x7: {  	_ = 	snop  }
__scs_overlays_trampoline_lowered:
0x8: {  	[smem:$0x3F9F] =	sst s0  }
0x9: {  	[smem:$0x3FA0] =	sst s1  }
0xa: {  	[smem:$0x3FA1] =	sst s2  }
0xb: {  	[smem:$0x3FA2] =	sst s3  }
0xc: {  	[smem:$0x3FA3] =	sst s4  }
0xd: {  	[smem:$0x3FA4] =	sst s5  }
0xe: {  	[smem:$0x3FA5] =	sst s6  }
0xf: {  	[smem:$0x3FA6] =	sst s7  }
0x10: {  	[smem:$0x3FA7] =	sst s8  }
0x11: {  	[smem:$0x3FA8] =	sst s9;
	s0 =	simm.s32 @!p0 $0x0  }
0x12: {  	s1 =	sld [smem:$0x3F8E];
	s0 =	simm.s32 @p0 $0x1  }
0x13: {  	[smem:$0x3FA9] =	sst s0;
	s0 =	simm.s32 @!p1 $0x0  }
0x14: {  	s2 =	sld [smem:$0x3F8D];
	s0 =	simm.s32 @p1 $0x1  }
0x15: {  	[smem:$0x3FAA] =	sst s0;
	s0 =	simm.s32 @!p2 $0x0  }
0x16: {  	s3 =	sld [smem:$0x3FDB];
	s0 =	simm.s32 @p2 $0x1  }
0x17: {  	s4 =	simm.s32 $0x1BF5;
	[smem:$0x3FAC] =	sst s0  }
0x18: {  	s0 =	sld [smem:$0x3F8F];
	_ =	swait.ge [sflag:s4], $0x0  }
0x19: {  	s7 =	sld [smem:$0x3F90]  }
0x1a: {  	s8 =	sadd.s32 $0xFFFFE003, lr  }
0x1b: {  	s9 =	sadd.s32 $0xFFFFFEF7, lr;
	s5 =	simm.s32 $0xFFFFFFFF;
	p2 =	slt.u32 s8, $0xFFFFF086  }
0x1c: {  	p1 =	slt.u32 s9, $0xF7A;
	s5 =	simm.s32 @!p2 $0x0  }
0x1d: {  	s5 =	simm.s32 @p1 $0x1;
	p0 =	seq.s32 s7, s2  }
0x1e: {  	s7 =	smul.u32 @!p0 $0xF7A, s2;
	p2 =	seq.s32 @!p0 s5, $0x0  }
0x1f: {  	s9 =	smul.u32 $0xF7A, s1;
	s8 =	simm.s32 @!p0 $0x1BF5;
	p2 =	por !p2, p0  }
0x20: {  	[sflag:s8] =	ssyncset.s32 @!p0 $0xFFFFF086;
	s6 =	sadd.s32 @!p0 s3, s7;
	s7 =	simm.s32 @!p0 $0x108  }
0x21: {  	s3 =	sadd.s32 s3, s9;
	s6 =	sadd.s32 @!p0 $0x88, s6;
	s7 =	simm.s32 @p2 $0x1082  }
0x22: {  	[simem:s7], [sflag:s8] =	dma.local @!p0 [hbm:s6], $0xF7A  }
0x23: {  	s9 =	sor.u32 $0xD0000000, s2;
	s6 =	simm.s32 $0x108;
	_ =	swait.ge @!p0 [sflag:s8], $0x0  }
0x24: {  	s3 =	sadd.s32 $0x88, s3;
	s6 =	simm.s32 @!p1 $0x1082;
	[sflag:s4] =	ssyncset.s32 $0xFFFFF086  }
0x25: {  	[simem:s6], [sflag:s4] =	dma.local [hbm:s3], $0xF7A  }
0x26: {  	[smem:$0x3F90] =	sst s1;
	(tag) =	ssettag s2;
	_ =	strace s9  }
0x27: {  	s1 =	sld [smem:$0x3FA0]  }
0x28: {  	s2 =	sld [smem:$0x3FA1]  }
0x29: {  	s4 =	sld [smem:$0x3FA3]  }
0x2a: {  	p0 =	seq.s32 s5, $0x0;
	s5 =	sld [smem:$0x3FA4]  }
0x2b: {  	s6 =	sld [smem:$0x3FA5]  }
0x2c: {  	s7 =	sld [smem:$0x3FA6]  }
0x2d: {  	s3 =	simm.s32 $0x108;
	s8 =	sld [smem:$0x3FA7]  }
0x2e: {  	s3 =	simm.s32 @!p0 $0x1082;
	s9 =	sld [smem:$0x3FA8]  }
0x2f: {  	lr =	sadd.s32 s0, s3;
	s0 =	sld [smem:$0x3F9F]  }
0x30: {  	s3 =	sld [smem:$0x3FA2]  }
0x31: {  	[smem:$0x3FAB] =	sst s10  }
0x32: {  	s10 =	sld [smem:$0x3FA9];
	_ =	sdelay $0x3  }
0x33: {  	p0 =	seq.s32 s10, $0x1;
	s10 =	sld [smem:$0x3FAB];
	_ =	sdelay $0x3  }
0x34: {  	[smem:$0x3FAB] =	sst s10  }
0x35: {  	s10 =	sld [smem:$0x3FAA];
	_ =	sdelay $0x3  }
0x36: {  	p1 =	seq.s32 s10, $0x1;
	s10 =	sld [smem:$0x3FAB];
	_ =	sdelay $0x3  }
0x37: {  	[smem:$0x3FAB] =	sst s10  }
0x38: {  	s10 =	sld [smem:$0x3FAC]  }
0x39: {  	_ = 	snop;
	(pc) =	sbr.ind lr, $3  }
0x3a: {  	_ = 	snop  }
0x3b: {  	_ = 	snop  }
0x3c: {  	p2 =	seq.s32 s10, $0x1;
	s10 =	sld [smem:$0x3FAB]  }
0x3d: {  	_ =	shalt  }
0x3e: {  	_ =	shalt  }
0x3f: {  	_ =	shalt  }
0x40: {  	_ =	shalt  }
0x41: {  	_ =	shalt  }
0x42: {  	_ =	shalt  }
0x43: {  	_ =	shalt  }
0x44: {  	_ =	shalt  }
0x45: {  	_ =	shalt  }
0x46: {  	_ =	shalt  }
0x47: {  	_ =	shalt  }
0x48: {  	_ =	shalt  }
0x49: {  	_ =	shalt  }
0x4a: {  	_ =	shalt  }
0x4b: {  	_ =	shalt  }
0x4c: {  	_ =	shalt  }
0x4d: {  	_ =	shalt  }
0x4e: {  	_ =	shalt  }
0x4f: {  	_ =	shalt  }
0x50: {  	_ =	shalt  }
0x51: {  	_ =	shalt  }
0x52: {  	_ =	shalt  }
0x53: {  	_ =	shalt  }
0x54: {  	_ =	shalt  }
0x55: {  	_ =	shalt  }
0x56: {  	_ =	shalt  }
0x57: {  	_ =	shalt  }
0x58: {  	_ =	shalt  }
0x59: {  	_ =	shalt  }
0x5a: {  	_ =	shalt  }
0x5b: {  	_ =	shalt  }
0x5c: {  	_ =	shalt  }
0x5d: {  	_ =	shalt  }
0x5e: {  	_ =	shalt  }
0x5f: {  	_ =	shalt  }
0x60: {  	_ =	shalt  }
0x61: {  	_ =	shalt  }
0x62: {  	_ =	shalt  }
0x63: {  	_ =	shalt  }
0x64: {  	_ =	shalt  }
0x65: {  	_ =	shalt  }
0x66: {  	_ =	shalt  }
0x67: {  	_ =	shalt  }
0x68: {  	_ =	shalt  }
0x69: {  	_ =	shalt  }
0x6a: {  	_ =	shalt  }
0x6b: {  	_ =	shalt  }
0x6c: {  	_ =	shalt  }
0x6d: {  	_ =	shalt  }
0x6e: {  	_ =	shalt  }
0x6f: {  	_ =	shalt  }
0x70: {  	_ =	shalt  }
0x71: {  	_ =	shalt  }
0x72: {  	_ =	shalt  }
0x73: {  	_ =	shalt  }
0x74: {  	_ =	shalt  }
0x75: {  	_ =	shalt  }
0x76: {  	_ =	shalt  }
0x77: {  	_ =	shalt  }
0x78: {  	_ =	shalt  }
0x79: {  	_ =	shalt  }
0x7a: {  	_ =	shalt  }
0x7b: {  	_ =	shalt  }
0x7c: {  	_ =	shalt  }
0x7d: {  	_ =	shalt  }
0x7e: {  	_ =	shalt  }
0x7f: {  	_ =	shalt  }
0x80: {  	_ =	shalt  }
0x81: {  	_ =	shalt  }
0x82: {  	_ =	shalt  }
0x83: {  	_ =	shalt  }
0x84: {  	_ =	shalt  }
0x85: {  	_ =	shalt  }
0x86: {  	_ =	shalt  }
0x87: {  	_ =	shalt  }
.Lfunc_end0:
.L_simem_size_0:
called_computation.4_lowered:
.L_overlay_start_0:
0x88: {  	s2 =	sld [smem:$0x3FD9]  }
0x89: {  	s3 =	sld [smem:$0x3FFE];
	_ =	sdelay $0x1  }
0x8a: {  	s1 =	srdreg.scid  }
0x8b: {  	s0 =	sand.u32 $0x1, s1  }
0x8c: {  	s16 =	sshll.u32 s0, $0xA;
	s2 =	sadd.s32 s3, s2  }
0x8d: {  	s2 =	sadd.s32 s2, s16  }
0x8e: {  	[smem:$0x3FB7] =	sst s2  }
0x8f: {  	_ = 	snop  }
0x90: {  	(tm) =	ssettm $0x1  }
0x91: {  	s17 =	sld [smem:$0x3FFB];
	_ =	sdelay $0x3  }
0x92: {  	_ =	strace s17  }
0x93: {  	s2 =	sld [smem:$0x3FFC];
	_ =	sdelay $0x3  }
0x94: {  	_ =	strace s2  }
0x95: {  	s2 =	sld [smem:$0x3FFD];
	_ =	sdelay $0x3  }
0x96: {  	_ =	strace s2  }
0x97: {  	_ =	strace $0x8FFFFFFF  }
0x98: {  	s18 =	sld [smem:$0x3FDB];
	_ =	sdelay $0x1  }
0x99: {  	s19 =	simm.s32 $_scs_section_size  }
0x9a: {  	s4 =	simm.s32 $_size__tile_overlayer_lowered;
	s5 =	simm.s32 $_tile_overlayer_lowered  }
0x9b: {  	s22 =	simm.s32 $0x1BFF;
	s21 =	sshll.u32 s5, $0x1;
	s2 =	sadd.s32 s19, s18  }
0x9c: {  	s6 =	simm.s32 $0x0;
	s20 =	sshll.u32 s4, $0x1;
	s4 =	sadd.s32 s21, s2  }
0x9d: {  	[timem:s6], [sflag:s22] =	dma.local [hbm:s4], s20  }
0x9e: {  	_ =	swait.ge [sflag:s22], s20  }
0x9f: {  	s3 =	ssub.s32 $0x0, s20;
	[sflag:s22] =	ssyncset.done $0x0  }
0xa0: {  	[sflag:s22] =	ssyncadd.s32 s3;
	_ =	sdelay $0x1  }
0xa1: {  	s23 =	simm.s32 $0x1B8B  }
0xa2: {  	_ =	swait.ge [sflag:s23], $0x1  }
0xa3: {  	[sflag:s23] =	ssyncset.done $0x0  }
0xa4: {  	s25 =	simm.s32 $0x1B8E;
	s24 =	sld [smem:$0x3FFE];
	[sflag:s23] =	ssyncadd.s32 $0xFFFFFFFF  }
0xa5: {  	s26 =	simm.s32 $execute0_lowered;
	[smem:$0x3FD2] =	sst s25  }
0xa6: {  	s4 =	sshll.u32 s26, $0x1;
	_ =	strace $0x80000052;
	[dreg:$0x1] =	wrdreg $0xFFFFFFFF  }
0xa7: {  	s28 =	simm.s32 $_size_execute0_lowered;
	s2 =	sadd.s32 s2, s4;
	[dreg:$0x0] =	wrdreg $0x0  }
0xa8: {  	s4 =	sshll.u32 s28, $0x1;
	[dreg:$0x2] =	wrdreg s2  }
0xa9: {  	[dreg:$0x3] =	wrdreg s4  }
0xaa: {  	[dreg:$0x4] =	wrdreg $0xC0  }
0xab: {  	_ =	task [dreg:s6], $0x5FFFF  }
0xac: {  	[dreg:$0x1] =	wrdreg $0xFFFFFFFF  }
0xad: {  	[dreg:$0x0] =	wrdreg $0x60  }
0xae: {  	[dreg:$0x2] =	wrdreg s24  }
0xaf: {  	[dreg:$0x3] =	wrdreg $0x0  }
0xb0: {  	[dreg:$0x4] =	wrdreg $0x9  }
0xb1: {  	_ =	task.clear_ibuf [dreg:s6], $0x5FFFF;
	_ =	strace $0x90000052  }
0xb2: {  	s29 =	simm.s32 $0x9;
	_ =	strace $0x80000054  }
0xb3: {  	_ =	swait.ge [sflag:s29], $0x1  }
0xb4: {  	[sflag:s29] =	ssyncadd.s32 $0xFFFFFFFF  }
0xb5: {  	_ =	strace $0x90000054  }
0xb6: {  	_ =	sfence  }
0xb7: {  	s30 =	sld [smem:$0x0];
	_ =	sdelay $0x2  }
0xb8: {  	s31 =	sshll.u32 s1, $0xD;
	s1 =	sshrl.u32 s1, $0x2  }
0xb9: {  	s3 =	sand.u32 $0x4000, s31;
	s1 =	sadd.s32 s1, s30  }
0xba: {  	s0 =	sor.u32 s3, s0;
	s1 =	sshll.u32 s1, $0x11  }
0xbb: {  	s0 =	sor.u32 s1, s0  }
0xbc: {  	s0 =	sadd.s32 $0x8F2B, s0  }
0xbd: {  	[sflag:s0] =	ssyncadd.remote.s32 $0x1  }
0xbe: {  	_ =	sfence.sel $0xFFFF  }
0xbf: {  	[dreg:$0x0] =	wrdreg $0xFFFFFFFF;
	(pc) =	sbr.abs _section_cstart, $3  }
0xc0: {  	[dreg:$0x1] =	wrdreg $0xFFFFFFFF  }
0xc1: {  	_ =	task.clear_ibuf [dreg:s6], $0x2FFFF;
	_ =	strace $0x9FFFFFFF  }
0xc2: {  	(tm) =	ssettm $0x7FFFFFFF  }
0xc3: {  	_ =	shalt  }
tec
execute0_lowered:
.L_overlay_start_1:
0x0: {  	(tag) =	ssettag $0x1  }
0x1: {  	s1 =	rddreg [dreg:$0x0]  }
0x2: {  	s0 =	srdreg.scid;
	s2 =	rddreg [dreg:$0x1]  }
0x3: {  	s15 =	stileid.u32;
	s3 =	simm.s32 $0x0;
	s16 =	simm.s32 $0x6  }
0x4: {  	s17 =	simm.s32 $0x16000;
	s18 =	simm.s32 $0x50;
	s19 =	simm.s32 $0x19E80  }
0x5: {  	s21 =	simm.s32 $0x1C680;
	s22 =	simm.s32 $0x1;
	s23 =	simm.s32 $0x3  }
0x6: {  	s24 =	simm.s32 $0x13920;
	s25 =	simm.s32 $0x2;
	s28 =	simm.s32 $0x4  }
0x7: {  	s29 =	simm.s32 $0x19E00;
	s30 =	simm.s32 $0x0;
	s5 =	smul.u32 $0x2780, s15  }
0x8: {  	s0 =	sand.u32 $0x1, s0;
	[smem:$0x7FF] =	sst s3;
	s26 =	smul.u32 $0x4F000, s15  }
0x9: {  	s13 =	sadd.s32 $0x128400, s2;
	p0 =	seq.s32 s15, $0xF;
	s4 =	sshll.u32 s0, $0x4  }
0xa: {  	_ =	strace $0x80000053;
	s31 =	smul.u32 $0x27100, s0;
	s0 =	ssub.s32 $0x2, s0  }
0xb: {  	s6 =	sor.u32 s15, s4;
	s4 =	sadd.s32 $0x97800, s1;
	s10 =	sadd.s32 s5, s1  }
0xc: {  	s11 =	sshrl.u32 s0, $0x1;
	s7 =	smul.u32 $0x4E2, s6;
	s6 =	sshll.u32 s6, $0xB  }
0xd: {  	s12 =	sadd.s32 s31, s1;
	s0 =	ssub.s32 s0, s11;
	s9 =	sadd.s32 s6, s1  }
0xe: {  	s6 =	sadd.s32 $0x22200, s10;
	s10 =	sadd.s32 $0xBEA00, s12;
	s11 =	smax.u32 s0, $0x1  }
0xf: {  	s0 =	sshll.u32 @!p0 s15, $0x6;
	s12 =	sshrl.u32 @p0 s13, $0x3;
	s15 =	simm.s32 $0x13880  }
0x10: {  	s8 =	sadd.s32 s7, s1;
	s7 =	sshrl.u32 s26, $0x2;
	s9 =	sadd.s32 $0x12200, s9  }
0x11: {  	s13 =	sor.u32 @!p0 $0x1C06, s0;
	s26 =	simm.s32 $0x16080;
	s14 =	sadd.s32 s7, s2  }
0x12: {  	s7 =	sadd.s32 $0x47280, s1;
	s8 =	sadd.s32 $0x8400, s8;
	s14 =	sshrl.u32 @!p0 s14, $0x3  }
.LBB2_1:
0x13: {  	s0 =	simm.s32 @p0 $0x1FC6  }
0x14: {  	[spmem:s12], [sflag:s0] =	dma.local @p0 [hbm:s7], $0x2080  }
0x15: {  	s0 =	simm.s32 @p0 $0x6  }
0x16: {  	_ =	swait.ge @p0 [sflag:s0], $0x2080  }
0x17: {  	[sflag:s0] =	ssyncset.done @p0 $0x0  }
0x18: {  	[sflag:s0] =	ssyncadd.s32 @p0 $0xFFFFDF80;
	s0 =	simm.s32 @!p0 $0x6  }
0x19: {  	[spmem:s14], [sflag:s13] =	dma.local @!p0 [hbm:s6], $0x2780  }
0x1a: {  	_ =	swait.ge @!p0 [sflag:s0], $0x2780  }
0x1b: {  	[sflag:s0] =	ssyncset.done @!p0 $0x0  }
0x1c: {  	[sflag:s0] =	ssyncadd.s32 @!p0 $0xFFFFD880  }
0x1d: {  	[tilespmem:s15], [sflag:$0x6] =	stream.linear.gather [hbm4b:s8+s3], $0x2710, $0x38;
	[tilespmem:$0x1EE80] =	vst v63  }
0x1e: {  	_ =	swait.ge [sflag:s16], $0x2710  }
0x1f: {  	[sflag:s16] =	ssyncset.done $0x0  }
0x20: {  	[sflag:s16] =	ssyncadd.s32 $0xFFFFD8F0  }
0x21: {  	[tilespmem:s17], [sflag:$0x6] =	stream.linear.gather [hbm4b:s9+s3], $0x3E80, $0x38;
	[tilespmem:$0x1EE80] =	vst v63  }
0x22: {  	_ =	swait.ge [sflag:s16], $0x3E80  }
0x23: {  	[sflag:s16] =	ssyncset.done $0x0  }
0x24: {  	[sflag:s16] =	ssyncadd.s32 $0xFFFFC180  }
0x25: {  	[bflag:$0x0] =	sbarrier.arrive $0xFFFF  }
0x26: {  	[tilespmem:s19], [sflag:$0x1] =	stream.indirect.gather [hbm4b:s4+s18], $0x80, s15, s18, $0xb8;
	[tilespmem:$0x1EE80] =	vst v63  }
0x27: {  	s1 =	simm.s32 $0x138D0  }
0x28: {  	[tilespmem:s21], [sflag:$0x2] =	stream.indirect.gather [hbm4b:s4+s18], $0x80, s1, s18, $0xb8;
	[tilespmem:$0x1EE80] =	vst v63  }
0x29: {  	_ =	swait.ge [sflag:s22], $0x2800  }
0x2a: {  	[sflag:s22] =	ssyncset.done $0x0  }
0x2b: {  	[sflag:s22] =	ssyncadd.s32 $0xFFFFD800  }
0x2c: {  	[spmem:s2] =	stream.indirect.scatter.add.f32 [tilespmem:s19], [sflag:$0x3], $0x80, s17, s18, $0xb8;
	[tilespmem:$0x1EE80] =	vst v63  }
0x2d: {  	_ =	swait.ge [sflag:s23], $0x2800  }
0x2e: {  	[sflag:s23] =	ssyncset.done $0x0  }
0x2f: {  	[sflag:s23] =	ssyncadd.s32 $0xFFFFD800  }
0x30: {  	[tilespmem:s19], [sflag:$0x1] =	stream.indirect.gather [hbm4b:s4+s18], $0x80, s24, s18, $0xb8;
	[tilespmem:$0x1EE80] =	vst v63  }
0x31: {  	_ =	swait.ge [sflag:s25], $0x2800  }
0x32: {  	[sflag:s25] =	ssyncset.done $0x0  }
0x33: {  	[sflag:s25] =	ssyncadd.s32 $0xFFFFD800  }
0x34: {  	[spmem:s2] =	stream.indirect.scatter.add.f32 [tilespmem:s21], [sflag:$0x4], $0x80, s26, s18, $0xb8;
	[tilespmem:$0x1EE80] =	vst v63  }
0x35: {  	_ =	swait.ge [sflag:s28], $0x2800  }
0x36: {  	[sflag:s28] =	ssyncset.done $0x0  }
0x37: {  	s20 =	simm.s32 $0x13970;
	[sflag:s28] =	ssyncadd.s32 $0xFFFFD800  }
0x38: {  	[tilespmem:s21], [sflag:$0x2] =	stream.indirect.gather [hbm4b:s4+s18], $0x80, s20, s18, $0xb8;
	[tilespmem:$0x1EE80] =	vst v63  }
0x39: {  	_ =	swait.ge [sflag:s22], $0x2800  }
0x3a: {  	[sflag:s22] =	ssyncset.done $0x0  }
0x3b: {  	s1 =	simm.s32 $0x16100;
	[sflag:s22] =	ssyncadd.s32 $0xFFFFD800  }
0x3c: {  	[spmem:s2] =	stream.indirect.scatter.add.f32 [tilespmem:s19], [sflag:$0x3], $0x80, s1, s18, $0xb8;
	[tilespmem:$0x1EE80] =	vst v63  }
0x3d: {  	_ =	swait.ge [sflag:s23], $0x2800  }
0x3e: {  	[sflag:s23] =	ssyncset.done $0x0  }
0x3f: {  	s20 =	simm.s32 $0x139C0;
	[sflag:s23] =	ssyncadd.s32 $0xFFFFD800  }
0x40: {  	[tilespmem:s19], [sflag:$0x1] =	stream.indirect.gather [hbm4b:s4+s18], $0x80, s20, s18, $0xb8;
	[tilespmem:$0x1EE80] =	vst v63  }
0x41: {  	_ =	swait.ge [sflag:s25], $0x2800  }
0x42: {  	s31 =	simm.s32 $0xFFFF1000;
	[sflag:s25] =	ssyncset.done $0x0  }
0x43: {  	s0 =	simm.s32 $0x13A10;
	s1 =	simm.s32 $0x16180;
	[sflag:s25] =	ssyncadd.s32 $0xFFFFD800  }
.LBB2_2:
0x44: {  	[spmem:s2] =	stream.indirect.scatter.add.f32 [tilespmem:s21], [sflag:$0x4], $0x80, s1, s18, $0xb8;
	[tilespmem:$0x1EE80] =	vst v63  }
0x45: {  	s1 =	smov.u32 s31  }
0x46: {  	p1 =	sne.s32 s31, $0xFFFFFC00;
	s31 =	sadd.s32 $0x400, s31;
	_ =	swait.ge [sflag:s28], $0x2800  }
0x47: {  	[sflag:s28] =	ssyncset.done $0x0  }
0x48: {  	[sflag:s28] =	ssyncadd.s32 $0xFFFFD800  }
0x49: {  	[tilespmem:s21], [sflag:$0x2] =	stream.indirect.gather [hbm4b:s4+s18], $0x80, s0, s18, $0xb8;
	[tilespmem:$0x1EE80] =	vst v63  }
0x4a: {  	_ =	swait.ge [sflag:s22], $0x2800  }
0x4b: {  	s1 =	sshra.s32 s1, $0x2;
	[sflag:s22] =	ssyncset.done $0x0  }
0x4c: {  	s20 =	sadd.s32 $0x19E00, s1;
	[sflag:s22] =	ssyncadd.s32 $0xFFFFD800  }
0x4d: {  	[spmem:s2] =	stream.indirect.scatter.add.f32 [tilespmem:s19], [sflag:$0x3], $0x80, s20, s18, $0xb8;
	[tilespmem:$0x1EE80] =	vst v63  }
0x4e: {  	_ =	swait.ge [sflag:s23], $0x2800  }
0x4f: {  	[sflag:s23] =	ssyncset.done $0x0  }
.Ltmp0:
0x50: {  	s20 =	sadd.s32 $0x50, s0;
	[sflag:s23] =	ssyncadd.s32 $0xFFFFD800;
	(pc) =	sbr.rel @p1 .LBB2_2-.Ltmp0, $4  }
0x51: {  	[tilespmem:s19], [sflag:$0x1] =	stream.indirect.gather [hbm4b:s4+s18], $0x80, s20, s18, $0xb8;
	[tilespmem:$0x1EE80] =	vst v63  }
0x52: {  	_ =	swait.ge [sflag:s25], $0x2800  }
0x53: {  	[sflag:s25] =	ssyncset.done $0x0  }
0x54: {  	s1 =	sadd.s32 $0x19E80, s1;
	s0 =	sadd.s32 $0xA0, s0;
	[sflag:s25] =	ssyncadd.s32 $0xFFFFD800  }
0x55: {  	[spmem:s2] =	stream.indirect.scatter.add.f32 [tilespmem:s21], [sflag:$0x4], $0x80, s1, s18, $0xb8;
	[tilespmem:$0x1EE80] =	vst v63  }
0x56: {  	_ =	swait.ge [sflag:s22], $0x2800  }
0x57: {  	[sflag:s22] =	ssyncset.done $0x0  }
0x58: {  	[sflag:s22] =	ssyncadd.s32 $0xFFFFD800  }
0x59: {  	[spmem:s2] =	stream.indirect.scatter.add.f32 [tilespmem:s19], [sflag:$0x3], $0x80, s29, s18, $0xb8;
	[tilespmem:$0x1EE80] =	vst v63  }
0x5a: {  	_ =	swait.ge [sflag:s28], $0x2800  }
0x5b: {  	[sflag:s28] =	ssyncset.done $0x0  }
0x5c: {  	[sflag:s28] =	ssyncadd.s32 $0xFFFFD800  }
0x5d: {  	_ =	swait.ge [sflag:s23], $0x2800  }
0x5e: {  	[sflag:s23] =	ssyncset.done $0x0  }
0x5f: {  	[sflag:s23] =	ssyncadd.s32 $0xFFFFD800  }
0x60: {  	s0 =	sadd.s32 @p0 $0x25080, s10;
	s1 =	simm.s32 @p0 $0x1FC5;
	[bflag:$0x0] =	sbarrier.arrive $0xFFFF  }
0x61: {  	[hbm:s0], [sflag:s1] =	dma.local @p0 [spmem:s12], $0x2080  }
0x62: {  	s0 =	simm.s32 @p0 $0x5  }
0x63: {  	_ =	swait.ge @p0 [sflag:s0], $0x2080  }
0x64: {  	s30 =	sadd.s32 $0x1, s30;
	[sflag:s0] =	ssyncset.done @p0 $0x0  }
0x65: {  	p1 =	sne.s32 s30, s11;
	[sflag:s0] =	ssyncadd.s32 @p0 $0xFFFFDF80;
	s0 =	sadd.s32 @!p0 s5, s10  }
0x66: {  	[hbm:s0], [sflag:s13] =	dma.local @!p0 [spmem:s14], $0x2780  }
.Ltmp1:
0x67: {  	_ = 	snop;
	(pc) =	sbr.rel @p1 .LBB2_1-.Ltmp1, $4  }
0x68: {  	s0 =	simm.s32 @!p0 $0x6  }
0x69: {  	_ =	swait.ge @!p0 [sflag:s0], $0x2780  }
0x6a: {  	[sflag:s0] =	ssyncset.done @!p0 $0x0  }
0x6b: {  	[sflag:s0] =	ssyncadd.s32 @!p0 $0xFFFFD880  }
0x6c: {  	_ =	sfence.sel $0x180000  }
0x6d: {  	[bflag:$0x0] =	sbarrier.arrive $0xFFFF  }
0x6e: {  	_ =	strace $0x90000053  }
0x6f: {  	s0 =	stileid.u32;
	[bflag:$0x2] =	sbarrier.arrive $0xFFFF  }
0x70: {  	p0 =	sne.s32 s0, $0x0;
	s0 =	rddreg [dreg:$0x2]  }
0x71: {  	s0 =	sadd.s32 @!p0 $0x100000, s0  }
0x72: {  	[sflag:s0] =	ssyncadd.tile.s32 @!p0 $0x1;
	_ =	shalt  }
.Lfunc_end2:
_tile_overlayer_lowered:
.L_overlay_start_2:
0x73: {  	(tag) =	ssettag $0x2  }
0x74: {  	s0 =	rddreg [dreg:$0x0];
	s2 =	stileid.u32  }
0x75: {  	s1 =	rddreg [dreg:$0x1];
	p0 =	sne.s32 s2, $0x0  }
0x76: {  	s3 =	rddreg [dreg:$0x2];
	[bflag:$0x3] =	sbarrier.arrive $0xFFFF;
	s2 =	simm.s32 @!p0 $0x1C05  }
0x77: {  	[timem:s3], [sflag:s2] =	dma.local @!p0 [hbm:s0], s1  }
0x78: {  	s0 =	simm.s32 @!p0 $0x5  }
0x79: {  	_ =	swait.ge @!p0 [sflag:s0], s1  }
0x7a: {  	s1 =	ssub.s32 @!p0 $0x0, s1;
	[sflag:s0] =	ssyncset.done @!p0 $0x0  }
0x7b: {  	[sflag:s0] =	ssyncadd.s32 @!p0 s1  }
0x7c: {  	[bflag:$0x3] =	sbarrier.arrive $0xFFFF  }
0x7d: {  	_ =	shalt  }

// kernel: kernel.31.cloned.1.call-start
scs
__scs_entry_jumppad:
0x0: {  	(pc) =	sbr.rel $0x88, $3  }
0x1: {  	(tag) =	ssettag $0x0;
	lr =	simm.s32 $0x1  }
0x2: {  	[smem:$0x3F90] =	sst lr;
	_ =	strace $0xD0000000  }
0x3: {  	_ = 	snop  }
0x4: {  	_ = 	snop  }
0x5: {  	_ = 	snop  }
0x6: {  	_ = 	snop  }
0x7: {  	_ = 	snop  }
__scs_overlays_trampoline_lowered:
0x8: {  	[smem:$0x3F9F] =	sst s0  }
0x9: {  	[smem:$0x3FA0] =	sst s1  }
0xa: {  	[smem:$0x3FA1] =	sst s2  }
0xb: {  	[smem:$0x3FA2] =	sst s3  }
0xc: {  	[smem:$0x3FA3] =	sst s4  }
0xd: {  	[smem:$0x3FA4] =	sst s5  }
0xe: {  	[smem:$0x3FA5] =	sst s6  }
0xf: {  	[smem:$0x3FA6] =	sst s7  }
0x10: {  	[smem:$0x3FA7] =	sst s8  }
0x11: {  	[smem:$0x3FA8] =	sst s9;
	s0 =	simm.s32 @!p0 $0x0  }
0x12: {  	s1 =	sld [smem:$0x3F8E];
	s0 =	simm.s32 @p0 $0x1  }
0x13: {  	[smem:$0x3FA9] =	sst s0;
	s0 =	simm.s32 @!p1 $0x0  }
0x14: {  	s2 =	sld [smem:$0x3F8D];
	s0 =	simm.s32 @p1 $0x1  }
0x15: {  	[smem:$0x3FAA] =	sst s0;
	s0 =	simm.s32 @!p2 $0x0  }
0x16: {  	s3 =	sld [smem:$0x3FDB];
	s0 =	simm.s32 @p2 $0x1  }
0x17: {  	s4 =	simm.s32 $0x1BF5;
	[smem:$0x3FAC] =	sst s0  }
0x18: {  	s0 =	sld [smem:$0x3F8F];
	_ =	swait.ge [sflag:s4], $0x0  }
0x19: {  	s7 =	sld [smem:$0x3F90]  }
0x1a: {  	s8 =	sadd.s32 $0xFFFFE003, lr  }
0x1b: {  	s9 =	sadd.s32 $0xFFFFFEF7, lr;
	s5 =	simm.s32 $0xFFFFFFFF;
	p2 =	slt.u32 s8, $0xFFFFF086  }
0x1c: {  	p1 =	slt.u32 s9, $0xF7A;
	s5 =	simm.s32 @!p2 $0x0  }
0x1d: {  	s5 =	simm.s32 @p1 $0x1;
	p0 =	seq.s32 s7, s2  }
0x1e: {  	s7 =	smul.u32 @!p0 $0xF7A, s2;
	p2 =	seq.s32 @!p0 s5, $0x0  }
0x1f: {  	s9 =	smul.u32 $0xF7A, s1;
	s8 =	simm.s32 @!p0 $0x1BF5;
	p2 =	por !p2, p0  }
0x20: {  	[sflag:s8] =	ssyncset.s32 @!p0 $0xFFFFF086;
	s6 =	sadd.s32 @!p0 s3, s7;
	s7 =	simm.s32 @!p0 $0x108  }
0x21: {  	s3 =	sadd.s32 s3, s9;
	s6 =	sadd.s32 @!p0 $0x88, s6;
	s7 =	simm.s32 @p2 $0x1082  }
0x22: {  	[simem:s7], [sflag:s8] =	dma.local @!p0 [hbm:s6], $0xF7A  }
0x23: {  	s9 =	sor.u32 $0xD0000000, s2;
	s6 =	simm.s32 $0x108;
	_ =	swait.ge @!p0 [sflag:s8], $0x0  }
0x24: {  	s3 =	sadd.s32 $0x88, s3;
	s6 =	simm.s32 @!p1 $0x1082;
	[sflag:s4] =	ssyncset.s32 $0xFFFFF086  }
0x25: {  	[simem:s6], [sflag:s4] =	dma.local [hbm:s3], $0xF7A  }
0x26: {  	[smem:$0x3F90] =	sst s1;
	(tag) =	ssettag s2;
	_ =	strace s9  }
0x27: {  	s1 =	sld [smem:$0x3FA0]  }
0x28: {  	s2 =	sld [smem:$0x3FA1]  }
0x29: {  	s4 =	sld [smem:$0x3FA3]  }
0x2a: {  	p0 =	seq.s32 s5, $0x0;
	s5 =	sld [smem:$0x3FA4]  }
0x2b: {  	s6 =	sld [smem:$0x3FA5]  }
0x2c: {  	s7 =	sld [smem:$0x3FA6]  }
0x2d: {  	s3 =	simm.s32 $0x108;
	s8 =	sld [smem:$0x3FA7]  }
0x2e: {  	s3 =	simm.s32 @!p0 $0x1082;
	s9 =	sld [smem:$0x3FA8]  }
0x2f: {  	lr =	sadd.s32 s0, s3;
	s0 =	sld [smem:$0x3F9F]  }
0x30: {  	s3 =	sld [smem:$0x3FA2]  }
0x31: {  	[smem:$0x3FAB] =	sst s10  }
0x32: {  	s10 =	sld [smem:$0x3FA9];
	_ =	sdelay $0x3  }
0x33: {  	p0 =	seq.s32 s10, $0x1;
	s10 =	sld [smem:$0x3FAB];
	_ =	sdelay $0x3  }
0x34: {  	[smem:$0x3FAB] =	sst s10  }
0x35: {  	s10 =	sld [smem:$0x3FAA];
	_ =	sdelay $0x3  }
0x36: {  	p1 =	seq.s32 s10, $0x1;
	s10 =	sld [smem:$0x3FAB];
	_ =	sdelay $0x3  }
0x37: {  	[smem:$0x3FAB] =	sst s10  }
0x38: {  	s10 =	sld [smem:$0x3FAC]  }
0x39: {  	_ = 	snop;
	(pc) =	sbr.ind lr, $3  }
0x3a: {  	_ = 	snop  }
0x3b: {  	_ = 	snop  }
0x3c: {  	p2 =	seq.s32 s10, $0x1;
	s10 =	sld [smem:$0x3FAB]  }
0x3d: {  	_ =	shalt  }
0x3e: {  	_ =	shalt  }
0x3f: {  	_ =	shalt  }
0x40: {  	_ =	shalt  }
0x41: {  	_ =	shalt  }
0x42: {  	_ =	shalt  }
0x43: {  	_ =	shalt  }
0x44: {  	_ =	shalt  }
0x45: {  	_ =	shalt  }
0x46: {  	_ =	shalt  }
0x47: {  	_ =	shalt  }
0x48: {  	_ =	shalt  }
0x49: {  	_ =	shalt  }
0x4a: {  	_ =	shalt  }
0x4b: {  	_ =	shalt  }
0x4c: {  	_ =	shalt  }
0x4d: {  	_ =	shalt  }
0x4e: {  	_ =	shalt  }
0x4f: {  	_ =	shalt  }
0x50: {  	_ =	shalt  }
0x51: {  	_ =	shalt  }
0x52: {  	_ =	shalt  }
0x53: {  	_ =	shalt  }
0x54: {  	_ =	shalt  }
0x55: {  	_ =	shalt  }
0x56: {  	_ =	shalt  }
0x57: {  	_ =	shalt  }
0x58: {  	_ =	shalt  }
0x59: {  	_ =	shalt  }
0x5a: {  	_ =	shalt  }
0x5b: {  	_ =	shalt  }
0x5c: {  	_ =	shalt  }
0x5d: {  	_ =	shalt  }
0x5e: {  	_ =	shalt  }
0x5f: {  	_ =	shalt  }
0x60: {  	_ =	shalt  }
0x61: {  	_ =	shalt  }
0x62: {  	_ =	shalt  }
0x63: {  	_ =	shalt  }
0x64: {  	_ =	shalt  }
0x65: {  	_ =	shalt  }
0x66: {  	_ =	shalt  }
0x67: {  	_ =	shalt  }
0x68: {  	_ =	shalt  }
0x69: {  	_ =	shalt  }
0x6a: {  	_ =	shalt  }
0x6b: {  	_ =	shalt  }
0x6c: {  	_ =	shalt  }
0x6d: {  	_ =	shalt  }
0x6e: {  	_ =	shalt  }
0x6f: {  	_ =	shalt  }
0x70: {  	_ =	shalt  }
0x71: {  	_ =	shalt  }
0x72: {  	_ =	shalt  }
0x73: {  	_ =	shalt  }
0x74: {  	_ =	shalt  }
0x75: {  	_ =	shalt  }
0x76: {  	_ =	shalt  }
0x77: {  	_ =	shalt  }
0x78: {  	_ =	shalt  }
0x79: {  	_ =	shalt  }
0x7a: {  	_ =	shalt  }
0x7b: {  	_ =	shalt  }
0x7c: {  	_ =	shalt  }
0x7d: {  	_ =	shalt  }
0x7e: {  	_ =	shalt  }
0x7f: {  	_ =	shalt  }
0x80: {  	_ =	shalt  }
0x81: {  	_ =	shalt  }
0x82: {  	_ =	shalt  }
0x83: {  	_ =	shalt  }
0x84: {  	_ =	shalt  }
0x85: {  	_ =	shalt  }
0x86: {  	_ =	shalt  }
0x87: {  	_ =	shalt  }
.Lfunc_end0:
.L_simem_size_0:
called_computation.5_lowered:
.L_overlay_start_0:
0x88: {  	s2 =	sld [smem:$0x3FD9]  }
0x89: {  	s3 =	sld [smem:$0x3FFE];
	_ =	sdelay $0x1  }
0x8a: {  	s1 =	srdreg.scid  }
0x8b: {  	s0 =	sand.u32 $0x1, s1  }
0x8c: {  	s16 =	sshll.u32 s0, $0xA;
	s2 =	sadd.s32 s3, s2  }
0x8d: {  	s2 =	sadd.s32 s2, s16  }
0x8e: {  	[smem:$0x3FB7] =	sst s2  }
0x8f: {  	_ = 	snop  }
0x90: {  	(tm) =	ssettm $0x1  }
0x91: {  	s17 =	sld [smem:$0x3FFB];
	_ =	sdelay $0x3  }
0x92: {  	_ =	strace s17  }
0x93: {  	s2 =	sld [smem:$0x3FFC];
	_ =	sdelay $0x3  }
0x94: {  	_ =	strace s2  }
0x95: {  	s2 =	sld [smem:$0x3FFD];
	_ =	sdelay $0x3  }
0x96: {  	_ =	strace s2  }
0x97: {  	_ =	strace $0x8FFFFFFF  }
0x98: {  	s18 =	sld [smem:$0x3FDB];
	_ =	sdelay $0x1  }
0x99: {  	s19 =	simm.s32 $_scs_section_size  }
0x9a: {  	s4 =	simm.s32 $_size__tile_overlayer_lowered;
	s5 =	simm.s32 $_tile_overlayer_lowered  }
0x9b: {  	s22 =	simm.s32 $0x1BFF;
	s21 =	sshll.u32 s5, $0x1;
	s2 =	sadd.s32 s19, s18  }
0x9c: {  	s6 =	simm.s32 $0x0;
	s20 =	sshll.u32 s4, $0x1;
	s4 =	sadd.s32 s21, s2  }
0x9d: {  	[timem:s6], [sflag:s22] =	dma.local [hbm:s4], s20  }
0x9e: {  	_ =	swait.ge [sflag:s22], s20  }
0x9f: {  	s3 =	ssub.s32 $0x0, s20;
	[sflag:s22] =	ssyncset.done $0x0  }
0xa0: {  	[sflag:s22] =	ssyncadd.s32 s3;
	_ =	sdelay $0x1  }
0xa1: {  	s23 =	simm.s32 $0x1B8B  }
0xa2: {  	_ =	swait.ge [sflag:s23], $0x1  }
0xa3: {  	[sflag:s23] =	ssyncset.done $0x0  }
0xa4: {  	s25 =	simm.s32 $0x1B8E;
	s24 =	sld [smem:$0x3FFE];
	[sflag:s23] =	ssyncadd.s32 $0xFFFFFFFF  }
0xa5: {  	s26 =	simm.s32 $execute0_lowered;
	[smem:$0x3FD2] =	sst s25  }
0xa6: {  	s4 =	sshll.u32 s26, $0x1;
	_ =	strace $0x80000055;
	[dreg:$0x1] =	wrdreg $0xFFFFFFFF  }
0xa7: {  	s28 =	simm.s32 $_size_execute0_lowered;
	s2 =	sadd.s32 s2, s4;
	[dreg:$0x0] =	wrdreg $0x0  }
0xa8: {  	s4 =	sshll.u32 s28, $0x1;
	[dreg:$0x2] =	wrdreg s2  }
0xa9: {  	[dreg:$0x3] =	wrdreg s4  }
0xaa: {  	[dreg:$0x4] =	wrdreg $0xC0  }
0xab: {  	_ =	task [dreg:s6], $0x5FFFF  }
0xac: {  	[dreg:$0x1] =	wrdreg $0xFFFFFFFF  }
0xad: {  	[dreg:$0x0] =	wrdreg $0x60  }
0xae: {  	[dreg:$0x2] =	wrdreg s24  }
0xaf: {  	[dreg:$0x3] =	wrdreg $0x0  }
0xb0: {  	[dreg:$0x4] =	wrdreg $0x9  }
0xb1: {  	_ =	task.clear_ibuf [dreg:s6], $0x5FFFF;
	_ =	strace $0x90000055  }
0xb2: {  	s29 =	simm.s32 $0x9;
	_ =	strace $0x80000057  }
0xb3: {  	_ =	swait.ge [sflag:s29], $0x1  }
0xb4: {  	[sflag:s29] =	ssyncadd.s32 $0xFFFFFFFF  }
0xb5: {  	_ =	strace $0x90000057  }
0xb6: {  	_ =	sfence  }
0xb7: {  	s30 =	sld [smem:$0x0];
	_ =	sdelay $0x2  }
0xb8: {  	s31 =	sshll.u32 s1, $0xD;
	s1 =	sshrl.u32 s1, $0x2  }
0xb9: {  	s3 =	sand.u32 $0x4000, s31;
	s1 =	sadd.s32 s1, s30  }
0xba: {  	s0 =	sor.u32 s3, s0;
	s1 =	sshll.u32 s1, $0x11  }
0xbb: {  	s0 =	sor.u32 s1, s0  }
0xbc: {  	s0 =	sadd.s32 $0x8F2B, s0  }
0xbd: {  	[sflag:s0] =	ssyncadd.remote.s32 $0x1  }
0xbe: {  	_ =	sfence.sel $0xFFFF  }
0xbf: {  	[dreg:$0x0] =	wrdreg $0xFFFFFFFF;
	(pc) =	sbr.abs _section_cstart, $3  }
0xc0: {  	[dreg:$0x1] =	wrdreg $0xFFFFFFFF  }
0xc1: {  	_ =	task.clear_ibuf [dreg:s6], $0x2FFFF;
	_ =	strace $0x9FFFFFFF  }
0xc2: {  	(tm) =	ssettm $0x7FFFFFFF  }
0xc3: {  	_ =	shalt  }
tec
execute0_lowered:
.L_overlay_start_1:
0x0: {  	(tag) =	ssettag $0x1  }
0x1: {  	s1 =	rddreg [dreg:$0x0]  }
0x2: {  	s0 =	srdreg.scid;
	s2 =	rddreg [dreg:$0x1]  }
0x3: {  	s15 =	stileid.u32;
	s3 =	simm.s32 $0x0;
	s16 =	simm.s32 $0x6  }
0x4: {  	s17 =	simm.s32 $0x16000;
	s18 =	simm.s32 $0x50;
	s19 =	simm.s32 $0x19E80  }
0x5: {  	s21 =	simm.s32 $0x1C680;
	s22 =	simm.s32 $0x1;
	s23 =	simm.s32 $0x3  }
0x6: {  	s24 =	simm.s32 $0x13920;
	s25 =	simm.s32 $0x2;
	s28 =	simm.s32 $0x4  }
0x7: {  	s29 =	simm.s32 $0x19E00;
	s30 =	simm.s32 $0x0;
	s5 =	smul.u32 $0x2780, s15  }
0x8: {  	s0 =	sand.u32 $0x1, s0;
	[smem:$0x7FF] =	sst s3;
	s26 =	smul.u32 $0x4F000, s15  }
0x9: {  	s13 =	sadd.s32 $0x128400, s2;
	p0 =	seq.s32 s15, $0xF;
	s4 =	sshll.u32 s0, $0x4  }
0xa: {  	_ =	strace $0x80000056;
	s31 =	smul.u32 $0x27100, s0;
	s0 =	ssub.s32 $0x2, s0  }
0xb: {  	s6 =	sor.u32 s15, s4;
	s4 =	sadd.s32 $0x97800, s1;
	s10 =	sadd.s32 s5, s1  }
0xc: {  	s11 =	sshrl.u32 s0, $0x1;
	s7 =	smul.u32 $0x4E2, s6;
	s6 =	sshll.u32 s6, $0xB  }
0xd: {  	s12 =	sadd.s32 s31, s1;
	s0 =	ssub.s32 s0, s11;
	s9 =	sadd.s32 s6, s1  }
0xe: {  	s6 =	sadd.s32 $0x22200, s10;
	s10 =	sadd.s32 $0xBEA00, s12;
	s11 =	smax.u32 s0, $0x1  }
0xf: {  	s0 =	sshll.u32 @!p0 s15, $0x6;
	s12 =	sshrl.u32 @p0 s13, $0x3;
	s15 =	simm.s32 $0x13880  }
0x10: {  	s8 =	sadd.s32 s7, s1;
	s7 =	sshrl.u32 s26, $0x2;
	s9 =	sadd.s32 $0x12200, s9  }
0x11: {  	s13 =	sor.u32 @!p0 $0x1C06, s0;
	s26 =	simm.s32 $0x16080;
	s14 =	sadd.s32 s7, s2  }
0x12: {  	s7 =	sadd.s32 $0x47280, s1;
	s8 =	sadd.s32 $0x8400, s8;
	s14 =	sshrl.u32 @!p0 s14, $0x3  }
.LBB2_1:
0x13: {  	s0 =	simm.s32 @p0 $0x1FC6  }
0x14: {  	[spmem:s12], [sflag:s0] =	dma.local @p0 [hbm:s7], $0x2080  }
0x15: {  	s0 =	simm.s32 @p0 $0x6  }
0x16: {  	_ =	swait.ge @p0 [sflag:s0], $0x2080  }
0x17: {  	[sflag:s0] =	ssyncset.done @p0 $0x0  }
0x18: {  	[sflag:s0] =	ssyncadd.s32 @p0 $0xFFFFDF80;
	s0 =	simm.s32 @!p0 $0x6  }
0x19: {  	[spmem:s14], [sflag:s13] =	dma.local @!p0 [hbm:s6], $0x2780  }
0x1a: {  	_ =	swait.ge @!p0 [sflag:s0], $0x2780  }
0x1b: {  	[sflag:s0] =	ssyncset.done @!p0 $0x0  }
0x1c: {  	[sflag:s0] =	ssyncadd.s32 @!p0 $0xFFFFD880  }
0x1d: {  	[tilespmem:s15], [sflag:$0x6] =	stream.linear.gather [hbm4b:s8+s3], $0x2710, $0x38;
	[tilespmem:$0x1EE80] =	vst v63  }
0x1e: {  	_ =	swait.ge [sflag:s16], $0x2710  }
0x1f: {  	[sflag:s16] =	ssyncset.done $0x0  }
0x20: {  	[sflag:s16] =	ssyncadd.s32 $0xFFFFD8F0  }
0x21: {  	[tilespmem:s17], [sflag:$0x6] =	stream.linear.gather [hbm4b:s9+s3], $0x3E80, $0x38;
	[tilespmem:$0x1EE80] =	vst v63  }
0x22: {  	_ =	swait.ge [sflag:s16], $0x3E80  }
0x23: {  	[sflag:s16] =	ssyncset.done $0x0  }
0x24: {  	[sflag:s16] =	ssyncadd.s32 $0xFFFFC180  }
0x25: {  	[bflag:$0x0] =	sbarrier.arrive $0xFFFF  }
0x26: {  	[tilespmem:s19], [sflag:$0x1] =	stream.indirect.gather [hbm4b:s4+s18], $0x80, s15, s18, $0xb8;
	[tilespmem:$0x1EE80] =	vst v63  }
0x27: {  	s1 =	simm.s32 $0x138D0  }
0x28: {  	[tilespmem:s21], [sflag:$0x2] =	stream.indirect.gather [hbm4b:s4+s18], $0x80, s1, s18, $0xb8;
	[tilespmem:$0x1EE80] =	vst v63  }
0x29: {  	_ =	swait.ge [sflag:s22], $0x2800  }
0x2a: {  	[sflag:s22] =	ssyncset.done $0x0  }
0x2b: {  	[sflag:s22] =	ssyncadd.s32 $0xFFFFD800  }
0x2c: {  	[spmem:s2] =	stream.indirect.scatter.add.f32 [tilespmem:s19], [sflag:$0x3], $0x80, s17, s18, $0xb8;
	[tilespmem:$0x1EE80] =	vst v63  }
0x2d: {  	_ =	swait.ge [sflag:s23], $0x2800  }
0x2e: {  	[sflag:s23] =	ssyncset.done $0x0  }
0x2f: {  	[sflag:s23] =	ssyncadd.s32 $0xFFFFD800  }
0x30: {  	[tilespmem:s19], [sflag:$0x1] =	stream.indirect.gather [hbm4b:s4+s18], $0x80, s24, s18, $0xb8;
	[tilespmem:$0x1EE80] =	vst v63  }
0x31: {  	_ =	swait.ge [sflag:s25], $0x2800  }
0x32: {  	[sflag:s25] =	ssyncset.done $0x0  }
0x33: {  	[sflag:s25] =	ssyncadd.s32 $0xFFFFD800  }
0x34: {  	[spmem:s2] =	stream.indirect.scatter.add.f32 [tilespmem:s21], [sflag:$0x4], $0x80, s26, s18, $0xb8;
	[tilespmem:$0x1EE80] =	vst v63  }
0x35: {  	_ =	swait.ge [sflag:s28], $0x2800  }
0x36: {  	[sflag:s28] =	ssyncset.done $0x0  }
0x37: {  	s20 =	simm.s32 $0x13970;
	[sflag:s28] =	ssyncadd.s32 $0xFFFFD800  }
0x38: {  	[tilespmem:s21], [sflag:$0x2] =	stream.indirect.gather [hbm4b:s4+s18], $0x80, s20, s18, $0xb8;
	[tilespmem:$0x1EE80] =	vst v63  }
0x39: {  	_ =	swait.ge [sflag:s22], $0x2800  }
0x3a: {  	[sflag:s22] =	ssyncset.done $0x0  }
0x3b: {  	s1 =	simm.s32 $0x16100;
	[sflag:s22] =	ssyncadd.s32 $0xFFFFD800  }
0x3c: {  	[spmem:s2] =	stream.indirect.scatter.add.f32 [tilespmem:s19], [sflag:$0x3], $0x80, s1, s18, $0xb8;
	[tilespmem:$0x1EE80] =	vst v63  }
0x3d: {  	_ =	swait.ge [sflag:s23], $0x2800  }
0x3e: {  	[sflag:s23] =	ssyncset.done $0x0  }
0x3f: {  	s20 =	simm.s32 $0x139C0;
	[sflag:s23] =	ssyncadd.s32 $0xFFFFD800  }
0x40: {  	[tilespmem:s19], [sflag:$0x1] =	stream.indirect.gather [hbm4b:s4+s18], $0x80, s20, s18, $0xb8;
	[tilespmem:$0x1EE80] =	vst v63  }
0x41: {  	_ =	swait.ge [sflag:s25], $0x2800  }
0x42: {  	s31 =	simm.s32 $0xFFFF1000;
	[sflag:s25] =	ssyncset.done $0x0  }
0x43: {  	s0 =	simm.s32 $0x13A10;
	s1 =	simm.s32 $0x16180;
	[sflag:s25] =	ssyncadd.s32 $0xFFFFD800  }
.LBB2_2:
0x44: {  	[spmem:s2] =	stream.indirect.scatter.add.f32 [tilespmem:s21], [sflag:$0x4], $0x80, s1, s18, $0xb8;
	[tilespmem:$0x1EE80] =	vst v63  }
0x45: {  	s1 =	smov.u32 s31  }
0x46: {  	p1 =	sne.s32 s31, $0xFFFFFC00;
	s31 =	sadd.s32 $0x400, s31;
	_ =	swait.ge [sflag:s28], $0x2800  }
0x47: {  	[sflag:s28] =	ssyncset.done $0x0  }
0x48: {  	[sflag:s28] =	ssyncadd.s32 $0xFFFFD800  }
0x49: {  	[tilespmem:s21], [sflag:$0x2] =	stream.indirect.gather [hbm4b:s4+s18], $0x80, s0, s18, $0xb8;
	[tilespmem:$0x1EE80] =	vst v63  }
0x4a: {  	_ =	swait.ge [sflag:s22], $0x2800  }
0x4b: {  	s1 =	sshra.s32 s1, $0x2;
	[sflag:s22] =	ssyncset.done $0x0  }
0x4c: {  	s20 =	sadd.s32 $0x19E00, s1;
	[sflag:s22] =	ssyncadd.s32 $0xFFFFD800  }
0x4d: {  	[spmem:s2] =	stream.indirect.scatter.add.f32 [tilespmem:s19], [sflag:$0x3], $0x80, s20, s18, $0xb8;
	[tilespmem:$0x1EE80] =	vst v63  }
0x4e: {  	_ =	swait.ge [sflag:s23], $0x2800  }
0x4f: {  	[sflag:s23] =	ssyncset.done $0x0  }
.Ltmp0:
0x50: {  	s20 =	sadd.s32 $0x50, s0;
	[sflag:s23] =	ssyncadd.s32 $0xFFFFD800;
	(pc) =	sbr.rel @p1 .LBB2_2-.Ltmp0, $4  }
0x51: {  	[tilespmem:s19], [sflag:$0x1] =	stream.indirect.gather [hbm4b:s4+s18], $0x80, s20, s18, $0xb8;
	[tilespmem:$0x1EE80] =	vst v63  }
0x52: {  	_ =	swait.ge [sflag:s25], $0x2800  }
0x53: {  	[sflag:s25] =	ssyncset.done $0x0  }
0x54: {  	s1 =	sadd.s32 $0x19E80, s1;
	s0 =	sadd.s32 $0xA0, s0;
	[sflag:s25] =	ssyncadd.s32 $0xFFFFD800  }
0x55: {  	[spmem:s2] =	stream.indirect.scatter.add.f32 [tilespmem:s21], [sflag:$0x4], $0x80, s1, s18, $0xb8;
	[tilespmem:$0x1EE80] =	vst v63  }
0x56: {  	_ =	swait.ge [sflag:s22], $0x2800  }
0x57: {  	[sflag:s22] =	ssyncset.done $0x0  }
0x58: {  	[sflag:s22] =	ssyncadd.s32 $0xFFFFD800  }
0x59: {  	[spmem:s2] =	stream.indirect.scatter.add.f32 [tilespmem:s19], [sflag:$0x3], $0x80, s29, s18, $0xb8;
	[tilespmem:$0x1EE80] =	vst v63  }
0x5a: {  	_ =	swait.ge [sflag:s28], $0x2800  }
0x5b: {  	[sflag:s28] =	ssyncset.done $0x0  }
0x5c: {  	[sflag:s28] =	ssyncadd.s32 $0xFFFFD800  }
0x5d: {  	_ =	swait.ge [sflag:s23], $0x2800  }
0x5e: {  	[sflag:s23] =	ssyncset.done $0x0  }
0x5f: {  	[sflag:s23] =	ssyncadd.s32 $0xFFFFD800  }
0x60: {  	s0 =	sadd.s32 @p0 $0x25080, s10;
	s1 =	simm.s32 @p0 $0x1FC5;
	[bflag:$0x0] =	sbarrier.arrive $0xFFFF  }
0x61: {  	[hbm:s0], [sflag:s1] =	dma.local @p0 [spmem:s12], $0x2080  }
0x62: {  	s0 =	simm.s32 @p0 $0x5  }
0x63: {  	_ =	swait.ge @p0 [sflag:s0], $0x2080  }
0x64: {  	s30 =	sadd.s32 $0x1, s30;
	[sflag:s0] =	ssyncset.done @p0 $0x0  }
0x65: {  	p1 =	sne.s32 s30, s11;
	[sflag:s0] =	ssyncadd.s32 @p0 $0xFFFFDF80;
	s0 =	sadd.s32 @!p0 s5, s10  }
0x66: {  	[hbm:s0], [sflag:s13] =	dma.local @!p0 [spmem:s14], $0x2780  }
.Ltmp1:
0x67: {  	_ = 	snop;
	(pc) =	sbr.rel @p1 .LBB2_1-.Ltmp1, $4  }
0x68: {  	s0 =	simm.s32 @!p0 $0x6  }
0x69: {  	_ =	swait.ge @!p0 [sflag:s0], $0x2780  }
0x6a: {  	[sflag:s0] =	ssyncset.done @!p0 $0x0  }
0x6b: {  	[sflag:s0] =	ssyncadd.s32 @!p0 $0xFFFFD880  }
0x6c: {  	_ =	sfence.sel $0x180000  }
0x6d: {  	[bflag:$0x0] =	sbarrier.arrive $0xFFFF  }
0x6e: {  	_ =	strace $0x90000056  }
0x6f: {  	s0 =	stileid.u32;
	[bflag:$0x2] =	sbarrier.arrive $0xFFFF  }
0x70: {  	p0 =	sne.s32 s0, $0x0;
	s0 =	rddreg [dreg:$0x2]  }
0x71: {  	s0 =	sadd.s32 @!p0 $0x100000, s0  }
0x72: {  	[sflag:s0] =	ssyncadd.tile.s32 @!p0 $0x1;
	_ =	shalt  }
.Lfunc_end2:
_tile_overlayer_lowered:
.L_overlay_start_2:
0x73: {  	(tag) =	ssettag $0x2  }
0x74: {  	s0 =	rddreg [dreg:$0x0];
	s2 =	stileid.u32  }
0x75: {  	s1 =	rddreg [dreg:$0x1];
	p0 =	sne.s32 s2, $0x0  }
0x76: {  	s3 =	rddreg [dreg:$0x2];
	[bflag:$0x3] =	sbarrier.arrive $0xFFFF;
	s2 =	simm.s32 @!p0 $0x1C05  }
0x77: {  	[timem:s3], [sflag:s2] =	dma.local @!p0 [hbm:s0], s1  }
0x78: {  	s0 =	simm.s32 @!p0 $0x5  }
0x79: {  	_ =	swait.ge @!p0 [sflag:s0], s1  }
0x7a: {  	s1 =	ssub.s32 @!p0 $0x0, s1;
	[sflag:s0] =	ssyncset.done @!p0 $0x0  }
0x7b: {  	[sflag:s0] =	ssyncadd.s32 @!p0 s1  }
0x7c: {  	[bflag:$0x3] =	sbarrier.arrive $0xFFFF  }
0x7d: {  	_ =	shalt  }

// kernel: kernel.34.cloned.1.call-start
scs
__scs_entry_jumppad:
0x0: {  	(pc) =	sbr.rel $0x88, $3  }
0x1: {  	(tag) =	ssettag $0x0;
	lr =	simm.s32 $0x1  }
0x2: {  	[smem:$0x3F90] =	sst lr;
	_ =	strace $0xD0000000  }
0x3: {  	_ = 	snop  }
0x4: {  	_ = 	snop  }
0x5: {  	_ = 	snop  }
0x6: {  	_ = 	snop  }
0x7: {  	_ = 	snop  }
__scs_overlays_trampoline_lowered:
0x8: {  	[smem:$0x3F9F] =	sst s0  }
0x9: {  	[smem:$0x3FA0] =	sst s1  }
0xa: {  	[smem:$0x3FA1] =	sst s2  }
0xb: {  	[smem:$0x3FA2] =	sst s3  }
0xc: {  	[smem:$0x3FA3] =	sst s4  }
0xd: {  	[smem:$0x3FA4] =	sst s5  }
0xe: {  	[smem:$0x3FA5] =	sst s6  }
0xf: {  	[smem:$0x3FA6] =	sst s7  }
0x10: {  	[smem:$0x3FA7] =	sst s8  }
0x11: {  	[smem:$0x3FA8] =	sst s9;
	s0 =	simm.s32 @!p0 $0x0  }
0x12: {  	s1 =	sld [smem:$0x3F8E];
	s0 =	simm.s32 @p0 $0x1  }
0x13: {  	[smem:$0x3FA9] =	sst s0;
	s0 =	simm.s32 @!p1 $0x0  }
0x14: {  	s2 =	sld [smem:$0x3F8D];
	s0 =	simm.s32 @p1 $0x1  }
0x15: {  	[smem:$0x3FAA] =	sst s0;
	s0 =	simm.s32 @!p2 $0x0  }
0x16: {  	s3 =	sld [smem:$0x3FDB];
	s0 =	simm.s32 @p2 $0x1  }
0x17: {  	s4 =	simm.s32 $0x1BF5;
	[smem:$0x3FAC] =	sst s0  }
0x18: {  	s0 =	sld [smem:$0x3F8F];
	_ =	swait.ge [sflag:s4], $0x0  }
0x19: {  	s7 =	sld [smem:$0x3F90]  }
0x1a: {  	s8 =	sadd.s32 $0xFFFFE003, lr  }
0x1b: {  	s9 =	sadd.s32 $0xFFFFFEF7, lr;
	s5 =	simm.s32 $0xFFFFFFFF;
	p2 =	slt.u32 s8, $0xFFFFF086  }
0x1c: {  	p1 =	slt.u32 s9, $0xF7A;
	s5 =	simm.s32 @!p2 $0x0  }
0x1d: {  	s5 =	simm.s32 @p1 $0x1;
	p0 =	seq.s32 s7, s2  }
0x1e: {  	s7 =	smul.u32 @!p0 $0xF7A, s2;
	p2 =	seq.s32 @!p0 s5, $0x0  }
0x1f: {  	s9 =	smul.u32 $0xF7A, s1;
	s8 =	simm.s32 @!p0 $0x1BF5;
	p2 =	por !p2, p0  }
0x20: {  	[sflag:s8] =	ssyncset.s32 @!p0 $0xFFFFF086;
	s6 =	sadd.s32 @!p0 s3, s7;
	s7 =	simm.s32 @!p0 $0x108  }
0x21: {  	s3 =	sadd.s32 s3, s9;
	s6 =	sadd.s32 @!p0 $0x88, s6;
	s7 =	simm.s32 @p2 $0x1082  }
0x22: {  	[simem:s7], [sflag:s8] =	dma.local @!p0 [hbm:s6], $0xF7A  }
0x23: {  	s9 =	sor.u32 $0xD0000000, s2;
	s6 =	simm.s32 $0x108;
	_ =	swait.ge @!p0 [sflag:s8], $0x0  }
0x24: {  	s3 =	sadd.s32 $0x88, s3;
	s6 =	simm.s32 @!p1 $0x1082;
	[sflag:s4] =	ssyncset.s32 $0xFFFFF086  }
0x25: {  	[simem:s6], [sflag:s4] =	dma.local [hbm:s3], $0xF7A  }
0x26: {  	[smem:$0x3F90] =	sst s1;
	(tag) =	ssettag s2;
	_ =	strace s9  }
0x27: {  	s1 =	sld [smem:$0x3FA0]  }
0x28: {  	s2 =	sld [smem:$0x3FA1]  }
0x29: {  	s4 =	sld [smem:$0x3FA3]  }
0x2a: {  	p0 =	seq.s32 s5, $0x0;
	s5 =	sld [smem:$0x3FA4]  }
0x2b: {  	s6 =	sld [smem:$0x3FA5]  }
0x2c: {  	s7 =	sld [smem:$0x3FA6]  }
0x2d: {  	s3 =	simm.s32 $0x108;
	s8 =	sld [smem:$0x3FA7]  }
0x2e: {  	s3 =	simm.s32 @!p0 $0x1082;
	s9 =	sld [smem:$0x3FA8]  }
0x2f: {  	lr =	sadd.s32 s0, s3;
	s0 =	sld [smem:$0x3F9F]  }
0x30: {  	s3 =	sld [smem:$0x3FA2]  }
0x31: {  	[smem:$0x3FAB] =	sst s10  }
0x32: {  	s10 =	sld [smem:$0x3FA9];
	_ =	sdelay $0x3  }
0x33: {  	p0 =	seq.s32 s10, $0x1;
	s10 =	sld [smem:$0x3FAB];
	_ =	sdelay $0x3  }
0x34: {  	[smem:$0x3FAB] =	sst s10  }
0x35: {  	s10 =	sld [smem:$0x3FAA];
	_ =	sdelay $0x3  }
0x36: {  	p1 =	seq.s32 s10, $0x1;
	s10 =	sld [smem:$0x3FAB];
	_ =	sdelay $0x3  }
0x37: {  	[smem:$0x3FAB] =	sst s10  }
0x38: {  	s10 =	sld [smem:$0x3FAC]  }
0x39: {  	_ = 	snop;
	(pc) =	sbr.ind lr, $3  }
0x3a: {  	_ = 	snop  }
0x3b: {  	_ = 	snop  }
0x3c: {  	p2 =	seq.s32 s10, $0x1;
	s10 =	sld [smem:$0x3FAB]  }
0x3d: {  	_ =	shalt  }
0x3e: {  	_ =	shalt  }
0x3f: {  	_ =	shalt  }
0x40: {  	_ =	shalt  }
0x41: {  	_ =	shalt  }
0x42: {  	_ =	shalt  }
0x43: {  	_ =	shalt  }
0x44: {  	_ =	shalt  }
0x45: {  	_ =	shalt  }
0x46: {  	_ =	shalt  }
0x47: {  	_ =	shalt  }
0x48: {  	_ =	shalt  }
0x49: {  	_ =	shalt  }
0x4a: {  	_ =	shalt  }
0x4b: {  	_ =	shalt  }
0x4c: {  	_ =	shalt  }
0x4d: {  	_ =	shalt  }
0x4e: {  	_ =	shalt  }
0x4f: {  	_ =	shalt  }
0x50: {  	_ =	shalt  }
0x51: {  	_ =	shalt  }
0x52: {  	_ =	shalt  }
0x53: {  	_ =	shalt  }
0x54: {  	_ =	shalt  }
0x55: {  	_ =	shalt  }
0x56: {  	_ =	shalt  }
0x57: {  	_ =	shalt  }
0x58: {  	_ =	shalt  }
0x59: {  	_ =	shalt  }
0x5a: {  	_ =	shalt  }
0x5b: {  	_ =	shalt  }
0x5c: {  	_ =	shalt  }
0x5d: {  	_ =	shalt  }
0x5e: {  	_ =	shalt  }
0x5f: {  	_ =	shalt  }
0x60: {  	_ =	shalt  }
0x61: {  	_ =	shalt  }
0x62: {  	_ =	shalt  }
0x63: {  	_ =	shalt  }
0x64: {  	_ =	shalt  }
0x65: {  	_ =	shalt  }
0x66: {  	_ =	shalt  }
0x67: {  	_ =	shalt  }
0x68: {  	_ =	shalt  }
0x69: {  	_ =	shalt  }
0x6a: {  	_ =	shalt  }
0x6b: {  	_ =	shalt  }
0x6c: {  	_ =	shalt  }
0x6d: {  	_ =	shalt  }
0x6e: {  	_ =	shalt  }
0x6f: {  	_ =	shalt  }
0x70: {  	_ =	shalt  }
0x71: {  	_ =	shalt  }
0x72: {  	_ =	shalt  }
0x73: {  	_ =	shalt  }
0x74: {  	_ =	shalt  }
0x75: {  	_ =	shalt  }
0x76: {  	_ =	shalt  }
0x77: {  	_ =	shalt  }
0x78: {  	_ =	shalt  }
0x79: {  	_ =	shalt  }
0x7a: {  	_ =	shalt  }
0x7b: {  	_ =	shalt  }
0x7c: {  	_ =	shalt  }
0x7d: {  	_ =	shalt  }
0x7e: {  	_ =	shalt  }
0x7f: {  	_ =	shalt  }
0x80: {  	_ =	shalt  }
0x81: {  	_ =	shalt  }
0x82: {  	_ =	shalt  }
0x83: {  	_ =	shalt  }
0x84: {  	_ =	shalt  }
0x85: {  	_ =	shalt  }
0x86: {  	_ =	shalt  }
0x87: {  	_ =	shalt  }
.Lfunc_end0:
.L_simem_size_0:
called_computation.6_lowered:
.L_overlay_start_0:
0x88: {  	s2 =	sld [smem:$0x3FD9]  }
0x89: {  	s3 =	sld [smem:$0x3FFE];
	_ =	sdelay $0x1  }
0x8a: {  	s1 =	srdreg.scid  }
0x8b: {  	s0 =	sand.u32 $0x1, s1  }
0x8c: {  	s17 =	sshll.u32 s0, $0xA;
	s2 =	sadd.s32 s3, s2  }
0x8d: {  	s2 =	sadd.s32 s2, s17  }
0x8e: {  	[smem:$0x3FB7] =	sst s2  }
0x8f: {  	_ = 	snop  }
0x90: {  	s2 =	sld [smem:$0x3FC7];
	(tm) =	ssettm $0x1  }
0x91: {  	s18 =	sld [smem:$0x3FFB];
	_ =	sdelay $0x3  }
0x92: {  	_ =	strace s18  }
0x93: {  	s3 =	sld [smem:$0x3FFC];
	_ =	sdelay $0x3  }
0x94: {  	_ =	strace s3  }
0x95: {  	s3 =	sld [smem:$0x3FFD];
	_ =	sdelay $0x3  }
0x96: {  	_ =	strace s3  }
0x97: {  	_ =	strace $0x8FFFFFFF  }
0x98: {  	s19 =	sld [smem:$0x3FDB];
	_ =	sdelay $0x1  }
0x99: {  	s4 =	simm.s32 $_scs_section_size  }
0x9a: {  	s5 =	simm.s32 $_size__tile_overlayer_lowered;
	s6 =	simm.s32 $_tile_overlayer_lowered  }
0x9b: {  	s22 =	simm.s32 $0x1BFF;
	s21 =	sshll.u32 s6, $0x1;
	s3 =	sadd.s32 s4, s19  }
0x9c: {  	s7 =	simm.s32 $0x0;
	s20 =	sshll.u32 s5, $0x1;
	s5 =	sadd.s32 s21, s3  }
0x9d: {  	[timem:s7], [sflag:s22] =	dma.local [hbm:s5], s20  }
0x9e: {  	_ =	swait.ge [sflag:s22], s20  }
0x9f: {  	s4 =	ssub.s32 $0x0, s20;
	[sflag:s22] =	ssyncset.done $0x0  }
0xa0: {  	[sflag:s22] =	ssyncadd.s32 s4;
	_ =	sdelay $0x1  }
0xa1: {  	s23 =	simm.s32 $0x1B8B  }
0xa2: {  	_ =	swait.ge [sflag:s23], $0x1  }
0xa3: {  	[sflag:s23] =	ssyncset.done $0x0  }
0xa4: {  	s25 =	simm.s32 $0x1B8E;
	s24 =	sld [smem:$0x3FFE];
	[sflag:s23] =	ssyncadd.s32 $0xFFFFFFFF  }
0xa5: {  	s26 =	simm.s32 $execute0_lowered;
	[smem:$0x3FD2] =	sst s25  }
0xa6: {  	s5 =	sshll.u32 s26, $0x1;
	_ =	strace $0x80000058;
	[dreg:$0x1] =	wrdreg $0xFFFFFFFF  }
0xa7: {  	s28 =	simm.s32 $_size_execute0_lowered;
	s3 =	sadd.s32 s3, s5;
	[dreg:$0x0] =	wrdreg $0x0  }
0xa8: {  	s5 =	sshll.u32 s28, $0x1;
	[dreg:$0x2] =	wrdreg s3  }
0xa9: {  	[dreg:$0x3] =	wrdreg s5  }
0xaa: {  	[dreg:$0x4] =	wrdreg $0xC0  }
0xab: {  	_ =	task [dreg:s7], $0x5FFFF  }
0xac: {  	[dreg:$0x1] =	wrdreg $0xFFFFFFFF  }
0xad: {  	[dreg:$0x0] =	wrdreg $0x60  }
0xae: {  	[dreg:$0x2] =	wrdreg s24  }
0xaf: {  	[dreg:$0x3] =	wrdreg s2  }
0xb0: {  	[dreg:$0x4] =	wrdreg $0x9  }
0xb1: {  	_ =	task.clear_ibuf [dreg:s7], $0x5FFFF;
	_ =	strace $0x90000058  }
0xb2: {  	s29 =	simm.s32 $0x9;
	_ =	strace $0x8000005A  }
0xb3: {  	_ =	swait.ge [sflag:s29], $0x1  }
0xb4: {  	[sflag:s29] =	ssyncadd.s32 $0xFFFFFFFF  }
0xb5: {  	_ =	strace $0x9000005A  }
0xb6: {  	_ =	sfence  }
0xb7: {  	s30 =	sld [smem:$0x0];
	_ =	sdelay $0x2  }
0xb8: {  	s31 =	sshll.u32 s1, $0xD;
	s1 =	sshrl.u32 s1, $0x2  }
0xb9: {  	s3 =	sand.u32 $0x4000, s31;
	s1 =	sadd.s32 s1, s30  }
0xba: {  	s0 =	sor.u32 s3, s0;
	s1 =	sshll.u32 s1, $0x11  }
0xbb: {  	s0 =	sor.u32 s1, s0  }
0xbc: {  	s0 =	sadd.s32 $0x8F2B, s0  }
0xbd: {  	[sflag:s0] =	ssyncadd.remote.s32 $0x1  }
0xbe: {  	_ =	sfence.sel $0xFFFF  }
0xbf: {  	[dreg:$0x0] =	wrdreg $0xFFFFFFFF;
	(pc) =	sbr.abs _section_cstart, $3  }
0xc0: {  	[dreg:$0x1] =	wrdreg $0xFFFFFFFF  }
0xc1: {  	_ =	task.clear_ibuf [dreg:s7], $0x2FFFF;
	_ =	strace $0x9FFFFFFF  }
0xc2: {  	(tm) =	ssettm $0x7FFFFFFF  }
0xc3: {  	_ =	shalt  }
tec
execute0_lowered:
.L_overlay_start_1:
0x0: {  	(tag) =	ssettag $0x1  }
0x1: {  	s5 =	rddreg [dreg:$0x0]  }
0x2: {  	s1 =	rddreg [dreg:$0x1]  }
0x3: {  	s2 =	srdreg.scid;
	s0 =	rddreg [dreg:$0x2];
	s3 =	simm.s32 $0x0  }
0x4: {  	s14 =	simm.s32 $0xC180;
	s15 =	simm.s32 $0xE180;
	s7 =	sand.u32 $0x1, s2  }
0x5: {  	s16 =	simm.s32 $0x0;
	s2 =	stileid.u32;
	s6 =	smul.u32 $0x14000, s7  }
0x6: {  	[smem:$0x7FF] =	sst s3;
	s4 =	sshll.u32 s7, $0x4;
	s12 =	smul.u32 $0x1400, s2  }
0x7: {  	_ =	strace $0x80000059;
	s30 =	ssub.s32 $0x2, s7;
	s31 =	smul.u32 $0x1400, s7  }
0x8: {  	s13 =	smul.u32 $0x140, s2;
	s8 =	sor.u32 s2, s4;
	s4 =	simm.s32 $0x50  }
0x9: {  	s10 =	sshrl.u32 s30, $0x1;
	p0 =	seq.s32 s8, $0x1F;
	s9 =	sadd.s32 s6, s5  }
0xa: {  	s8 =	sshll.u32 s8, $0xA;
	s10 =	ssub.s32 s30, s10;
	s4 =	simm.s32 @!p0 $0x140  }
0xb: {  	s8 =	sadd.s32 s8, s5;
	s12 =	sadd.s32 s12, s9;
	s9 =	smax.u32 s10, $0x1  }
0xc: {  	s11 =	smul.u32 $0x334, s4;
	s6 =	sadd.s32 $0x2F600, s8;
	s7 =	sadd.s32 $0x37600, s8  }
0xd: {  	s8 =	sadd.s32 $0x3F600, s8;
	s10 =	sadd.s32 $0x8400, s12;
	s12 =	simm.s32 $0x1  }
0xe: {  	v0 =	vimm.f32 $-Inf;
	v1 =	vimm.f32 $0.0e+00;
	s5 =	sshrl.u32 s11, $0x10;
	s11 =	sadd.s32 s13, s31;
	s13 =	simm.s32 $0xA180  }
.LBB2_1:
0xf: {  	s17 =	simm.s32 $0x0;
	s18 =	simm.s32 $0x200  }
.LBB2_2:
0x10: {  	p0 =	sne.s32 s18, $0x7E00;
	[tilespmem:s17+$0xE180] =	vst v1  }
0x11: {  	[tilespmem:s17+$0xA180] =	vst v0  }
0x12: {  	[tilespmem:s17+$0xC180] =	vst v1  }
0x13: {  	[tilespmem:s17+$0xA190] =	vst v0  }
0x14: {  	[tilespmem:s17+$0xC190] =	vst v1  }
0x15: {  	[tilespmem:s17+$0xA1A0] =	vst v0  }
0x16: {  	[tilespmem:s17+$0xC1A0] =	vst v1  }
0x17: {  	[tilespmem:s17+$0xA1B0] =	vst v0  }
0x18: {  	[tilespmem:s17+$0xC1B0] =	vst v1  }
0x19: {  	[tilespmem:s17+$0xA1C0] =	vst v0  }
0x1a: {  	[tilespmem:s17+$0xC1C0] =	vst v1  }
0x1b: {  	[tilespmem:s17+$0xA1D0] =	vst v0  }
.Ltmp0:
0x1c: {  	[tilespmem:s17+$0xC1D0] =	vst v1;
	(pc) =	sbr.rel @p0 .LBB2_2-.Ltmp0, $4  }
0x1d: {  	[tilespmem:s17+$0xA1E0] =	vst v0  }
0x1e: {  	[tilespmem:s17+$0xC1E0] =	vst v1  }
0x1f: {  	[tilespmem:s17+$0xA1F0] =	vst v0  }
0x20: {  	[tilespmem:s17+$0xC1F0] =	vst v1;
	s17 =	sshra.s32 s18, $0x2;
	s18 =	sadd.s32 $0x200, s18  }
0x21: {  	[tilespmem:s17+$0xE180] =	vst v1  }
0x22: {  	[tilespmem:s17+$0xA180] =	vst v0  }
0x23: {  	[tilespmem:s17+$0xC180] =	vst v1  }
0x24: {  	[tilespmem:s17+$0xA190] =	vst v0  }
0x25: {  	[tilespmem:s17+$0xC190] =	vst v1  }
0x26: {  	[tilespmem:s17+$0xA1A0] =	vst v0  }
0x27: {  	[tilespmem:s17+$0xC1A0] =	vst v1  }
0x28: {  	[tilespmem:s17+$0xA1B0] =	vst v0  }
0x29: {  	[tilespmem:s17+$0xC1B0] =	vst v1  }
0x2a: {  	[tilespmem:s17+$0xA1C0] =	vst v0  }
0x2b: {  	[tilespmem:s17+$0xC1C0] =	vst v1  }
0x2c: {  	[tilespmem:s17+$0xA1D0] =	vst v0  }
0x2d: {  	[tilespmem:s17+$0xC1D0] =	vst v1  }
0x2e: {  	[tilespmem:s17+$0xA1E0] =	vst v0  }
0x2f: {  	[tilespmem:s17+$0xC1E0] =	vst v1  }
0x30: {  	[tilespmem:s17+$0xA1F0] =	vst v0  }
0x31: {  	[tilespmem:s17+$0xC1F0] =	vst v1;
	s18 =	simm.s32 $0x0  }
0x32: {  	[tilespmem:s18], [sflag:$0x1] =	stream.linear.gather [hbm4b:s10+s3], $0x2800, $0x38;
	[tilespmem:$0x10180] =	vst v63  }
0x33: {  	p0 =	sne.s32 s5, $0x1;
	_ =	swait.ge [sflag:s12], $0x2800  }
.Ltmp1:
0x34: {  	s19 =	sshrl.u32 s11, $0x3;
	[sflag:s12] =	ssyncset.done $0x0;
	(pc) =	sbr.rel @!p0 .LBB2_5-.Ltmp1, $4  }
0x35: {  	s17 =	simm.s32 $0xA000;
	s19 =	sadd.s32 s1, s19;
	[sflag:s12] =	ssyncadd.s32 $0xFFFFD800  }
0x36: {  	[tilespmem:s17], [sflag:$0x1] =	stream.linear.gather [hbm4b:s19+s3], $0x50, $0x38;
	[tilespmem:$0x10180] =	vst v63  }
0x37: {  	s20 =	sadd.s32 $0x500, s10;
	s21 =	sadd.s32 $0x50, s11;
	_ =	swait.ge [sflag:s12], $0x50  }
0x38: {  	s22 =	simm.s32 $0xA000;
	s19 =	sadd.s32 $0xFFFFFFFF, s5;
	[sflag:s12] =	ssyncset.done $0x0  }
.LBB2_4:
0x39: {  	[sflag:s12] =	ssyncadd.s32 $0xFFFFFFB0;
	s18 =	sadd.s32 $0x2800, s18;
	s22 =	sadd.s32 $0x50, s22  }
0x3a: {  	[tilespmem:s18], [sflag:$0x1] =	stream.linear.gather [hbm4b:s20+s3], $0x2800, $0x38;
	[tilespmem:$0x10180] =	vst v63  }
0x3b: {  	p0 =	sne.s32 s19, $0x1;
	s19 =	sadd.s32 $0xFFFFFFFF, s19;
	_ =	swait.ge [sflag:s12], $0x2800  }
.Ltmp2:
0x3c: {  	s23 =	sshrl.u32 s21, $0x3;
	[sflag:s12] =	ssyncset.done $0x0;
	(pc) =	sbr.rel @p0 .LBB2_4-.Ltmp2, $4  }
0x3d: {  	s23 =	sadd.s32 s1, s23;
	[sflag:s12] =	ssyncadd.s32 $0xFFFFD800  }
0x3e: {  	[tilespmem:s22], [sflag:$0x1] =	stream.linear.gather [hbm4b:s23+s3], $0x50, $0x38;
	[tilespmem:$0x10180] =	vst v63  }
0x3f: {  	_ =	swait.ge [sflag:s12], $0x50  }
0x40: {  	s21 =	sadd.s32 $0x50, s21;
	s20 =	sadd.s32 $0x500, s20;
	[sflag:s12] =	ssyncset.done $0x0  }
.LBB2_5:
0x41: {  	[sflag:s12] =	ssyncadd.s32 $0xFFFFFFB0  }
0x42: {  	v2 =	vld [tilespmem:s17+$0x0];
	_ =	sdelay $0x4  }
0x43: {  	(v2sf) =	vpush v2, $0x0;
	_ =	sdelay $0xe  }
0x44: {  	s18 =	simm.s32 $0x40;
	s19 =	spop (v2sf)  }
0x45: {  	v2 =	vld [tilespmem:s18+$0xFFFFFFC0];
	s19 =	sshll.u32 s19, $0x7  }
0x46: {  	v3 =	vld [tilespmem:s19+$0xC180]  }
0x47: {  	v4 =	vld [tilespmem:s19+$0xA180];
	_ =	sdelay $0x4  }
0x48: {  	v3 =	vadd.f32 v3, v2;
	v2 =	vmax.f32 v4, v2  }
0x49: {  	v4 =	vld [tilespmem:s19+$0xC190];
	[tilespmem:s19+$0xA180] =	vst v2  }
0x4a: {  	[tilespmem:s19+$0xC180] =	vst v3;
	v3 =	vld [tilespmem:s19+$0xA190]  }
0x4b: {  	v2 =	vld [tilespmem:s18+$0xFFFFFFD0];
	_ =	sdelay $0x4  }
0x4c: {  	v3 =	vmax.f32 v3, v2;
	v2 =	vadd.f32 v4, v2  }
0x4d: {  	v4 =	vld [tilespmem:s19+$0xC1A0];
	[tilespmem:s19+$0xA190] =	vst v3  }
0x4e: {  	v3 =	vld [tilespmem:s19+$0xA1A0];
	[tilespmem:s19+$0xC190] =	vst v2  }
0x4f: {  	v2 =	vld [tilespmem:s18+$0xFFFFFFE0];
	_ =	sdelay $0x4  }
0x50: {  	v3 =	vmax.f32 v3, v2;
	v2 =	vadd.f32 v4, v2  }
0x51: {  	v4 =	vld [tilespmem:s19+$0xC1B0];
	[tilespmem:s19+$0xA1A0] =	vst v3  }
0x52: {  	v3 =	vld [tilespmem:s19+$0xA1B0];
	[tilespmem:s19+$0xC1A0] =	vst v2  }
0x53: {  	v2 =	vld [tilespmem:s18+$0xFFFFFFF0];
	_ =	sdelay $0x4  }
0x54: {  	v3 =	vmax.f32 v3, v2;
	v2 =	vadd.f32 v4, v2  }
0x55: {  	v4 =	vld [tilespmem:s19+$0xC1C0];
	[tilespmem:s19+$0xA1B0] =	vst v3  }
0x56: {  	v3 =	vld [tilespmem:s19+$0xA1C0];
	[tilespmem:s19+$0xC1B0] =	vst v2  }
0x57: {  	v2 =	vld [tilespmem:s18+$0x0];
	_ =	sdelay $0x4  }
0x58: {  	v3 =	vmax.f32 v3, v2;
	v2 =	vadd.f32 v4, v2  }
0x59: {  	v4 =	vld [tilespmem:s19+$0xC1D0];
	[tilespmem:s19+$0xA1C0] =	vst v3  }
0x5a: {  	v3 =	vld [tilespmem:s19+$0xA1D0];
	[tilespmem:s19+$0xC1C0] =	vst v2  }
0x5b: {  	v2 =	vld [tilespmem:s18+$0x10];
	_ =	sdelay $0x4  }
0x5c: {  	v3 =	vmax.f32 v3, v2;
	v2 =	vadd.f32 v4, v2  }
0x5d: {  	v4 =	vld [tilespmem:s19+$0xC1E0];
	[tilespmem:s19+$0xA1D0] =	vst v3  }
0x5e: {  	v3 =	vld [tilespmem:s19+$0xA1E0];
	[tilespmem:s19+$0xC1D0] =	vst v2  }
0x5f: {  	v2 =	vld [tilespmem:s18+$0x20];
	_ =	sdelay $0x4  }
0x60: {  	v5 =	vld [tilespmem:s19+$0xE180];
	v3 =	vmax.f32 v3, v2;
	v2 =	vadd.f32 v4, v2  }
0x61: {  	[tilespmem:s19+$0xA1E0] =	vst v3;
	v3 =	vld [tilespmem:s19+$0xA1F0]  }
0x62: {  	[tilespmem:s19+$0xC1E0] =	vst v2;
	v2 =	vld [tilespmem:s19+$0xC1F0]  }
0x63: {  	p0 =	sne.s32 s4, $0x1;
	v4 =	vld [tilespmem:s18+$0x30]  }
.Ltmp3:
0x64: {  	_ = 	snop;
	(pc) =	sbr.rel @!p0 .LBB2_7-.Ltmp3, $3  }
0x65: {  	_ = 	snop  }
0x66: {  	v5 =	vadd.f32 $1.000000000e+00, v5;
	_ =	sdelay $0x1  }
0x67: {  	s20 =	sadd.s32 $0xFFFFFFFF, s4;
	[tilespmem:s19+$0xE180] =	vst v5;
	v3 =	vmax.f32 v3, v4;
	v2 =	vadd.f32 v2, v4  }
.LBB2_6:
0x68: {  	p0 =	sne.s32 s20, $0x1;
	[tilespmem:s19+$0xA1F0] =	vst v3;
	s17 =	sadd.s32 $0x1, s17;
	s18 =	sadd.s32 $0x80, s18  }
0x69: {  	s20 =	sadd.s32 $0xFFFFFFFF, s20;
	[tilespmem:s19+$0xC1F0] =	vst v2  }
0x6a: {  	v2 =	vld [tilespmem:s17+$0x0];
	_ =	sdelay $0x4  }
0x6b: {  	(v2sf) =	vpush v2, $0x0;
	_ =	sdelay $0xe  }
0x6c: {  	s19 =	spop (v2sf)  }
0x6d: {  	v2 =	vld [tilespmem:s18+$0xFFFFFFC0];
	s19 =	sshll.u32 s19, $0x7  }
0x6e: {  	v3 =	vld [tilespmem:s19+$0xC180]  }
0x6f: {  	v4 =	vld [tilespmem:s19+$0xA180];
	_ =	sdelay $0x3  }
0x70: {  	v3 =	vadd.f32 v3, v2  }
0x71: {  	v2 =	vmax.f32 v4, v2  }
0x72: {  	[tilespmem:s19+$0xC180] =	vst v3;
	v3 =	vld [tilespmem:s19+$0xA190]  }
0x73: {  	[tilespmem:s19+$0xA180] =	vst v2;
	v2 =	vld [tilespmem:s19+$0xC190]  }
0x74: {  	v4 =	vld [tilespmem:s18+$0xFFFFFFD0];
	_ =	sdelay $0x4  }
0x75: {  	v3 =	vmax.f32 v3, v4;
	v2 =	vadd.f32 v2, v4  }
0x76: {  	[tilespmem:s19+$0xA190] =	vst v3;
	v3 =	vld [tilespmem:s19+$0xA1A0]  }
0x77: {  	[tilespmem:s19+$0xC190] =	vst v2;
	v2 =	vld [tilespmem:s19+$0xC1A0]  }
0x78: {  	v4 =	vld [tilespmem:s18+$0xFFFFFFE0];
	_ =	sdelay $0x4  }
0x79: {  	v3 =	vmax.f32 v3, v4;
	v2 =	vadd.f32 v2, v4  }
0x7a: {  	[tilespmem:s19+$0xA1A0] =	vst v3;
	v3 =	vld [tilespmem:s19+$0xA1B0]  }
0x7b: {  	[tilespmem:s19+$0xC1A0] =	vst v2;
	v2 =	vld [tilespmem:s19+$0xC1B0]  }
0x7c: {  	v4 =	vld [tilespmem:s18+$0xFFFFFFF0];
	_ =	sdelay $0x4  }
0x7d: {  	v3 =	vmax.f32 v3, v4;
	v2 =	vadd.f32 v2, v4  }
0x7e: {  	[tilespmem:s19+$0xA1B0] =	vst v3;
	v3 =	vld [tilespmem:s19+$0xA1C0]  }
0x7f: {  	[tilespmem:s19+$0xC1B0] =	vst v2;
	v2 =	vld [tilespmem:s19+$0xC1C0]  }
0x80: {  	v4 =	vld [tilespmem:s18+$0x0];
	_ =	sdelay $0x4  }
0x81: {  	v3 =	vmax.f32 v3, v4;
	v2 =	vadd.f32 v2, v4  }
0x82: {  	[tilespmem:s19+$0xA1C0] =	vst v3;
	v3 =	vld [tilespmem:s19+$0xA1D0]  }
0x83: {  	[tilespmem:s19+$0xC1C0] =	vst v2;
	v2 =	vld [tilespmem:s19+$0xC1D0]  }
0x84: {  	v4 =	vld [tilespmem:s18+$0x10];
	_ =	sdelay $0x4  }
0x85: {  	v3 =	vmax.f32 v3, v4;
	v2 =	vadd.f32 v2, v4  }
0x86: {  	[tilespmem:s19+$0xA1D0] =	vst v3;
	v3 =	vld [tilespmem:s19+$0xA1E0]  }
0x87: {  	[tilespmem:s19+$0xC1D0] =	vst v2;
	v2 =	vld [tilespmem:s19+$0xC1E0]  }
0x88: {  	v4 =	vld [tilespmem:s18+$0x20];
	_ =	sdelay $0x1  }
0x89: {  	v5 =	vld [tilespmem:s19+$0xE180];
	_ =	sdelay $0x2  }
0x8a: {  	v3 =	vmax.f32 v3, v4;
	v2 =	vadd.f32 v2, v4  }
0x8b: {  	[tilespmem:s19+$0xA1E0] =	vst v3;
	v3 =	vld [tilespmem:s19+$0xA1F0]  }
0x8c: {  	[tilespmem:s19+$0xC1E0] =	vst v2;
	v2 =	vld [tilespmem:s19+$0xC1F0];
	v4 =	vadd.f32 $1.000000000e+00, v5  }
0x8d: {  	v5 =	vld [tilespmem:s18+$0x30]  }
.Ltmp4:
0x8e: {  	[tilespmem:s19+$0xE180] =	vst v4;
	(pc) =	sbr.rel @p0 .LBB2_6-.Ltmp4, $2  }
0x8f: {  	_ =	sdelay $0x2  }
0x90: {  	v3 =	vmax.f32 v3, v5;
	v2 =	vadd.f32 v2, v5  }
.LBB2_7:
0x91: {  	[tilespmem:s19+$0xA1F0] =	vst v3  }
0x92: {  	[tilespmem:s19+$0xC1F0] =	vst v2  }
0x93: {  	[hbm4b:s6+s3] =	stream.linear.scatter [tilespmem:s13], [sflag:$0x1], $0x2000, $0x38;
	[tilespmem:$0x10180] =	vst v63  }
0x94: {  	_ =	swait.ge [sflag:s12], $0x2000  }
0x95: {  	[sflag:s12] =	ssyncset.done $0x0  }
0x96: {  	[sflag:s12] =	ssyncadd.s32 $0xFFFFE000  }
0x97: {  	[hbm4b:s7+s3] =	stream.linear.scatter [tilespmem:s14], [sflag:$0x1], $0x2000, $0x38;
	[tilespmem:$0x10180] =	vst v63  }
0x98: {  	s16 =	sadd.s32 $0x1, s16;
	_ =	swait.ge [sflag:s12], $0x2000  }
0x99: {  	p0 =	sne.s32 s16, s9;
	[sflag:s12] =	ssyncset.done $0x0  }
.Ltmp5:
0x9a: {  	[sflag:s12] =	ssyncadd.s32 $0xFFFFE000;
	(pc) =	sbr.rel @p0 .LBB2_1-.Ltmp5, $4  }
0x9b: {  	[hbm4b:s8+s3] =	stream.linear.scatter [tilespmem:s15], [sflag:$0x1], $0x2000, $0x38;
	[tilespmem:$0x10180] =	vst v63  }
0x9c: {  	_ =	swait.ge [sflag:s12], $0x2000  }
0x9d: {  	[sflag:s12] =	ssyncset.done $0x0  }
0x9e: {  	[sflag:s12] =	ssyncadd.s32 $0xFFFFE000  }
0x9f: {  	_ =	sfence.sel $0x180000  }
0xa0: {  	[bflag:$0x0] =	sbarrier.arrive $0xFFFF  }
0xa1: {  	p0 =	sne.s32 s2, $0x0;
	_ =	strace $0x90000059  }
0xa2: {  	s0 =	sadd.s32 @!p0 $0x100000, s0;
	[bflag:$0x2] =	sbarrier.arrive $0xFFFF  }
0xa3: {  	[sflag:s0] =	ssyncadd.tile.s32 @!p0 $0x1;
	_ =	shalt  }
.Lfunc_end2:
_tile_overlayer_lowered:
.L_overlay_start_2:
0xa4: {  	(tag) =	ssettag $0x2  }
0xa5: {  	s0 =	rddreg [dreg:$0x0];
	s2 =	stileid.u32  }
0xa6: {  	s1 =	rddreg [dreg:$0x1];
	p0 =	sne.s32 s2, $0x0  }
0xa7: {  	s3 =	rddreg [dreg:$0x2];
	[bflag:$0x3] =	sbarrier.arrive $0xFFFF;
	s2 =	simm.s32 @!p0 $0x1C01  }
0xa8: {  	[timem:s3], [sflag:s2] =	dma.local @!p0 [hbm:s0], s1  }
0xa9: {  	s0 =	simm.s32 @!p0 $0x1  }
0xaa: {  	_ =	swait.ge @!p0 [sflag:s0], s1  }
0xab: {  	s1 =	ssub.s32 @!p0 $0x0, s1;
	[sflag:s0] =	ssyncset.done @!p0 $0x0  }
0xac: {  	[sflag:s0] =	ssyncadd.s32 @!p0 s1  }
0xad: {  	[bflag:$0x3] =	sbarrier.arrive $0xFFFF  }
0xae: {  	_ =	shalt  }

</sc_bundles>
